<compile_context>
chip_gen: v7x
topology: tpu7x:2x2x1
jax: 0.10.2.dev20260603
libtpu: 0.0.44.dev20260713+nightly
codegen_flags: <defaults>
</compile_context>

<pallas_src>
import functools

import jax
import jax.numpy as jnp
from jax import lax
from jax.experimental import pallas as pl
from jax.experimental.pallas import tpu as pltpu
from jax.experimental.pallas import tpu_sc as plsc

EMBED_D = 64
NUM_CORES = 2
NUM_SUBCORES = 16
NUM_WORKERS = NUM_CORES * NUM_SUBCORES
BBLK = 128
NBUF = 4


def _make_lookup(batch: int, seq: int):
  assert batch // NUM_WORKERS == BBLK and seq % 2 == 0
  n_pairs = seq // 2

  mesh = plsc.VectorSubcoreMesh(
      core_axis_name="c", subcore_axis_name="s", num_cores=NUM_CORES)

  @functools.partial(
      pl.kernel,
      out_type=jax.ShapeDtypeStruct((n_pairs, batch, 2 * EMBED_D),
                                    jnp.float32),
      mesh=mesh,
      compiler_params=pltpu.CompilerParams(use_tc_tiling_on_sc=False),
      scratch_types=[
          pltpu.VMEM((seq, BBLK), jnp.int32),
          pltpu.VMEM((BBLK, EMBED_D), jnp.float32),
          pltpu.VMEM((BBLK, EMBED_D), jnp.float32),
          pltpu.VMEM((BBLK, EMBED_D), jnp.float32),
          pltpu.VMEM((BBLK, EMBED_D), jnp.float32),
          pltpu.VMEM((BBLK, EMBED_D), jnp.float32),
          pltpu.VMEM((BBLK, EMBED_D), jnp.float32),
          pltpu.VMEM((BBLK, EMBED_D), jnp.float32),
          pltpu.VMEM((BBLK, EMBED_D), jnp.float32),
          pltpu.SemaphoreType.DMA,
          pltpu.SemaphoreType.DMA,
          pltpu.SemaphoreType.DMA,
          pltpu.SemaphoreType.DMA,
          pltpu.SemaphoreType.DMA,
          pltpu.SemaphoreType.DMA,
          pltpu.SemaphoreType.DMA,
          pltpu.SemaphoreType.DMA,
      ],
  )
  def lookup(table_hbm, idst_hbm, out_hbm, idx_v,
             e0, o0, e1, o1, e2, o2, e3, o3,
             g0, g1, g2, g3, s0, s1, s2, s3):
    wid = lax.axis_index("s") * NUM_CORES + lax.axis_index("c")
    b0 = wid * BBLK

    pltpu.sync_copy(idst_hbm.at[:, pl.ds(b0, BBLK)], idx_v)

    bufs = ((e0, o0, g0, s0), (e1, o1, g1, s1), (e2, o2, g2, s2),
            (e3, o3, g3, s3))

    def fire_gathers(j):
      be, bo, gsem, _ = bufs[j % NBUF]
      pltpu.async_copy(table_hbm.at[idx_v.at[2 * j]], be, gsem)
      pltpu.async_copy(table_hbm.at[idx_v.at[2 * j + 1]], bo, gsem)

    def wait_gathers(j):
      be, bo, gsem, _ = bufs[j % NBUF]
      pltpu.make_async_copy(table_hbm.at[idx_v.at[2 * j]], be, gsem).wait()
      pltpu.make_async_copy(table_hbm.at[idx_v.at[2 * j + 1]], bo,
                            gsem).wait()

    def out_slices(j):
      rows = out_hbm.at[j].at[pl.ds(b0, BBLK)]
      return rows.at[:, pl.ds(0, EMBED_D)], rows.at[:, pl.ds(EMBED_D,
                                                             EMBED_D)]

    def fire_store(j):
      be, bo, _, ssem = bufs[j % NBUF]
      de, do = out_slices(j)
      pltpu.async_copy(be, de, ssem)
      pltpu.async_copy(bo, do, ssem)

    def wait_store(j):
      be, bo, _, ssem = bufs[j % NBUF]
      de, do = out_slices(j)
      pltpu.make_async_copy(be, de, ssem).wait()
      pltpu.make_async_copy(bo, do, ssem).wait()

    for j in range(min(NBUF - 1, n_pairs)):
      fire_gathers(j)
    for j in range(n_pairs):
      nxt = j + NBUF - 1
      if nxt < n_pairs:
        if j >= 1:
          wait_store(j - 1)
        fire_gathers(nxt)
      wait_gathers(j)
      fire_store(j)

    for j in range(max(0, n_pairs - NBUF + 1), n_pairs):
      wait_store(j)

  return lookup


def _tc_transpose(x, batch: int, seq: int):
  n_pairs = seq // 2
  bq = 512

  def body(x_ref, o_ref):
    n = 2 * EMBED_D
    eye = jnp.where(
        lax.broadcasted_iota(jnp.int32, (n, n), 0)
        == lax.broadcasted_iota(jnp.int32, (n, n), 1),
        jnp.float32(1), jnp.float32(0))
    xb = x_ref[0]
    xt = lax.dot_general(eye, xb, (((1,), (1,)), ((), ())),
                         preferred_element_type=jnp.float32)
    o_ref[...] = xt.reshape(2, EMBED_D, bq)

  return pl.pallas_call(
      body,
      grid=(n_pairs, batch // bq),
      in_specs=[pl.BlockSpec((1, bq, 2 * EMBED_D), lambda j, b: (j, b, 0))],
      out_specs=pl.BlockSpec((2, EMBED_D, bq), lambda j, b: (j, 0, b)),
      out_shape=jax.ShapeDtypeStruct((seq, EMBED_D, batch), jnp.float32),
  )(x)


def kernel(ids, W):
  batch, seq = ids.shape
  idst = ids.T.astype(jnp.int32)
  slabs = _make_lookup(batch, seq)(W, idst)
  o3 = _tc_transpose(slabs, batch, seq)
  return jnp.transpose(o3, (2, 0, 1))

# --- scband reference (transcript-rebuilt; emitter-appended) ---
"""Pipeline reference for scband-embeddings-41300405518573 (READ-ONLY COPY).

The authoritative reference and input builder live on the scoring server;
editing this copy changes nothing except your own understanding.
"""

import jax, jax.numpy as jnp
import numpy as np

NUM_WORDS = 100000
EMBED_DIMS = 64

def setup_inputs(seed: int = 0) -> dict:
    key = jax.random.key(seed)
    k_ids, k_w = jax.random.split(key)
    ids = jax.random.randint(k_ids, (4096, 50), 0, NUM_WORDS, dtype=jnp.int64 if jax.config.jax_enable_x64 else jnp.int32)
    # nn.Embedding default init is N(0,1); module multiplies weights by 0.01
    W = jax.random.normal(k_w, (NUM_WORDS, EMBED_DIMS), dtype=jnp.float32) * 0.01
    return {"ids": ids, "W": W}

def reference(ids, W):
    # Faithful translation of Embeddings.forward: embedding table lookup
    return jnp.take(W, ids, axis=0)

if __name__ == "__main__":
    import jax
    _d = setup_inputs()
    print(jax.jit(kernel)(*tuple(_d.values())))

</pallas_src>

<mosaic_0001>
#map = affine_map<(d0, d1) -> (0, 0)>
#map1 = affine_map<(d0, d1) -> (0, 0, 0)>
module attributes {stable_mosaic.version = 14 : i64} {
  func.func @lookup(%arg0: i32, %arg1: i32, %arg2: memref<100000x64xf32, #tpu.memory_space<hbm>>, %arg3: memref<50x4096xi32, #tpu.memory_space<hbm>>, %arg4: memref<25x4096x128xf32, #tpu.memory_space<hbm>>, %arg5: memref<50x128xi32, #tpu.memory_space<vmem>>, %arg6: memref<128x64xf32, #tpu.memory_space<vmem>>, %arg7: memref<128x64xf32, #tpu.memory_space<vmem>>, %arg8: memref<128x64xf32, #tpu.memory_space<vmem>>, %arg9: memref<128x64xf32, #tpu.memory_space<vmem>>, %arg10: memref<128x64xf32, #tpu.memory_space<vmem>>, %arg11: memref<128x64xf32, #tpu.memory_space<vmem>>, %arg12: memref<128x64xf32, #tpu.memory_space<vmem>>, %arg13: memref<128x64xf32, #tpu.memory_space<vmem>>, %arg14: memref<!tpu.dma_semaphore, #tpu.memory_space<semaphore_mem>>, %arg15: memref<!tpu.dma_semaphore, #tpu.memory_space<semaphore_mem>>, %arg16: memref<!tpu.dma_semaphore, #tpu.memory_space<semaphore_mem>>, %arg17: memref<!tpu.dma_semaphore, #tpu.memory_space<semaphore_mem>>, %arg18: memref<!tpu.dma_semaphore, #tpu.memory_space<semaphore_mem>>, %arg19: memref<!tpu.dma_semaphore, #tpu.memory_space<semaphore_mem>>, %arg20: memref<!tpu.dma_semaphore, #tpu.memory_space<semaphore_mem>>, %arg21: memref<!tpu.dma_semaphore, #tpu.memory_space<semaphore_mem>>) attributes {dimension_semantics = [#tpu.dimension_semantics<core_parallel>, #tpu.dimension_semantics<subcore_parallel>], iteration_bounds = array<i64: 2, 16>, scalar_prefetch = 0 : i64, scratch_operands = 17 : i64, tpu.core_type = #tpu.core_type<sc_vector_subcore>, window_params = [{transform_indices = #map}, {transform_indices = #map}, {transform_indices = #map1}]} {
    %mul3A = arith.constant 2 : i32
    %mul3A_0 = arith.muli %arg1, %mul3A : i32
    %add3A = arith.addi %mul3A_0, %arg0 : i32
    %mul3A_1 = arith.constant 128 : i32
    %mul3A_2 = arith.muli %add3A, %mul3A_1 : i32
    "tpu.region"() ({
      %run_scoped3A = tpu.sem_alloc : memref<!tpu.dma_semaphore, #tpu.memory_space<semaphore_mem>>
      %dma_start3A_2563 = arith.constant 0 : i32
      %dma_start3A_2564 = tpu.memref_slice %arg3[%dma_start3A_2563, %mul3A_2] : memref<50x4096xi32, #tpu.memory_space<hbm>> -> memref<50x128xi32, #tpu.memory_space<hbm>>
      %dma_start3A_2565 = arith.constant 0 : i32
      %dma_start3A_2566 = tpu.memref_slice %arg3[%dma_start3A_2565, %mul3A_2] : memref<50x4096xi32, #tpu.memory_space<hbm>> -> memref<50x128xi32, #tpu.memory_space<hbm>>
      tpu.enqueue_dma source(%dma_start3A_2566 : memref<50x128xi32, #tpu.memory_space<hbm>>) target(%arg5 : memref<50x128xi32, #tpu.memory_space<vmem>>) target_semaphore(%run_scoped3A : memref<!tpu.dma_semaphore, #tpu.memory_space<semaphore_mem>>)
      %dma_wait3A_2567 = arith.constant 0 : i32
      %dma_wait3A_2568 = tpu.memref_slice %arg3[%dma_wait3A_2567, %mul3A_2] : memref<50x4096xi32, #tpu.memory_space<hbm>> -> memref<50x128xi32, #tpu.memory_space<hbm>>
      %dma_wait3A_2569 = arith.constant 0 : i32
      %dma_wait3A_2570 = tpu.memref_slice %arg3[%dma_wait3A_2569, %mul3A_2] : memref<50x4096xi32, #tpu.memory_space<hbm>> -> memref<50x128xi32, #tpu.memory_space<hbm>>
      tpu.wait_dma2 semaphore(%run_scoped3A : memref<!tpu.dma_semaphore, #tpu.memory_space<semaphore_mem>>) src(%dma_wait3A_2570 : memref<50x128xi32, #tpu.memory_space<hbm>>) dst(%arg5 : memref<50x128xi32, #tpu.memory_space<vmem>>)
      tpu.yield
    }) : () -> ()
    %dma_start3A = arith.constant 0 : i32
    %dma_start3A_3 = arith.constant 0 : i32
    %dma_start3A_4 = tpu.memref_slice %arg5[%dma_start3A, %dma_start3A_3] : memref<50x128xi32, #tpu.memory_space<vmem>> -> memref<1x128xi32, #tpu.memory_space<vmem>>
    %dma_start3A_5 = tpu.memref_squeeze %dma_start3A_4 : memref<1x128xi32, #tpu.memory_space<vmem>> -> memref<128xi32, #tpu.memory_space<vmem>>
    %dma_start3A_6 = arith.constant 0 : i32
    %dma_start3A_7 = arith.constant 0 : i32
    %dma_start3A_8 = tpu.memref_slice %arg2[%dma_start3A_6, %dma_start3A_7] : memref<100000x64xf32, #tpu.memory_space<hbm>> -> memref<100000x64xf32, #tpu.memory_space<hbm>>
    tpu.enqueue_indirect_dma source(%dma_start3A_8 : memref<100000x64xf32, #tpu.memory_space<hbm>>) target(%arg6 : memref<128x64xf32, #tpu.memory_space<vmem>>) offsets(%dma_start3A_5 : memref<128xi32, #tpu.memory_space<vmem>>) semaphore(%arg14 : memref<!tpu.dma_semaphore, #tpu.memory_space<semaphore_mem>>)
    %dma_start3A_9 = arith.constant 1 : i32
    %dma_start3A_10 = arith.constant 0 : i32
    %dma_start3A_11 = tpu.memref_slice %arg5[%dma_start3A_9, %dma_start3A_10] : memref<50x128xi32, #tpu.memory_space<vmem>> -> memref<1x128xi32, #tpu.memory_space<vmem>>
    %dma_start3A_12 = tpu.memref_squeeze %dma_start3A_11 : memref<1x128xi32, #tpu.memory_space<vmem>> -> memref<128xi32, #tpu.memory_space<vmem>>
    %dma_start3A_13 = arith.constant 0 : i32
    %dma_start3A_14 = arith.constant 0 : i32
    %dma_start3A_15 = tpu.memref_slice %arg2[%dma_start3A_13, %dma_start3A_14] : memref<100000x64xf32, #tpu.memory_space<hbm>> -> memref<100000x64xf32, #tpu.memory_space<hbm>>
    tpu.enqueue_indirect_dma source(%dma_start3A_15 : memref<100000x64xf32, #tpu.memory_space<hbm>>) target(%arg7 : memref<128x64xf32, #tpu.memory_space<vmem>>) offsets(%dma_start3A_12 : memref<128xi32, #tpu.memory_space<vmem>>) semaphore(%arg14 : memref<!tpu.dma_semaphore, #tpu.memory_space<semaphore_mem>>)
    %dma_start3A_16 = arith.constant 2 : i32
    %dma_start3A_17 = arith.constant 0 : i32
    %dma_start3A_18 = tpu.memref_slice %arg5[%dma_start3A_16, %dma_start3A_17] : memref<50x128xi32, #tpu.memory_space<vmem>> -> memref<1x128xi32, #tpu.memory_space<vmem>>
    %dma_start3A_19 = tpu.memref_squeeze %dma_start3A_18 : memref<1x128xi32, #tpu.memory_space<vmem>> -> memref<128xi32, #tpu.memory_space<vmem>>
    %dma_start3A_20 = arith.constant 0 : i32
    %dma_start3A_21 = arith.constant 0 : i32
    %dma_start3A_22 = tpu.memref_slice %arg2[%dma_start3A_20, %dma_start3A_21] : memref<100000x64xf32, #tpu.memory_space<hbm>> -> memref<100000x64xf32, #tpu.memory_space<hbm>>
    tpu.enqueue_indirect_dma source(%dma_start3A_22 : memref<100000x64xf32, #tpu.memory_space<hbm>>) target(%arg8 : memref<128x64xf32, #tpu.memory_space<vmem>>) offsets(%dma_start3A_19 : memref<128xi32, #tpu.memory_space<vmem>>) semaphore(%arg15 : memref<!tpu.dma_semaphore, #tpu.memory_space<semaphore_mem>>)
    %dma_start3A_23 = arith.constant 3 : i32
    %dma_start3A_24 = arith.constant 0 : i32
    %dma_start3A_25 = tpu.memref_slice %arg5[%dma_start3A_23, %dma_start3A_24] : memref<50x128xi32, #tpu.memory_space<vmem>> -> memref<1x128xi32, #tpu.memory_space<vmem>>
    %dma_start3A_26 = tpu.memref_squeeze %dma_start3A_25 : memref<1x128xi32, #tpu.memory_space<vmem>> -> memref<128xi32, #tpu.memory_space<vmem>>
    %dma_start3A_27 = arith.constant 0 : i32
    %dma_start3A_28 = arith.constant 0 : i32
    %dma_start3A_29 = tpu.memref_slice %arg2[%dma_start3A_27, %dma_start3A_28] : memref<100000x64xf32, #tpu.memory_space<hbm>> -> memref<100000x64xf32, #tpu.memory_space<hbm>>
    tpu.enqueue_indirect_dma source(%dma_start3A_29 : memref<100000x64xf32, #tpu.memory_space<hbm>>) target(%arg9 : memref<128x64xf32, #tpu.memory_space<vmem>>) offsets(%dma_start3A_26 : memref<128xi32, #tpu.memory_space<vmem>>) semaphore(%arg15 : memref<!tpu.dma_semaphore, #tpu.memory_space<semaphore_mem>>)
    %dma_start3A_30 = arith.constant 4 : i32
    %dma_start3A_31 = arith.constant 0 : i32
    %dma_start3A_32 = tpu.memref_slice %arg5[%dma_start3A_30, %dma_start3A_31] : memref<50x128xi32, #tpu.memory_space<vmem>> -> memref<1x128xi32, #tpu.memory_space<vmem>>
    %dma_start3A_33 = tpu.memref_squeeze %dma_start3A_32 : memref<1x128xi32, #tpu.memory_space<vmem>> -> memref<128xi32, #tpu.memory_space<vmem>>
    %dma_start3A_34 = arith.constant 0 : i32
    %dma_start3A_35 = arith.constant 0 : i32
    %dma_start3A_36 = tpu.memref_slice %arg2[%dma_start3A_34, %dma_start3A_35] : memref<100000x64xf32, #tpu.memory_space<hbm>> -> memref<100000x64xf32, #tpu.memory_space<hbm>>
    tpu.enqueue_indirect_dma source(%dma_start3A_36 : memref<100000x64xf32, #tpu.memory_space<hbm>>) target(%arg10 : memref<128x64xf32, #tpu.memory_space<vmem>>) offsets(%dma_start3A_33 : memref<128xi32, #tpu.memory_space<vmem>>) semaphore(%arg16 : memref<!tpu.dma_semaphore, #tpu.memory_space<semaphore_mem>>)
    %dma_start3A_37 = arith.constant 5 : i32
    %dma_start3A_38 = arith.constant 0 : i32
    %dma_start3A_39 = tpu.memref_slice %arg5[%dma_start3A_37, %dma_start3A_38] : memref<50x128xi32, #tpu.memory_space<vmem>> -> memref<1x128xi32, #tpu.memory_space<vmem>>
    %dma_start3A_40 = tpu.memref_squeeze %dma_start3A_39 : memref<1x128xi32, #tpu.memory_space<vmem>> -> memref<128xi32, #tpu.memory_space<vmem>>
    %dma_start3A_41 = arith.constant 0 : i32
    %dma_start3A_42 = arith.constant 0 : i32
    %dma_start3A_43 = tpu.memref_slice %arg2[%dma_start3A_41, %dma_start3A_42] : memref<100000x64xf32, #tpu.memory_space<hbm>> -> memref<100000x64xf32, #tpu.memory_space<hbm>>
    tpu.enqueue_indirect_dma source(%dma_start3A_43 : memref<100000x64xf32, #tpu.memory_space<hbm>>) target(%arg11 : memref<128x64xf32, #tpu.memory_space<vmem>>) offsets(%dma_start3A_40 : memref<128xi32, #tpu.memory_space<vmem>>) semaphore(%arg16 : memref<!tpu.dma_semaphore, #tpu.memory_space<semaphore_mem>>)
    %dma_start3A_44 = arith.constant 6 : i32
    %dma_start3A_45 = arith.constant 0 : i32
    %dma_start3A_46 = tpu.memref_slice %arg5[%dma_start3A_44, %dma_start3A_45] : memref<50x128xi32, #tpu.memory_space<vmem>> -> memref<1x128xi32, #tpu.memory_space<vmem>>
    %dma_start3A_47 = tpu.memref_squeeze %dma_start3A_46 : memref<1x128xi32, #tpu.memory_space<vmem>> -> memref<128xi32, #tpu.memory_space<vmem>>
    %dma_start3A_48 = arith.constant 0 : i32
    %dma_start3A_49 = arith.constant 0 : i32
    %dma_start3A_50 = tpu.memref_slice %arg2[%dma_start3A_48, %dma_start3A_49] : memref<100000x64xf32, #tpu.memory_space<hbm>> -> memref<100000x64xf32, #tpu.memory_space<hbm>>
    tpu.enqueue_indirect_dma source(%dma_start3A_50 : memref<100000x64xf32, #tpu.memory_space<hbm>>) target(%arg12 : memref<128x64xf32, #tpu.memory_space<vmem>>) offsets(%dma_start3A_47 : memref<128xi32, #tpu.memory_space<vmem>>) semaphore(%arg17 : memref<!tpu.dma_semaphore, #tpu.memory_space<semaphore_mem>>)
    %dma_start3A_51 = arith.constant 7 : i32
    %dma_start3A_52 = arith.constant 0 : i32
    %dma_start3A_53 = tpu.memref_slice %arg5[%dma_start3A_51, %dma_start3A_52] : memref<50x128xi32, #tpu.memory_space<vmem>> -> memref<1x128xi32, #tpu.memory_space<vmem>>
    %dma_start3A_54 = tpu.memref_squeeze %dma_start3A_53 : memref<1x128xi32, #tpu.memory_space<vmem>> -> memref<128xi32, #tpu.memory_space<vmem>>
    %dma_start3A_55 = arith.constant 0 : i32
    %dma_start3A_56 = arith.constant 0 : i32
    %dma_start3A_57 = tpu.memref_slice %arg2[%dma_start3A_55, %dma_start3A_56] : memref<100000x64xf32, #tpu.memory_space<hbm>> -> memref<100000x64xf32, #tpu.memory_space<hbm>>
    tpu.enqueue_indirect_dma source(%dma_start3A_57 : memref<100000x64xf32, #tpu.memory_space<hbm>>) target(%arg13 : memref<128x64xf32, #tpu.memory_space<vmem>>) offsets(%dma_start3A_54 : memref<128xi32, #tpu.memory_space<vmem>>) semaphore(%arg17 : memref<!tpu.dma_semaphore, #tpu.memory_space<semaphore_mem>>)
    %dma_wait3A = arith.constant 0 : i32
    %dma_wait3A_58 = arith.constant 0 : i32
    %dma_wait3A_59 = tpu.memref_slice %arg5[%dma_wait3A, %dma_wait3A_58] : memref<50x128xi32, #tpu.memory_space<vmem>> -> memref<1x128xi32, #tpu.memory_space<vmem>>
    %dma_wait3A_60 = tpu.memref_squeeze %dma_wait3A_59 : memref<1x128xi32, #tpu.memory_space<vmem>> -> memref<128xi32, #tpu.memory_space<vmem>>
    %dma_wait3A_61 = arith.constant 0 : i32
    %dma_wait3A_62 = arith.constant 0 : i32
    %dma_wait3A_63 = tpu.memref_slice %arg2[%dma_wait3A_61, %dma_wait3A_62] : memref<100000x64xf32, #tpu.memory_space<hbm>> -> memref<100000x64xf32, #tpu.memory_space<hbm>>
    tpu.wait_indirect_dma semaphore(%arg14 : memref<!tpu.dma_semaphore, #tpu.memory_space<semaphore_mem>>) src(%dma_wait3A_63 : memref<100000x64xf32, #tpu.memory_space<hbm>>) dst(%arg6 : memref<128x64xf32, #tpu.memory_space<vmem>>)
    %dma_wait3A_64 = arith.constant 1 : i32
    %dma_wait3A_65 = arith.constant 0 : i32
    %dma_wait3A_66 = tpu.memref_slice %arg5[%dma_wait3A_64, %dma_wait3A_65] : memref<50x128xi32, #tpu.memory_space<vmem>> -> memref<1x128xi32, #tpu.memory_space<vmem>>
    %dma_wait3A_67 = tpu.memref_squeeze %dma_wait3A_66 : memref<1x128xi32, #tpu.memory_space<vmem>> -> memref<128xi32, #tpu.memory_space<vmem>>
    %dma_wait3A_68 = arith.constant 0 : i32
    %dma_wait3A_69 = arith.constant 0 : i32
    %dma_wait3A_70 = tpu.memref_slice %arg2[%dma_wait3A_68, %dma_wait3A_69] : memref<100000x64xf32, #tpu.memory_space<hbm>> -> memref<100000x64xf32, #tpu.memory_space<hbm>>
    tpu.wait_indirect_dma semaphore(%arg14 : memref<!tpu.dma_semaphore, #tpu.memory_space<semaphore_mem>>) src(%dma_wait3A_70 : memref<100000x64xf32, #tpu.memory_space<hbm>>) dst(%arg7 : memref<128x64xf32, #tpu.memory_space<vmem>>)
    %dma_start3A_71 = arith.constant 0 : i32
    %dma_start3A_72 = arith.constant 0 : i32
    %dma_start3A_73 = arith.constant 0 : i32
    %dma_start3A_74 = tpu.memref_slice %arg4[%dma_start3A_71, %dma_start3A_72, %dma_start3A_73] : memref<25x4096x128xf32, #tpu.memory_space<hbm>> -> memref<1x4096x128xf32, #tpu.memory_space<hbm>>
    %dma_start3A_75 = tpu.memref_squeeze %dma_start3A_74 : memref<1x4096x128xf32, #tpu.memory_space<hbm>> -> memref<4096x128xf32, #tpu.memory_space<hbm>>
    %dma_start3A_76 = arith.constant 0 : i32
    %dma_start3A_77 = tpu.memref_slice %dma_start3A_75[%mul3A_2, %dma_start3A_76] : memref<4096x128xf32, #tpu.memory_space<hbm>> -> memref<128x128xf32, #tpu.memory_space<hbm>>
    %dma_start3A_78 = arith.constant 0 : i32
    %dma_start3A_79 = arith.constant 0 : i32
    %dma_start3A_80 = tpu.memref_slice %dma_start3A_77[%dma_start3A_78, %dma_start3A_79] : memref<128x128xf32, #tpu.memory_space<hbm>> -> memref<128x64xf32, #tpu.memory_space<hbm>>
    %dma_start3A_81 = arith.constant 0 : i32
    %dma_start3A_82 = arith.constant 0 : i32
    %dma_start3A_83 = tpu.memref_slice %arg4[%dma_start3A_71, %dma_start3A_81, %dma_start3A_82] : memref<25x4096x128xf32, #tpu.memory_space<hbm>> -> memref<1x4096x128xf32, #tpu.memory_space<hbm>>
    %dma_start3A_84 = tpu.memref_squeeze %dma_start3A_83 : memref<1x4096x128xf32, #tpu.memory_space<hbm>> -> memref<4096x128xf32, #tpu.memory_space<hbm>>
    %dma_start3A_85 = arith.constant 0 : i32
    %dma_start3A_86 = tpu.memref_slice %dma_start3A_84[%mul3A_2, %dma_start3A_85] : memref<4096x128xf32, #tpu.memory_space<hbm>> -> memref<128x128xf32, #tpu.memory_space<hbm>>
    %dma_start3A_87 = arith.constant 0 : i32
    %dma_start3A_88 = arith.constant 0 : i32
    %dma_start3A_89 = tpu.memref_slice %dma_start3A_86[%dma_start3A_87, %dma_start3A_88] : memref<128x128xf32, #tpu.memory_space<hbm>> -> memref<128x64xf32, #tpu.memory_space<hbm>>
    tpu.enqueue_dma source(%arg6 : memref<128x64xf32, #tpu.memory_space<vmem>>) target(%dma_start3A_89 : memref<128x64xf32, #tpu.memory_space<hbm>>) target_semaphore(%arg18 : memref<!tpu.dma_semaphore, #tpu.memory_space<semaphore_mem>>)
    %dma_start3A_90 = arith.constant 0 : i32
    %dma_start3A_91 = arith.constant 0 : i32
    %dma_start3A_92 = arith.constant 0 : i32
    %dma_start3A_93 = tpu.memref_slice %arg4[%dma_start3A_90, %dma_start3A_91, %dma_start3A_92] : memref<25x4096x128xf32, #tpu.memory_space<hbm>> -> memref<1x4096x128xf32, #tpu.memory_space<hbm>>
    %dma_start3A_94 = tpu.memref_squeeze %dma_start3A_93 : memref<1x4096x128xf32, #tpu.memory_space<hbm>> -> memref<4096x128xf32, #tpu.memory_space<hbm>>
    %dma_start3A_95 = arith.constant 0 : i32
    %dma_start3A_96 = tpu.memref_slice %dma_start3A_94[%mul3A_2, %dma_start3A_95] : memref<4096x128xf32, #tpu.memory_space<hbm>> -> memref<128x128xf32, #tpu.memory_space<hbm>>
    %dma_start3A_97 = arith.constant 0 : i32
    %dma_start3A_98 = arith.constant 64 : i32
    %dma_start3A_99 = tpu.memref_slice %dma_start3A_96[%dma_start3A_97, %dma_start3A_98] : memref<128x128xf32, #tpu.memory_space<hbm>> -> memref<128x64xf32, #tpu.memory_space<hbm>>
    %dma_start3A_100 = arith.constant 0 : i32
    %dma_start3A_101 = arith.constant 0 : i32
    %dma_start3A_102 = tpu.memref_slice %arg4[%dma_start3A_90, %dma_start3A_100, %dma_start3A_101] : memref<25x4096x128xf32, #tpu.memory_space<hbm>> -> memref<1x4096x128xf32, #tpu.memory_space<hbm>>
    %dma_start3A_103 = tpu.memref_squeeze %dma_start3A_102 : memref<1x4096x128xf32, #tpu.memory_space<hbm>> -> memref<4096x128xf32, #tpu.memory_space<hbm>>
    %dma_start3A_104 = arith.constant 0 : i32
    %dma_start3A_105 = tpu.memref_slice %dma_start3A_103[%mul3A_2, %dma_start3A_104] : memref<4096x128xf32, #tpu.memory_space<hbm>> -> memref<128x128xf32, #tpu.memory_space<hbm>>
    %dma_start3A_106 = arith.constant 0 : i32
    %dma_start3A_107 = arith.constant 64 : i32
    %dma_start3A_108 = tpu.memref_slice %dma_start3A_105[%dma_start3A_106, %dma_start3A_107] : memref<128x128xf32, #tpu.memory_space<hbm>> -> memref<128x64xf32, #tpu.memory_space<hbm>>
    tpu.enqueue_dma source(%arg7 : memref<128x64xf32, #tpu.memory_space<vmem>>) target(%dma_start3A_108 : memref<128x64xf32, #tpu.memory_space<hbm>>) target_semaphore(%arg18 : memref<!tpu.dma_semaphore, #tpu.memory_space<semaphore_mem>>)
    %dma_wait3A_109 = arith.constant 0 : i32
    %dma_wait3A_110 = arith.constant 0 : i32
    %dma_wait3A_111 = arith.constant 0 : i32
    %dma_wait3A_112 = tpu.memref_slice %arg4[%dma_wait3A_109, %dma_wait3A_110, %dma_wait3A_111] : memref<25x4096x128xf32, #tpu.memory_space<hbm>> -> memref<1x4096x128xf32, #tpu.memory_space<hbm>>
    %dma_wait3A_113 = tpu.memref_squeeze %dma_wait3A_112 : memref<1x4096x128xf32, #tpu.memory_space<hbm>> -> memref<4096x128xf32, #tpu.memory_space<hbm>>
    %dma_wait3A_114 = arith.constant 0 : i32
    %dma_wait3A_115 = tpu.memref_slice %dma_wait3A_113[%mul3A_2, %dma_wait3A_114] : memref<4096x128xf32, #tpu.memory_space<hbm>> -> memref<128x128xf32, #tpu.memory_space<hbm>>
    %dma_wait3A_116 = arith.constant 0 : i32
    %dma_wait3A_117 = arith.constant 0 : i32
    %dma_wait3A_118 = tpu.memref_slice %dma_wait3A_115[%dma_wait3A_116, %dma_wait3A_117] : memref<128x128xf32, #tpu.memory_space<hbm>> -> memref<128x64xf32, #tpu.memory_space<hbm>>
    %dma_wait3A_119 = arith.constant 0 : i32
    %dma_wait3A_120 = arith.constant 0 : i32
    %dma_wait3A_121 = tpu.memref_slice %arg4[%dma_wait3A_109, %dma_wait3A_119, %dma_wait3A_120] : memref<25x4096x128xf32, #tpu.memory_space<hbm>> -> memref<1x4096x128xf32, #tpu.memory_space<hbm>>
    %dma_wait3A_122 = tpu.memref_squeeze %dma_wait3A_121 : memref<1x4096x128xf32, #tpu.memory_space<hbm>> -> memref<4096x128xf32, #tpu.memory_space<hbm>>
    %dma_wait3A_123 = arith.constant 0 : i32
    %dma_wait3A_124 = tpu.memref_slice %dma_wait3A_122[%mul3A_2, %dma_wait3A_123] : memref<4096x128xf32, #tpu.memory_space<hbm>> -> memref<128x128xf32, #tpu.memory_space<hbm>>
    %dma_wait3A_125 = arith.constant 0 : i32
    %dma_wait3A_126 = arith.constant 0 : i32
    %dma_wait3A_127 = tpu.memref_slice %dma_wait3A_124[%dma_wait3A_125, %dma_wait3A_126] : memref<128x128xf32, #tpu.memory_space<hbm>> -> memref<128x64xf32, #tpu.memory_space<hbm>>
    tpu.wait_dma2 semaphore(%arg18 : memref<!tpu.dma_semaphore, #tpu.memory_space<semaphore_mem>>) src(%arg6 : memref<128x64xf32, #tpu.memory_space<vmem>>) dst(%dma_wait3A_127 : memref<128x64xf32, #tpu.memory_space<hbm>>)
    %dma_wait3A_128 = arith.constant 0 : i32
    %dma_wait3A_129 = arith.constant 0 : i32
    %dma_wait3A_130 = arith.constant 0 : i32
    %dma_wait3A_131 = tpu.memref_slice %arg4[%dma_wait3A_128, %dma_wait3A_129, %dma_wait3A_130] : memref<25x4096x128xf32, #tpu.memory_space<hbm>> -> memref<1x4096x128xf32, #tpu.memory_space<hbm>>
    %dma_wait3A_132 = tpu.memref_squeeze %dma_wait3A_131 : memref<1x4096x128xf32, #tpu.memory_space<hbm>> -> memref<4096x128xf32, #tpu.memory_space<hbm>>
    %dma_wait3A_133 = arith.constant 0 : i32
    %dma_wait3A_134 = tpu.memref_slice %dma_wait3A_132[%mul3A_2, %dma_wait3A_133] : memref<4096x128xf32, #tpu.memory_space<hbm>> -> memref<128x128xf32, #tpu.memory_space<hbm>>
    %dma_wait3A_135 = arith.constant 0 : i32
    %dma_wait3A_136 = arith.constant 64 : i32
    %dma_wait3A_137 = tpu.memref_slice %dma_wait3A_134[%dma_wait3A_135, %dma_wait3A_136] : memref<128x128xf32, #tpu.memory_space<hbm>> -> memref<128x64xf32, #tpu.memory_space<hbm>>
    %dma_wait3A_138 = arith.constant 0 : i32
    %dma_wait3A_139 = arith.constant 0 : i32
    %dma_wait3A_140 = tpu.memref_slice %arg4[%dma_wait3A_128, %dma_wait3A_138, %dma_wait3A_139] : memref<25x4096x128xf32, #tpu.memory_space<hbm>> -> memref<1x4096x128xf32, #tpu.memory_space<hbm>>
    %dma_wait3A_141 = tpu.memref_squeeze %dma_wait3A_140 : memref<1x4096x128xf32, #tpu.memory_space<hbm>> -> memref<4096x128xf32, #tpu.memory_space<hbm>>
    %dma_wait3A_142 = arith.constant 0 : i32
    %dma_wait3A_143 = tpu.memref_slice %dma_wait3A_141[%mul3A_2, %dma_wait3A_142] : memref<4096x128xf32, #tpu.memory_space<hbm>> -> memref<128x128xf32, #tpu.memory_space<hbm>>
    %dma_wait3A_144 = arith.constant 0 : i32
    %dma_wait3A_145 = arith.constant 64 : i32
    %dma_wait3A_146 = tpu.memref_slice %dma_wait3A_143[%dma_wait3A_144, %dma_wait3A_145] : memref<128x128xf32, #tpu.memory_space<hbm>> -> memref<128x64xf32, #tpu.memory_space<hbm>>
    tpu.wait_dma2 semaphore(%arg18 : memref<!tpu.dma_semaphore, #tpu.memory_space<semaphore_mem>>) src(%arg7 : memref<128x64xf32, #tpu.memory_space<vmem>>) dst(%dma_wait3A_146 : memref<128x64xf32, #tpu.memory_space<hbm>>)
    %dma_start3A_147 = arith.constant 8 : i32
    %dma_start3A_148 = arith.constant 0 : i32
    %dma_start3A_149 = tpu.memref_slice %arg5[%dma_start3A_147, %dma_start3A_148] : memref<50x128xi32, #tpu.memory_space<vmem>> -> memref<1x128xi32, #tpu.memory_space<vmem>>
    %dma_start3A_150 = tpu.memref_squeeze %dma_start3A_149 : memref<1x128xi32, #tpu.memory_space<vmem>> -> memref<128xi32, #tpu.memory_space<vmem>>
    %dma_start3A_151 = arith.constant 0 : i32
    %dma_start3A_152 = arith.constant 0 : i32
    %dma_start3A_153 = tpu.memref_slice %arg2[%dma_start3A_151, %dma_start3A_152] : memref<100000x64xf32, #tpu.memory_space<hbm>> -> memref<100000x64xf32, #tpu.memory_space<hbm>>
    tpu.enqueue_indirect_dma source(%dma_start3A_153 : memref<100000x64xf32, #tpu.memory_space<hbm>>) target(%arg6 : memref<128x64xf32, #tpu.memory_space<vmem>>) offsets(%dma_start3A_150 : memref<128xi32, #tpu.memory_space<vmem>>) semaphore(%arg14 : memref<!tpu.dma_semaphore, #tpu.memory_space<semaphore_mem>>)
    %dma_start3A_154 = arith.constant 9 : i32
    %dma_start3A_155 = arith.constant 0 : i32
    %dma_start3A_156 = tpu.memref_slice %arg5[%dma_start3A_154, %dma_start3A_155] : memref<50x128xi32, #tpu.memory_space<vmem>> -> memref<1x128xi32, #tpu.memory_space<vmem>>
    %dma_start3A_157 = tpu.memref_squeeze %dma_start3A_156 : memref<1x128xi32, #tpu.memory_space<vmem>> -> memref<128xi32, #tpu.memory_space<vmem>>
    %dma_start3A_158 = arith.constant 0 : i32
    %dma_start3A_159 = arith.constant 0 : i32
    %dma_start3A_160 = tpu.memref_slice %arg2[%dma_start3A_158, %dma_start3A_159] : memref<100000x64xf32, #tpu.memory_space<hbm>> -> memref<100000x64xf32, #tpu.memory_space<hbm>>
    tpu.enqueue_indirect_dma source(%dma_start3A_160 : memref<100000x64xf32, #tpu.memory_space<hbm>>) target(%arg7 : memref<128x64xf32, #tpu.memory_space<vmem>>) offsets(%dma_start3A_157 : memref<128xi32, #tpu.memory_space<vmem>>) semaphore(%arg14 : memref<!tpu.dma_semaphore, #tpu.memory_space<semaphore_mem>>)
    %dma_wait3A_161 = arith.constant 2 : i32
    %dma_wait3A_162 = arith.constant 0 : i32
    %dma_wait3A_163 = tpu.memref_slice %arg5[%dma_wait3A_161, %dma_wait3A_162] : memref<50x128xi32, #tpu.memory_space<vmem>> -> memref<1x128xi32, #tpu.memory_space<vmem>>
    %dma_wait3A_164 = tpu.memref_squeeze %dma_wait3A_163 : memref<1x128xi32, #tpu.memory_space<vmem>> -> memref<128xi32, #tpu.memory_space<vmem>>
    %dma_wait3A_165 = arith.constant 0 : i32
    %dma_wait3A_166 = arith.constant 0 : i32
    %dma_wait3A_167 = tpu.memref_slice %arg2[%dma_wait3A_165, %dma_wait3A_166] : memref<100000x64xf32, #tpu.memory_space<hbm>> -> memref<100000x64xf32, #tpu.memory_space<hbm>>
    tpu.wait_indirect_dma semaphore(%arg15 : memref<!tpu.dma_semaphore, #tpu.memory_space<semaphore_mem>>) src(%dma_wait3A_167 : memref<100000x64xf32, #tpu.memory_space<hbm>>) dst(%arg8 : memref<128x64xf32, #tpu.memory_space<vmem>>)
    %dma_wait3A_168 = arith.constant 3 : i32
    %dma_wait3A_169 = arith.constant 0 : i32
    %dma_wait3A_170 = tpu.memref_slice %arg5[%dma_wait3A_168, %dma_wait3A_169] : memref<50x128xi32, #tpu.memory_space<vmem>> -> memref<1x128xi32, #tpu.memory_space<vmem>>
    %dma_wait3A_171 = tpu.memref_squeeze %dma_wait3A_170 : memref<1x128xi32, #tpu.memory_space<vmem>> -> memref<128xi32, #tpu.memory_space<vmem>>
    %dma_wait3A_172 = arith.constant 0 : i32
    %dma_wait3A_173 = arith.constant 0 : i32
    %dma_wait3A_174 = tpu.memref_slice %arg2[%dma_wait3A_172, %dma_wait3A_173] : memref<100000x64xf32, #tpu.memory_space<hbm>> -> memref<100000x64xf32, #tpu.memory_space<hbm>>
    tpu.wait_indirect_dma semaphore(%arg15 : memref<!tpu.dma_semaphore, #tpu.memory_space<semaphore_mem>>) src(%dma_wait3A_174 : memref<100000x64xf32, #tpu.memory_space<hbm>>) dst(%arg9 : memref<128x64xf32, #tpu.memory_space<vmem>>)
    %dma_start3A_175 = arith.constant 1 : i32
    %dma_start3A_176 = arith.constant 0 : i32
    %dma_start3A_177 = arith.constant 0 : i32
    %dma_start3A_178 = tpu.memref_slice %arg4[%dma_start3A_175, %dma_start3A_176, %dma_start3A_177] : memref<25x4096x128xf32, #tpu.memory_space<hbm>> -> memref<1x4096x128xf32, #tpu.memory_space<hbm>>
    %dma_start3A_179 = tpu.memref_squeeze %dma_start3A_178 : memref<1x4096x128xf32, #tpu.memory_space<hbm>> -> memref<4096x128xf32, #tpu.memory_space<hbm>>
    %dma_start3A_180 = arith.constant 0 : i32
    %dma_start3A_181 = tpu.memref_slice %dma_start3A_179[%mul3A_2, %dma_start3A_180] : memref<4096x128xf32, #tpu.memory_space<hbm>> -> memref<128x128xf32, #tpu.memory_space<hbm>>
    %dma_start3A_182 = arith.constant 0 : i32
    %dma_start3A_183 = arith.constant 0 : i32
    %dma_start3A_184 = tpu.memref_slice %dma_start3A_181[%dma_start3A_182, %dma_start3A_183] : memref<128x128xf32, #tpu.memory_space<hbm>> -> memref<128x64xf32, #tpu.memory_space<hbm>>
    %dma_start3A_185 = arith.constant 0 : i32
    %dma_start3A_186 = arith.constant 0 : i32
    %dma_start3A_187 = tpu.memref_slice %arg4[%dma_start3A_175, %dma_start3A_185, %dma_start3A_186] : memref<25x4096x128xf32, #tpu.memory_space<hbm>> -> memref<1x4096x128xf32, #tpu.memory_space<hbm>>
    %dma_start3A_188 = tpu.memref_squeeze %dma_start3A_187 : memref<1x4096x128xf32, #tpu.memory_space<hbm>> -> memref<4096x128xf32, #tpu.memory_space<hbm>>
    %dma_start3A_189 = arith.constant 0 : i32
    %dma_start3A_190 = tpu.memref_slice %dma_start3A_188[%mul3A_2, %dma_start3A_189] : memref<4096x128xf32, #tpu.memory_space<hbm>> -> memref<128x128xf32, #tpu.memory_space<hbm>>
    %dma_start3A_191 = arith.constant 0 : i32
    %dma_start3A_192 = arith.constant 0 : i32
    %dma_start3A_193 = tpu.memref_slice %dma_start3A_190[%dma_start3A_191, %dma_start3A_192] : memref<128x128xf32, #tpu.memory_space<hbm>> -> memref<128x64xf32, #tpu.memory_space<hbm>>
    tpu.enqueue_dma source(%arg8 : memref<128x64xf32, #tpu.memory_space<vmem>>) target(%dma_start3A_193 : memref<128x64xf32, #tpu.memory_space<hbm>>) target_semaphore(%arg19 : memref<!tpu.dma_semaphore, #tpu.memory_space<semaphore_mem>>)
    %dma_start3A_194 = arith.constant 1 : i32
    %dma_start3A_195 = arith.constant 0 : i32
    %dma_start3A_196 = arith.constant 0 : i32
    %dma_start3A_197 = tpu.memref_slice %arg4[%dma_start3A_194, %dma_start3A_195, %dma_start3A_196] : memref<25x4096x128xf32, #tpu.memory_space<hbm>> -> memref<1x4096x128xf32, #tpu.memory_space<hbm>>
    %dma_start3A_198 = tpu.memref_squeeze %dma_start3A_197 : memref<1x4096x128xf32, #tpu.memory_space<hbm>> -> memref<4096x128xf32, #tpu.memory_space<hbm>>
    %dma_start3A_199 = arith.constant 0 : i32
    %dma_start3A_200 = tpu.memref_slice %dma_start3A_198[%mul3A_2, %dma_start3A_199] : memref<4096x128xf32, #tpu.memory_space<hbm>> -> memref<128x128xf32, #tpu.memory_space<hbm>>
    %dma_start3A_201 = arith.constant 0 : i32
    %dma_start3A_202 = arith.constant 64 : i32
    %dma_start3A_203 = tpu.memref_slice %dma_start3A_200[%dma_start3A_201, %dma_start3A_202] : memref<128x128xf32, #tpu.memory_space<hbm>> -> memref<128x64xf32, #tpu.memory_space<hbm>>
    %dma_start3A_204 = arith.constant 0 : i32
    %dma_start3A_205 = arith.constant 0 : i32
    %dma_start3A_206 = tpu.memref_slice %arg4[%dma_start3A_194, %dma_start3A_204, %dma_start3A_205] : memref<25x4096x128xf32, #tpu.memory_space<hbm>> -> memref<1x4096x128xf32, #tpu.memory_space<hbm>>
    %dma_start3A_207 = tpu.memref_squeeze %dma_start3A_206 : memref<1x4096x128xf32, #tpu.memory_space<hbm>> -> memref<4096x128xf32, #tpu.memory_space<hbm>>
    %dma_start3A_208 = arith.constant 0 : i32
    %dma_start3A_209 = tpu.memref_slice %dma_start3A_207[%mul3A_2, %dma_start3A_208] : memref<4096x128xf32, #tpu.memory_space<hbm>> -> memref<128x128xf32, #tpu.memory_space<hbm>>
    %dma_start3A_210 = arith.constant 0 : i32
    %dma_start3A_211 = arith.constant 64 : i32
    %dma_start3A_212 = tpu.memref_slice %dma_start3A_209[%dma_start3A_210, %dma_start3A_211] : memref<128x128xf32, #tpu.memory_space<hbm>> -> memref<128x64xf32, #tpu.memory_space<hbm>>
    tpu.enqueue_dma source(%arg9 : memref<128x64xf32, #tpu.memory_space<vmem>>) target(%dma_start3A_212 : memref<128x64xf32, #tpu.memory_space<hbm>>) target_semaphore(%arg19 : memref<!tpu.dma_semaphore, #tpu.memory_space<semaphore_mem>>)
    %dma_wait3A_213 = arith.constant 1 : i32
    %dma_wait3A_214 = arith.constant 0 : i32
    %dma_wait3A_215 = arith.constant 0 : i32
    %dma_wait3A_216 = tpu.memref_slice %arg4[%dma_wait3A_213, %dma_wait3A_214, %dma_wait3A_215] : memref<25x4096x128xf32, #tpu.memory_space<hbm>> -> memref<1x4096x128xf32, #tpu.memory_space<hbm>>
    %dma_wait3A_217 = tpu.memref_squeeze %dma_wait3A_216 : memref<1x4096x128xf32, #tpu.memory_space<hbm>> -> memref<4096x128xf32, #tpu.memory_space<hbm>>
    %dma_wait3A_218 = arith.constant 0 : i32
    %dma_wait3A_219 = tpu.memref_slice %dma_wait3A_217[%mul3A_2, %dma_wait3A_218] : memref<4096x128xf32, #tpu.memory_space<hbm>> -> memref<128x128xf32, #tpu.memory_space<hbm>>
    %dma_wait3A_220 = arith.constant 0 : i32
    %dma_wait3A_221 = arith.constant 0 : i32
    %dma_wait3A_222 = tpu.memref_slice %dma_wait3A_219[%dma_wait3A_220, %dma_wait3A_221] : memref<128x128xf32, #tpu.memory_space<hbm>> -> memref<128x64xf32, #tpu.memory_space<hbm>>
    %dma_wait3A_223 = arith.constant 0 : i32
    %dma_wait3A_224 = arith.constant 0 : i32
    %dma_wait3A_225 = tpu.memref_slice %arg4[%dma_wait3A_213, %dma_wait3A_223, %dma_wait3A_224] : memref<25x4096x128xf32, #tpu.memory_space<hbm>> -> memref<1x4096x128xf32, #tpu.memory_space<hbm>>
    %dma_wait3A_226 = tpu.memref_squeeze %dma_wait3A_225 : memref<1x4096x128xf32, #tpu.memory_space<hbm>> -> memref<4096x128xf32, #tpu.memory_space<hbm>>
    %dma_wait3A_227 = arith.constant 0 : i32
    %dma_wait3A_228 = tpu.memref_slice %dma_wait3A_226[%mul3A_2, %dma_wait3A_227] : memref<4096x128xf32, #tpu.memory_space<hbm>> -> memref<128x128xf32, #tpu.memory_space<hbm>>
    %dma_wait3A_229 = arith.constant 0 : i32
    %dma_wait3A_230 = arith.constant 0 : i32
    %dma_wait3A_231 = tpu.memref_slice %dma_wait3A_228[%dma_wait3A_229, %dma_wait3A_230] : memref<128x128xf32, #tpu.memory_space<hbm>> -> memref<128x64xf32, #tpu.memory_space<hbm>>
    tpu.wait_dma2 semaphore(%arg19 : memref<!tpu.dma_semaphore, #tpu.memory_space<semaphore_mem>>) src(%arg8 : memref<128x64xf32, #tpu.memory_space<vmem>>) dst(%dma_wait3A_231 : memref<128x64xf32, #tpu.memory_space<hbm>>)
    %dma_wait3A_232 = arith.constant 1 : i32
    %dma_wait3A_233 = arith.constant 0 : i32
    %dma_wait3A_234 = arith.constant 0 : i32
    %dma_wait3A_235 = tpu.memref_slice %arg4[%dma_wait3A_232, %dma_wait3A_233, %dma_wait3A_234] : memref<25x4096x128xf32, #tpu.memory_space<hbm>> -> memref<1x4096x128xf32, #tpu.memory_space<hbm>>
    %dma_wait3A_236 = tpu.memref_squeeze %dma_wait3A_235 : memref<1x4096x128xf32, #tpu.memory_space<hbm>> -> memref<4096x128xf32, #tpu.memory_space<hbm>>
    %dma_wait3A_237 = arith.constant 0 : i32
    %dma_wait3A_238 = tpu.memref_slice %dma_wait3A_236[%mul3A_2, %dma_wait3A_237] : memref<4096x128xf32, #tpu.memory_space<hbm>> -> memref<128x128xf32, #tpu.memory_space<hbm>>
    %dma_wait3A_239 = arith.constant 0 : i32
    %dma_wait3A_240 = arith.constant 64 : i32
    %dma_wait3A_241 = tpu.memref_slice %dma_wait3A_238[%dma_wait3A_239, %dma_wait3A_240] : memref<128x128xf32, #tpu.memory_space<hbm>> -> memref<128x64xf32, #tpu.memory_space<hbm>>
    %dma_wait3A_242 = arith.constant 0 : i32
    %dma_wait3A_243 = arith.constant 0 : i32
    %dma_wait3A_244 = tpu.memref_slice %arg4[%dma_wait3A_232, %dma_wait3A_242, %dma_wait3A_243] : memref<25x4096x128xf32, #tpu.memory_space<hbm>> -> memref<1x4096x128xf32, #tpu.memory_space<hbm>>
    %dma_wait3A_245 = tpu.memref_squeeze %dma_wait3A_244 : memref<1x4096x128xf32, #tpu.memory_space<hbm>> -> memref<4096x128xf32, #tpu.memory_space<hbm>>
    %dma_wait3A_246 = arith.constant 0 : i32
    %dma_wait3A_247 = tpu.memref_slice %dma_wait3A_245[%mul3A_2, %dma_wait3A_246] : memref<4096x128xf32, #tpu.memory_space<hbm>> -> memref<128x128xf32, #tpu.memory_space<hbm>>
    %dma_wait3A_248 = arith.constant 0 : i32
    %dma_wait3A_249 = arith.constant 64 : i32
    %dma_wait3A_250 = tpu.memref_slice %dma_wait3A_247[%dma_wait3A_248, %dma_wait3A_249] : memref<128x128xf32, #tpu.memory_space<hbm>> -> memref<128x64xf32, #tpu.memory_space<hbm>>
    tpu.wait_dma2 semaphore(%arg19 : memref<!tpu.dma_semaphore, #tpu.memory_space<semaphore_mem>>) src(%arg9 : memref<128x64xf32, #tpu.memory_space<vmem>>) dst(%dma_wait3A_250 : memref<128x64xf32, #tpu.memory_space<hbm>>)
    %dma_start3A_251 = arith.constant 10 : i32
    %dma_start3A_252 = arith.constant 0 : i32
    %dma_start3A_253 = tpu.memref_slice %arg5[%dma_start3A_251, %dma_start3A_252] : memref<50x128xi32, #tpu.memory_space<vmem>> -> memref<1x128xi32, #tpu.memory_space<vmem>>
    %dma_start3A_254 = tpu.memref_squeeze %dma_start3A_253 : memref<1x128xi32, #tpu.memory_space<vmem>> -> memref<128xi32, #tpu.memory_space<vmem>>
    %dma_start3A_255 = arith.constant 0 : i32
    %dma_start3A_256 = arith.constant 0 : i32
    %dma_start3A_257 = tpu.memref_slice %arg2[%dma_start3A_255, %dma_start3A_256] : memref<100000x64xf32, #tpu.memory_space<hbm>> -> memref<100000x64xf32, #tpu.memory_space<hbm>>
    tpu.enqueue_indirect_dma source(%dma_start3A_257 : memref<100000x64xf32, #tpu.memory_space<hbm>>) target(%arg8 : memref<128x64xf32, #tpu.memory_space<vmem>>) offsets(%dma_start3A_254 : memref<128xi32, #tpu.memory_space<vmem>>) semaphore(%arg15 : memref<!tpu.dma_semaphore, #tpu.memory_space<semaphore_mem>>)
    %dma_start3A_258 = arith.constant 11 : i32
    %dma_start3A_259 = arith.constant 0 : i32
    %dma_start3A_260 = tpu.memref_slice %arg5[%dma_start3A_258, %dma_start3A_259] : memref<50x128xi32, #tpu.memory_space<vmem>> -> memref<1x128xi32, #tpu.memory_space<vmem>>
    %dma_start3A_261 = tpu.memref_squeeze %dma_start3A_260 : memref<1x128xi32, #tpu.memory_space<vmem>> -> memref<128xi32, #tpu.memory_space<vmem>>
    %dma_start3A_262 = arith.constant 0 : i32
    %dma_start3A_263 = arith.constant 0 : i32
    %dma_start3A_264 = tpu.memref_slice %arg2[%dma_start3A_262, %dma_start3A_263] : memref<100000x64xf32, #tpu.memory_space<hbm>> -> memref<100000x64xf32, #tpu.memory_space<hbm>>
    tpu.enqueue_indirect_dma source(%dma_start3A_264 : memref<100000x64xf32, #tpu.memory_space<hbm>>) target(%arg9 : memref<128x64xf32, #tpu.memory_space<vmem>>) offsets(%dma_start3A_261 : memref<128xi32, #tpu.memory_space<vmem>>) semaphore(%arg15 : memref<!tpu.dma_semaphore, #tpu.memory_space<semaphore_mem>>)
    %dma_wait3A_265 = arith.constant 4 : i32
    %dma_wait3A_266 = arith.constant 0 : i32
    %dma_wait3A_267 = tpu.memref_slice %arg5[%dma_wait3A_265, %dma_wait3A_266] : memref<50x128xi32, #tpu.memory_space<vmem>> -> memref<1x128xi32, #tpu.memory_space<vmem>>
    %dma_wait3A_268 = tpu.memref_squeeze %dma_wait3A_267 : memref<1x128xi32, #tpu.memory_space<vmem>> -> memref<128xi32, #tpu.memory_space<vmem>>
    %dma_wait3A_269 = arith.constant 0 : i32
    %dma_wait3A_270 = arith.constant 0 : i32
    %dma_wait3A_271 = tpu.memref_slice %arg2[%dma_wait3A_269, %dma_wait3A_270] : memref<100000x64xf32, #tpu.memory_space<hbm>> -> memref<100000x64xf32, #tpu.memory_space<hbm>>
    tpu.wait_indirect_dma semaphore(%arg16 : memref<!tpu.dma_semaphore, #tpu.memory_space<semaphore_mem>>) src(%dma_wait3A_271 : memref<100000x64xf32, #tpu.memory_space<hbm>>) dst(%arg10 : memref<128x64xf32, #tpu.memory_space<vmem>>)
    %dma_wait3A_272 = arith.constant 5 : i32
    %dma_wait3A_273 = arith.constant 0 : i32
    %dma_wait3A_274 = tpu.memref_slice %arg5[%dma_wait3A_272, %dma_wait3A_273] : memref<50x128xi32, #tpu.memory_space<vmem>> -> memref<1x128xi32, #tpu.memory_space<vmem>>
    %dma_wait3A_275 = tpu.memref_squeeze %dma_wait3A_274 : memref<1x128xi32, #tpu.memory_space<vmem>> -> memref<128xi32, #tpu.memory_space<vmem>>
    %dma_wait3A_276 = arith.constant 0 : i32
    %dma_wait3A_277 = arith.constant 0 : i32
    %dma_wait3A_278 = tpu.memref_slice %arg2[%dma_wait3A_276, %dma_wait3A_277] : memref<100000x64xf32, #tpu.memory_space<hbm>> -> memref<100000x64xf32, #tpu.memory_space<hbm>>
    tpu.wait_indirect_dma semaphore(%arg16 : memref<!tpu.dma_semaphore, #tpu.memory_space<semaphore_mem>>) src(%dma_wait3A_278 : memref<100000x64xf32, #tpu.memory_space<hbm>>) dst(%arg11 : memref<128x64xf32, #tpu.memory_space<vmem>>)
    %dma_start3A_279 = arith.constant 2 : i32
    %dma_start3A_280 = arith.constant 0 : i32
    %dma_start3A_281 = arith.constant 0 : i32
    %dma_start3A_282 = tpu.memref_slice %arg4[%dma_start3A_279, %dma_start3A_280, %dma_start3A_281] : memref<25x4096x128xf32, #tpu.memory_space<hbm>> -> memref<1x4096x128xf32, #tpu.memory_space<hbm>>
    %dma_start3A_283 = tpu.memref_squeeze %dma_start3A_282 : memref<1x4096x128xf32, #tpu.memory_space<hbm>> -> memref<4096x128xf32, #tpu.memory_space<hbm>>
    %dma_start3A_284 = arith.constant 0 : i32
    %dma_start3A_285 = tpu.memref_slice %dma_start3A_283[%mul3A_2, %dma_start3A_284] : memref<4096x128xf32, #tpu.memory_space<hbm>> -> memref<128x128xf32, #tpu.memory_space<hbm>>
    %dma_start3A_286 = arith.constant 0 : i32
    %dma_start3A_287 = arith.constant 0 : i32
    %dma_start3A_288 = tpu.memref_slice %dma_start3A_285[%dma_start3A_286, %dma_start3A_287] : memref<128x128xf32, #tpu.memory_space<hbm>> -> memref<128x64xf32, #tpu.memory_space<hbm>>
    %dma_start3A_289 = arith.constant 0 : i32
    %dma_start3A_290 = arith.constant 0 : i32
    %dma_start3A_291 = tpu.memref_slice %arg4[%dma_start3A_279, %dma_start3A_289, %dma_start3A_290] : memref<25x4096x128xf32, #tpu.memory_space<hbm>> -> memref<1x4096x128xf32, #tpu.memory_space<hbm>>
    %dma_start3A_292 = tpu.memref_squeeze %dma_start3A_291 : memref<1x4096x128xf32, #tpu.memory_space<hbm>> -> memref<4096x128xf32, #tpu.memory_space<hbm>>
    %dma_start3A_293 = arith.constant 0 : i32
    %dma_start3A_294 = tpu.memref_slice %dma_start3A_292[%mul3A_2, %dma_start3A_293] : memref<4096x128xf32, #tpu.memory_space<hbm>> -> memref<128x128xf32, #tpu.memory_space<hbm>>
    %dma_start3A_295 = arith.constant 0 : i32
    %dma_start3A_296 = arith.constant 0 : i32
    %dma_start3A_297 = tpu.memref_slice %dma_start3A_294[%dma_start3A_295, %dma_start3A_296] : memref<128x128xf32, #tpu.memory_space<hbm>> -> memref<128x64xf32, #tpu.memory_space<hbm>>
    tpu.enqueue_dma source(%arg10 : memref<128x64xf32, #tpu.memory_space<vmem>>) target(%dma_start3A_297 : memref<128x64xf32, #tpu.memory_space<hbm>>) target_semaphore(%arg20 : memref<!tpu.dma_semaphore, #tpu.memory_space<semaphore_mem>>)
    %dma_start3A_298 = arith.constant 2 : i32
    %dma_start3A_299 = arith.constant 0 : i32
    %dma_start3A_300 = arith.constant 0 : i32
    %dma_start3A_301 = tpu.memref_slice %arg4[%dma_start3A_298, %dma_start3A_299, %dma_start3A_300] : memref<25x4096x128xf32, #tpu.memory_space<hbm>> -> memref<1x4096x128xf32, #tpu.memory_space<hbm>>
    %dma_start3A_302 = tpu.memref_squeeze %dma_start3A_301 : memref<1x4096x128xf32, #tpu.memory_space<hbm>> -> memref<4096x128xf32, #tpu.memory_space<hbm>>
    %dma_start3A_303 = arith.constant 0 : i32
    %dma_start3A_304 = tpu.memref_slice %dma_start3A_302[%mul3A_2, %dma_start3A_303] : memref<4096x128xf32, #tpu.memory_space<hbm>> -> memref<128x128xf32, #tpu.memory_space<hbm>>
    %dma_start3A_305 = arith.constant 0 : i32
    %dma_start3A_306 = arith.constant 64 : i32
    %dma_start3A_307 = tpu.memref_slice %dma_start3A_304[%dma_start3A_305, %dma_start3A_306] : memref<128x128xf32, #tpu.memory_space<hbm>> -> memref<128x64xf32, #tpu.memory_space<hbm>>
    %dma_start3A_308 = arith.constant 0 : i32
    %dma_start3A_309 = arith.constant 0 : i32
    %dma_start3A_310 = tpu.memref_slice %arg4[%dma_start3A_298, %dma_start3A_308, %dma_start3A_309] : memref<25x4096x128xf32, #tpu.memory_space<hbm>> -> memref<1x4096x128xf32, #tpu.memory_space<hbm>>
    %dma_start3A_311 = tpu.memref_squeeze %dma_start3A_310 : memref<1x4096x128xf32, #tpu.memory_space<hbm>> -> memref<4096x128xf32, #tpu.memory_space<hbm>>
    %dma_start3A_312 = arith.constant 0 : i32
    %dma_start3A_313 = tpu.memref_slice %dma_start3A_311[%mul3A_2, %dma_start3A_312] : memref<4096x128xf32, #tpu.memory_space<hbm>> -> memref<128x128xf32, #tpu.memory_space<hbm>>
    %dma_start3A_314 = arith.constant 0 : i32
    %dma_start3A_315 = arith.constant 64 : i32
    %dma_start3A_316 = tpu.memref_slice %dma_start3A_313[%dma_start3A_314, %dma_start3A_315] : memref<128x128xf32, #tpu.memory_space<hbm>> -> memref<128x64xf32, #tpu.memory_space<hbm>>
    tpu.enqueue_dma source(%arg11 : memref<128x64xf32, #tpu.memory_space<vmem>>) target(%dma_start3A_316 : memref<128x64xf32, #tpu.memory_space<hbm>>) target_semaphore(%arg20 : memref<!tpu.dma_semaphore, #tpu.memory_space<semaphore_mem>>)
    %dma_wait3A_317 = arith.constant 2 : i32
    %dma_wait3A_318 = arith.constant 0 : i32
    %dma_wait3A_319 = arith.constant 0 : i32
    %dma_wait3A_320 = tpu.memref_slice %arg4[%dma_wait3A_317, %dma_wait3A_318, %dma_wait3A_319] : memref<25x4096x128xf32, #tpu.memory_space<hbm>> -> memref<1x4096x128xf32, #tpu.memory_space<hbm>>
    %dma_wait3A_321 = tpu.memref_squeeze %dma_wait3A_320 : memref<1x4096x128xf32, #tpu.memory_space<hbm>> -> memref<4096x128xf32, #tpu.memory_space<hbm>>
    %dma_wait3A_322 = arith.constant 0 : i32
    %dma_wait3A_323 = tpu.memref_slice %dma_wait3A_321[%mul3A_2, %dma_wait3A_322] : memref<4096x128xf32, #tpu.memory_space<hbm>> -> memref<128x128xf32, #tpu.memory_space<hbm>>
    %dma_wait3A_324 = arith.constant 0 : i32
    %dma_wait3A_325 = arith.constant 0 : i32
    %dma_wait3A_326 = tpu.memref_slice %dma_wait3A_323[%dma_wait3A_324, %dma_wait3A_325] : memref<128x128xf32, #tpu.memory_space<hbm>> -> memref<128x64xf32, #tpu.memory_space<hbm>>
    %dma_wait3A_327 = arith.constant 0 : i32
    %dma_wait3A_328 = arith.constant 0 : i32
    %dma_wait3A_329 = tpu.memref_slice %arg4[%dma_wait3A_317, %dma_wait3A_327, %dma_wait3A_328] : memref<25x4096x128xf32, #tpu.memory_space<hbm>> -> memref<1x4096x128xf32, #tpu.memory_space<hbm>>
    %dma_wait3A_330 = tpu.memref_squeeze %dma_wait3A_329 : memref<1x4096x128xf32, #tpu.memory_space<hbm>> -> memref<4096x128xf32, #tpu.memory_space<hbm>>
    %dma_wait3A_331 = arith.constant 0 : i32
    %dma_wait3A_332 = tpu.memref_slice %dma_wait3A_330[%mul3A_2, %dma_wait3A_331] : memref<4096x128xf32, #tpu.memory_space<hbm>> -> memref<128x128xf32, #tpu.memory_space<hbm>>
    %dma_wait3A_333 = arith.constant 0 : i32
    %dma_wait3A_334 = arith.constant 0 : i32
    %dma_wait3A_335 = tpu.memref_slice %dma_wait3A_332[%dma_wait3A_333, %dma_wait3A_334] : memref<128x128xf32, #tpu.memory_space<hbm>> -> memref<128x64xf32, #tpu.memory_space<hbm>>
    tpu.wait_dma2 semaphore(%arg20 : memref<!tpu.dma_semaphore, #tpu.memory_space<semaphore_mem>>) src(%arg10 : memref<128x64xf32, #tpu.memory_space<vmem>>) dst(%dma_wait3A_335 : memref<128x64xf32, #tpu.memory_space<hbm>>)
    %dma_wait3A_336 = arith.constant 2 : i32
    %dma_wait3A_337 = arith.constant 0 : i32
    %dma_wait3A_338 = arith.constant 0 : i32
    %dma_wait3A_339 = tpu.memref_slice %arg4[%dma_wait3A_336, %dma_wait3A_337, %dma_wait3A_338] : memref<25x4096x128xf32, #tpu.memory_space<hbm>> -> memref<1x4096x128xf32, #tpu.memory_space<hbm>>
    %dma_wait3A_340 = tpu.memref_squeeze %dma_wait3A_339 : memref<1x4096x128xf32, #tpu.memory_space<hbm>> -> memref<4096x128xf32, #tpu.memory_space<hbm>>
    %dma_wait3A_341 = arith.constant 0 : i32
    %dma_wait3A_342 = tpu.memref_slice %dma_wait3A_340[%mul3A_2, %dma_wait3A_341] : memref<4096x128xf32, #tpu.memory_space<hbm>> -> memref<128x128xf32, #tpu.memory_space<hbm>>
    %dma_wait3A_343 = arith.constant 0 : i32
    %dma_wait3A_344 = arith.constant 64 : i32
    %dma_wait3A_345 = tpu.memref_slice %dma_wait3A_342[%dma_wait3A_343, %dma_wait3A_344] : memref<128x128xf32, #tpu.memory_space<hbm>> -> memref<128x64xf32, #tpu.memory_space<hbm>>
    %dma_wait3A_346 = arith.constant 0 : i32
    %dma_wait3A_347 = arith.constant 0 : i32
    %dma_wait3A_348 = tpu.memref_slice %arg4[%dma_wait3A_336, %dma_wait3A_346, %dma_wait3A_347] : memref<25x4096x128xf32, #tpu.memory_space<hbm>> -> memref<1x4096x128xf32, #tpu.memory_space<hbm>>
    %dma_wait3A_349 = tpu.memref_squeeze %dma_wait3A_348 : memref<1x4096x128xf32, #tpu.memory_space<hbm>> -> memref<4096x128xf32, #tpu.memory_space<hbm>>
    %dma_wait3A_350 = arith.constant 0 : i32
    %dma_wait3A_351 = tpu.memref_slice %dma_wait3A_349[%mul3A_2, %dma_wait3A_350] : memref<4096x128xf32, #tpu.memory_space<hbm>> -> memref<128x128xf32, #tpu.memory_space<hbm>>
    %dma_wait3A_352 = arith.constant 0 : i32
    %dma_wait3A_353 = arith.constant 64 : i32
    %dma_wait3A_354 = tpu.memref_slice %dma_wait3A_351[%dma_wait3A_352, %dma_wait3A_353] : memref<128x128xf32, #tpu.memory_space<hbm>> -> memref<128x64xf32, #tpu.memory_space<hbm>>
    tpu.wait_dma2 semaphore(%arg20 : memref<!tpu.dma_semaphore, #tpu.memory_space<semaphore_mem>>) src(%arg11 : memref<128x64xf32, #tpu.memory_space<vmem>>) dst(%dma_wait3A_354 : memref<128x64xf32, #tpu.memory_space<hbm>>)
    %dma_start3A_355 = arith.constant 12 : i32
    %dma_start3A_356 = arith.constant 0 : i32
    %dma_start3A_357 = tpu.memref_slice %arg5[%dma_start3A_355, %dma_start3A_356] : memref<50x128xi32, #tpu.memory_space<vmem>> -> memref<1x128xi32, #tpu.memory_space<vmem>>
    %dma_start3A_358 = tpu.memref_squeeze %dma_start3A_357 : memref<1x128xi32, #tpu.memory_space<vmem>> -> memref<128xi32, #tpu.memory_space<vmem>>
    %dma_start3A_359 = arith.constant 0 : i32
    %dma_start3A_360 = arith.constant 0 : i32
    %dma_start3A_361 = tpu.memref_slice %arg2[%dma_start3A_359, %dma_start3A_360] : memref<100000x64xf32, #tpu.memory_space<hbm>> -> memref<100000x64xf32, #tpu.memory_space<hbm>>
    tpu.enqueue_indirect_dma source(%dma_start3A_361 : memref<100000x64xf32, #tpu.memory_space<hbm>>) target(%arg10 : memref<128x64xf32, #tpu.memory_space<vmem>>) offsets(%dma_start3A_358 : memref<128xi32, #tpu.memory_space<vmem>>) semaphore(%arg16 : memref<!tpu.dma_semaphore, #tpu.memory_space<semaphore_mem>>)
    %dma_start3A_362 = arith.constant 13 : i32
    %dma_start3A_363 = arith.constant 0 : i32
    %dma_start3A_364 = tpu.memref_slice %arg5[%dma_start3A_362, %dma_start3A_363] : memref<50x128xi32, #tpu.memory_space<vmem>> -> memref<1x128xi32, #tpu.memory_space<vmem>>
    %dma_start3A_365 = tpu.memref_squeeze %dma_start3A_364 : memref<1x128xi32, #tpu.memory_space<vmem>> -> memref<128xi32, #tpu.memory_space<vmem>>
    %dma_start3A_366 = arith.constant 0 : i32
    %dma_start3A_367 = arith.constant 0 : i32
    %dma_start3A_368 = tpu.memref_slice %arg2[%dma_start3A_366, %dma_start3A_367] : memref<100000x64xf32, #tpu.memory_space<hbm>> -> memref<100000x64xf32, #tpu.memory_space<hbm>>
    tpu.enqueue_indirect_dma source(%dma_start3A_368 : memref<100000x64xf32, #tpu.memory_space<hbm>>) target(%arg11 : memref<128x64xf32, #tpu.memory_space<vmem>>) offsets(%dma_start3A_365 : memref<128xi32, #tpu.memory_space<vmem>>) semaphore(%arg16 : memref<!tpu.dma_semaphore, #tpu.memory_space<semaphore_mem>>)
    %dma_wait3A_369 = arith.constant 6 : i32
    %dma_wait3A_370 = arith.constant 0 : i32
    %dma_wait3A_371 = tpu.memref_slice %arg5[%dma_wait3A_369, %dma_wait3A_370] : memref<50x128xi32, #tpu.memory_space<vmem>> -> memref<1x128xi32, #tpu.memory_space<vmem>>
    %dma_wait3A_372 = tpu.memref_squeeze %dma_wait3A_371 : memref<1x128xi32, #tpu.memory_space<vmem>> -> memref<128xi32, #tpu.memory_space<vmem>>
    %dma_wait3A_373 = arith.constant 0 : i32
    %dma_wait3A_374 = arith.constant 0 : i32
    %dma_wait3A_375 = tpu.memref_slice %arg2[%dma_wait3A_373, %dma_wait3A_374] : memref<100000x64xf32, #tpu.memory_space<hbm>> -> memref<100000x64xf32, #tpu.memory_space<hbm>>
    tpu.wait_indirect_dma semaphore(%arg17 : memref<!tpu.dma_semaphore, #tpu.memory_space<semaphore_mem>>) src(%dma_wait3A_375 : memref<100000x64xf32, #tpu.memory_space<hbm>>) dst(%arg12 : memref<128x64xf32, #tpu.memory_space<vmem>>)
    %dma_wait3A_376 = arith.constant 7 : i32
    %dma_wait3A_377 = arith.constant 0 : i32
    %dma_wait3A_378 = tpu.memref_slice %arg5[%dma_wait3A_376, %dma_wait3A_377] : memref<50x128xi32, #tpu.memory_space<vmem>> -> memref<1x128xi32, #tpu.memory_space<vmem>>
    %dma_wait3A_379 = tpu.memref_squeeze %dma_wait3A_378 : memref<1x128xi32, #tpu.memory_space<vmem>> -> memref<128xi32, #tpu.memory_space<vmem>>
    %dma_wait3A_380 = arith.constant 0 : i32
    %dma_wait3A_381 = arith.constant 0 : i32
    %dma_wait3A_382 = tpu.memref_slice %arg2[%dma_wait3A_380, %dma_wait3A_381] : memref<100000x64xf32, #tpu.memory_space<hbm>> -> memref<100000x64xf32, #tpu.memory_space<hbm>>
    tpu.wait_indirect_dma semaphore(%arg17 : memref<!tpu.dma_semaphore, #tpu.memory_space<semaphore_mem>>) src(%dma_wait3A_382 : memref<100000x64xf32, #tpu.memory_space<hbm>>) dst(%arg13 : memref<128x64xf32, #tpu.memory_space<vmem>>)
    %dma_start3A_383 = arith.constant 3 : i32
    %dma_start3A_384 = arith.constant 0 : i32
    %dma_start3A_385 = arith.constant 0 : i32
    %dma_start3A_386 = tpu.memref_slice %arg4[%dma_start3A_383, %dma_start3A_384, %dma_start3A_385] : memref<25x4096x128xf32, #tpu.memory_space<hbm>> -> memref<1x4096x128xf32, #tpu.memory_space<hbm>>
    %dma_start3A_387 = tpu.memref_squeeze %dma_start3A_386 : memref<1x4096x128xf32, #tpu.memory_space<hbm>> -> memref<4096x128xf32, #tpu.memory_space<hbm>>
    %dma_start3A_388 = arith.constant 0 : i32
    %dma_start3A_389 = tpu.memref_slice %dma_start3A_387[%mul3A_2, %dma_start3A_388] : memref<4096x128xf32, #tpu.memory_space<hbm>> -> memref<128x128xf32, #tpu.memory_space<hbm>>
    %dma_start3A_390 = arith.constant 0 : i32
    %dma_start3A_391 = arith.constant 0 : i32
    %dma_start3A_392 = tpu.memref_slice %dma_start3A_389[%dma_start3A_390, %dma_start3A_391] : memref<128x128xf32, #tpu.memory_space<hbm>> -> memref<128x64xf32, #tpu.memory_space<hbm>>
    %dma_start3A_393 = arith.constant 0 : i32
    %dma_start3A_394 = arith.constant 0 : i32
    %dma_start3A_395 = tpu.memref_slice %arg4[%dma_start3A_383, %dma_start3A_393, %dma_start3A_394] : memref<25x4096x128xf32, #tpu.memory_space<hbm>> -> memref<1x4096x128xf32, #tpu.memory_space<hbm>>
    %dma_start3A_396 = tpu.memref_squeeze %dma_start3A_395 : memref<1x4096x128xf32, #tpu.memory_space<hbm>> -> memref<4096x128xf32, #tpu.memory_space<hbm>>
    %dma_start3A_397 = arith.constant 0 : i32
    %dma_start3A_398 = tpu.memref_slice %dma_start3A_396[%mul3A_2, %dma_start3A_397] : memref<4096x128xf32, #tpu.memory_space<hbm>> -> memref<128x128xf32, #tpu.memory_space<hbm>>
    %dma_start3A_399 = arith.constant 0 : i32
    %dma_start3A_400 = arith.constant 0 : i32
    %dma_start3A_401 = tpu.memref_slice %dma_start3A_398[%dma_start3A_399, %dma_start3A_400] : memref<128x128xf32, #tpu.memory_space<hbm>> -> memref<128x64xf32, #tpu.memory_space<hbm>>
    tpu.enqueue_dma source(%arg12 : memref<128x64xf32, #tpu.memory_space<vmem>>) target(%dma_start3A_401 : memref<128x64xf32, #tpu.memory_space<hbm>>) target_semaphore(%arg21 : memref<!tpu.dma_semaphore, #tpu.memory_space<semaphore_mem>>)
    %dma_start3A_402 = arith.constant 3 : i32
    %dma_start3A_403 = arith.constant 0 : i32
    %dma_start3A_404 = arith.constant 0 : i32
    %dma_start3A_405 = tpu.memref_slice %arg4[%dma_start3A_402, %dma_start3A_403, %dma_start3A_404] : memref<25x4096x128xf32, #tpu.memory_space<hbm>> -> memref<1x4096x128xf32, #tpu.memory_space<hbm>>
    %dma_start3A_406 = tpu.memref_squeeze %dma_start3A_405 : memref<1x4096x128xf32, #tpu.memory_space<hbm>> -> memref<4096x128xf32, #tpu.memory_space<hbm>>
    %dma_start3A_407 = arith.constant 0 : i32
    %dma_start3A_408 = tpu.memref_slice %dma_start3A_406[%mul3A_2, %dma_start3A_407] : memref<4096x128xf32, #tpu.memory_space<hbm>> -> memref<128x128xf32, #tpu.memory_space<hbm>>
    %dma_start3A_409 = arith.constant 0 : i32
    %dma_start3A_410 = arith.constant 64 : i32
    %dma_start3A_411 = tpu.memref_slice %dma_start3A_408[%dma_start3A_409, %dma_start3A_410] : memref<128x128xf32, #tpu.memory_space<hbm>> -> memref<128x64xf32, #tpu.memory_space<hbm>>
    %dma_start3A_412 = arith.constant 0 : i32
    %dma_start3A_413 = arith.constant 0 : i32
    %dma_start3A_414 = tpu.memref_slice %arg4[%dma_start3A_402, %dma_start3A_412, %dma_start3A_413] : memref<25x4096x128xf32, #tpu.memory_space<hbm>> -> memref<1x4096x128xf32, #tpu.memory_space<hbm>>
    %dma_start3A_415 = tpu.memref_squeeze %dma_start3A_414 : memref<1x4096x128xf32, #tpu.memory_space<hbm>> -> memref<4096x128xf32, #tpu.memory_space<hbm>>
    %dma_start3A_416 = arith.constant 0 : i32
    %dma_start3A_417 = tpu.memref_slice %dma_start3A_415[%mul3A_2, %dma_start3A_416] : memref<4096x128xf32, #tpu.memory_space<hbm>> -> memref<128x128xf32, #tpu.memory_space<hbm>>
    %dma_start3A_418 = arith.constant 0 : i32
    %dma_start3A_419 = arith.constant 64 : i32
    %dma_start3A_420 = tpu.memref_slice %dma_start3A_417[%dma_start3A_418, %dma_start3A_419] : memref<128x128xf32, #tpu.memory_space<hbm>> -> memref<128x64xf32, #tpu.memory_space<hbm>>
    tpu.enqueue_dma source(%arg13 : memref<128x64xf32, #tpu.memory_space<vmem>>) target(%dma_start3A_420 : memref<128x64xf32, #tpu.memory_space<hbm>>) target_semaphore(%arg21 : memref<!tpu.dma_semaphore, #tpu.memory_space<semaphore_mem>>)
    %dma_wait3A_421 = arith.constant 3 : i32
    %dma_wait3A_422 = arith.constant 0 : i32
    %dma_wait3A_423 = arith.constant 0 : i32
    %dma_wait3A_424 = tpu.memref_slice %arg4[%dma_wait3A_421, %dma_wait3A_422, %dma_wait3A_423] : memref<25x4096x128xf32, #tpu.memory_space<hbm>> -> memref<1x4096x128xf32, #tpu.memory_space<hbm>>
    %dma_wait3A_425 = tpu.memref_squeeze %dma_wait3A_424 : memref<1x4096x128xf32, #tpu.memory_space<hbm>> -> memref<4096x128xf32, #tpu.memory_space<hbm>>
    %dma_wait3A_426 = arith.constant 0 : i32
    %dma_wait3A_427 = tpu.memref_slice %dma_wait3A_425[%mul3A_2, %dma_wait3A_426] : memref<4096x128xf32, #tpu.memory_space<hbm>> -> memref<128x128xf32, #tpu.memory_space<hbm>>
    %dma_wait3A_428 = arith.constant 0 : i32
    %dma_wait3A_429 = arith.constant 0 : i32
    %dma_wait3A_430 = tpu.memref_slice %dma_wait3A_427[%dma_wait3A_428, %dma_wait3A_429] : memref<128x128xf32, #tpu.memory_space<hbm>> -> memref<128x64xf32, #tpu.memory_space<hbm>>
    %dma_wait3A_431 = arith.constant 0 : i32
    %dma_wait3A_432 = arith.constant 0 : i32
    %dma_wait3A_433 = tpu.memref_slice %arg4[%dma_wait3A_421, %dma_wait3A_431, %dma_wait3A_432] : memref<25x4096x128xf32, #tpu.memory_space<hbm>> -> memref<1x4096x128xf32, #tpu.memory_space<hbm>>
    %dma_wait3A_434 = tpu.memref_squeeze %dma_wait3A_433 : memref<1x4096x128xf32, #tpu.memory_space<hbm>> -> memref<4096x128xf32, #tpu.memory_space<hbm>>
    %dma_wait3A_435 = arith.constant 0 : i32
    %dma_wait3A_436 = tpu.memref_slice %dma_wait3A_434[%mul3A_2, %dma_wait3A_435] : memref<4096x128xf32, #tpu.memory_space<hbm>> -> memref<128x128xf32, #tpu.memory_space<hbm>>
    %dma_wait3A_437 = arith.constant 0 : i32
    %dma_wait3A_438 = arith.constant 0 : i32
    %dma_wait3A_439 = tpu.memref_slice %dma_wait3A_436[%dma_wait3A_437, %dma_wait3A_438] : memref<128x128xf32, #tpu.memory_space<hbm>> -> memref<128x64xf32, #tpu.memory_space<hbm>>
    tpu.wait_dma2 semaphore(%arg21 : memref<!tpu.dma_semaphore, #tpu.memory_space<semaphore_mem>>) src(%arg12 : memref<128x64xf32, #tpu.memory_space<vmem>>) dst(%dma_wait3A_439 : memref<128x64xf32, #tpu.memory_space<hbm>>)
    %dma_wait3A_440 = arith.constant 3 : i32
    %dma_wait3A_441 = arith.constant 0 : i32
    %dma_wait3A_442 = arith.constant 0 : i32
    %dma_wait3A_443 = tpu.memref_slice %arg4[%dma_wait3A_440, %dma_wait3A_441, %dma_wait3A_442] : memref<25x4096x128xf32, #tpu.memory_space<hbm>> -> memref<1x4096x128xf32, #tpu.memory_space<hbm>>
    %dma_wait3A_444 = tpu.memref_squeeze %dma_wait3A_443 : memref<1x4096x128xf32, #tpu.memory_space<hbm>> -> memref<4096x128xf32, #tpu.memory_space<hbm>>
    %dma_wait3A_445 = arith.constant 0 : i32
    %dma_wait3A_446 = tpu.memref_slice %dma_wait3A_444[%mul3A_2, %dma_wait3A_445] : memref<4096x128xf32, #tpu.memory_space<hbm>> -> memref<128x128xf32, #tpu.memory_space<hbm>>
    %dma_wait3A_447 = arith.constant 0 : i32
    %dma_wait3A_448 = arith.constant 64 : i32
    %dma_wait3A_449 = tpu.memref_slice %dma_wait3A_446[%dma_wait3A_447, %dma_wait3A_448] : memref<128x128xf32, #tpu.memory_space<hbm>> -> memref<128x64xf32, #tpu.memory_space<hbm>>
    %dma_wait3A_450 = arith.constant 0 : i32
    %dma_wait3A_451 = arith.constant 0 : i32
    %dma_wait3A_452 = tpu.memref_slice %arg4[%dma_wait3A_440, %dma_wait3A_450, %dma_wait3A_451] : memref<25x4096x128xf32, #tpu.memory_space<hbm>> -> memref<1x4096x128xf32, #tpu.memory_space<hbm>>
    %dma_wait3A_453 = tpu.memref_squeeze %dma_wait3A_452 : memref<1x4096x128xf32, #tpu.memory_space<hbm>> -> memref<4096x128xf32, #tpu.memory_space<hbm>>
    %dma_wait3A_454 = arith.constant 0 : i32
    %dma_wait3A_455 = tpu.memref_slice %dma_wait3A_453[%mul3A_2, %dma_wait3A_454] : memref<4096x128xf32, #tpu.memory_space<hbm>> -> memref<128x128xf32, #tpu.memory_space<hbm>>
    %dma_wait3A_456 = arith.constant 0 : i32
    %dma_wait3A_457 = arith.constant 64 : i32
    %dma_wait3A_458 = tpu.memref_slice %dma_wait3A_455[%dma_wait3A_456, %dma_wait3A_457] : memref<128x128xf32, #tpu.memory_space<hbm>> -> memref<128x64xf32, #tpu.memory_space<hbm>>
    tpu.wait_dma2 semaphore(%arg21 : memref<!tpu.dma_semaphore, #tpu.memory_space<semaphore_mem>>) src(%arg13 : memref<128x64xf32, #tpu.memory_space<vmem>>) dst(%dma_wait3A_458 : memref<128x64xf32, #tpu.memory_space<hbm>>)
    %dma_start3A_459 = arith.constant 14 : i32
    %dma_start3A_460 = arith.constant 0 : i32
    %dma_start3A_461 = tpu.memref_slice %arg5[%dma_start3A_459, %dma_start3A_460] : memref<50x128xi32, #tpu.memory_space<vmem>> -> memref<1x128xi32, #tpu.memory_space<vmem>>
    %dma_start3A_462 = tpu.memref_squeeze %dma_start3A_461 : memref<1x128xi32, #tpu.memory_space<vmem>> -> memref<128xi32, #tpu.memory_space<vmem>>
    %dma_start3A_463 = arith.constant 0 : i32
    %dma_start3A_464 = arith.constant 0 : i32
    %dma_start3A_465 = tpu.memref_slice %arg2[%dma_start3A_463, %dma_start3A_464] : memref<100000x64xf32, #tpu.memory_space<hbm>> -> memref<100000x64xf32, #tpu.memory_space<hbm>>
    tpu.enqueue_indirect_dma source(%dma_start3A_465 : memref<100000x64xf32, #tpu.memory_space<hbm>>) target(%arg12 : memref<128x64xf32, #tpu.memory_space<vmem>>) offsets(%dma_start3A_462 : memref<128xi32, #tpu.memory_space<vmem>>) semaphore(%arg17 : memref<!tpu.dma_semaphore, #tpu.memory_space<semaphore_mem>>)
    %dma_start3A_466 = arith.constant 15 : i32
    %dma_start3A_467 = arith.constant 0 : i32
    %dma_start3A_468 = tpu.memref_slice %arg5[%dma_start3A_466, %dma_start3A_467] : memref<50x128xi32, #tpu.memory_space<vmem>> -> memref<1x128xi32, #tpu.memory_space<vmem>>
    %dma_start3A_469 = tpu.memref_squeeze %dma_start3A_468 : memref<1x128xi32, #tpu.memory_space<vmem>> -> memref<128xi32, #tpu.memory_space<vmem>>
    %dma_start3A_470 = arith.constant 0 : i32
    %dma_start3A_471 = arith.constant 0 : i32
    %dma_start3A_472 = tpu.memref_slice %arg2[%dma_start3A_470, %dma_start3A_471] : memref<100000x64xf32, #tpu.memory_space<hbm>> -> memref<100000x64xf32, #tpu.memory_space<hbm>>
    tpu.enqueue_indirect_dma source(%dma_start3A_472 : memref<100000x64xf32, #tpu.memory_space<hbm>>) target(%arg13 : memref<128x64xf32, #tpu.memory_space<vmem>>) offsets(%dma_start3A_469 : memref<128xi32, #tpu.memory_space<vmem>>) semaphore(%arg17 : memref<!tpu.dma_semaphore, #tpu.memory_space<semaphore_mem>>)
    %dma_wait3A_473 = arith.constant 8 : i32
    %dma_wait3A_474 = arith.constant 0 : i32
    %dma_wait3A_475 = tpu.memref_slice %arg5[%dma_wait3A_473, %dma_wait3A_474] : memref<50x128xi32, #tpu.memory_space<vmem>> -> memref<1x128xi32, #tpu.memory_space<vmem>>
    %dma_wait3A_476 = tpu.memref_squeeze %dma_wait3A_475 : memref<1x128xi32, #tpu.memory_space<vmem>> -> memref<128xi32, #tpu.memory_space<vmem>>
    %dma_wait3A_477 = arith.constant 0 : i32
    %dma_wait3A_478 = arith.constant 0 : i32
    %dma_wait3A_479 = tpu.memref_slice %arg2[%dma_wait3A_477, %dma_wait3A_478] : memref<100000x64xf32, #tpu.memory_space<hbm>> -> memref<100000x64xf32, #tpu.memory_space<hbm>>
    tpu.wait_indirect_dma semaphore(%arg14 : memref<!tpu.dma_semaphore, #tpu.memory_space<semaphore_mem>>) src(%dma_wait3A_479 : memref<100000x64xf32, #tpu.memory_space<hbm>>) dst(%arg6 : memref<128x64xf32, #tpu.memory_space<vmem>>)
    %dma_wait3A_480 = arith.constant 9 : i32
    %dma_wait3A_481 = arith.constant 0 : i32
    %dma_wait3A_482 = tpu.memref_slice %arg5[%dma_wait3A_480, %dma_wait3A_481] : memref<50x128xi32, #tpu.memory_space<vmem>> -> memref<1x128xi32, #tpu.memory_space<vmem>>
    %dma_wait3A_483 = tpu.memref_squeeze %dma_wait3A_482 : memref<1x128xi32, #tpu.memory_space<vmem>> -> memref<128xi32, #tpu.memory_space<vmem>>
    %dma_wait3A_484 = arith.constant 0 : i32
    %dma_wait3A_485 = arith.constant 0 : i32
    %dma_wait3A_486 = tpu.memref_slice %arg2[%dma_wait3A_484, %dma_wait3A_485] : memref<100000x64xf32, #tpu.memory_space<hbm>> -> memref<100000x64xf32, #tpu.memory_space<hbm>>
    tpu.wait_indirect_dma semaphore(%arg14 : memref<!tpu.dma_semaphore, #tpu.memory_space<semaphore_mem>>) src(%dma_wait3A_486 : memref<100000x64xf32, #tpu.memory_space<hbm>>) dst(%arg7 : memref<128x64xf32, #tpu.memory_space<vmem>>)
    %dma_start3A_487 = arith.constant 4 : i32
    %dma_start3A_488 = arith.constant 0 : i32
    %dma_start3A_489 = arith.constant 0 : i32
    %dma_start3A_490 = tpu.memref_slice %arg4[%dma_start3A_487, %dma_start3A_488, %dma_start3A_489] : memref<25x4096x128xf32, #tpu.memory_space<hbm>> -> memref<1x4096x128xf32, #tpu.memory_space<hbm>>
    %dma_start3A_491 = tpu.memref_squeeze %dma_start3A_490 : memref<1x4096x128xf32, #tpu.memory_space<hbm>> -> memref<4096x128xf32, #tpu.memory_space<hbm>>
    %dma_start3A_492 = arith.constant 0 : i32
    %dma_start3A_493 = tpu.memref_slice %dma_start3A_491[%mul3A_2, %dma_start3A_492] : memref<4096x128xf32, #tpu.memory_space<hbm>> -> memref<128x128xf32, #tpu.memory_space<hbm>>
    %dma_start3A_494 = arith.constant 0 : i32
    %dma_start3A_495 = arith.constant 0 : i32
    %dma_start3A_496 = tpu.memref_slice %dma_start3A_493[%dma_start3A_494, %dma_start3A_495] : memref<128x128xf32, #tpu.memory_space<hbm>> -> memref<128x64xf32, #tpu.memory_space<hbm>>
    %dma_start3A_497 = arith.constant 0 : i32
    %dma_start3A_498 = arith.constant 0 : i32
    %dma_start3A_499 = tpu.memref_slice %arg4[%dma_start3A_487, %dma_start3A_497, %dma_start3A_498] : memref<25x4096x128xf32, #tpu.memory_space<hbm>> -> memref<1x4096x128xf32, #tpu.memory_space<hbm>>
    %dma_start3A_500 = tpu.memref_squeeze %dma_start3A_499 : memref<1x4096x128xf32, #tpu.memory_space<hbm>> -> memref<4096x128xf32, #tpu.memory_space<hbm>>
    %dma_start3A_501 = arith.constant 0 : i32
    %dma_start3A_502 = tpu.memref_slice %dma_start3A_500[%mul3A_2, %dma_start3A_501] : memref<4096x128xf32, #tpu.memory_space<hbm>> -> memref<128x128xf32, #tpu.memory_space<hbm>>
    %dma_start3A_503 = arith.constant 0 : i32
    %dma_start3A_504 = arith.constant 0 : i32
    %dma_start3A_505 = tpu.memref_slice %dma_start3A_502[%dma_start3A_503, %dma_start3A_504] : memref<128x128xf32, #tpu.memory_space<hbm>> -> memref<128x64xf32, #tpu.memory_space<hbm>>
    tpu.enqueue_dma source(%arg6 : memref<128x64xf32, #tpu.memory_space<vmem>>) target(%dma_start3A_505 : memref<128x64xf32, #tpu.memory_space<hbm>>) target_semaphore(%arg18 : memref<!tpu.dma_semaphore, #tpu.memory_space<semaphore_mem>>)
    %dma_start3A_506 = arith.constant 4 : i32
    %dma_start3A_507 = arith.constant 0 : i32
    %dma_start3A_508 = arith.constant 0 : i32
    %dma_start3A_509 = tpu.memref_slice %arg4[%dma_start3A_506, %dma_start3A_507, %dma_start3A_508] : memref<25x4096x128xf32, #tpu.memory_space<hbm>> -> memref<1x4096x128xf32, #tpu.memory_space<hbm>>
    %dma_start3A_510 = tpu.memref_squeeze %dma_start3A_509 : memref<1x4096x128xf32, #tpu.memory_space<hbm>> -> memref<4096x128xf32, #tpu.memory_space<hbm>>
    %dma_start3A_511 = arith.constant 0 : i32
    %dma_start3A_512 = tpu.memref_slice %dma_start3A_510[%mul3A_2, %dma_start3A_511] : memref<4096x128xf32, #tpu.memory_space<hbm>> -> memref<128x128xf32, #tpu.memory_space<hbm>>
    %dma_start3A_513 = arith.constant 0 : i32
    %dma_start3A_514 = arith.constant 64 : i32
    %dma_start3A_515 = tpu.memref_slice %dma_start3A_512[%dma_start3A_513, %dma_start3A_514] : memref<128x128xf32, #tpu.memory_space<hbm>> -> memref<128x64xf32, #tpu.memory_space<hbm>>
    %dma_start3A_516 = arith.constant 0 : i32
    %dma_start3A_517 = arith.constant 0 : i32
    %dma_start3A_518 = tpu.memref_slice %arg4[%dma_start3A_506, %dma_start3A_516, %dma_start3A_517] : memref<25x4096x128xf32, #tpu.memory_space<hbm>> -> memref<1x4096x128xf32, #tpu.memory_space<hbm>>
    %dma_start3A_519 = tpu.memref_squeeze %dma_start3A_518 : memref<1x4096x128xf32, #tpu.memory_space<hbm>> -> memref<4096x128xf32, #tpu.memory_space<hbm>>
    %dma_start3A_520 = arith.constant 0 : i32
    %dma_start3A_521 = tpu.memref_slice %dma_start3A_519[%mul3A_2, %dma_start3A_520] : memref<4096x128xf32, #tpu.memory_space<hbm>> -> memref<128x128xf32, #tpu.memory_space<hbm>>
    %dma_start3A_522 = arith.constant 0 : i32
    %dma_start3A_523 = arith.constant 64 : i32
    %dma_start3A_524 = tpu.memref_slice %dma_start3A_521[%dma_start3A_522, %dma_start3A_523] : memref<128x128xf32, #tpu.memory_space<hbm>> -> memref<128x64xf32, #tpu.memory_space<hbm>>
    tpu.enqueue_dma source(%arg7 : memref<128x64xf32, #tpu.memory_space<vmem>>) target(%dma_start3A_524 : memref<128x64xf32, #tpu.memory_space<hbm>>) target_semaphore(%arg18 : memref<!tpu.dma_semaphore, #tpu.memory_space<semaphore_mem>>)
    %dma_wait3A_525 = arith.constant 4 : i32
    %dma_wait3A_526 = arith.constant 0 : i32
    %dma_wait3A_527 = arith.constant 0 : i32
    %dma_wait3A_528 = tpu.memref_slice %arg4[%dma_wait3A_525, %dma_wait3A_526, %dma_wait3A_527] : memref<25x4096x128xf32, #tpu.memory_space<hbm>> -> memref<1x4096x128xf32, #tpu.memory_space<hbm>>
    %dma_wait3A_529 = tpu.memref_squeeze %dma_wait3A_528 : memref<1x4096x128xf32, #tpu.memory_space<hbm>> -> memref<4096x128xf32, #tpu.memory_space<hbm>>
    %dma_wait3A_530 = arith.constant 0 : i32
    %dma_wait3A_531 = tpu.memref_slice %dma_wait3A_529[%mul3A_2, %dma_wait3A_530] : memref<4096x128xf32, #tpu.memory_space<hbm>> -> memref<128x128xf32, #tpu.memory_space<hbm>>
    %dma_wait3A_532 = arith.constant 0 : i32
    %dma_wait3A_533 = arith.constant 0 : i32
    %dma_wait3A_534 = tpu.memref_slice %dma_wait3A_531[%dma_wait3A_532, %dma_wait3A_533] : memref<128x128xf32, #tpu.memory_space<hbm>> -> memref<128x64xf32, #tpu.memory_space<hbm>>
    %dma_wait3A_535 = arith.constant 0 : i32
    %dma_wait3A_536 = arith.constant 0 : i32
    %dma_wait3A_537 = tpu.memref_slice %arg4[%dma_wait3A_525, %dma_wait3A_535, %dma_wait3A_536] : memref<25x4096x128xf32, #tpu.memory_space<hbm>> -> memref<1x4096x128xf32, #tpu.memory_space<hbm>>
    %dma_wait3A_538 = tpu.memref_squeeze %dma_wait3A_537 : memref<1x4096x128xf32, #tpu.memory_space<hbm>> -> memref<4096x128xf32, #tpu.memory_space<hbm>>
    %dma_wait3A_539 = arith.constant 0 : i32
    %dma_wait3A_540 = tpu.memref_slice %dma_wait3A_538[%mul3A_2, %dma_wait3A_539] : memref<4096x128xf32, #tpu.memory_space<hbm>> -> memref<128x128xf32, #tpu.memory_space<hbm>>
    %dma_wait3A_541 = arith.constant 0 : i32
    %dma_wait3A_542 = arith.constant 0 : i32
    %dma_wait3A_543 = tpu.memref_slice %dma_wait3A_540[%dma_wait3A_541, %dma_wait3A_542] : memref<128x128xf32, #tpu.memory_space<hbm>> -> memref<128x64xf32, #tpu.memory_space<hbm>>
    tpu.wait_dma2 semaphore(%arg18 : memref<!tpu.dma_semaphore, #tpu.memory_space<semaphore_mem>>) src(%arg6 : memref<128x64xf32, #tpu.memory_space<vmem>>) dst(%dma_wait3A_543 : memref<128x64xf32, #tpu.memory_space<hbm>>)
    %dma_wait3A_544 = arith.constant 4 : i32
    %dma_wait3A_545 = arith.constant 0 : i32
    %dma_wait3A_546 = arith.constant 0 : i32
    %dma_wait3A_547 = tpu.memref_slice %arg4[%dma_wait3A_544, %dma_wait3A_545, %dma_wait3A_546] : memref<25x4096x128xf32, #tpu.memory_space<hbm>> -> memref<1x4096x128xf32, #tpu.memory_space<hbm>>
    %dma_wait3A_548 = tpu.memref_squeeze %dma_wait3A_547 : memref<1x4096x128xf32, #tpu.memory_space<hbm>> -> memref<4096x128xf32, #tpu.memory_space<hbm>>
    %dma_wait3A_549 = arith.constant 0 : i32
    %dma_wait3A_550 = tpu.memref_slice %dma_wait3A_548[%mul3A_2, %dma_wait3A_549] : memref<4096x128xf32, #tpu.memory_space<hbm>> -> memref<128x128xf32, #tpu.memory_space<hbm>>
    %dma_wait3A_551 = arith.constant 0 : i32
    %dma_wait3A_552 = arith.constant 64 : i32
    %dma_wait3A_553 = tpu.memref_slice %dma_wait3A_550[%dma_wait3A_551, %dma_wait3A_552] : memref<128x128xf32, #tpu.memory_space<hbm>> -> memref<128x64xf32, #tpu.memory_space<hbm>>
    %dma_wait3A_554 = arith.constant 0 : i32
    %dma_wait3A_555 = arith.constant 0 : i32
    %dma_wait3A_556 = tpu.memref_slice %arg4[%dma_wait3A_544, %dma_wait3A_554, %dma_wait3A_555] : memref<25x4096x128xf32, #tpu.memory_space<hbm>> -> memref<1x4096x128xf32, #tpu.memory_space<hbm>>
    %dma_wait3A_557 = tpu.memref_squeeze %dma_wait3A_556 : memref<1x4096x128xf32, #tpu.memory_space<hbm>> -> memref<4096x128xf32, #tpu.memory_space<hbm>>
    %dma_wait3A_558 = arith.constant 0 : i32
    %dma_wait3A_559 = tpu.memref_slice %dma_wait3A_557[%mul3A_2, %dma_wait3A_558] : memref<4096x128xf32, #tpu.memory_space<hbm>> -> memref<128x128xf32, #tpu.memory_space<hbm>>
    %dma_wait3A_560 = arith.constant 0 : i32
    %dma_wait3A_561 = arith.constant 64 : i32
    %dma_wait3A_562 = tpu.memref_slice %dma_wait3A_559[%dma_wait3A_560, %dma_wait3A_561] : memref<128x128xf32, #tpu.memory_space<hbm>> -> memref<128x64xf32, #tpu.memory_space<hbm>>
    tpu.wait_dma2 semaphore(%arg18 : memref<!tpu.dma_semaphore, #tpu.memory_space<semaphore_mem>>) src(%arg7 : memref<128x64xf32, #tpu.memory_space<vmem>>) dst(%dma_wait3A_562 : memref<128x64xf32, #tpu.memory_space<hbm>>)
    %dma_start3A_563 = arith.constant 16 : i32
    %dma_start3A_564 = arith.constant 0 : i32
    %dma_start3A_565 = tpu.memref_slice %arg5[%dma_start3A_563, %dma_start3A_564] : memref<50x128xi32, #tpu.memory_space<vmem>> -> memref<1x128xi32, #tpu.memory_space<vmem>>
    %dma_start3A_566 = tpu.memref_squeeze %dma_start3A_565 : memref<1x128xi32, #tpu.memory_space<vmem>> -> memref<128xi32, #tpu.memory_space<vmem>>
    %dma_start3A_567 = arith.constant 0 : i32
    %dma_start3A_568 = arith.constant 0 : i32
    %dma_start3A_569 = tpu.memref_slice %arg2[%dma_start3A_567, %dma_start3A_568] : memref<100000x64xf32, #tpu.memory_space<hbm>> -> memref<100000x64xf32, #tpu.memory_space<hbm>>
    tpu.enqueue_indirect_dma source(%dma_start3A_569 : memref<100000x64xf32, #tpu.memory_space<hbm>>) target(%arg6 : memref<128x64xf32, #tpu.memory_space<vmem>>) offsets(%dma_start3A_566 : memref<128xi32, #tpu.memory_space<vmem>>) semaphore(%arg14 : memref<!tpu.dma_semaphore, #tpu.memory_space<semaphore_mem>>)
    %dma_start3A_570 = arith.constant 17 : i32
    %dma_start3A_571 = arith.constant 0 : i32
    %dma_start3A_572 = tpu.memref_slice %arg5[%dma_start3A_570, %dma_start3A_571] : memref<50x128xi32, #tpu.memory_space<vmem>> -> memref<1x128xi32, #tpu.memory_space<vmem>>
    %dma_start3A_573 = tpu.memref_squeeze %dma_start3A_572 : memref<1x128xi32, #tpu.memory_space<vmem>> -> memref<128xi32, #tpu.memory_space<vmem>>
    %dma_start3A_574 = arith.constant 0 : i32
    %dma_start3A_575 = arith.constant 0 : i32
    %dma_start3A_576 = tpu.memref_slice %arg2[%dma_start3A_574, %dma_start3A_575] : memref<100000x64xf32, #tpu.memory_space<hbm>> -> memref<100000x64xf32, #tpu.memory_space<hbm>>
    tpu.enqueue_indirect_dma source(%dma_start3A_576 : memref<100000x64xf32, #tpu.memory_space<hbm>>) target(%arg7 : memref<128x64xf32, #tpu.memory_space<vmem>>) offsets(%dma_start3A_573 : memref<128xi32, #tpu.memory_space<vmem>>) semaphore(%arg14 : memref<!tpu.dma_semaphore, #tpu.memory_space<semaphore_mem>>)
    %dma_wait3A_577 = arith.constant 10 : i32
    %dma_wait3A_578 = arith.constant 0 : i32
    %dma_wait3A_579 = tpu.memref_slice %arg5[%dma_wait3A_577, %dma_wait3A_578] : memref<50x128xi32, #tpu.memory_space<vmem>> -> memref<1x128xi32, #tpu.memory_space<vmem>>
    %dma_wait3A_580 = tpu.memref_squeeze %dma_wait3A_579 : memref<1x128xi32, #tpu.memory_space<vmem>> -> memref<128xi32, #tpu.memory_space<vmem>>
    %dma_wait3A_581 = arith.constant 0 : i32
    %dma_wait3A_582 = arith.constant 0 : i32
    %dma_wait3A_583 = tpu.memref_slice %arg2[%dma_wait3A_581, %dma_wait3A_582] : memref<100000x64xf32, #tpu.memory_space<hbm>> -> memref<100000x64xf32, #tpu.memory_space<hbm>>
    tpu.wait_indirect_dma semaphore(%arg15 : memref<!tpu.dma_semaphore, #tpu.memory_space<semaphore_mem>>) src(%dma_wait3A_583 : memref<100000x64xf32, #tpu.memory_space<hbm>>) dst(%arg8 : memref<128x64xf32, #tpu.memory_space<vmem>>)
    %dma_wait3A_584 = arith.constant 11 : i32
    %dma_wait3A_585 = arith.constant 0 : i32
    %dma_wait3A_586 = tpu.memref_slice %arg5[%dma_wait3A_584, %dma_wait3A_585] : memref<50x128xi32, #tpu.memory_space<vmem>> -> memref<1x128xi32, #tpu.memory_space<vmem>>
    %dma_wait3A_587 = tpu.memref_squeeze %dma_wait3A_586 : memref<1x128xi32, #tpu.memory_space<vmem>> -> memref<128xi32, #tpu.memory_space<vmem>>
    %dma_wait3A_588 = arith.constant 0 : i32
    %dma_wait3A_589 = arith.constant 0 : i32
    %dma_wait3A_590 = tpu.memref_slice %arg2[%dma_wait3A_588, %dma_wait3A_589] : memref<100000x64xf32, #tpu.memory_space<hbm>> -> memref<100000x64xf32, #tpu.memory_space<hbm>>
    tpu.wait_indirect_dma semaphore(%arg15 : memref<!tpu.dma_semaphore, #tpu.memory_space<semaphore_mem>>) src(%dma_wait3A_590 : memref<100000x64xf32, #tpu.memory_space<hbm>>) dst(%arg9 : memref<128x64xf32, #tpu.memory_space<vmem>>)
    %dma_start3A_591 = arith.constant 5 : i32
    %dma_start3A_592 = arith.constant 0 : i32
    %dma_start3A_593 = arith.constant 0 : i32
    %dma_start3A_594 = tpu.memref_slice %arg4[%dma_start3A_591, %dma_start3A_592, %dma_start3A_593] : memref<25x4096x128xf32, #tpu.memory_space<hbm>> -> memref<1x4096x128xf32, #tpu.memory_space<hbm>>
    %dma_start3A_595 = tpu.memref_squeeze %dma_start3A_594 : memref<1x4096x128xf32, #tpu.memory_space<hbm>> -> memref<4096x128xf32, #tpu.memory_space<hbm>>
    %dma_start3A_596 = arith.constant 0 : i32
    %dma_start3A_597 = tpu.memref_slice %dma_start3A_595[%mul3A_2, %dma_start3A_596] : memref<4096x128xf32, #tpu.memory_space<hbm>> -> memref<128x128xf32, #tpu.memory_space<hbm>>
    %dma_start3A_598 = arith.constant 0 : i32
    %dma_start3A_599 = arith.constant 0 : i32
    %dma_start3A_600 = tpu.memref_slice %dma_start3A_597[%dma_start3A_598, %dma_start3A_599] : memref<128x128xf32, #tpu.memory_space<hbm>> -> memref<128x64xf32, #tpu.memory_space<hbm>>
    %dma_start3A_601 = arith.constant 0 : i32
    %dma_start3A_602 = arith.constant 0 : i32
    %dma_start3A_603 = tpu.memref_slice %arg4[%dma_start3A_591, %dma_start3A_601, %dma_start3A_602] : memref<25x4096x128xf32, #tpu.memory_space<hbm>> -> memref<1x4096x128xf32, #tpu.memory_space<hbm>>
    %dma_start3A_604 = tpu.memref_squeeze %dma_start3A_603 : memref<1x4096x128xf32, #tpu.memory_space<hbm>> -> memref<4096x128xf32, #tpu.memory_space<hbm>>
    %dma_start3A_605 = arith.constant 0 : i32
    %dma_start3A_606 = tpu.memref_slice %dma_start3A_604[%mul3A_2, %dma_start3A_605] : memref<4096x128xf32, #tpu.memory_space<hbm>> -> memref<128x128xf32, #tpu.memory_space<hbm>>
    %dma_start3A_607 = arith.constant 0 : i32
    %dma_start3A_608 = arith.constant 0 : i32
    %dma_start3A_609 = tpu.memref_slice %dma_start3A_606[%dma_start3A_607, %dma_start3A_608] : memref<128x128xf32, #tpu.memory_space<hbm>> -> memref<128x64xf32, #tpu.memory_space<hbm>>
    tpu.enqueue_dma source(%arg8 : memref<128x64xf32, #tpu.memory_space<vmem>>) target(%dma_start3A_609 : memref<128x64xf32, #tpu.memory_space<hbm>>) target_semaphore(%arg19 : memref<!tpu.dma_semaphore, #tpu.memory_space<semaphore_mem>>)
    %dma_start3A_610 = arith.constant 5 : i32
    %dma_start3A_611 = arith.constant 0 : i32
    %dma_start3A_612 = arith.constant 0 : i32
    %dma_start3A_613 = tpu.memref_slice %arg4[%dma_start3A_610, %dma_start3A_611, %dma_start3A_612] : memref<25x4096x128xf32, #tpu.memory_space<hbm>> -> memref<1x4096x128xf32, #tpu.memory_space<hbm>>
    %dma_start3A_614 = tpu.memref_squeeze %dma_start3A_613 : memref<1x4096x128xf32, #tpu.memory_space<hbm>> -> memref<4096x128xf32, #tpu.memory_space<hbm>>
    %dma_start3A_615 = arith.constant 0 : i32
    %dma_start3A_616 = tpu.memref_slice %dma_start3A_614[%mul3A_2, %dma_start3A_615] : memref<4096x128xf32, #tpu.memory_space<hbm>> -> memref<128x128xf32, #tpu.memory_space<hbm>>
    %dma_start3A_617 = arith.constant 0 : i32
    %dma_start3A_618 = arith.constant 64 : i32
    %dma_start3A_619 = tpu.memref_slice %dma_start3A_616[%dma_start3A_617, %dma_start3A_618] : memref<128x128xf32, #tpu.memory_space<hbm>> -> memref<128x64xf32, #tpu.memory_space<hbm>>
    %dma_start3A_620 = arith.constant 0 : i32
    %dma_start3A_621 = arith.constant 0 : i32
    %dma_start3A_622 = tpu.memref_slice %arg4[%dma_start3A_610, %dma_start3A_620, %dma_start3A_621] : memref<25x4096x128xf32, #tpu.memory_space<hbm>> -> memref<1x4096x128xf32, #tpu.memory_space<hbm>>
    %dma_start3A_623 = tpu.memref_squeeze %dma_start3A_622 : memref<1x4096x128xf32, #tpu.memory_space<hbm>> -> memref<4096x128xf32, #tpu.memory_space<hbm>>
    %dma_start3A_624 = arith.constant 0 : i32
    %dma_start3A_625 = tpu.memref_slice %dma_start3A_623[%mul3A_2, %dma_start3A_624] : memref<4096x128xf32, #tpu.memory_space<hbm>> -> memref<128x128xf32, #tpu.memory_space<hbm>>
    %dma_start3A_626 = arith.constant 0 : i32
    %dma_start3A_627 = arith.constant 64 : i32
    %dma_start3A_628 = tpu.memref_slice %dma_start3A_625[%dma_start3A_626, %dma_start3A_627] : memref<128x128xf32, #tpu.memory_space<hbm>> -> memref<128x64xf32, #tpu.memory_space<hbm>>
    tpu.enqueue_dma source(%arg9 : memref<128x64xf32, #tpu.memory_space<vmem>>) target(%dma_start3A_628 : memref<128x64xf32, #tpu.memory_space<hbm>>) target_semaphore(%arg19 : memref<!tpu.dma_semaphore, #tpu.memory_space<semaphore_mem>>)
    %dma_wait3A_629 = arith.constant 5 : i32
    %dma_wait3A_630 = arith.constant 0 : i32
    %dma_wait3A_631 = arith.constant 0 : i32
    %dma_wait3A_632 = tpu.memref_slice %arg4[%dma_wait3A_629, %dma_wait3A_630, %dma_wait3A_631] : memref<25x4096x128xf32, #tpu.memory_space<hbm>> -> memref<1x4096x128xf32, #tpu.memory_space<hbm>>
    %dma_wait3A_633 = tpu.memref_squeeze %dma_wait3A_632 : memref<1x4096x128xf32, #tpu.memory_space<hbm>> -> memref<4096x128xf32, #tpu.memory_space<hbm>>
    %dma_wait3A_634 = arith.constant 0 : i32
    %dma_wait3A_635 = tpu.memref_slice %dma_wait3A_633[%mul3A_2, %dma_wait3A_634] : memref<4096x128xf32, #tpu.memory_space<hbm>> -> memref<128x128xf32, #tpu.memory_space<hbm>>
    %dma_wait3A_636 = arith.constant 0 : i32
    %dma_wait3A_637 = arith.constant 0 : i32
    %dma_wait3A_638 = tpu.memref_slice %dma_wait3A_635[%dma_wait3A_636, %dma_wait3A_637] : memref<128x128xf32, #tpu.memory_space<hbm>> -> memref<128x64xf32, #tpu.memory_space<hbm>>
    %dma_wait3A_639 = arith.constant 0 : i32
    %dma_wait3A_640 = arith.constant 0 : i32
    %dma_wait3A_641 = tpu.memref_slice %arg4[%dma_wait3A_629, %dma_wait3A_639, %dma_wait3A_640] : memref<25x4096x128xf32, #tpu.memory_space<hbm>> -> memref<1x4096x128xf32, #tpu.memory_space<hbm>>
    %dma_wait3A_642 = tpu.memref_squeeze %dma_wait3A_641 : memref<1x4096x128xf32, #tpu.memory_space<hbm>> -> memref<4096x128xf32, #tpu.memory_space<hbm>>
    %dma_wait3A_643 = arith.constant 0 : i32
    %dma_wait3A_644 = tpu.memref_slice %dma_wait3A_642[%mul3A_2, %dma_wait3A_643] : memref<4096x128xf32, #tpu.memory_space<hbm>> -> memref<128x128xf32, #tpu.memory_space<hbm>>
    %dma_wait3A_645 = arith.constant 0 : i32
    %dma_wait3A_646 = arith.constant 0 : i32
    %dma_wait3A_647 = tpu.memref_slice %dma_wait3A_644[%dma_wait3A_645, %dma_wait3A_646] : memref<128x128xf32, #tpu.memory_space<hbm>> -> memref<128x64xf32, #tpu.memory_space<hbm>>
    tpu.wait_dma2 semaphore(%arg19 : memref<!tpu.dma_semaphore, #tpu.memory_space<semaphore_mem>>) src(%arg8 : memref<128x64xf32, #tpu.memory_space<vmem>>) dst(%dma_wait3A_647 : memref<128x64xf32, #tpu.memory_space<hbm>>)
    %dma_wait3A_648 = arith.constant 5 : i32
    %dma_wait3A_649 = arith.constant 0 : i32
    %dma_wait3A_650 = arith.constant 0 : i32
    %dma_wait3A_651 = tpu.memref_slice %arg4[%dma_wait3A_648, %dma_wait3A_649, %dma_wait3A_650] : memref<25x4096x128xf32, #tpu.memory_space<hbm>> -> memref<1x4096x128xf32, #tpu.memory_space<hbm>>
    %dma_wait3A_652 = tpu.memref_squeeze %dma_wait3A_651 : memref<1x4096x128xf32, #tpu.memory_space<hbm>> -> memref<4096x128xf32, #tpu.memory_space<hbm>>
    %dma_wait3A_653 = arith.constant 0 : i32
    %dma_wait3A_654 = tpu.memref_slice %dma_wait3A_652[%mul3A_2, %dma_wait3A_653] : memref<4096x128xf32, #tpu.memory_space<hbm>> -> memref<128x128xf32, #tpu.memory_space<hbm>>
    %dma_wait3A_655 = arith.constant 0 : i32
    %dma_wait3A_656 = arith.constant 64 : i32
    %dma_wait3A_657 = tpu.memref_slice %dma_wait3A_654[%dma_wait3A_655, %dma_wait3A_656] : memref<128x128xf32, #tpu.memory_space<hbm>> -> memref<128x64xf32, #tpu.memory_space<hbm>>
    %dma_wait3A_658 = arith.constant 0 : i32
    %dma_wait3A_659 = arith.constant 0 : i32
    %dma_wait3A_660 = tpu.memref_slice %arg4[%dma_wait3A_648, %dma_wait3A_658, %dma_wait3A_659] : memref<25x4096x128xf32, #tpu.memory_space<hbm>> -> memref<1x4096x128xf32, #tpu.memory_space<hbm>>
    %dma_wait3A_661 = tpu.memref_squeeze %dma_wait3A_660 : memref<1x4096x128xf32, #tpu.memory_space<hbm>> -> memref<4096x128xf32, #tpu.memory_space<hbm>>
    %dma_wait3A_662 = arith.constant 0 : i32
    %dma_wait3A_663 = tpu.memref_slice %dma_wait3A_661[%mul3A_2, %dma_wait3A_662] : memref<4096x128xf32, #tpu.memory_space<hbm>> -> memref<128x128xf32, #tpu.memory_space<hbm>>
    %dma_wait3A_664 = arith.constant 0 : i32
    %dma_wait3A_665 = arith.constant 64 : i32
    %dma_wait3A_666 = tpu.memref_slice %dma_wait3A_663[%dma_wait3A_664, %dma_wait3A_665] : memref<128x128xf32, #tpu.memory_space<hbm>> -> memref<128x64xf32, #tpu.memory_space<hbm>>
    tpu.wait_dma2 semaphore(%arg19 : memref<!tpu.dma_semaphore, #tpu.memory_space<semaphore_mem>>) src(%arg9 : memref<128x64xf32, #tpu.memory_space<vmem>>) dst(%dma_wait3A_666 : memref<128x64xf32, #tpu.memory_space<hbm>>)
    %dma_start3A_667 = arith.constant 18 : i32
    %dma_start3A_668 = arith.constant 0 : i32
    %dma_start3A_669 = tpu.memref_slice %arg5[%dma_start3A_667, %dma_start3A_668] : memref<50x128xi32, #tpu.memory_space<vmem>> -> memref<1x128xi32, #tpu.memory_space<vmem>>
    %dma_start3A_670 = tpu.memref_squeeze %dma_start3A_669 : memref<1x128xi32, #tpu.memory_space<vmem>> -> memref<128xi32, #tpu.memory_space<vmem>>
    %dma_start3A_671 = arith.constant 0 : i32
    %dma_start3A_672 = arith.constant 0 : i32
    %dma_start3A_673 = tpu.memref_slice %arg2[%dma_start3A_671, %dma_start3A_672] : memref<100000x64xf32, #tpu.memory_space<hbm>> -> memref<100000x64xf32, #tpu.memory_space<hbm>>
    tpu.enqueue_indirect_dma source(%dma_start3A_673 : memref<100000x64xf32, #tpu.memory_space<hbm>>) target(%arg8 : memref<128x64xf32, #tpu.memory_space<vmem>>) offsets(%dma_start3A_670 : memref<128xi32, #tpu.memory_space<vmem>>) semaphore(%arg15 : memref<!tpu.dma_semaphore, #tpu.memory_space<semaphore_mem>>)
    %dma_start3A_674 = arith.constant 19 : i32
    %dma_start3A_675 = arith.constant 0 : i32
    %dma_start3A_676 = tpu.memref_slice %arg5[%dma_start3A_674, %dma_start3A_675] : memref<50x128xi32, #tpu.memory_space<vmem>> -> memref<1x128xi32, #tpu.memory_space<vmem>>
    %dma_start3A_677 = tpu.memref_squeeze %dma_start3A_676 : memref<1x128xi32, #tpu.memory_space<vmem>> -> memref<128xi32, #tpu.memory_space<vmem>>
    %dma_start3A_678 = arith.constant 0 : i32
    %dma_start3A_679 = arith.constant 0 : i32
    %dma_start3A_680 = tpu.memref_slice %arg2[%dma_start3A_678, %dma_start3A_679] : memref<100000x64xf32, #tpu.memory_space<hbm>> -> memref<100000x64xf32, #tpu.memory_space<hbm>>
    tpu.enqueue_indirect_dma source(%dma_start3A_680 : memref<100000x64xf32, #tpu.memory_space<hbm>>) target(%arg9 : memref<128x64xf32, #tpu.memory_space<vmem>>) offsets(%dma_start3A_677 : memref<128xi32, #tpu.memory_space<vmem>>) semaphore(%arg15 : memref<!tpu.dma_semaphore, #tpu.memory_space<semaphore_mem>>)
    %dma_wait3A_681 = arith.constant 12 : i32
    %dma_wait3A_682 = arith.constant 0 : i32
    %dma_wait3A_683 = tpu.memref_slice %arg5[%dma_wait3A_681, %dma_wait3A_682] : memref<50x128xi32, #tpu.memory_space<vmem>> -> memref<1x128xi32, #tpu.memory_space<vmem>>
    %dma_wait3A_684 = tpu.memref_squeeze %dma_wait3A_683 : memref<1x128xi32, #tpu.memory_space<vmem>> -> memref<128xi32, #tpu.memory_space<vmem>>
    %dma_wait3A_685 = arith.constant 0 : i32
    %dma_wait3A_686 = arith.constant 0 : i32
    %dma_wait3A_687 = tpu.memref_slice %arg2[%dma_wait3A_685, %dma_wait3A_686] : memref<100000x64xf32, #tpu.memory_space<hbm>> -> memref<100000x64xf32, #tpu.memory_space<hbm>>
    tpu.wait_indirect_dma semaphore(%arg16 : memref<!tpu.dma_semaphore, #tpu.memory_space<semaphore_mem>>) src(%dma_wait3A_687 : memref<100000x64xf32, #tpu.memory_space<hbm>>) dst(%arg10 : memref<128x64xf32, #tpu.memory_space<vmem>>)
    %dma_wait3A_688 = arith.constant 13 : i32
    %dma_wait3A_689 = arith.constant 0 : i32
    %dma_wait3A_690 = tpu.memref_slice %arg5[%dma_wait3A_688, %dma_wait3A_689] : memref<50x128xi32, #tpu.memory_space<vmem>> -> memref<1x128xi32, #tpu.memory_space<vmem>>
    %dma_wait3A_691 = tpu.memref_squeeze %dma_wait3A_690 : memref<1x128xi32, #tpu.memory_space<vmem>> -> memref<128xi32, #tpu.memory_space<vmem>>
    %dma_wait3A_692 = arith.constant 0 : i32
    %dma_wait3A_693 = arith.constant 0 : i32
    %dma_wait3A_694 = tpu.memref_slice %arg2[%dma_wait3A_692, %dma_wait3A_693] : memref<100000x64xf32, #tpu.memory_space<hbm>> -> memref<100000x64xf32, #tpu.memory_space<hbm>>
    tpu.wait_indirect_dma semaphore(%arg16 : memref<!tpu.dma_semaphore, #tpu.memory_space<semaphore_mem>>) src(%dma_wait3A_694 : memref<100000x64xf32, #tpu.memory_space<hbm>>) dst(%arg11 : memref<128x64xf32, #tpu.memory_space<vmem>>)
    %dma_start3A_695 = arith.constant 6 : i32
    %dma_start3A_696 = arith.constant 0 : i32
    %dma_start3A_697 = arith.constant 0 : i32
    %dma_start3A_698 = tpu.memref_slice %arg4[%dma_start3A_695, %dma_start3A_696, %dma_start3A_697] : memref<25x4096x128xf32, #tpu.memory_space<hbm>> -> memref<1x4096x128xf32, #tpu.memory_space<hbm>>
    %dma_start3A_699 = tpu.memref_squeeze %dma_start3A_698 : memref<1x4096x128xf32, #tpu.memory_space<hbm>> -> memref<4096x128xf32, #tpu.memory_space<hbm>>
    %dma_start3A_700 = arith.constant 0 : i32
    %dma_start3A_701 = tpu.memref_slice %dma_start3A_699[%mul3A_2, %dma_start3A_700] : memref<4096x128xf32, #tpu.memory_space<hbm>> -> memref<128x128xf32, #tpu.memory_space<hbm>>
    %dma_start3A_702 = arith.constant 0 : i32
    %dma_start3A_703 = arith.constant 0 : i32
    %dma_start3A_704 = tpu.memref_slice %dma_start3A_701[%dma_start3A_702, %dma_start3A_703] : memref<128x128xf32, #tpu.memory_space<hbm>> -> memref<128x64xf32, #tpu.memory_space<hbm>>
    %dma_start3A_705 = arith.constant 0 : i32
    %dma_start3A_706 = arith.constant 0 : i32
    %dma_start3A_707 = tpu.memref_slice %arg4[%dma_start3A_695, %dma_start3A_705, %dma_start3A_706] : memref<25x4096x128xf32, #tpu.memory_space<hbm>> -> memref<1x4096x128xf32, #tpu.memory_space<hbm>>
    %dma_start3A_708 = tpu.memref_squeeze %dma_start3A_707 : memref<1x4096x128xf32, #tpu.memory_space<hbm>> -> memref<4096x128xf32, #tpu.memory_space<hbm>>
    %dma_start3A_709 = arith.constant 0 : i32
    %dma_start3A_710 = tpu.memref_slice %dma_start3A_708[%mul3A_2, %dma_start3A_709] : memref<4096x128xf32, #tpu.memory_space<hbm>> -> memref<128x128xf32, #tpu.memory_space<hbm>>
    %dma_start3A_711 = arith.constant 0 : i32
    %dma_start3A_712 = arith.constant 0 : i32
    %dma_start3A_713 = tpu.memref_slice %dma_start3A_710[%dma_start3A_711, %dma_start3A_712] : memref<128x128xf32, #tpu.memory_space<hbm>> -> memref<128x64xf32, #tpu.memory_space<hbm>>
    tpu.enqueue_dma source(%arg10 : memref<128x64xf32, #tpu.memory_space<vmem>>) target(%dma_start3A_713 : memref<128x64xf32, #tpu.memory_space<hbm>>) target_semaphore(%arg20 : memref<!tpu.dma_semaphore, #tpu.memory_space<semaphore_mem>>)
    %dma_start3A_714 = arith.constant 6 : i32
    %dma_start3A_715 = arith.constant 0 : i32
    %dma_start3A_716 = arith.constant 0 : i32
    %dma_start3A_717 = tpu.memref_slice %arg4[%dma_start3A_714, %dma_start3A_715, %dma_start3A_716] : memref<25x4096x128xf32, #tpu.memory_space<hbm>> -> memref<1x4096x128xf32, #tpu.memory_space<hbm>>
    %dma_start3A_718 = tpu.memref_squeeze %dma_start3A_717 : memref<1x4096x128xf32, #tpu.memory_space<hbm>> -> memref<4096x128xf32, #tpu.memory_space<hbm>>
    %dma_start3A_719 = arith.constant 0 : i32
    %dma_start3A_720 = tpu.memref_slice %dma_start3A_718[%mul3A_2, %dma_start3A_719] : memref<4096x128xf32, #tpu.memory_space<hbm>> -> memref<128x128xf32, #tpu.memory_space<hbm>>
    %dma_start3A_721 = arith.constant 0 : i32
    %dma_start3A_722 = arith.constant 64 : i32
    %dma_start3A_723 = tpu.memref_slice %dma_start3A_720[%dma_start3A_721, %dma_start3A_722] : memref<128x128xf32, #tpu.memory_space<hbm>> -> memref<128x64xf32, #tpu.memory_space<hbm>>
    %dma_start3A_724 = arith.constant 0 : i32
    %dma_start3A_725 = arith.constant 0 : i32
    %dma_start3A_726 = tpu.memref_slice %arg4[%dma_start3A_714, %dma_start3A_724, %dma_start3A_725] : memref<25x4096x128xf32, #tpu.memory_space<hbm>> -> memref<1x4096x128xf32, #tpu.memory_space<hbm>>
    %dma_start3A_727 = tpu.memref_squeeze %dma_start3A_726 : memref<1x4096x128xf32, #tpu.memory_space<hbm>> -> memref<4096x128xf32, #tpu.memory_space<hbm>>
    %dma_start3A_728 = arith.constant 0 : i32
    %dma_start3A_729 = tpu.memref_slice %dma_start3A_727[%mul3A_2, %dma_start3A_728] : memref<4096x128xf32, #tpu.memory_space<hbm>> -> memref<128x128xf32, #tpu.memory_space<hbm>>
    %dma_start3A_730 = arith.constant 0 : i32
    %dma_start3A_731 = arith.constant 64 : i32
    %dma_start3A_732 = tpu.memref_slice %dma_start3A_729[%dma_start3A_730, %dma_start3A_731] : memref<128x128xf32, #tpu.memory_space<hbm>> -> memref<128x64xf32, #tpu.memory_space<hbm>>
    tpu.enqueue_dma source(%arg11 : memref<128x64xf32, #tpu.memory_space<vmem>>) target(%dma_start3A_732 : memref<128x64xf32, #tpu.memory_space<hbm>>) target_semaphore(%arg20 : memref<!tpu.dma_semaphore, #tpu.memory_space<semaphore_mem>>)
    %dma_wait3A_733 = arith.constant 6 : i32
    %dma_wait3A_734 = arith.constant 0 : i32
    %dma_wait3A_735 = arith.constant 0 : i32
    %dma_wait3A_736 = tpu.memref_slice %arg4[%dma_wait3A_733, %dma_wait3A_734, %dma_wait3A_735] : memref<25x4096x128xf32, #tpu.memory_space<hbm>> -> memref<1x4096x128xf32, #tpu.memory_space<hbm>>
    %dma_wait3A_737 = tpu.memref_squeeze %dma_wait3A_736 : memref<1x4096x128xf32, #tpu.memory_space<hbm>> -> memref<4096x128xf32, #tpu.memory_space<hbm>>
    %dma_wait3A_738 = arith.constant 0 : i32
    %dma_wait3A_739 = tpu.memref_slice %dma_wait3A_737[%mul3A_2, %dma_wait3A_738] : memref<4096x128xf32, #tpu.memory_space<hbm>> -> memref<128x128xf32, #tpu.memory_space<hbm>>
    %dma_wait3A_740 = arith.constant 0 : i32
    %dma_wait3A_741 = arith.constant 0 : i32
    %dma_wait3A_742 = tpu.memref_slice %dma_wait3A_739[%dma_wait3A_740, %dma_wait3A_741] : memref<128x128xf32, #tpu.memory_space<hbm>> -> memref<128x64xf32, #tpu.memory_space<hbm>>
    %dma_wait3A_743 = arith.constant 0 : i32
    %dma_wait3A_744 = arith.constant 0 : i32
    %dma_wait3A_745 = tpu.memref_slice %arg4[%dma_wait3A_733, %dma_wait3A_743, %dma_wait3A_744] : memref<25x4096x128xf32, #tpu.memory_space<hbm>> -> memref<1x4096x128xf32, #tpu.memory_space<hbm>>
    %dma_wait3A_746 = tpu.memref_squeeze %dma_wait3A_745 : memref<1x4096x128xf32, #tpu.memory_space<hbm>> -> memref<4096x128xf32, #tpu.memory_space<hbm>>
    %dma_wait3A_747 = arith.constant 0 : i32
    %dma_wait3A_748 = tpu.memref_slice %dma_wait3A_746[%mul3A_2, %dma_wait3A_747] : memref<4096x128xf32, #tpu.memory_space<hbm>> -> memref<128x128xf32, #tpu.memory_space<hbm>>
    %dma_wait3A_749 = arith.constant 0 : i32
    %dma_wait3A_750 = arith.constant 0 : i32
    %dma_wait3A_751 = tpu.memref_slice %dma_wait3A_748[%dma_wait3A_749, %dma_wait3A_750] : memref<128x128xf32, #tpu.memory_space<hbm>> -> memref<128x64xf32, #tpu.memory_space<hbm>>
    tpu.wait_dma2 semaphore(%arg20 : memref<!tpu.dma_semaphore, #tpu.memory_space<semaphore_mem>>) src(%arg10 : memref<128x64xf32, #tpu.memory_space<vmem>>) dst(%dma_wait3A_751 : memref<128x64xf32, #tpu.memory_space<hbm>>)
    %dma_wait3A_752 = arith.constant 6 : i32
    %dma_wait3A_753 = arith.constant 0 : i32
    %dma_wait3A_754 = arith.constant 0 : i32
    %dma_wait3A_755 = tpu.memref_slice %arg4[%dma_wait3A_752, %dma_wait3A_753, %dma_wait3A_754] : memref<25x4096x128xf32, #tpu.memory_space<hbm>> -> memref<1x4096x128xf32, #tpu.memory_space<hbm>>
    %dma_wait3A_756 = tpu.memref_squeeze %dma_wait3A_755 : memref<1x4096x128xf32, #tpu.memory_space<hbm>> -> memref<4096x128xf32, #tpu.memory_space<hbm>>
    %dma_wait3A_757 = arith.constant 0 : i32
    %dma_wait3A_758 = tpu.memref_slice %dma_wait3A_756[%mul3A_2, %dma_wait3A_757] : memref<4096x128xf32, #tpu.memory_space<hbm>> -> memref<128x128xf32, #tpu.memory_space<hbm>>
    %dma_wait3A_759 = arith.constant 0 : i32
    %dma_wait3A_760 = arith.constant 64 : i32
    %dma_wait3A_761 = tpu.memref_slice %dma_wait3A_758[%dma_wait3A_759, %dma_wait3A_760] : memref<128x128xf32, #tpu.memory_space<hbm>> -> memref<128x64xf32, #tpu.memory_space<hbm>>
    %dma_wait3A_762 = arith.constant 0 : i32
    %dma_wait3A_763 = arith.constant 0 : i32
    %dma_wait3A_764 = tpu.memref_slice %arg4[%dma_wait3A_752, %dma_wait3A_762, %dma_wait3A_763] : memref<25x4096x128xf32, #tpu.memory_space<hbm>> -> memref<1x4096x128xf32, #tpu.memory_space<hbm>>
    %dma_wait3A_765 = tpu.memref_squeeze %dma_wait3A_764 : memref<1x4096x128xf32, #tpu.memory_space<hbm>> -> memref<4096x128xf32, #tpu.memory_space<hbm>>
    %dma_wait3A_766 = arith.constant 0 : i32
    %dma_wait3A_767 = tpu.memref_slice %dma_wait3A_765[%mul3A_2, %dma_wait3A_766] : memref<4096x128xf32, #tpu.memory_space<hbm>> -> memref<128x128xf32, #tpu.memory_space<hbm>>
    %dma_wait3A_768 = arith.constant 0 : i32
    %dma_wait3A_769 = arith.constant 64 : i32
    %dma_wait3A_770 = tpu.memref_slice %dma_wait3A_767[%dma_wait3A_768, %dma_wait3A_769] : memref<128x128xf32, #tpu.memory_space<hbm>> -> memref<128x64xf32, #tpu.memory_space<hbm>>
    tpu.wait_dma2 semaphore(%arg20 : memref<!tpu.dma_semaphore, #tpu.memory_space<semaphore_mem>>) src(%arg11 : memref<128x64xf32, #tpu.memory_space<vmem>>) dst(%dma_wait3A_770 : memref<128x64xf32, #tpu.memory_space<hbm>>)
    %dma_start3A_771 = arith.constant 20 : i32
    %dma_start3A_772 = arith.constant 0 : i32
    %dma_start3A_773 = tpu.memref_slice %arg5[%dma_start3A_771, %dma_start3A_772] : memref<50x128xi32, #tpu.memory_space<vmem>> -> memref<1x128xi32, #tpu.memory_space<vmem>>
    %dma_start3A_774 = tpu.memref_squeeze %dma_start3A_773 : memref<1x128xi32, #tpu.memory_space<vmem>> -> memref<128xi32, #tpu.memory_space<vmem>>
    %dma_start3A_775 = arith.constant 0 : i32
    %dma_start3A_776 = arith.constant 0 : i32
    %dma_start3A_777 = tpu.memref_slice %arg2[%dma_start3A_775, %dma_start3A_776] : memref<100000x64xf32, #tpu.memory_space<hbm>> -> memref<100000x64xf32, #tpu.memory_space<hbm>>
    tpu.enqueue_indirect_dma source(%dma_start3A_777 : memref<100000x64xf32, #tpu.memory_space<hbm>>) target(%arg10 : memref<128x64xf32, #tpu.memory_space<vmem>>) offsets(%dma_start3A_774 : memref<128xi32, #tpu.memory_space<vmem>>) semaphore(%arg16 : memref<!tpu.dma_semaphore, #tpu.memory_space<semaphore_mem>>)
    %dma_start3A_778 = arith.constant 21 : i32
    %dma_start3A_779 = arith.constant 0 : i32
    %dma_start3A_780 = tpu.memref_slice %arg5[%dma_start3A_778, %dma_start3A_779] : memref<50x128xi32, #tpu.memory_space<vmem>> -> memref<1x128xi32, #tpu.memory_space<vmem>>
    %dma_start3A_781 = tpu.memref_squeeze %dma_start3A_780 : memref<1x128xi32, #tpu.memory_space<vmem>> -> memref<128xi32, #tpu.memory_space<vmem>>
    %dma_start3A_782 = arith.constant 0 : i32
    %dma_start3A_783 = arith.constant 0 : i32
    %dma_start3A_784 = tpu.memref_slice %arg2[%dma_start3A_782, %dma_start3A_783] : memref<100000x64xf32, #tpu.memory_space<hbm>> -> memref<100000x64xf32, #tpu.memory_space<hbm>>
    tpu.enqueue_indirect_dma source(%dma_start3A_784 : memref<100000x64xf32, #tpu.memory_space<hbm>>) target(%arg11 : memref<128x64xf32, #tpu.memory_space<vmem>>) offsets(%dma_start3A_781 : memref<128xi32, #tpu.memory_space<vmem>>) semaphore(%arg16 : memref<!tpu.dma_semaphore, #tpu.memory_space<semaphore_mem>>)
    %dma_wait3A_785 = arith.constant 14 : i32
    %dma_wait3A_786 = arith.constant 0 : i32
    %dma_wait3A_787 = tpu.memref_slice %arg5[%dma_wait3A_785, %dma_wait3A_786] : memref<50x128xi32, #tpu.memory_space<vmem>> -> memref<1x128xi32, #tpu.memory_space<vmem>>
    %dma_wait3A_788 = tpu.memref_squeeze %dma_wait3A_787 : memref<1x128xi32, #tpu.memory_space<vmem>> -> memref<128xi32, #tpu.memory_space<vmem>>
    %dma_wait3A_789 = arith.constant 0 : i32
    %dma_wait3A_790 = arith.constant 0 : i32
    %dma_wait3A_791 = tpu.memref_slice %arg2[%dma_wait3A_789, %dma_wait3A_790] : memref<100000x64xf32, #tpu.memory_space<hbm>> -> memref<100000x64xf32, #tpu.memory_space<hbm>>
    tpu.wait_indirect_dma semaphore(%arg17 : memref<!tpu.dma_semaphore, #tpu.memory_space<semaphore_mem>>) src(%dma_wait3A_791 : memref<100000x64xf32, #tpu.memory_space<hbm>>) dst(%arg12 : memref<128x64xf32, #tpu.memory_space<vmem>>)
    %dma_wait3A_792 = arith.constant 15 : i32
    %dma_wait3A_793 = arith.constant 0 : i32
    %dma_wait3A_794 = tpu.memref_slice %arg5[%dma_wait3A_792, %dma_wait3A_793] : memref<50x128xi32, #tpu.memory_space<vmem>> -> memref<1x128xi32, #tpu.memory_space<vmem>>
    %dma_wait3A_795 = tpu.memref_squeeze %dma_wait3A_794 : memref<1x128xi32, #tpu.memory_space<vmem>> -> memref<128xi32, #tpu.memory_space<vmem>>
    %dma_wait3A_796 = arith.constant 0 : i32
    %dma_wait3A_797 = arith.constant 0 : i32
    %dma_wait3A_798 = tpu.memref_slice %arg2[%dma_wait3A_796, %dma_wait3A_797] : memref<100000x64xf32, #tpu.memory_space<hbm>> -> memref<100000x64xf32, #tpu.memory_space<hbm>>
    tpu.wait_indirect_dma semaphore(%arg17 : memref<!tpu.dma_semaphore, #tpu.memory_space<semaphore_mem>>) src(%dma_wait3A_798 : memref<100000x64xf32, #tpu.memory_space<hbm>>) dst(%arg13 : memref<128x64xf32, #tpu.memory_space<vmem>>)
    %dma_start3A_799 = arith.constant 7 : i32
    %dma_start3A_800 = arith.constant 0 : i32
    %dma_start3A_801 = arith.constant 0 : i32
    %dma_start3A_802 = tpu.memref_slice %arg4[%dma_start3A_799, %dma_start3A_800, %dma_start3A_801] : memref<25x4096x128xf32, #tpu.memory_space<hbm>> -> memref<1x4096x128xf32, #tpu.memory_space<hbm>>
    %dma_start3A_803 = tpu.memref_squeeze %dma_start3A_802 : memref<1x4096x128xf32, #tpu.memory_space<hbm>> -> memref<4096x128xf32, #tpu.memory_space<hbm>>
    %dma_start3A_804 = arith.constant 0 : i32
    %dma_start3A_805 = tpu.memref_slice %dma_start3A_803[%mul3A_2, %dma_start3A_804] : memref<4096x128xf32, #tpu.memory_space<hbm>> -> memref<128x128xf32, #tpu.memory_space<hbm>>
    %dma_start3A_806 = arith.constant 0 : i32
    %dma_start3A_807 = arith.constant 0 : i32
    %dma_start3A_808 = tpu.memref_slice %dma_start3A_805[%dma_start3A_806, %dma_start3A_807] : memref<128x128xf32, #tpu.memory_space<hbm>> -> memref<128x64xf32, #tpu.memory_space<hbm>>
    %dma_start3A_809 = arith.constant 0 : i32
    %dma_start3A_810 = arith.constant 0 : i32
    %dma_start3A_811 = tpu.memref_slice %arg4[%dma_start3A_799, %dma_start3A_809, %dma_start3A_810] : memref<25x4096x128xf32, #tpu.memory_space<hbm>> -> memref<1x4096x128xf32, #tpu.memory_space<hbm>>
    %dma_start3A_812 = tpu.memref_squeeze %dma_start3A_811 : memref<1x4096x128xf32, #tpu.memory_space<hbm>> -> memref<4096x128xf32, #tpu.memory_space<hbm>>
    %dma_start3A_813 = arith.constant 0 : i32
    %dma_start3A_814 = tpu.memref_slice %dma_start3A_812[%mul3A_2, %dma_start3A_813] : memref<4096x128xf32, #tpu.memory_space<hbm>> -> memref<128x128xf32, #tpu.memory_space<hbm>>
    %dma_start3A_815 = arith.constant 0 : i32
    %dma_start3A_816 = arith.constant 0 : i32
    %dma_start3A_817 = tpu.memref_slice %dma_start3A_814[%dma_start3A_815, %dma_start3A_816] : memref<128x128xf32, #tpu.memory_space<hbm>> -> memref<128x64xf32, #tpu.memory_space<hbm>>
    tpu.enqueue_dma source(%arg12 : memref<128x64xf32, #tpu.memory_space<vmem>>) target(%dma_start3A_817 : memref<128x64xf32, #tpu.memory_space<hbm>>) target_semaphore(%arg21 : memref<!tpu.dma_semaphore, #tpu.memory_space<semaphore_mem>>)
    %dma_start3A_818 = arith.constant 7 : i32
    %dma_start3A_819 = arith.constant 0 : i32
    %dma_start3A_820 = arith.constant 0 : i32
    %dma_start3A_821 = tpu.memref_slice %arg4[%dma_start3A_818, %dma_start3A_819, %dma_start3A_820] : memref<25x4096x128xf32, #tpu.memory_space<hbm>> -> memref<1x4096x128xf32, #tpu.memory_space<hbm>>
    %dma_start3A_822 = tpu.memref_squeeze %dma_start3A_821 : memref<1x4096x128xf32, #tpu.memory_space<hbm>> -> memref<4096x128xf32, #tpu.memory_space<hbm>>
    %dma_start3A_823 = arith.constant 0 : i32
    %dma_start3A_824 = tpu.memref_slice %dma_start3A_822[%mul3A_2, %dma_start3A_823] : memref<4096x128xf32, #tpu.memory_space<hbm>> -> memref<128x128xf32, #tpu.memory_space<hbm>>
    %dma_start3A_825 = arith.constant 0 : i32
    %dma_start3A_826 = arith.constant 64 : i32
    %dma_start3A_827 = tpu.memref_slice %dma_start3A_824[%dma_start3A_825, %dma_start3A_826] : memref<128x128xf32, #tpu.memory_space<hbm>> -> memref<128x64xf32, #tpu.memory_space<hbm>>
    %dma_start3A_828 = arith.constant 0 : i32
    %dma_start3A_829 = arith.constant 0 : i32
    %dma_start3A_830 = tpu.memref_slice %arg4[%dma_start3A_818, %dma_start3A_828, %dma_start3A_829] : memref<25x4096x128xf32, #tpu.memory_space<hbm>> -> memref<1x4096x128xf32, #tpu.memory_space<hbm>>
    %dma_start3A_831 = tpu.memref_squeeze %dma_start3A_830 : memref<1x4096x128xf32, #tpu.memory_space<hbm>> -> memref<4096x128xf32, #tpu.memory_space<hbm>>
    %dma_start3A_832 = arith.constant 0 : i32
    %dma_start3A_833 = tpu.memref_slice %dma_start3A_831[%mul3A_2, %dma_start3A_832] : memref<4096x128xf32, #tpu.memory_space<hbm>> -> memref<128x128xf32, #tpu.memory_space<hbm>>
    %dma_start3A_834 = arith.constant 0 : i32
    %dma_start3A_835 = arith.constant 64 : i32
    %dma_start3A_836 = tpu.memref_slice %dma_start3A_833[%dma_start3A_834, %dma_start3A_835] : memref<128x128xf32, #tpu.memory_space<hbm>> -> memref<128x64xf32, #tpu.memory_space<hbm>>
    tpu.enqueue_dma source(%arg13 : memref<128x64xf32, #tpu.memory_space<vmem>>) target(%dma_start3A_836 : memref<128x64xf32, #tpu.memory_space<hbm>>) target_semaphore(%arg21 : memref<!tpu.dma_semaphore, #tpu.memory_space<semaphore_mem>>)
    %dma_wait3A_837 = arith.constant 7 : i32
    %dma_wait3A_838 = arith.constant 0 : i32
    %dma_wait3A_839 = arith.constant 0 : i32
    %dma_wait3A_840 = tpu.memref_slice %arg4[%dma_wait3A_837, %dma_wait3A_838, %dma_wait3A_839] : memref<25x4096x128xf32, #tpu.memory_space<hbm>> -> memref<1x4096x128xf32, #tpu.memory_space<hbm>>
    %dma_wait3A_841 = tpu.memref_squeeze %dma_wait3A_840 : memref<1x4096x128xf32, #tpu.memory_space<hbm>> -> memref<4096x128xf32, #tpu.memory_space<hbm>>
    %dma_wait3A_842 = arith.constant 0 : i32
    %dma_wait3A_843 = tpu.memref_slice %dma_wait3A_841[%mul3A_2, %dma_wait3A_842] : memref<4096x128xf32, #tpu.memory_space<hbm>> -> memref<128x128xf32, #tpu.memory_space<hbm>>
    %dma_wait3A_844 = arith.constant 0 : i32
    %dma_wait3A_845 = arith.constant 0 : i32
    %dma_wait3A_846 = tpu.memref_slice %dma_wait3A_843[%dma_wait3A_844, %dma_wait3A_845] : memref<128x128xf32, #tpu.memory_space<hbm>> -> memref<128x64xf32, #tpu.memory_space<hbm>>
    %dma_wait3A_847 = arith.constant 0 : i32
    %dma_wait3A_848 = arith.constant 0 : i32
    %dma_wait3A_849 = tpu.memref_slice %arg4[%dma_wait3A_837, %dma_wait3A_847, %dma_wait3A_848] : memref<25x4096x128xf32, #tpu.memory_space<hbm>> -> memref<1x4096x128xf32, #tpu.memory_space<hbm>>
    %dma_wait3A_850 = tpu.memref_squeeze %dma_wait3A_849 : memref<1x4096x128xf32, #tpu.memory_space<hbm>> -> memref<4096x128xf32, #tpu.memory_space<hbm>>
    %dma_wait3A_851 = arith.constant 0 : i32
    %dma_wait3A_852 = tpu.memref_slice %dma_wait3A_850[%mul3A_2, %dma_wait3A_851] : memref<4096x128xf32, #tpu.memory_space<hbm>> -> memref<128x128xf32, #tpu.memory_space<hbm>>
    %dma_wait3A_853 = arith.constant 0 : i32
    %dma_wait3A_854 = arith.constant 0 : i32
    %dma_wait3A_855 = tpu.memref_slice %dma_wait3A_852[%dma_wait3A_853, %dma_wait3A_854] : memref<128x128xf32, #tpu.memory_space<hbm>> -> memref<128x64xf32, #tpu.memory_space<hbm>>
    tpu.wait_dma2 semaphore(%arg21 : memref<!tpu.dma_semaphore, #tpu.memory_space<semaphore_mem>>) src(%arg12 : memref<128x64xf32, #tpu.memory_space<vmem>>) dst(%dma_wait3A_855 : memref<128x64xf32, #tpu.memory_space<hbm>>)
    %dma_wait3A_856 = arith.constant 7 : i32
    %dma_wait3A_857 = arith.constant 0 : i32
    %dma_wait3A_858 = arith.constant 0 : i32
    %dma_wait3A_859 = tpu.memref_slice %arg4[%dma_wait3A_856, %dma_wait3A_857, %dma_wait3A_858] : memref<25x4096x128xf32, #tpu.memory_space<hbm>> -> memref<1x4096x128xf32, #tpu.memory_space<hbm>>
    %dma_wait3A_860 = tpu.memref_squeeze %dma_wait3A_859 : memref<1x4096x128xf32, #tpu.memory_space<hbm>> -> memref<4096x128xf32, #tpu.memory_space<hbm>>
    %dma_wait3A_861 = arith.constant 0 : i32
    %dma_wait3A_862 = tpu.memref_slice %dma_wait3A_860[%mul3A_2, %dma_wait3A_861] : memref<4096x128xf32, #tpu.memory_space<hbm>> -> memref<128x128xf32, #tpu.memory_space<hbm>>
    %dma_wait3A_863 = arith.constant 0 : i32
    %dma_wait3A_864 = arith.constant 64 : i32
    %dma_wait3A_865 = tpu.memref_slice %dma_wait3A_862[%dma_wait3A_863, %dma_wait3A_864] : memref<128x128xf32, #tpu.memory_space<hbm>> -> memref<128x64xf32, #tpu.memory_space<hbm>>
    %dma_wait3A_866 = arith.constant 0 : i32
    %dma_wait3A_867 = arith.constant 0 : i32
    %dma_wait3A_868 = tpu.memref_slice %arg4[%dma_wait3A_856, %dma_wait3A_866, %dma_wait3A_867] : memref<25x4096x128xf32, #tpu.memory_space<hbm>> -> memref<1x4096x128xf32, #tpu.memory_space<hbm>>
    %dma_wait3A_869 = tpu.memref_squeeze %dma_wait3A_868 : memref<1x4096x128xf32, #tpu.memory_space<hbm>> -> memref<4096x128xf32, #tpu.memory_space<hbm>>
    %dma_wait3A_870 = arith.constant 0 : i32
    %dma_wait3A_871 = tpu.memref_slice %dma_wait3A_869[%mul3A_2, %dma_wait3A_870] : memref<4096x128xf32, #tpu.memory_space<hbm>> -> memref<128x128xf32, #tpu.memory_space<hbm>>
    %dma_wait3A_872 = arith.constant 0 : i32
    %dma_wait3A_873 = arith.constant 64 : i32
    %dma_wait3A_874 = tpu.memref_slice %dma_wait3A_871[%dma_wait3A_872, %dma_wait3A_873] : memref<128x128xf32, #tpu.memory_space<hbm>> -> memref<128x64xf32, #tpu.memory_space<hbm>>
    tpu.wait_dma2 semaphore(%arg21 : memref<!tpu.dma_semaphore, #tpu.memory_space<semaphore_mem>>) src(%arg13 : memref<128x64xf32, #tpu.memory_space<vmem>>) dst(%dma_wait3A_874 : memref<128x64xf32, #tpu.memory_space<hbm>>)
    %dma_start3A_875 = arith.constant 22 : i32
    %dma_start3A_876 = arith.constant 0 : i32
    %dma_start3A_877 = tpu.memref_slice %arg5[%dma_start3A_875, %dma_start3A_876] : memref<50x128xi32, #tpu.memory_space<vmem>> -> memref<1x128xi32, #tpu.memory_space<vmem>>
    %dma_start3A_878 = tpu.memref_squeeze %dma_start3A_877 : memref<1x128xi32, #tpu.memory_space<vmem>> -> memref<128xi32, #tpu.memory_space<vmem>>
    %dma_start3A_879 = arith.constant 0 : i32
    %dma_start3A_880 = arith.constant 0 : i32
    %dma_start3A_881 = tpu.memref_slice %arg2[%dma_start3A_879, %dma_start3A_880] : memref<100000x64xf32, #tpu.memory_space<hbm>> -> memref<100000x64xf32, #tpu.memory_space<hbm>>
    tpu.enqueue_indirect_dma source(%dma_start3A_881 : memref<100000x64xf32, #tpu.memory_space<hbm>>) target(%arg12 : memref<128x64xf32, #tpu.memory_space<vmem>>) offsets(%dma_start3A_878 : memref<128xi32, #tpu.memory_space<vmem>>) semaphore(%arg17 : memref<!tpu.dma_semaphore, #tpu.memory_space<semaphore_mem>>)
    %dma_start3A_882 = arith.constant 23 : i32
    %dma_start3A_883 = arith.constant 0 : i32
    %dma_start3A_884 = tpu.memref_slice %arg5[%dma_start3A_882, %dma_start3A_883] : memref<50x128xi32, #tpu.memory_space<vmem>> -> memref<1x128xi32, #tpu.memory_space<vmem>>
    %dma_start3A_885 = tpu.memref_squeeze %dma_start3A_884 : memref<1x128xi32, #tpu.memory_space<vmem>> -> memref<128xi32, #tpu.memory_space<vmem>>
    %dma_start3A_886 = arith.constant 0 : i32
    %dma_start3A_887 = arith.constant 0 : i32
    %dma_start3A_888 = tpu.memref_slice %arg2[%dma_start3A_886, %dma_start3A_887] : memref<100000x64xf32, #tpu.memory_space<hbm>> -> memref<100000x64xf32, #tpu.memory_space<hbm>>
    tpu.enqueue_indirect_dma source(%dma_start3A_888 : memref<100000x64xf32, #tpu.memory_space<hbm>>) target(%arg13 : memref<128x64xf32, #tpu.memory_space<vmem>>) offsets(%dma_start3A_885 : memref<128xi32, #tpu.memory_space<vmem>>) semaphore(%arg17 : memref<!tpu.dma_semaphore, #tpu.memory_space<semaphore_mem>>)
    %dma_wait3A_889 = arith.constant 16 : i32
    %dma_wait3A_890 = arith.constant 0 : i32
    %dma_wait3A_891 = tpu.memref_slice %arg5[%dma_wait3A_889, %dma_wait3A_890] : memref<50x128xi32, #tpu.memory_space<vmem>> -> memref<1x128xi32, #tpu.memory_space<vmem>>
    %dma_wait3A_892 = tpu.memref_squeeze %dma_wait3A_891 : memref<1x128xi32, #tpu.memory_space<vmem>> -> memref<128xi32, #tpu.memory_space<vmem>>
    %dma_wait3A_893 = arith.constant 0 : i32
    %dma_wait3A_894 = arith.constant 0 : i32
    %dma_wait3A_895 = tpu.memref_slice %arg2[%dma_wait3A_893, %dma_wait3A_894] : memref<100000x64xf32, #tpu.memory_space<hbm>> -> memref<100000x64xf32, #tpu.memory_space<hbm>>
    tpu.wait_indirect_dma semaphore(%arg14 : memref<!tpu.dma_semaphore, #tpu.memory_space<semaphore_mem>>) src(%dma_wait3A_895 : memref<100000x64xf32, #tpu.memory_space<hbm>>) dst(%arg6 : memref<128x64xf32, #tpu.memory_space<vmem>>)
    %dma_wait3A_896 = arith.constant 17 : i32
    %dma_wait3A_897 = arith.constant 0 : i32
    %dma_wait3A_898 = tpu.memref_slice %arg5[%dma_wait3A_896, %dma_wait3A_897] : memref<50x128xi32, #tpu.memory_space<vmem>> -> memref<1x128xi32, #tpu.memory_space<vmem>>
    %dma_wait3A_899 = tpu.memref_squeeze %dma_wait3A_898 : memref<1x128xi32, #tpu.memory_space<vmem>> -> memref<128xi32, #tpu.memory_space<vmem>>
    %dma_wait3A_900 = arith.constant 0 : i32
    %dma_wait3A_901 = arith.constant 0 : i32
    %dma_wait3A_902 = tpu.memref_slice %arg2[%dma_wait3A_900, %dma_wait3A_901] : memref<100000x64xf32, #tpu.memory_space<hbm>> -> memref<100000x64xf32, #tpu.memory_space<hbm>>
    tpu.wait_indirect_dma semaphore(%arg14 : memref<!tpu.dma_semaphore, #tpu.memory_space<semaphore_mem>>) src(%dma_wait3A_902 : memref<100000x64xf32, #tpu.memory_space<hbm>>) dst(%arg7 : memref<128x64xf32, #tpu.memory_space<vmem>>)
    %dma_start3A_903 = arith.constant 8 : i32
    %dma_start3A_904 = arith.constant 0 : i32
    %dma_start3A_905 = arith.constant 0 : i32
    %dma_start3A_906 = tpu.memref_slice %arg4[%dma_start3A_903, %dma_start3A_904, %dma_start3A_905] : memref<25x4096x128xf32, #tpu.memory_space<hbm>> -> memref<1x4096x128xf32, #tpu.memory_space<hbm>>
    %dma_start3A_907 = tpu.memref_squeeze %dma_start3A_906 : memref<1x4096x128xf32, #tpu.memory_space<hbm>> -> memref<4096x128xf32, #tpu.memory_space<hbm>>
    %dma_start3A_908 = arith.constant 0 : i32
    %dma_start3A_909 = tpu.memref_slice %dma_start3A_907[%mul3A_2, %dma_start3A_908] : memref<4096x128xf32, #tpu.memory_space<hbm>> -> memref<128x128xf32, #tpu.memory_space<hbm>>
    %dma_start3A_910 = arith.constant 0 : i32
    %dma_start3A_911 = arith.constant 0 : i32
    %dma_start3A_912 = tpu.memref_slice %dma_start3A_909[%dma_start3A_910, %dma_start3A_911] : memref<128x128xf32, #tpu.memory_space<hbm>> -> memref<128x64xf32, #tpu.memory_space<hbm>>
    %dma_start3A_913 = arith.constant 0 : i32
    %dma_start3A_914 = arith.constant 0 : i32
    %dma_start3A_915 = tpu.memref_slice %arg4[%dma_start3A_903, %dma_start3A_913, %dma_start3A_914] : memref<25x4096x128xf32, #tpu.memory_space<hbm>> -> memref<1x4096x128xf32, #tpu.memory_space<hbm>>
    %dma_start3A_916 = tpu.memref_squeeze %dma_start3A_915 : memref<1x4096x128xf32, #tpu.memory_space<hbm>> -> memref<4096x128xf32, #tpu.memory_space<hbm>>
    %dma_start3A_917 = arith.constant 0 : i32
    %dma_start3A_918 = tpu.memref_slice %dma_start3A_916[%mul3A_2, %dma_start3A_917] : memref<4096x128xf32, #tpu.memory_space<hbm>> -> memref<128x128xf32, #tpu.memory_space<hbm>>
    %dma_start3A_919 = arith.constant 0 : i32
    %dma_start3A_920 = arith.constant 0 : i32
    %dma_start3A_921 = tpu.memref_slice %dma_start3A_918[%dma_start3A_919, %dma_start3A_920] : memref<128x128xf32, #tpu.memory_space<hbm>> -> memref<128x64xf32, #tpu.memory_space<hbm>>
    tpu.enqueue_dma source(%arg6 : memref<128x64xf32, #tpu.memory_space<vmem>>) target(%dma_start3A_921 : memref<128x64xf32, #tpu.memory_space<hbm>>) target_semaphore(%arg18 : memref<!tpu.dma_semaphore, #tpu.memory_space<semaphore_mem>>)
    %dma_start3A_922 = arith.constant 8 : i32
    %dma_start3A_923 = arith.constant 0 : i32
    %dma_start3A_924 = arith.constant 0 : i32
    %dma_start3A_925 = tpu.memref_slice %arg4[%dma_start3A_922, %dma_start3A_923, %dma_start3A_924] : memref<25x4096x128xf32, #tpu.memory_space<hbm>> -> memref<1x4096x128xf32, #tpu.memory_space<hbm>>
    %dma_start3A_926 = tpu.memref_squeeze %dma_start3A_925 : memref<1x4096x128xf32, #tpu.memory_space<hbm>> -> memref<4096x128xf32, #tpu.memory_space<hbm>>
    %dma_start3A_927 = arith.constant 0 : i32
    %dma_start3A_928 = tpu.memref_slice %dma_start3A_926[%mul3A_2, %dma_start3A_927] : memref<4096x128xf32, #tpu.memory_space<hbm>> -> memref<128x128xf32, #tpu.memory_space<hbm>>
    %dma_start3A_929 = arith.constant 0 : i32
    %dma_start3A_930 = arith.constant 64 : i32
    %dma_start3A_931 = tpu.memref_slice %dma_start3A_928[%dma_start3A_929, %dma_start3A_930] : memref<128x128xf32, #tpu.memory_space<hbm>> -> memref<128x64xf32, #tpu.memory_space<hbm>>
    %dma_start3A_932 = arith.constant 0 : i32
    %dma_start3A_933 = arith.constant 0 : i32
    %dma_start3A_934 = tpu.memref_slice %arg4[%dma_start3A_922, %dma_start3A_932, %dma_start3A_933] : memref<25x4096x128xf32, #tpu.memory_space<hbm>> -> memref<1x4096x128xf32, #tpu.memory_space<hbm>>
    %dma_start3A_935 = tpu.memref_squeeze %dma_start3A_934 : memref<1x4096x128xf32, #tpu.memory_space<hbm>> -> memref<4096x128xf32, #tpu.memory_space<hbm>>
    %dma_start3A_936 = arith.constant 0 : i32
    %dma_start3A_937 = tpu.memref_slice %dma_start3A_935[%mul3A_2, %dma_start3A_936] : memref<4096x128xf32, #tpu.memory_space<hbm>> -> memref<128x128xf32, #tpu.memory_space<hbm>>
    %dma_start3A_938 = arith.constant 0 : i32
    %dma_start3A_939 = arith.constant 64 : i32
    %dma_start3A_940 = tpu.memref_slice %dma_start3A_937[%dma_start3A_938, %dma_start3A_939] : memref<128x128xf32, #tpu.memory_space<hbm>> -> memref<128x64xf32, #tpu.memory_space<hbm>>
    tpu.enqueue_dma source(%arg7 : memref<128x64xf32, #tpu.memory_space<vmem>>) target(%dma_start3A_940 : memref<128x64xf32, #tpu.memory_space<hbm>>) target_semaphore(%arg18 : memref<!tpu.dma_semaphore, #tpu.memory_space<semaphore_mem>>)
    %dma_wait3A_941 = arith.constant 8 : i32
    %dma_wait3A_942 = arith.constant 0 : i32
    %dma_wait3A_943 = arith.constant 0 : i32
    %dma_wait3A_944 = tpu.memref_slice %arg4[%dma_wait3A_941, %dma_wait3A_942, %dma_wait3A_943] : memref<25x4096x128xf32, #tpu.memory_space<hbm>> -> memref<1x4096x128xf32, #tpu.memory_space<hbm>>
    %dma_wait3A_945 = tpu.memref_squeeze %dma_wait3A_944 : memref<1x4096x128xf32, #tpu.memory_space<hbm>> -> memref<4096x128xf32, #tpu.memory_space<hbm>>
    %dma_wait3A_946 = arith.constant 0 : i32
    %dma_wait3A_947 = tpu.memref_slice %dma_wait3A_945[%mul3A_2, %dma_wait3A_946] : memref<4096x128xf32, #tpu.memory_space<hbm>> -> memref<128x128xf32, #tpu.memory_space<hbm>>
    %dma_wait3A_948 = arith.constant 0 : i32
    %dma_wait3A_949 = arith.constant 0 : i32
    %dma_wait3A_950 = tpu.memref_slice %dma_wait3A_947[%dma_wait3A_948, %dma_wait3A_949] : memref<128x128xf32, #tpu.memory_space<hbm>> -> memref<128x64xf32, #tpu.memory_space<hbm>>
    %dma_wait3A_951 = arith.constant 0 : i32
    %dma_wait3A_952 = arith.constant 0 : i32
    %dma_wait3A_953 = tpu.memref_slice %arg4[%dma_wait3A_941, %dma_wait3A_951, %dma_wait3A_952] : memref<25x4096x128xf32, #tpu.memory_space<hbm>> -> memref<1x4096x128xf32, #tpu.memory_space<hbm>>
    %dma_wait3A_954 = tpu.memref_squeeze %dma_wait3A_953 : memref<1x4096x128xf32, #tpu.memory_space<hbm>> -> memref<4096x128xf32, #tpu.memory_space<hbm>>
    %dma_wait3A_955 = arith.constant 0 : i32
    %dma_wait3A_956 = tpu.memref_slice %dma_wait3A_954[%mul3A_2, %dma_wait3A_955] : memref<4096x128xf32, #tpu.memory_space<hbm>> -> memref<128x128xf32, #tpu.memory_space<hbm>>
    %dma_wait3A_957 = arith.constant 0 : i32
    %dma_wait3A_958 = arith.constant 0 : i32
    %dma_wait3A_959 = tpu.memref_slice %dma_wait3A_956[%dma_wait3A_957, %dma_wait3A_958] : memref<128x128xf32, #tpu.memory_space<hbm>> -> memref<128x64xf32, #tpu.memory_space<hbm>>
    tpu.wait_dma2 semaphore(%arg18 : memref<!tpu.dma_semaphore, #tpu.memory_space<semaphore_mem>>) src(%arg6 : memref<128x64xf32, #tpu.memory_space<vmem>>) dst(%dma_wait3A_959 : memref<128x64xf32, #tpu.memory_space<hbm>>)
    %dma_wait3A_960 = arith.constant 8 : i32
    %dma_wait3A_961 = arith.constant 0 : i32
    %dma_wait3A_962 = arith.constant 0 : i32
    %dma_wait3A_963 = tpu.memref_slice %arg4[%dma_wait3A_960, %dma_wait3A_961, %dma_wait3A_962] : memref<25x4096x128xf32, #tpu.memory_space<hbm>> -> memref<1x4096x128xf32, #tpu.memory_space<hbm>>
    %dma_wait3A_964 = tpu.memref_squeeze %dma_wait3A_963 : memref<1x4096x128xf32, #tpu.memory_space<hbm>> -> memref<4096x128xf32, #tpu.memory_space<hbm>>
    %dma_wait3A_965 = arith.constant 0 : i32
    %dma_wait3A_966 = tpu.memref_slice %dma_wait3A_964[%mul3A_2, %dma_wait3A_965] : memref<4096x128xf32, #tpu.memory_space<hbm>> -> memref<128x128xf32, #tpu.memory_space<hbm>>
    %dma_wait3A_967 = arith.constant 0 : i32
    %dma_wait3A_968 = arith.constant 64 : i32
    %dma_wait3A_969 = tpu.memref_slice %dma_wait3A_966[%dma_wait3A_967, %dma_wait3A_968] : memref<128x128xf32, #tpu.memory_space<hbm>> -> memref<128x64xf32, #tpu.memory_space<hbm>>
    %dma_wait3A_970 = arith.constant 0 : i32
    %dma_wait3A_971 = arith.constant 0 : i32
    %dma_wait3A_972 = tpu.memref_slice %arg4[%dma_wait3A_960, %dma_wait3A_970, %dma_wait3A_971] : memref<25x4096x128xf32, #tpu.memory_space<hbm>> -> memref<1x4096x128xf32, #tpu.memory_space<hbm>>
    %dma_wait3A_973 = tpu.memref_squeeze %dma_wait3A_972 : memref<1x4096x128xf32, #tpu.memory_space<hbm>> -> memref<4096x128xf32, #tpu.memory_space<hbm>>
    %dma_wait3A_974 = arith.constant 0 : i32
    %dma_wait3A_975 = tpu.memref_slice %dma_wait3A_973[%mul3A_2, %dma_wait3A_974] : memref<4096x128xf32, #tpu.memory_space<hbm>> -> memref<128x128xf32, #tpu.memory_space<hbm>>
    %dma_wait3A_976 = arith.constant 0 : i32
    %dma_wait3A_977 = arith.constant 64 : i32
    %dma_wait3A_978 = tpu.memref_slice %dma_wait3A_975[%dma_wait3A_976, %dma_wait3A_977] : memref<128x128xf32, #tpu.memory_space<hbm>> -> memref<128x64xf32, #tpu.memory_space<hbm>>
    tpu.wait_dma2 semaphore(%arg18 : memref<!tpu.dma_semaphore, #tpu.memory_space<semaphore_mem>>) src(%arg7 : memref<128x64xf32, #tpu.memory_space<vmem>>) dst(%dma_wait3A_978 : memref<128x64xf32, #tpu.memory_space<hbm>>)
    %dma_start3A_979 = arith.constant 24 : i32
    %dma_start3A_980 = arith.constant 0 : i32
    %dma_start3A_981 = tpu.memref_slice %arg5[%dma_start3A_979, %dma_start3A_980] : memref<50x128xi32, #tpu.memory_space<vmem>> -> memref<1x128xi32, #tpu.memory_space<vmem>>
    %dma_start3A_982 = tpu.memref_squeeze %dma_start3A_981 : memref<1x128xi32, #tpu.memory_space<vmem>> -> memref<128xi32, #tpu.memory_space<vmem>>
    %dma_start3A_983 = arith.constant 0 : i32
    %dma_start3A_984 = arith.constant 0 : i32
    %dma_start3A_985 = tpu.memref_slice %arg2[%dma_start3A_983, %dma_start3A_984] : memref<100000x64xf32, #tpu.memory_space<hbm>> -> memref<100000x64xf32, #tpu.memory_space<hbm>>
    tpu.enqueue_indirect_dma source(%dma_start3A_985 : memref<100000x64xf32, #tpu.memory_space<hbm>>) target(%arg6 : memref<128x64xf32, #tpu.memory_space<vmem>>) offsets(%dma_start3A_982 : memref<128xi32, #tpu.memory_space<vmem>>) semaphore(%arg14 : memref<!tpu.dma_semaphore, #tpu.memory_space<semaphore_mem>>)
    %dma_start3A_986 = arith.constant 25 : i32
    %dma_start3A_987 = arith.constant 0 : i32
    %dma_start3A_988 = tpu.memref_slice %arg5[%dma_start3A_986, %dma_start3A_987] : memref<50x128xi32, #tpu.memory_space<vmem>> -> memref<1x128xi32, #tpu.memory_space<vmem>>
    %dma_start3A_989 = tpu.memref_squeeze %dma_start3A_988 : memref<1x128xi32, #tpu.memory_space<vmem>> -> memref<128xi32, #tpu.memory_space<vmem>>
    %dma_start3A_990 = arith.constant 0 : i32
    %dma_start3A_991 = arith.constant 0 : i32
    %dma_start3A_992 = tpu.memref_slice %arg2[%dma_start3A_990, %dma_start3A_991] : memref<100000x64xf32, #tpu.memory_space<hbm>> -> memref<100000x64xf32, #tpu.memory_space<hbm>>
    tpu.enqueue_indirect_dma source(%dma_start3A_992 : memref<100000x64xf32, #tpu.memory_space<hbm>>) target(%arg7 : memref<128x64xf32, #tpu.memory_space<vmem>>) offsets(%dma_start3A_989 : memref<128xi32, #tpu.memory_space<vmem>>) semaphore(%arg14 : memref<!tpu.dma_semaphore, #tpu.memory_space<semaphore_mem>>)
    %dma_wait3A_993 = arith.constant 18 : i32
    %dma_wait3A_994 = arith.constant 0 : i32
    %dma_wait3A_995 = tpu.memref_slice %arg5[%dma_wait3A_993, %dma_wait3A_994] : memref<50x128xi32, #tpu.memory_space<vmem>> -> memref<1x128xi32, #tpu.memory_space<vmem>>
    %dma_wait3A_996 = tpu.memref_squeeze %dma_wait3A_995 : memref<1x128xi32, #tpu.memory_space<vmem>> -> memref<128xi32, #tpu.memory_space<vmem>>
    %dma_wait3A_997 = arith.constant 0 : i32
    %dma_wait3A_998 = arith.constant 0 : i32
    %dma_wait3A_999 = tpu.memref_slice %arg2[%dma_wait3A_997, %dma_wait3A_998] : memref<100000x64xf32, #tpu.memory_space<hbm>> -> memref<100000x64xf32, #tpu.memory_space<hbm>>
    tpu.wait_indirect_dma semaphore(%arg15 : memref<!tpu.dma_semaphore, #tpu.memory_space<semaphore_mem>>) src(%dma_wait3A_999 : memref<100000x64xf32, #tpu.memory_space<hbm>>) dst(%arg8 : memref<128x64xf32, #tpu.memory_space<vmem>>)
    %dma_wait3A_1000 = arith.constant 19 : i32
    %dma_wait3A_1001 = arith.constant 0 : i32
    %dma_wait3A_1002 = tpu.memref_slice %arg5[%dma_wait3A_1000, %dma_wait3A_1001] : memref<50x128xi32, #tpu.memory_space<vmem>> -> memref<1x128xi32, #tpu.memory_space<vmem>>
    %dma_wait3A_1003 = tpu.memref_squeeze %dma_wait3A_1002 : memref<1x128xi32, #tpu.memory_space<vmem>> -> memref<128xi32, #tpu.memory_space<vmem>>
    %dma_wait3A_1004 = arith.constant 0 : i32
    %dma_wait3A_1005 = arith.constant 0 : i32
    %dma_wait3A_1006 = tpu.memref_slice %arg2[%dma_wait3A_1004, %dma_wait3A_1005] : memref<100000x64xf32, #tpu.memory_space<hbm>> -> memref<100000x64xf32, #tpu.memory_space<hbm>>
    tpu.wait_indirect_dma semaphore(%arg15 : memref<!tpu.dma_semaphore, #tpu.memory_space<semaphore_mem>>) src(%dma_wait3A_1006 : memref<100000x64xf32, #tpu.memory_space<hbm>>) dst(%arg9 : memref<128x64xf32, #tpu.memory_space<vmem>>)
    %dma_start3A_1007 = arith.constant 9 : i32
    %dma_start3A_1008 = arith.constant 0 : i32
    %dma_start3A_1009 = arith.constant 0 : i32
    %dma_start3A_1010 = tpu.memref_slice %arg4[%dma_start3A_1007, %dma_start3A_1008, %dma_start3A_1009] : memref<25x4096x128xf32, #tpu.memory_space<hbm>> -> memref<1x4096x128xf32, #tpu.memory_space<hbm>>
    %dma_start3A_1011 = tpu.memref_squeeze %dma_start3A_1010 : memref<1x4096x128xf32, #tpu.memory_space<hbm>> -> memref<4096x128xf32, #tpu.memory_space<hbm>>
    %dma_start3A_1012 = arith.constant 0 : i32
    %dma_start3A_1013 = tpu.memref_slice %dma_start3A_1011[%mul3A_2, %dma_start3A_1012] : memref<4096x128xf32, #tpu.memory_space<hbm>> -> memref<128x128xf32, #tpu.memory_space<hbm>>
    %dma_start3A_1014 = arith.constant 0 : i32
    %dma_start3A_1015 = arith.constant 0 : i32
    %dma_start3A_1016 = tpu.memref_slice %dma_start3A_1013[%dma_start3A_1014, %dma_start3A_1015] : memref<128x128xf32, #tpu.memory_space<hbm>> -> memref<128x64xf32, #tpu.memory_space<hbm>>
    %dma_start3A_1017 = arith.constant 0 : i32
    %dma_start3A_1018 = arith.constant 0 : i32
    %dma_start3A_1019 = tpu.memref_slice %arg4[%dma_start3A_1007, %dma_start3A_1017, %dma_start3A_1018] : memref<25x4096x128xf32, #tpu.memory_space<hbm>> -> memref<1x4096x128xf32, #tpu.memory_space<hbm>>
    %dma_start3A_1020 = tpu.memref_squeeze %dma_start3A_1019 : memref<1x4096x128xf32, #tpu.memory_space<hbm>> -> memref<4096x128xf32, #tpu.memory_space<hbm>>
    %dma_start3A_1021 = arith.constant 0 : i32
    %dma_start3A_1022 = tpu.memref_slice %dma_start3A_1020[%mul3A_2, %dma_start3A_1021] : memref<4096x128xf32, #tpu.memory_space<hbm>> -> memref<128x128xf32, #tpu.memory_space<hbm>>
    %dma_start3A_1023 = arith.constant 0 : i32
    %dma_start3A_1024 = arith.constant 0 : i32
    %dma_start3A_1025 = tpu.memref_slice %dma_start3A_1022[%dma_start3A_1023, %dma_start3A_1024] : memref<128x128xf32, #tpu.memory_space<hbm>> -> memref<128x64xf32, #tpu.memory_space<hbm>>
    tpu.enqueue_dma source(%arg8 : memref<128x64xf32, #tpu.memory_space<vmem>>) target(%dma_start3A_1025 : memref<128x64xf32, #tpu.memory_space<hbm>>) target_semaphore(%arg19 : memref<!tpu.dma_semaphore, #tpu.memory_space<semaphore_mem>>)
    %dma_start3A_1026 = arith.constant 9 : i32
    %dma_start3A_1027 = arith.constant 0 : i32
    %dma_start3A_1028 = arith.constant 0 : i32
    %dma_start3A_1029 = tpu.memref_slice %arg4[%dma_start3A_1026, %dma_start3A_1027, %dma_start3A_1028] : memref<25x4096x128xf32, #tpu.memory_space<hbm>> -> memref<1x4096x128xf32, #tpu.memory_space<hbm>>
    %dma_start3A_1030 = tpu.memref_squeeze %dma_start3A_1029 : memref<1x4096x128xf32, #tpu.memory_space<hbm>> -> memref<4096x128xf32, #tpu.memory_space<hbm>>
    %dma_start3A_1031 = arith.constant 0 : i32
    %dma_start3A_1032 = tpu.memref_slice %dma_start3A_1030[%mul3A_2, %dma_start3A_1031] : memref<4096x128xf32, #tpu.memory_space<hbm>> -> memref<128x128xf32, #tpu.memory_space<hbm>>
    %dma_start3A_1033 = arith.constant 0 : i32
    %dma_start3A_1034 = arith.constant 64 : i32
    %dma_start3A_1035 = tpu.memref_slice %dma_start3A_1032[%dma_start3A_1033, %dma_start3A_1034] : memref<128x128xf32, #tpu.memory_space<hbm>> -> memref<128x64xf32, #tpu.memory_space<hbm>>
    %dma_start3A_1036 = arith.constant 0 : i32
    %dma_start3A_1037 = arith.constant 0 : i32
    %dma_start3A_1038 = tpu.memref_slice %arg4[%dma_start3A_1026, %dma_start3A_1036, %dma_start3A_1037] : memref<25x4096x128xf32, #tpu.memory_space<hbm>> -> memref<1x4096x128xf32, #tpu.memory_space<hbm>>
    %dma_start3A_1039 = tpu.memref_squeeze %dma_start3A_1038 : memref<1x4096x128xf32, #tpu.memory_space<hbm>> -> memref<4096x128xf32, #tpu.memory_space<hbm>>
    %dma_start3A_1040 = arith.constant 0 : i32
    %dma_start3A_1041 = tpu.memref_slice %dma_start3A_1039[%mul3A_2, %dma_start3A_1040] : memref<4096x128xf32, #tpu.memory_space<hbm>> -> memref<128x128xf32, #tpu.memory_space<hbm>>
    %dma_start3A_1042 = arith.constant 0 : i32
    %dma_start3A_1043 = arith.constant 64 : i32
    %dma_start3A_1044 = tpu.memref_slice %dma_start3A_1041[%dma_start3A_1042, %dma_start3A_1043] : memref<128x128xf32, #tpu.memory_space<hbm>> -> memref<128x64xf32, #tpu.memory_space<hbm>>
    tpu.enqueue_dma source(%arg9 : memref<128x64xf32, #tpu.memory_space<vmem>>) target(%dma_start3A_1044 : memref<128x64xf32, #tpu.memory_space<hbm>>) target_semaphore(%arg19 : memref<!tpu.dma_semaphore, #tpu.memory_space<semaphore_mem>>)
    %dma_wait3A_1045 = arith.constant 9 : i32
    %dma_wait3A_1046 = arith.constant 0 : i32
    %dma_wait3A_1047 = arith.constant 0 : i32
    %dma_wait3A_1048 = tpu.memref_slice %arg4[%dma_wait3A_1045, %dma_wait3A_1046, %dma_wait3A_1047] : memref<25x4096x128xf32, #tpu.memory_space<hbm>> -> memref<1x4096x128xf32, #tpu.memory_space<hbm>>
    %dma_wait3A_1049 = tpu.memref_squeeze %dma_wait3A_1048 : memref<1x4096x128xf32, #tpu.memory_space<hbm>> -> memref<4096x128xf32, #tpu.memory_space<hbm>>
    %dma_wait3A_1050 = arith.constant 0 : i32
    %dma_wait3A_1051 = tpu.memref_slice %dma_wait3A_1049[%mul3A_2, %dma_wait3A_1050] : memref<4096x128xf32, #tpu.memory_space<hbm>> -> memref<128x128xf32, #tpu.memory_space<hbm>>
    %dma_wait3A_1052 = arith.constant 0 : i32
    %dma_wait3A_1053 = arith.constant 0 : i32
    %dma_wait3A_1054 = tpu.memref_slice %dma_wait3A_1051[%dma_wait3A_1052, %dma_wait3A_1053] : memref<128x128xf32, #tpu.memory_space<hbm>> -> memref<128x64xf32, #tpu.memory_space<hbm>>
    %dma_wait3A_1055 = arith.constant 0 : i32
    %dma_wait3A_1056 = arith.constant 0 : i32
    %dma_wait3A_1057 = tpu.memref_slice %arg4[%dma_wait3A_1045, %dma_wait3A_1055, %dma_wait3A_1056] : memref<25x4096x128xf32, #tpu.memory_space<hbm>> -> memref<1x4096x128xf32, #tpu.memory_space<hbm>>
    %dma_wait3A_1058 = tpu.memref_squeeze %dma_wait3A_1057 : memref<1x4096x128xf32, #tpu.memory_space<hbm>> -> memref<4096x128xf32, #tpu.memory_space<hbm>>
    %dma_wait3A_1059 = arith.constant 0 : i32
    %dma_wait3A_1060 = tpu.memref_slice %dma_wait3A_1058[%mul3A_2, %dma_wait3A_1059] : memref<4096x128xf32, #tpu.memory_space<hbm>> -> memref<128x128xf32, #tpu.memory_space<hbm>>
    %dma_wait3A_1061 = arith.constant 0 : i32
    %dma_wait3A_1062 = arith.constant 0 : i32
    %dma_wait3A_1063 = tpu.memref_slice %dma_wait3A_1060[%dma_wait3A_1061, %dma_wait3A_1062] : memref<128x128xf32, #tpu.memory_space<hbm>> -> memref<128x64xf32, #tpu.memory_space<hbm>>
    tpu.wait_dma2 semaphore(%arg19 : memref<!tpu.dma_semaphore, #tpu.memory_space<semaphore_mem>>) src(%arg8 : memref<128x64xf32, #tpu.memory_space<vmem>>) dst(%dma_wait3A_1063 : memref<128x64xf32, #tpu.memory_space<hbm>>)
    %dma_wait3A_1064 = arith.constant 9 : i32
    %dma_wait3A_1065 = arith.constant 0 : i32
    %dma_wait3A_1066 = arith.constant 0 : i32
    %dma_wait3A_1067 = tpu.memref_slice %arg4[%dma_wait3A_1064, %dma_wait3A_1065, %dma_wait3A_1066] : memref<25x4096x128xf32, #tpu.memory_space<hbm>> -> memref<1x4096x128xf32, #tpu.memory_space<hbm>>
    %dma_wait3A_1068 = tpu.memref_squeeze %dma_wait3A_1067 : memref<1x4096x128xf32, #tpu.memory_space<hbm>> -> memref<4096x128xf32, #tpu.memory_space<hbm>>
    %dma_wait3A_1069 = arith.constant 0 : i32
    %dma_wait3A_1070 = tpu.memref_slice %dma_wait3A_1068[%mul3A_2, %dma_wait3A_1069] : memref<4096x128xf32, #tpu.memory_space<hbm>> -> memref<128x128xf32, #tpu.memory_space<hbm>>
    %dma_wait3A_1071 = arith.constant 0 : i32
    %dma_wait3A_1072 = arith.constant 64 : i32
    %dma_wait3A_1073 = tpu.memref_slice %dma_wait3A_1070[%dma_wait3A_1071, %dma_wait3A_1072] : memref<128x128xf32, #tpu.memory_space<hbm>> -> memref<128x64xf32, #tpu.memory_space<hbm>>
    %dma_wait3A_1074 = arith.constant 0 : i32
    %dma_wait3A_1075 = arith.constant 0 : i32
    %dma_wait3A_1076 = tpu.memref_slice %arg4[%dma_wait3A_1064, %dma_wait3A_1074, %dma_wait3A_1075] : memref<25x4096x128xf32, #tpu.memory_space<hbm>> -> memref<1x4096x128xf32, #tpu.memory_space<hbm>>
    %dma_wait3A_1077 = tpu.memref_squeeze %dma_wait3A_1076 : memref<1x4096x128xf32, #tpu.memory_space<hbm>> -> memref<4096x128xf32, #tpu.memory_space<hbm>>
    %dma_wait3A_1078 = arith.constant 0 : i32
    %dma_wait3A_1079 = tpu.memref_slice %dma_wait3A_1077[%mul3A_2, %dma_wait3A_1078] : memref<4096x128xf32, #tpu.memory_space<hbm>> -> memref<128x128xf32, #tpu.memory_space<hbm>>
    %dma_wait3A_1080 = arith.constant 0 : i32
    %dma_wait3A_1081 = arith.constant 64 : i32
    %dma_wait3A_1082 = tpu.memref_slice %dma_wait3A_1079[%dma_wait3A_1080, %dma_wait3A_1081] : memref<128x128xf32, #tpu.memory_space<hbm>> -> memref<128x64xf32, #tpu.memory_space<hbm>>
    tpu.wait_dma2 semaphore(%arg19 : memref<!tpu.dma_semaphore, #tpu.memory_space<semaphore_mem>>) src(%arg9 : memref<128x64xf32, #tpu.memory_space<vmem>>) dst(%dma_wait3A_1082 : memref<128x64xf32, #tpu.memory_space<hbm>>)
    %dma_start3A_1083 = arith.constant 26 : i32
    %dma_start3A_1084 = arith.constant 0 : i32
    %dma_start3A_1085 = tpu.memref_slice %arg5[%dma_start3A_1083, %dma_start3A_1084] : memref<50x128xi32, #tpu.memory_space<vmem>> -> memref<1x128xi32, #tpu.memory_space<vmem>>
    %dma_start3A_1086 = tpu.memref_squeeze %dma_start3A_1085 : memref<1x128xi32, #tpu.memory_space<vmem>> -> memref<128xi32, #tpu.memory_space<vmem>>
    %dma_start3A_1087 = arith.constant 0 : i32
    %dma_start3A_1088 = arith.constant 0 : i32
    %dma_start3A_1089 = tpu.memref_slice %arg2[%dma_start3A_1087, %dma_start3A_1088] : memref<100000x64xf32, #tpu.memory_space<hbm>> -> memref<100000x64xf32, #tpu.memory_space<hbm>>
    tpu.enqueue_indirect_dma source(%dma_start3A_1089 : memref<100000x64xf32, #tpu.memory_space<hbm>>) target(%arg8 : memref<128x64xf32, #tpu.memory_space<vmem>>) offsets(%dma_start3A_1086 : memref<128xi32, #tpu.memory_space<vmem>>) semaphore(%arg15 : memref<!tpu.dma_semaphore, #tpu.memory_space<semaphore_mem>>)
    %dma_start3A_1090 = arith.constant 27 : i32
    %dma_start3A_1091 = arith.constant 0 : i32
    %dma_start3A_1092 = tpu.memref_slice %arg5[%dma_start3A_1090, %dma_start3A_1091] : memref<50x128xi32, #tpu.memory_space<vmem>> -> memref<1x128xi32, #tpu.memory_space<vmem>>
    %dma_start3A_1093 = tpu.memref_squeeze %dma_start3A_1092 : memref<1x128xi32, #tpu.memory_space<vmem>> -> memref<128xi32, #tpu.memory_space<vmem>>
    %dma_start3A_1094 = arith.constant 0 : i32
    %dma_start3A_1095 = arith.constant 0 : i32
    %dma_start3A_1096 = tpu.memref_slice %arg2[%dma_start3A_1094, %dma_start3A_1095] : memref<100000x64xf32, #tpu.memory_space<hbm>> -> memref<100000x64xf32, #tpu.memory_space<hbm>>
    tpu.enqueue_indirect_dma source(%dma_start3A_1096 : memref<100000x64xf32, #tpu.memory_space<hbm>>) target(%arg9 : memref<128x64xf32, #tpu.memory_space<vmem>>) offsets(%dma_start3A_1093 : memref<128xi32, #tpu.memory_space<vmem>>) semaphore(%arg15 : memref<!tpu.dma_semaphore, #tpu.memory_space<semaphore_mem>>)
    %dma_wait3A_1097 = arith.constant 20 : i32
    %dma_wait3A_1098 = arith.constant 0 : i32
    %dma_wait3A_1099 = tpu.memref_slice %arg5[%dma_wait3A_1097, %dma_wait3A_1098] : memref<50x128xi32, #tpu.memory_space<vmem>> -> memref<1x128xi32, #tpu.memory_space<vmem>>
    %dma_wait3A_1100 = tpu.memref_squeeze %dma_wait3A_1099 : memref<1x128xi32, #tpu.memory_space<vmem>> -> memref<128xi32, #tpu.memory_space<vmem>>
    %dma_wait3A_1101 = arith.constant 0 : i32
    %dma_wait3A_1102 = arith.constant 0 : i32
    %dma_wait3A_1103 = tpu.memref_slice %arg2[%dma_wait3A_1101, %dma_wait3A_1102] : memref<100000x64xf32, #tpu.memory_space<hbm>> -> memref<100000x64xf32, #tpu.memory_space<hbm>>
    tpu.wait_indirect_dma semaphore(%arg16 : memref<!tpu.dma_semaphore, #tpu.memory_space<semaphore_mem>>) src(%dma_wait3A_1103 : memref<100000x64xf32, #tpu.memory_space<hbm>>) dst(%arg10 : memref<128x64xf32, #tpu.memory_space<vmem>>)
    %dma_wait3A_1104 = arith.constant 21 : i32
    %dma_wait3A_1105 = arith.constant 0 : i32
    %dma_wait3A_1106 = tpu.memref_slice %arg5[%dma_wait3A_1104, %dma_wait3A_1105] : memref<50x128xi32, #tpu.memory_space<vmem>> -> memref<1x128xi32, #tpu.memory_space<vmem>>
    %dma_wait3A_1107 = tpu.memref_squeeze %dma_wait3A_1106 : memref<1x128xi32, #tpu.memory_space<vmem>> -> memref<128xi32, #tpu.memory_space<vmem>>
    %dma_wait3A_1108 = arith.constant 0 : i32
    %dma_wait3A_1109 = arith.constant 0 : i32
    %dma_wait3A_1110 = tpu.memref_slice %arg2[%dma_wait3A_1108, %dma_wait3A_1109] : memref<100000x64xf32, #tpu.memory_space<hbm>> -> memref<100000x64xf32, #tpu.memory_space<hbm>>
    tpu.wait_indirect_dma semaphore(%arg16 : memref<!tpu.dma_semaphore, #tpu.memory_space<semaphore_mem>>) src(%dma_wait3A_1110 : memref<100000x64xf32, #tpu.memory_space<hbm>>) dst(%arg11 : memref<128x64xf32, #tpu.memory_space<vmem>>)
    %dma_start3A_1111 = arith.constant 10 : i32
    %dma_start3A_1112 = arith.constant 0 : i32
    %dma_start3A_1113 = arith.constant 0 : i32
    %dma_start3A_1114 = tpu.memref_slice %arg4[%dma_start3A_1111, %dma_start3A_1112, %dma_start3A_1113] : memref<25x4096x128xf32, #tpu.memory_space<hbm>> -> memref<1x4096x128xf32, #tpu.memory_space<hbm>>
    %dma_start3A_1115 = tpu.memref_squeeze %dma_start3A_1114 : memref<1x4096x128xf32, #tpu.memory_space<hbm>> -> memref<4096x128xf32, #tpu.memory_space<hbm>>
    %dma_start3A_1116 = arith.constant 0 : i32
    %dma_start3A_1117 = tpu.memref_slice %dma_start3A_1115[%mul3A_2, %dma_start3A_1116] : memref<4096x128xf32, #tpu.memory_space<hbm>> -> memref<128x128xf32, #tpu.memory_space<hbm>>
    %dma_start3A_1118 = arith.constant 0 : i32
    %dma_start3A_1119 = arith.constant 0 : i32
    %dma_start3A_1120 = tpu.memref_slice %dma_start3A_1117[%dma_start3A_1118, %dma_start3A_1119] : memref<128x128xf32, #tpu.memory_space<hbm>> -> memref<128x64xf32, #tpu.memory_space<hbm>>
    %dma_start3A_1121 = arith.constant 0 : i32
    %dma_start3A_1122 = arith.constant 0 : i32
    %dma_start3A_1123 = tpu.memref_slice %arg4[%dma_start3A_1111, %dma_start3A_1121, %dma_start3A_1122] : memref<25x4096x128xf32, #tpu.memory_space<hbm>> -> memref<1x4096x128xf32, #tpu.memory_space<hbm>>
    %dma_start3A_1124 = tpu.memref_squeeze %dma_start3A_1123 : memref<1x4096x128xf32, #tpu.memory_space<hbm>> -> memref<4096x128xf32, #tpu.memory_space<hbm>>
    %dma_start3A_1125 = arith.constant 0 : i32
    %dma_start3A_1126 = tpu.memref_slice %dma_start3A_1124[%mul3A_2, %dma_start3A_1125] : memref<4096x128xf32, #tpu.memory_space<hbm>> -> memref<128x128xf32, #tpu.memory_space<hbm>>
    %dma_start3A_1127 = arith.constant 0 : i32
    %dma_start3A_1128 = arith.constant 0 : i32
    %dma_start3A_1129 = tpu.memref_slice %dma_start3A_1126[%dma_start3A_1127, %dma_start3A_1128] : memref<128x128xf32, #tpu.memory_space<hbm>> -> memref<128x64xf32, #tpu.memory_space<hbm>>
    tpu.enqueue_dma source(%arg10 : memref<128x64xf32, #tpu.memory_space<vmem>>) target(%dma_start3A_1129 : memref<128x64xf32, #tpu.memory_space<hbm>>) target_semaphore(%arg20 : memref<!tpu.dma_semaphore, #tpu.memory_space<semaphore_mem>>)
    %dma_start3A_1130 = arith.constant 10 : i32
    %dma_start3A_1131 = arith.constant 0 : i32
    %dma_start3A_1132 = arith.constant 0 : i32
    %dma_start3A_1133 = tpu.memref_slice %arg4[%dma_start3A_1130, %dma_start3A_1131, %dma_start3A_1132] : memref<25x4096x128xf32, #tpu.memory_space<hbm>> -> memref<1x4096x128xf32, #tpu.memory_space<hbm>>
    %dma_start3A_1134 = tpu.memref_squeeze %dma_start3A_1133 : memref<1x4096x128xf32, #tpu.memory_space<hbm>> -> memref<4096x128xf32, #tpu.memory_space<hbm>>
    %dma_start3A_1135 = arith.constant 0 : i32
    %dma_start3A_1136 = tpu.memref_slice %dma_start3A_1134[%mul3A_2, %dma_start3A_1135] : memref<4096x128xf32, #tpu.memory_space<hbm>> -> memref<128x128xf32, #tpu.memory_space<hbm>>
    %dma_start3A_1137 = arith.constant 0 : i32
    %dma_start3A_1138 = arith.constant 64 : i32
    %dma_start3A_1139 = tpu.memref_slice %dma_start3A_1136[%dma_start3A_1137, %dma_start3A_1138] : memref<128x128xf32, #tpu.memory_space<hbm>> -> memref<128x64xf32, #tpu.memory_space<hbm>>
    %dma_start3A_1140 = arith.constant 0 : i32
    %dma_start3A_1141 = arith.constant 0 : i32
    %dma_start3A_1142 = tpu.memref_slice %arg4[%dma_start3A_1130, %dma_start3A_1140, %dma_start3A_1141] : memref<25x4096x128xf32, #tpu.memory_space<hbm>> -> memref<1x4096x128xf32, #tpu.memory_space<hbm>>
    %dma_start3A_1143 = tpu.memref_squeeze %dma_start3A_1142 : memref<1x4096x128xf32, #tpu.memory_space<hbm>> -> memref<4096x128xf32, #tpu.memory_space<hbm>>
    %dma_start3A_1144 = arith.constant 0 : i32
    %dma_start3A_1145 = tpu.memref_slice %dma_start3A_1143[%mul3A_2, %dma_start3A_1144] : memref<4096x128xf32, #tpu.memory_space<hbm>> -> memref<128x128xf32, #tpu.memory_space<hbm>>
    %dma_start3A_1146 = arith.constant 0 : i32
    %dma_start3A_1147 = arith.constant 64 : i32
    %dma_start3A_1148 = tpu.memref_slice %dma_start3A_1145[%dma_start3A_1146, %dma_start3A_1147] : memref<128x128xf32, #tpu.memory_space<hbm>> -> memref<128x64xf32, #tpu.memory_space<hbm>>
    tpu.enqueue_dma source(%arg11 : memref<128x64xf32, #tpu.memory_space<vmem>>) target(%dma_start3A_1148 : memref<128x64xf32, #tpu.memory_space<hbm>>) target_semaphore(%arg20 : memref<!tpu.dma_semaphore, #tpu.memory_space<semaphore_mem>>)
    %dma_wait3A_1149 = arith.constant 10 : i32
    %dma_wait3A_1150 = arith.constant 0 : i32
    %dma_wait3A_1151 = arith.constant 0 : i32
    %dma_wait3A_1152 = tpu.memref_slice %arg4[%dma_wait3A_1149, %dma_wait3A_1150, %dma_wait3A_1151] : memref<25x4096x128xf32, #tpu.memory_space<hbm>> -> memref<1x4096x128xf32, #tpu.memory_space<hbm>>
    %dma_wait3A_1153 = tpu.memref_squeeze %dma_wait3A_1152 : memref<1x4096x128xf32, #tpu.memory_space<hbm>> -> memref<4096x128xf32, #tpu.memory_space<hbm>>
    %dma_wait3A_1154 = arith.constant 0 : i32
    %dma_wait3A_1155 = tpu.memref_slice %dma_wait3A_1153[%mul3A_2, %dma_wait3A_1154] : memref<4096x128xf32, #tpu.memory_space<hbm>> -> memref<128x128xf32, #tpu.memory_space<hbm>>
    %dma_wait3A_1156 = arith.constant 0 : i32
    %dma_wait3A_1157 = arith.constant 0 : i32
    %dma_wait3A_1158 = tpu.memref_slice %dma_wait3A_1155[%dma_wait3A_1156, %dma_wait3A_1157] : memref<128x128xf32, #tpu.memory_space<hbm>> -> memref<128x64xf32, #tpu.memory_space<hbm>>
    %dma_wait3A_1159 = arith.constant 0 : i32
    %dma_wait3A_1160 = arith.constant 0 : i32
    %dma_wait3A_1161 = tpu.memref_slice %arg4[%dma_wait3A_1149, %dma_wait3A_1159, %dma_wait3A_1160] : memref<25x4096x128xf32, #tpu.memory_space<hbm>> -> memref<1x4096x128xf32, #tpu.memory_space<hbm>>
    %dma_wait3A_1162 = tpu.memref_squeeze %dma_wait3A_1161 : memref<1x4096x128xf32, #tpu.memory_space<hbm>> -> memref<4096x128xf32, #tpu.memory_space<hbm>>
    %dma_wait3A_1163 = arith.constant 0 : i32
    %dma_wait3A_1164 = tpu.memref_slice %dma_wait3A_1162[%mul3A_2, %dma_wait3A_1163] : memref<4096x128xf32, #tpu.memory_space<hbm>> -> memref<128x128xf32, #tpu.memory_space<hbm>>
    %dma_wait3A_1165 = arith.constant 0 : i32
    %dma_wait3A_1166 = arith.constant 0 : i32
    %dma_wait3A_1167 = tpu.memref_slice %dma_wait3A_1164[%dma_wait3A_1165, %dma_wait3A_1166] : memref<128x128xf32, #tpu.memory_space<hbm>> -> memref<128x64xf32, #tpu.memory_space<hbm>>
    tpu.wait_dma2 semaphore(%arg20 : memref<!tpu.dma_semaphore, #tpu.memory_space<semaphore_mem>>) src(%arg10 : memref<128x64xf32, #tpu.memory_space<vmem>>) dst(%dma_wait3A_1167 : memref<128x64xf32, #tpu.memory_space<hbm>>)
    %dma_wait3A_1168 = arith.constant 10 : i32
    %dma_wait3A_1169 = arith.constant 0 : i32
    %dma_wait3A_1170 = arith.constant 0 : i32
    %dma_wait3A_1171 = tpu.memref_slice %arg4[%dma_wait3A_1168, %dma_wait3A_1169, %dma_wait3A_1170] : memref<25x4096x128xf32, #tpu.memory_space<hbm>> -> memref<1x4096x128xf32, #tpu.memory_space<hbm>>
    %dma_wait3A_1172 = tpu.memref_squeeze %dma_wait3A_1171 : memref<1x4096x128xf32, #tpu.memory_space<hbm>> -> memref<4096x128xf32, #tpu.memory_space<hbm>>
    %dma_wait3A_1173 = arith.constant 0 : i32
    %dma_wait3A_1174 = tpu.memref_slice %dma_wait3A_1172[%mul3A_2, %dma_wait3A_1173] : memref<4096x128xf32, #tpu.memory_space<hbm>> -> memref<128x128xf32, #tpu.memory_space<hbm>>
    %dma_wait3A_1175 = arith.constant 0 : i32
    %dma_wait3A_1176 = arith.constant 64 : i32
    %dma_wait3A_1177 = tpu.memref_slice %dma_wait3A_1174[%dma_wait3A_1175, %dma_wait3A_1176] : memref<128x128xf32, #tpu.memory_space<hbm>> -> memref<128x64xf32, #tpu.memory_space<hbm>>
    %dma_wait3A_1178 = arith.constant 0 : i32
    %dma_wait3A_1179 = arith.constant 0 : i32
    %dma_wait3A_1180 = tpu.memref_slice %arg4[%dma_wait3A_1168, %dma_wait3A_1178, %dma_wait3A_1179] : memref<25x4096x128xf32, #tpu.memory_space<hbm>> -> memref<1x4096x128xf32, #tpu.memory_space<hbm>>
    %dma_wait3A_1181 = tpu.memref_squeeze %dma_wait3A_1180 : memref<1x4096x128xf32, #tpu.memory_space<hbm>> -> memref<4096x128xf32, #tpu.memory_space<hbm>>
    %dma_wait3A_1182 = arith.constant 0 : i32
    %dma_wait3A_1183 = tpu.memref_slice %dma_wait3A_1181[%mul3A_2, %dma_wait3A_1182] : memref<4096x128xf32, #tpu.memory_space<hbm>> -> memref<128x128xf32, #tpu.memory_space<hbm>>
    %dma_wait3A_1184 = arith.constant 0 : i32
    %dma_wait3A_1185 = arith.constant 64 : i32
    %dma_wait3A_1186 = tpu.memref_slice %dma_wait3A_1183[%dma_wait3A_1184, %dma_wait3A_1185] : memref<128x128xf32, #tpu.memory_space<hbm>> -> memref<128x64xf32, #tpu.memory_space<hbm>>
    tpu.wait_dma2 semaphore(%arg20 : memref<!tpu.dma_semaphore, #tpu.memory_space<semaphore_mem>>) src(%arg11 : memref<128x64xf32, #tpu.memory_space<vmem>>) dst(%dma_wait3A_1186 : memref<128x64xf32, #tpu.memory_space<hbm>>)
    %dma_start3A_1187 = arith.constant 28 : i32
    %dma_start3A_1188 = arith.constant 0 : i32
    %dma_start3A_1189 = tpu.memref_slice %arg5[%dma_start3A_1187, %dma_start3A_1188] : memref<50x128xi32, #tpu.memory_space<vmem>> -> memref<1x128xi32, #tpu.memory_space<vmem>>
    %dma_start3A_1190 = tpu.memref_squeeze %dma_start3A_1189 : memref<1x128xi32, #tpu.memory_space<vmem>> -> memref<128xi32, #tpu.memory_space<vmem>>
    %dma_start3A_1191 = arith.constant 0 : i32
    %dma_start3A_1192 = arith.constant 0 : i32
    %dma_start3A_1193 = tpu.memref_slice %arg2[%dma_start3A_1191, %dma_start3A_1192] : memref<100000x64xf32, #tpu.memory_space<hbm>> -> memref<100000x64xf32, #tpu.memory_space<hbm>>
    tpu.enqueue_indirect_dma source(%dma_start3A_1193 : memref<100000x64xf32, #tpu.memory_space<hbm>>) target(%arg10 : memref<128x64xf32, #tpu.memory_space<vmem>>) offsets(%dma_start3A_1190 : memref<128xi32, #tpu.memory_space<vmem>>) semaphore(%arg16 : memref<!tpu.dma_semaphore, #tpu.memory_space<semaphore_mem>>)
    %dma_start3A_1194 = arith.constant 29 : i32
    %dma_start3A_1195 = arith.constant 0 : i32
    %dma_start3A_1196 = tpu.memref_slice %arg5[%dma_start3A_1194, %dma_start3A_1195] : memref<50x128xi32, #tpu.memory_space<vmem>> -> memref<1x128xi32, #tpu.memory_space<vmem>>
    %dma_start3A_1197 = tpu.memref_squeeze %dma_start3A_1196 : memref<1x128xi32, #tpu.memory_space<vmem>> -> memref<128xi32, #tpu.memory_space<vmem>>
    %dma_start3A_1198 = arith.constant 0 : i32
    %dma_start3A_1199 = arith.constant 0 : i32
    %dma_start3A_1200 = tpu.memref_slice %arg2[%dma_start3A_1198, %dma_start3A_1199] : memref<100000x64xf32, #tpu.memory_space<hbm>> -> memref<100000x64xf32, #tpu.memory_space<hbm>>
    tpu.enqueue_indirect_dma source(%dma_start3A_1200 : memref<100000x64xf32, #tpu.memory_space<hbm>>) target(%arg11 : memref<128x64xf32, #tpu.memory_space<vmem>>) offsets(%dma_start3A_1197 : memref<128xi32, #tpu.memory_space<vmem>>) semaphore(%arg16 : memref<!tpu.dma_semaphore, #tpu.memory_space<semaphore_mem>>)
    %dma_wait3A_1201 = arith.constant 22 : i32
    %dma_wait3A_1202 = arith.constant 0 : i32
    %dma_wait3A_1203 = tpu.memref_slice %arg5[%dma_wait3A_1201, %dma_wait3A_1202] : memref<50x128xi32, #tpu.memory_space<vmem>> -> memref<1x128xi32, #tpu.memory_space<vmem>>
    %dma_wait3A_1204 = tpu.memref_squeeze %dma_wait3A_1203 : memref<1x128xi32, #tpu.memory_space<vmem>> -> memref<128xi32, #tpu.memory_space<vmem>>
    %dma_wait3A_1205 = arith.constant 0 : i32
    %dma_wait3A_1206 = arith.constant 0 : i32
    %dma_wait3A_1207 = tpu.memref_slice %arg2[%dma_wait3A_1205, %dma_wait3A_1206] : memref<100000x64xf32, #tpu.memory_space<hbm>> -> memref<100000x64xf32, #tpu.memory_space<hbm>>
    tpu.wait_indirect_dma semaphore(%arg17 : memref<!tpu.dma_semaphore, #tpu.memory_space<semaphore_mem>>) src(%dma_wait3A_1207 : memref<100000x64xf32, #tpu.memory_space<hbm>>) dst(%arg12 : memref<128x64xf32, #tpu.memory_space<vmem>>)
    %dma_wait3A_1208 = arith.constant 23 : i32
    %dma_wait3A_1209 = arith.constant 0 : i32
    %dma_wait3A_1210 = tpu.memref_slice %arg5[%dma_wait3A_1208, %dma_wait3A_1209] : memref<50x128xi32, #tpu.memory_space<vmem>> -> memref<1x128xi32, #tpu.memory_space<vmem>>
    %dma_wait3A_1211 = tpu.memref_squeeze %dma_wait3A_1210 : memref<1x128xi32, #tpu.memory_space<vmem>> -> memref<128xi32, #tpu.memory_space<vmem>>
    %dma_wait3A_1212 = arith.constant 0 : i32
    %dma_wait3A_1213 = arith.constant 0 : i32
    %dma_wait3A_1214 = tpu.memref_slice %arg2[%dma_wait3A_1212, %dma_wait3A_1213] : memref<100000x64xf32, #tpu.memory_space<hbm>> -> memref<100000x64xf32, #tpu.memory_space<hbm>>
    tpu.wait_indirect_dma semaphore(%arg17 : memref<!tpu.dma_semaphore, #tpu.memory_space<semaphore_mem>>) src(%dma_wait3A_1214 : memref<100000x64xf32, #tpu.memory_space<hbm>>) dst(%arg13 : memref<128x64xf32, #tpu.memory_space<vmem>>)
    %dma_start3A_1215 = arith.constant 11 : i32
    %dma_start3A_1216 = arith.constant 0 : i32
    %dma_start3A_1217 = arith.constant 0 : i32
    %dma_start3A_1218 = tpu.memref_slice %arg4[%dma_start3A_1215, %dma_start3A_1216, %dma_start3A_1217] : memref<25x4096x128xf32, #tpu.memory_space<hbm>> -> memref<1x4096x128xf32, #tpu.memory_space<hbm>>
    %dma_start3A_1219 = tpu.memref_squeeze %dma_start3A_1218 : memref<1x4096x128xf32, #tpu.memory_space<hbm>> -> memref<4096x128xf32, #tpu.memory_space<hbm>>
    %dma_start3A_1220 = arith.constant 0 : i32
    %dma_start3A_1221 = tpu.memref_slice %dma_start3A_1219[%mul3A_2, %dma_start3A_1220] : memref<4096x128xf32, #tpu.memory_space<hbm>> -> memref<128x128xf32, #tpu.memory_space<hbm>>
    %dma_start3A_1222 = arith.constant 0 : i32
    %dma_start3A_1223 = arith.constant 0 : i32
    %dma_start3A_1224 = tpu.memref_slice %dma_start3A_1221[%dma_start3A_1222, %dma_start3A_1223] : memref<128x128xf32, #tpu.memory_space<hbm>> -> memref<128x64xf32, #tpu.memory_space<hbm>>
    %dma_start3A_1225 = arith.constant 0 : i32
    %dma_start3A_1226 = arith.constant 0 : i32
    %dma_start3A_1227 = tpu.memref_slice %arg4[%dma_start3A_1215, %dma_start3A_1225, %dma_start3A_1226] : memref<25x4096x128xf32, #tpu.memory_space<hbm>> -> memref<1x4096x128xf32, #tpu.memory_space<hbm>>
    %dma_start3A_1228 = tpu.memref_squeeze %dma_start3A_1227 : memref<1x4096x128xf32, #tpu.memory_space<hbm>> -> memref<4096x128xf32, #tpu.memory_space<hbm>>
    %dma_start3A_1229 = arith.constant 0 : i32
    %dma_start3A_1230 = tpu.memref_slice %dma_start3A_1228[%mul3A_2, %dma_start3A_1229] : memref<4096x128xf32, #tpu.memory_space<hbm>> -> memref<128x128xf32, #tpu.memory_space<hbm>>
    %dma_start3A_1231 = arith.constant 0 : i32
    %dma_start3A_1232 = arith.constant 0 : i32
    %dma_start3A_1233 = tpu.memref_slice %dma_start3A_1230[%dma_start3A_1231, %dma_start3A_1232] : memref<128x128xf32, #tpu.memory_space<hbm>> -> memref<128x64xf32, #tpu.memory_space<hbm>>
    tpu.enqueue_dma source(%arg12 : memref<128x64xf32, #tpu.memory_space<vmem>>) target(%dma_start3A_1233 : memref<128x64xf32, #tpu.memory_space<hbm>>) target_semaphore(%arg21 : memref<!tpu.dma_semaphore, #tpu.memory_space<semaphore_mem>>)
    %dma_start3A_1234 = arith.constant 11 : i32
    %dma_start3A_1235 = arith.constant 0 : i32
    %dma_start3A_1236 = arith.constant 0 : i32
    %dma_start3A_1237 = tpu.memref_slice %arg4[%dma_start3A_1234, %dma_start3A_1235, %dma_start3A_1236] : memref<25x4096x128xf32, #tpu.memory_space<hbm>> -> memref<1x4096x128xf32, #tpu.memory_space<hbm>>
    %dma_start3A_1238 = tpu.memref_squeeze %dma_start3A_1237 : memref<1x4096x128xf32, #tpu.memory_space<hbm>> -> memref<4096x128xf32, #tpu.memory_space<hbm>>
    %dma_start3A_1239 = arith.constant 0 : i32
    %dma_start3A_1240 = tpu.memref_slice %dma_start3A_1238[%mul3A_2, %dma_start3A_1239] : memref<4096x128xf32, #tpu.memory_space<hbm>> -> memref<128x128xf32, #tpu.memory_space<hbm>>
    %dma_start3A_1241 = arith.constant 0 : i32
    %dma_start3A_1242 = arith.constant 64 : i32
    %dma_start3A_1243 = tpu.memref_slice %dma_start3A_1240[%dma_start3A_1241, %dma_start3A_1242] : memref<128x128xf32, #tpu.memory_space<hbm>> -> memref<128x64xf32, #tpu.memory_space<hbm>>
    %dma_start3A_1244 = arith.constant 0 : i32
    %dma_start3A_1245 = arith.constant 0 : i32
    %dma_start3A_1246 = tpu.memref_slice %arg4[%dma_start3A_1234, %dma_start3A_1244, %dma_start3A_1245] : memref<25x4096x128xf32, #tpu.memory_space<hbm>> -> memref<1x4096x128xf32, #tpu.memory_space<hbm>>
    %dma_start3A_1247 = tpu.memref_squeeze %dma_start3A_1246 : memref<1x4096x128xf32, #tpu.memory_space<hbm>> -> memref<4096x128xf32, #tpu.memory_space<hbm>>
    %dma_start3A_1248 = arith.constant 0 : i32
    %dma_start3A_1249 = tpu.memref_slice %dma_start3A_1247[%mul3A_2, %dma_start3A_1248] : memref<4096x128xf32, #tpu.memory_space<hbm>> -> memref<128x128xf32, #tpu.memory_space<hbm>>
    %dma_start3A_1250 = arith.constant 0 : i32
    %dma_start3A_1251 = arith.constant 64 : i32
    %dma_start3A_1252 = tpu.memref_slice %dma_start3A_1249[%dma_start3A_1250, %dma_start3A_1251] : memref<128x128xf32, #tpu.memory_space<hbm>> -> memref<128x64xf32, #tpu.memory_space<hbm>>
    tpu.enqueue_dma source(%arg13 : memref<128x64xf32, #tpu.memory_space<vmem>>) target(%dma_start3A_1252 : memref<128x64xf32, #tpu.memory_space<hbm>>) target_semaphore(%arg21 : memref<!tpu.dma_semaphore, #tpu.memory_space<semaphore_mem>>)
    %dma_wait3A_1253 = arith.constant 11 : i32
    %dma_wait3A_1254 = arith.constant 0 : i32
    %dma_wait3A_1255 = arith.constant 0 : i32
    %dma_wait3A_1256 = tpu.memref_slice %arg4[%dma_wait3A_1253, %dma_wait3A_1254, %dma_wait3A_1255] : memref<25x4096x128xf32, #tpu.memory_space<hbm>> -> memref<1x4096x128xf32, #tpu.memory_space<hbm>>
    %dma_wait3A_1257 = tpu.memref_squeeze %dma_wait3A_1256 : memref<1x4096x128xf32, #tpu.memory_space<hbm>> -> memref<4096x128xf32, #tpu.memory_space<hbm>>
    %dma_wait3A_1258 = arith.constant 0 : i32
    %dma_wait3A_1259 = tpu.memref_slice %dma_wait3A_1257[%mul3A_2, %dma_wait3A_1258] : memref<4096x128xf32, #tpu.memory_space<hbm>> -> memref<128x128xf32, #tpu.memory_space<hbm>>
    %dma_wait3A_1260 = arith.constant 0 : i32
    %dma_wait3A_1261 = arith.constant 0 : i32
    %dma_wait3A_1262 = tpu.memref_slice %dma_wait3A_1259[%dma_wait3A_1260, %dma_wait3A_1261] : memref<128x128xf32, #tpu.memory_space<hbm>> -> memref<128x64xf32, #tpu.memory_space<hbm>>
    %dma_wait3A_1263 = arith.constant 0 : i32
    %dma_wait3A_1264 = arith.constant 0 : i32
    %dma_wait3A_1265 = tpu.memref_slice %arg4[%dma_wait3A_1253, %dma_wait3A_1263, %dma_wait3A_1264] : memref<25x4096x128xf32, #tpu.memory_space<hbm>> -> memref<1x4096x128xf32, #tpu.memory_space<hbm>>
    %dma_wait3A_1266 = tpu.memref_squeeze %dma_wait3A_1265 : memref<1x4096x128xf32, #tpu.memory_space<hbm>> -> memref<4096x128xf32, #tpu.memory_space<hbm>>
    %dma_wait3A_1267 = arith.constant 0 : i32
    %dma_wait3A_1268 = tpu.memref_slice %dma_wait3A_1266[%mul3A_2, %dma_wait3A_1267] : memref<4096x128xf32, #tpu.memory_space<hbm>> -> memref<128x128xf32, #tpu.memory_space<hbm>>
    %dma_wait3A_1269 = arith.constant 0 : i32
    %dma_wait3A_1270 = arith.constant 0 : i32
    %dma_wait3A_1271 = tpu.memref_slice %dma_wait3A_1268[%dma_wait3A_1269, %dma_wait3A_1270] : memref<128x128xf32, #tpu.memory_space<hbm>> -> memref<128x64xf32, #tpu.memory_space<hbm>>
    tpu.wait_dma2 semaphore(%arg21 : memref<!tpu.dma_semaphore, #tpu.memory_space<semaphore_mem>>) src(%arg12 : memref<128x64xf32, #tpu.memory_space<vmem>>) dst(%dma_wait3A_1271 : memref<128x64xf32, #tpu.memory_space<hbm>>)
    %dma_wait3A_1272 = arith.constant 11 : i32
    %dma_wait3A_1273 = arith.constant 0 : i32
    %dma_wait3A_1274 = arith.constant 0 : i32
    %dma_wait3A_1275 = tpu.memref_slice %arg4[%dma_wait3A_1272, %dma_wait3A_1273, %dma_wait3A_1274] : memref<25x4096x128xf32, #tpu.memory_space<hbm>> -> memref<1x4096x128xf32, #tpu.memory_space<hbm>>
    %dma_wait3A_1276 = tpu.memref_squeeze %dma_wait3A_1275 : memref<1x4096x128xf32, #tpu.memory_space<hbm>> -> memref<4096x128xf32, #tpu.memory_space<hbm>>
    %dma_wait3A_1277 = arith.constant 0 : i32
    %dma_wait3A_1278 = tpu.memref_slice %dma_wait3A_1276[%mul3A_2, %dma_wait3A_1277] : memref<4096x128xf32, #tpu.memory_space<hbm>> -> memref<128x128xf32, #tpu.memory_space<hbm>>
    %dma_wait3A_1279 = arith.constant 0 : i32
    %dma_wait3A_1280 = arith.constant 64 : i32
    %dma_wait3A_1281 = tpu.memref_slice %dma_wait3A_1278[%dma_wait3A_1279, %dma_wait3A_1280] : memref<128x128xf32, #tpu.memory_space<hbm>> -> memref<128x64xf32, #tpu.memory_space<hbm>>
    %dma_wait3A_1282 = arith.constant 0 : i32
    %dma_wait3A_1283 = arith.constant 0 : i32
    %dma_wait3A_1284 = tpu.memref_slice %arg4[%dma_wait3A_1272, %dma_wait3A_1282, %dma_wait3A_1283] : memref<25x4096x128xf32, #tpu.memory_space<hbm>> -> memref<1x4096x128xf32, #tpu.memory_space<hbm>>
    %dma_wait3A_1285 = tpu.memref_squeeze %dma_wait3A_1284 : memref<1x4096x128xf32, #tpu.memory_space<hbm>> -> memref<4096x128xf32, #tpu.memory_space<hbm>>
    %dma_wait3A_1286 = arith.constant 0 : i32
    %dma_wait3A_1287 = tpu.memref_slice %dma_wait3A_1285[%mul3A_2, %dma_wait3A_1286] : memref<4096x128xf32, #tpu.memory_space<hbm>> -> memref<128x128xf32, #tpu.memory_space<hbm>>
    %dma_wait3A_1288 = arith.constant 0 : i32
    %dma_wait3A_1289 = arith.constant 64 : i32
    %dma_wait3A_1290 = tpu.memref_slice %dma_wait3A_1287[%dma_wait3A_1288, %dma_wait3A_1289] : memref<128x128xf32, #tpu.memory_space<hbm>> -> memref<128x64xf32, #tpu.memory_space<hbm>>
    tpu.wait_dma2 semaphore(%arg21 : memref<!tpu.dma_semaphore, #tpu.memory_space<semaphore_mem>>) src(%arg13 : memref<128x64xf32, #tpu.memory_space<vmem>>) dst(%dma_wait3A_1290 : memref<128x64xf32, #tpu.memory_space<hbm>>)
    %dma_start3A_1291 = arith.constant 30 : i32
    %dma_start3A_1292 = arith.constant 0 : i32
    %dma_start3A_1293 = tpu.memref_slice %arg5[%dma_start3A_1291, %dma_start3A_1292] : memref<50x128xi32, #tpu.memory_space<vmem>> -> memref<1x128xi32, #tpu.memory_space<vmem>>
    %dma_start3A_1294 = tpu.memref_squeeze %dma_start3A_1293 : memref<1x128xi32, #tpu.memory_space<vmem>> -> memref<128xi32, #tpu.memory_space<vmem>>
    %dma_start3A_1295 = arith.constant 0 : i32
    %dma_start3A_1296 = arith.constant 0 : i32
    %dma_start3A_1297 = tpu.memref_slice %arg2[%dma_start3A_1295, %dma_start3A_1296] : memref<100000x64xf32, #tpu.memory_space<hbm>> -> memref<100000x64xf32, #tpu.memory_space<hbm>>
    tpu.enqueue_indirect_dma source(%dma_start3A_1297 : memref<100000x64xf32, #tpu.memory_space<hbm>>) target(%arg12 : memref<128x64xf32, #tpu.memory_space<vmem>>) offsets(%dma_start3A_1294 : memref<128xi32, #tpu.memory_space<vmem>>) semaphore(%arg17 : memref<!tpu.dma_semaphore, #tpu.memory_space<semaphore_mem>>)
    %dma_start3A_1298 = arith.constant 31 : i32
    %dma_start3A_1299 = arith.constant 0 : i32
    %dma_start3A_1300 = tpu.memref_slice %arg5[%dma_start3A_1298, %dma_start3A_1299] : memref<50x128xi32, #tpu.memory_space<vmem>> -> memref<1x128xi32, #tpu.memory_space<vmem>>
    %dma_start3A_1301 = tpu.memref_squeeze %dma_start3A_1300 : memref<1x128xi32, #tpu.memory_space<vmem>> -> memref<128xi32, #tpu.memory_space<vmem>>
    %dma_start3A_1302 = arith.constant 0 : i32
    %dma_start3A_1303 = arith.constant 0 : i32
    %dma_start3A_1304 = tpu.memref_slice %arg2[%dma_start3A_1302, %dma_start3A_1303] : memref<100000x64xf32, #tpu.memory_space<hbm>> -> memref<100000x64xf32, #tpu.memory_space<hbm>>
    tpu.enqueue_indirect_dma source(%dma_start3A_1304 : memref<100000x64xf32, #tpu.memory_space<hbm>>) target(%arg13 : memref<128x64xf32, #tpu.memory_space<vmem>>) offsets(%dma_start3A_1301 : memref<128xi32, #tpu.memory_space<vmem>>) semaphore(%arg17 : memref<!tpu.dma_semaphore, #tpu.memory_space<semaphore_mem>>)
    %dma_wait3A_1305 = arith.constant 24 : i32
    %dma_wait3A_1306 = arith.constant 0 : i32
    %dma_wait3A_1307 = tpu.memref_slice %arg5[%dma_wait3A_1305, %dma_wait3A_1306] : memref<50x128xi32, #tpu.memory_space<vmem>> -> memref<1x128xi32, #tpu.memory_space<vmem>>
    %dma_wait3A_1308 = tpu.memref_squeeze %dma_wait3A_1307 : memref<1x128xi32, #tpu.memory_space<vmem>> -> memref<128xi32, #tpu.memory_space<vmem>>
    %dma_wait3A_1309 = arith.constant 0 : i32
    %dma_wait3A_1310 = arith.constant 0 : i32
    %dma_wait3A_1311 = tpu.memref_slice %arg2[%dma_wait3A_1309, %dma_wait3A_1310] : memref<100000x64xf32, #tpu.memory_space<hbm>> -> memref<100000x64xf32, #tpu.memory_space<hbm>>
    tpu.wait_indirect_dma semaphore(%arg14 : memref<!tpu.dma_semaphore, #tpu.memory_space<semaphore_mem>>) src(%dma_wait3A_1311 : memref<100000x64xf32, #tpu.memory_space<hbm>>) dst(%arg6 : memref<128x64xf32, #tpu.memory_space<vmem>>)
    %dma_wait3A_1312 = arith.constant 25 : i32
    %dma_wait3A_1313 = arith.constant 0 : i32
    %dma_wait3A_1314 = tpu.memref_slice %arg5[%dma_wait3A_1312, %dma_wait3A_1313] : memref<50x128xi32, #tpu.memory_space<vmem>> -> memref<1x128xi32, #tpu.memory_space<vmem>>
    %dma_wait3A_1315 = tpu.memref_squeeze %dma_wait3A_1314 : memref<1x128xi32, #tpu.memory_space<vmem>> -> memref<128xi32, #tpu.memory_space<vmem>>
    %dma_wait3A_1316 = arith.constant 0 : i32
    %dma_wait3A_1317 = arith.constant 0 : i32
    %dma_wait3A_1318 = tpu.memref_slice %arg2[%dma_wait3A_1316, %dma_wait3A_1317] : memref<100000x64xf32, #tpu.memory_space<hbm>> -> memref<100000x64xf32, #tpu.memory_space<hbm>>
    tpu.wait_indirect_dma semaphore(%arg14 : memref<!tpu.dma_semaphore, #tpu.memory_space<semaphore_mem>>) src(%dma_wait3A_1318 : memref<100000x64xf32, #tpu.memory_space<hbm>>) dst(%arg7 : memref<128x64xf32, #tpu.memory_space<vmem>>)
    %dma_start3A_1319 = arith.constant 12 : i32
    %dma_start3A_1320 = arith.constant 0 : i32
    %dma_start3A_1321 = arith.constant 0 : i32
    %dma_start3A_1322 = tpu.memref_slice %arg4[%dma_start3A_1319, %dma_start3A_1320, %dma_start3A_1321] : memref<25x4096x128xf32, #tpu.memory_space<hbm>> -> memref<1x4096x128xf32, #tpu.memory_space<hbm>>
    %dma_start3A_1323 = tpu.memref_squeeze %dma_start3A_1322 : memref<1x4096x128xf32, #tpu.memory_space<hbm>> -> memref<4096x128xf32, #tpu.memory_space<hbm>>
    %dma_start3A_1324 = arith.constant 0 : i32
    %dma_start3A_1325 = tpu.memref_slice %dma_start3A_1323[%mul3A_2, %dma_start3A_1324] : memref<4096x128xf32, #tpu.memory_space<hbm>> -> memref<128x128xf32, #tpu.memory_space<hbm>>
    %dma_start3A_1326 = arith.constant 0 : i32
    %dma_start3A_1327 = arith.constant 0 : i32
    %dma_start3A_1328 = tpu.memref_slice %dma_start3A_1325[%dma_start3A_1326, %dma_start3A_1327] : memref<128x128xf32, #tpu.memory_space<hbm>> -> memref<128x64xf32, #tpu.memory_space<hbm>>
    %dma_start3A_1329 = arith.constant 0 : i32
    %dma_start3A_1330 = arith.constant 0 : i32
    %dma_start3A_1331 = tpu.memref_slice %arg4[%dma_start3A_1319, %dma_start3A_1329, %dma_start3A_1330] : memref<25x4096x128xf32, #tpu.memory_space<hbm>> -> memref<1x4096x128xf32, #tpu.memory_space<hbm>>
    %dma_start3A_1332 = tpu.memref_squeeze %dma_start3A_1331 : memref<1x4096x128xf32, #tpu.memory_space<hbm>> -> memref<4096x128xf32, #tpu.memory_space<hbm>>
    %dma_start3A_1333 = arith.constant 0 : i32
    %dma_start3A_1334 = tpu.memref_slice %dma_start3A_1332[%mul3A_2, %dma_start3A_1333] : memref<4096x128xf32, #tpu.memory_space<hbm>> -> memref<128x128xf32, #tpu.memory_space<hbm>>
    %dma_start3A_1335 = arith.constant 0 : i32
    %dma_start3A_1336 = arith.constant 0 : i32
    %dma_start3A_1337 = tpu.memref_slice %dma_start3A_1334[%dma_start3A_1335, %dma_start3A_1336] : memref<128x128xf32, #tpu.memory_space<hbm>> -> memref<128x64xf32, #tpu.memory_space<hbm>>
    tpu.enqueue_dma source(%arg6 : memref<128x64xf32, #tpu.memory_space<vmem>>) target(%dma_start3A_1337 : memref<128x64xf32, #tpu.memory_space<hbm>>) target_semaphore(%arg18 : memref<!tpu.dma_semaphore, #tpu.memory_space<semaphore_mem>>)
    %dma_start3A_1338 = arith.constant 12 : i32
    %dma_start3A_1339 = arith.constant 0 : i32
    %dma_start3A_1340 = arith.constant 0 : i32
    %dma_start3A_1341 = tpu.memref_slice %arg4[%dma_start3A_1338, %dma_start3A_1339, %dma_start3A_1340] : memref<25x4096x128xf32, #tpu.memory_space<hbm>> -> memref<1x4096x128xf32, #tpu.memory_space<hbm>>
    %dma_start3A_1342 = tpu.memref_squeeze %dma_start3A_1341 : memref<1x4096x128xf32, #tpu.memory_space<hbm>> -> memref<4096x128xf32, #tpu.memory_space<hbm>>
    %dma_start3A_1343 = arith.constant 0 : i32
    %dma_start3A_1344 = tpu.memref_slice %dma_start3A_1342[%mul3A_2, %dma_start3A_1343] : memref<4096x128xf32, #tpu.memory_space<hbm>> -> memref<128x128xf32, #tpu.memory_space<hbm>>
    %dma_start3A_1345 = arith.constant 0 : i32
    %dma_start3A_1346 = arith.constant 64 : i32
    %dma_start3A_1347 = tpu.memref_slice %dma_start3A_1344[%dma_start3A_1345, %dma_start3A_1346] : memref<128x128xf32, #tpu.memory_space<hbm>> -> memref<128x64xf32, #tpu.memory_space<hbm>>
    %dma_start3A_1348 = arith.constant 0 : i32
    %dma_start3A_1349 = arith.constant 0 : i32
    %dma_start3A_1350 = tpu.memref_slice %arg4[%dma_start3A_1338, %dma_start3A_1348, %dma_start3A_1349] : memref<25x4096x128xf32, #tpu.memory_space<hbm>> -> memref<1x4096x128xf32, #tpu.memory_space<hbm>>
    %dma_start3A_1351 = tpu.memref_squeeze %dma_start3A_1350 : memref<1x4096x128xf32, #tpu.memory_space<hbm>> -> memref<4096x128xf32, #tpu.memory_space<hbm>>
    %dma_start3A_1352 = arith.constant 0 : i32
    %dma_start3A_1353 = tpu.memref_slice %dma_start3A_1351[%mul3A_2, %dma_start3A_1352] : memref<4096x128xf32, #tpu.memory_space<hbm>> -> memref<128x128xf32, #tpu.memory_space<hbm>>
    %dma_start3A_1354 = arith.constant 0 : i32
    %dma_start3A_1355 = arith.constant 64 : i32
    %dma_start3A_1356 = tpu.memref_slice %dma_start3A_1353[%dma_start3A_1354, %dma_start3A_1355] : memref<128x128xf32, #tpu.memory_space<hbm>> -> memref<128x64xf32, #tpu.memory_space<hbm>>
    tpu.enqueue_dma source(%arg7 : memref<128x64xf32, #tpu.memory_space<vmem>>) target(%dma_start3A_1356 : memref<128x64xf32, #tpu.memory_space<hbm>>) target_semaphore(%arg18 : memref<!tpu.dma_semaphore, #tpu.memory_space<semaphore_mem>>)
    %dma_wait3A_1357 = arith.constant 12 : i32
    %dma_wait3A_1358 = arith.constant 0 : i32
    %dma_wait3A_1359 = arith.constant 0 : i32
    %dma_wait3A_1360 = tpu.memref_slice %arg4[%dma_wait3A_1357, %dma_wait3A_1358, %dma_wait3A_1359] : memref<25x4096x128xf32, #tpu.memory_space<hbm>> -> memref<1x4096x128xf32, #tpu.memory_space<hbm>>
    %dma_wait3A_1361 = tpu.memref_squeeze %dma_wait3A_1360 : memref<1x4096x128xf32, #tpu.memory_space<hbm>> -> memref<4096x128xf32, #tpu.memory_space<hbm>>
    %dma_wait3A_1362 = arith.constant 0 : i32
    %dma_wait3A_1363 = tpu.memref_slice %dma_wait3A_1361[%mul3A_2, %dma_wait3A_1362] : memref<4096x128xf32, #tpu.memory_space<hbm>> -> memref<128x128xf32, #tpu.memory_space<hbm>>
    %dma_wait3A_1364 = arith.constant 0 : i32
    %dma_wait3A_1365 = arith.constant 0 : i32
    %dma_wait3A_1366 = tpu.memref_slice %dma_wait3A_1363[%dma_wait3A_1364, %dma_wait3A_1365] : memref<128x128xf32, #tpu.memory_space<hbm>> -> memref<128x64xf32, #tpu.memory_space<hbm>>
    %dma_wait3A_1367 = arith.constant 0 : i32
    %dma_wait3A_1368 = arith.constant 0 : i32
    %dma_wait3A_1369 = tpu.memref_slice %arg4[%dma_wait3A_1357, %dma_wait3A_1367, %dma_wait3A_1368] : memref<25x4096x128xf32, #tpu.memory_space<hbm>> -> memref<1x4096x128xf32, #tpu.memory_space<hbm>>
    %dma_wait3A_1370 = tpu.memref_squeeze %dma_wait3A_1369 : memref<1x4096x128xf32, #tpu.memory_space<hbm>> -> memref<4096x128xf32, #tpu.memory_space<hbm>>
    %dma_wait3A_1371 = arith.constant 0 : i32
    %dma_wait3A_1372 = tpu.memref_slice %dma_wait3A_1370[%mul3A_2, %dma_wait3A_1371] : memref<4096x128xf32, #tpu.memory_space<hbm>> -> memref<128x128xf32, #tpu.memory_space<hbm>>
    %dma_wait3A_1373 = arith.constant 0 : i32
    %dma_wait3A_1374 = arith.constant 0 : i32
    %dma_wait3A_1375 = tpu.memref_slice %dma_wait3A_1372[%dma_wait3A_1373, %dma_wait3A_1374] : memref<128x128xf32, #tpu.memory_space<hbm>> -> memref<128x64xf32, #tpu.memory_space<hbm>>
    tpu.wait_dma2 semaphore(%arg18 : memref<!tpu.dma_semaphore, #tpu.memory_space<semaphore_mem>>) src(%arg6 : memref<128x64xf32, #tpu.memory_space<vmem>>) dst(%dma_wait3A_1375 : memref<128x64xf32, #tpu.memory_space<hbm>>)
    %dma_wait3A_1376 = arith.constant 12 : i32
    %dma_wait3A_1377 = arith.constant 0 : i32
    %dma_wait3A_1378 = arith.constant 0 : i32
    %dma_wait3A_1379 = tpu.memref_slice %arg4[%dma_wait3A_1376, %dma_wait3A_1377, %dma_wait3A_1378] : memref<25x4096x128xf32, #tpu.memory_space<hbm>> -> memref<1x4096x128xf32, #tpu.memory_space<hbm>>
    %dma_wait3A_1380 = tpu.memref_squeeze %dma_wait3A_1379 : memref<1x4096x128xf32, #tpu.memory_space<hbm>> -> memref<4096x128xf32, #tpu.memory_space<hbm>>
    %dma_wait3A_1381 = arith.constant 0 : i32
    %dma_wait3A_1382 = tpu.memref_slice %dma_wait3A_1380[%mul3A_2, %dma_wait3A_1381] : memref<4096x128xf32, #tpu.memory_space<hbm>> -> memref<128x128xf32, #tpu.memory_space<hbm>>
    %dma_wait3A_1383 = arith.constant 0 : i32
    %dma_wait3A_1384 = arith.constant 64 : i32
    %dma_wait3A_1385 = tpu.memref_slice %dma_wait3A_1382[%dma_wait3A_1383, %dma_wait3A_1384] : memref<128x128xf32, #tpu.memory_space<hbm>> -> memref<128x64xf32, #tpu.memory_space<hbm>>
    %dma_wait3A_1386 = arith.constant 0 : i32
    %dma_wait3A_1387 = arith.constant 0 : i32
    %dma_wait3A_1388 = tpu.memref_slice %arg4[%dma_wait3A_1376, %dma_wait3A_1386, %dma_wait3A_1387] : memref<25x4096x128xf32, #tpu.memory_space<hbm>> -> memref<1x4096x128xf32, #tpu.memory_space<hbm>>
    %dma_wait3A_1389 = tpu.memref_squeeze %dma_wait3A_1388 : memref<1x4096x128xf32, #tpu.memory_space<hbm>> -> memref<4096x128xf32, #tpu.memory_space<hbm>>
    %dma_wait3A_1390 = arith.constant 0 : i32
    %dma_wait3A_1391 = tpu.memref_slice %dma_wait3A_1389[%mul3A_2, %dma_wait3A_1390] : memref<4096x128xf32, #tpu.memory_space<hbm>> -> memref<128x128xf32, #tpu.memory_space<hbm>>
    %dma_wait3A_1392 = arith.constant 0 : i32
    %dma_wait3A_1393 = arith.constant 64 : i32
    %dma_wait3A_1394 = tpu.memref_slice %dma_wait3A_1391[%dma_wait3A_1392, %dma_wait3A_1393] : memref<128x128xf32, #tpu.memory_space<hbm>> -> memref<128x64xf32, #tpu.memory_space<hbm>>
    tpu.wait_dma2 semaphore(%arg18 : memref<!tpu.dma_semaphore, #tpu.memory_space<semaphore_mem>>) src(%arg7 : memref<128x64xf32, #tpu.memory_space<vmem>>) dst(%dma_wait3A_1394 : memref<128x64xf32, #tpu.memory_space<hbm>>)
    %dma_start3A_1395 = arith.constant 32 : i32
    %dma_start3A_1396 = arith.constant 0 : i32
    %dma_start3A_1397 = tpu.memref_slice %arg5[%dma_start3A_1395, %dma_start3A_1396] : memref<50x128xi32, #tpu.memory_space<vmem>> -> memref<1x128xi32, #tpu.memory_space<vmem>>
    %dma_start3A_1398 = tpu.memref_squeeze %dma_start3A_1397 : memref<1x128xi32, #tpu.memory_space<vmem>> -> memref<128xi32, #tpu.memory_space<vmem>>
    %dma_start3A_1399 = arith.constant 0 : i32
    %dma_start3A_1400 = arith.constant 0 : i32
    %dma_start3A_1401 = tpu.memref_slice %arg2[%dma_start3A_1399, %dma_start3A_1400] : memref<100000x64xf32, #tpu.memory_space<hbm>> -> memref<100000x64xf32, #tpu.memory_space<hbm>>
    tpu.enqueue_indirect_dma source(%dma_start3A_1401 : memref<100000x64xf32, #tpu.memory_space<hbm>>) target(%arg6 : memref<128x64xf32, #tpu.memory_space<vmem>>) offsets(%dma_start3A_1398 : memref<128xi32, #tpu.memory_space<vmem>>) semaphore(%arg14 : memref<!tpu.dma_semaphore, #tpu.memory_space<semaphore_mem>>)
    %dma_start3A_1402 = arith.constant 33 : i32
    %dma_start3A_1403 = arith.constant 0 : i32
    %dma_start3A_1404 = tpu.memref_slice %arg5[%dma_start3A_1402, %dma_start3A_1403] : memref<50x128xi32, #tpu.memory_space<vmem>> -> memref<1x128xi32, #tpu.memory_space<vmem>>
    %dma_start3A_1405 = tpu.memref_squeeze %dma_start3A_1404 : memref<1x128xi32, #tpu.memory_space<vmem>> -> memref<128xi32, #tpu.memory_space<vmem>>
    %dma_start3A_1406 = arith.constant 0 : i32
    %dma_start3A_1407 = arith.constant 0 : i32
    %dma_start3A_1408 = tpu.memref_slice %arg2[%dma_start3A_1406, %dma_start3A_1407] : memref<100000x64xf32, #tpu.memory_space<hbm>> -> memref<100000x64xf32, #tpu.memory_space<hbm>>
    tpu.enqueue_indirect_dma source(%dma_start3A_1408 : memref<100000x64xf32, #tpu.memory_space<hbm>>) target(%arg7 : memref<128x64xf32, #tpu.memory_space<vmem>>) offsets(%dma_start3A_1405 : memref<128xi32, #tpu.memory_space<vmem>>) semaphore(%arg14 : memref<!tpu.dma_semaphore, #tpu.memory_space<semaphore_mem>>)
    %dma_wait3A_1409 = arith.constant 26 : i32
    %dma_wait3A_1410 = arith.constant 0 : i32
    %dma_wait3A_1411 = tpu.memref_slice %arg5[%dma_wait3A_1409, %dma_wait3A_1410] : memref<50x128xi32, #tpu.memory_space<vmem>> -> memref<1x128xi32, #tpu.memory_space<vmem>>
    %dma_wait3A_1412 = tpu.memref_squeeze %dma_wait3A_1411 : memref<1x128xi32, #tpu.memory_space<vmem>> -> memref<128xi32, #tpu.memory_space<vmem>>
    %dma_wait3A_1413 = arith.constant 0 : i32
    %dma_wait3A_1414 = arith.constant 0 : i32
    %dma_wait3A_1415 = tpu.memref_slice %arg2[%dma_wait3A_1413, %dma_wait3A_1414] : memref<100000x64xf32, #tpu.memory_space<hbm>> -> memref<100000x64xf32, #tpu.memory_space<hbm>>
    tpu.wait_indirect_dma semaphore(%arg15 : memref<!tpu.dma_semaphore, #tpu.memory_space<semaphore_mem>>) src(%dma_wait3A_1415 : memref<100000x64xf32, #tpu.memory_space<hbm>>) dst(%arg8 : memref<128x64xf32, #tpu.memory_space<vmem>>)
    %dma_wait3A_1416 = arith.constant 27 : i32
    %dma_wait3A_1417 = arith.constant 0 : i32
    %dma_wait3A_1418 = tpu.memref_slice %arg5[%dma_wait3A_1416, %dma_wait3A_1417] : memref<50x128xi32, #tpu.memory_space<vmem>> -> memref<1x128xi32, #tpu.memory_space<vmem>>
    %dma_wait3A_1419 = tpu.memref_squeeze %dma_wait3A_1418 : memref<1x128xi32, #tpu.memory_space<vmem>> -> memref<128xi32, #tpu.memory_space<vmem>>
    %dma_wait3A_1420 = arith.constant 0 : i32
    %dma_wait3A_1421 = arith.constant 0 : i32
    %dma_wait3A_1422 = tpu.memref_slice %arg2[%dma_wait3A_1420, %dma_wait3A_1421] : memref<100000x64xf32, #tpu.memory_space<hbm>> -> memref<100000x64xf32, #tpu.memory_space<hbm>>
    tpu.wait_indirect_dma semaphore(%arg15 : memref<!tpu.dma_semaphore, #tpu.memory_space<semaphore_mem>>) src(%dma_wait3A_1422 : memref<100000x64xf32, #tpu.memory_space<hbm>>) dst(%arg9 : memref<128x64xf32, #tpu.memory_space<vmem>>)
    %dma_start3A_1423 = arith.constant 13 : i32
    %dma_start3A_1424 = arith.constant 0 : i32
    %dma_start3A_1425 = arith.constant 0 : i32
    %dma_start3A_1426 = tpu.memref_slice %arg4[%dma_start3A_1423, %dma_start3A_1424, %dma_start3A_1425] : memref<25x4096x128xf32, #tpu.memory_space<hbm>> -> memref<1x4096x128xf32, #tpu.memory_space<hbm>>
    %dma_start3A_1427 = tpu.memref_squeeze %dma_start3A_1426 : memref<1x4096x128xf32, #tpu.memory_space<hbm>> -> memref<4096x128xf32, #tpu.memory_space<hbm>>
    %dma_start3A_1428 = arith.constant 0 : i32
    %dma_start3A_1429 = tpu.memref_slice %dma_start3A_1427[%mul3A_2, %dma_start3A_1428] : memref<4096x128xf32, #tpu.memory_space<hbm>> -> memref<128x128xf32, #tpu.memory_space<hbm>>
    %dma_start3A_1430 = arith.constant 0 : i32
    %dma_start3A_1431 = arith.constant 0 : i32
    %dma_start3A_1432 = tpu.memref_slice %dma_start3A_1429[%dma_start3A_1430, %dma_start3A_1431] : memref<128x128xf32, #tpu.memory_space<hbm>> -> memref<128x64xf32, #tpu.memory_space<hbm>>
    %dma_start3A_1433 = arith.constant 0 : i32
    %dma_start3A_1434 = arith.constant 0 : i32
    %dma_start3A_1435 = tpu.memref_slice %arg4[%dma_start3A_1423, %dma_start3A_1433, %dma_start3A_1434] : memref<25x4096x128xf32, #tpu.memory_space<hbm>> -> memref<1x4096x128xf32, #tpu.memory_space<hbm>>
    %dma_start3A_1436 = tpu.memref_squeeze %dma_start3A_1435 : memref<1x4096x128xf32, #tpu.memory_space<hbm>> -> memref<4096x128xf32, #tpu.memory_space<hbm>>
    %dma_start3A_1437 = arith.constant 0 : i32
    %dma_start3A_1438 = tpu.memref_slice %dma_start3A_1436[%mul3A_2, %dma_start3A_1437] : memref<4096x128xf32, #tpu.memory_space<hbm>> -> memref<128x128xf32, #tpu.memory_space<hbm>>
    %dma_start3A_1439 = arith.constant 0 : i32
    %dma_start3A_1440 = arith.constant 0 : i32
    %dma_start3A_1441 = tpu.memref_slice %dma_start3A_1438[%dma_start3A_1439, %dma_start3A_1440] : memref<128x128xf32, #tpu.memory_space<hbm>> -> memref<128x64xf32, #tpu.memory_space<hbm>>
    tpu.enqueue_dma source(%arg8 : memref<128x64xf32, #tpu.memory_space<vmem>>) target(%dma_start3A_1441 : memref<128x64xf32, #tpu.memory_space<hbm>>) target_semaphore(%arg19 : memref<!tpu.dma_semaphore, #tpu.memory_space<semaphore_mem>>)
    %dma_start3A_1442 = arith.constant 13 : i32
    %dma_start3A_1443 = arith.constant 0 : i32
    %dma_start3A_1444 = arith.constant 0 : i32
    %dma_start3A_1445 = tpu.memref_slice %arg4[%dma_start3A_1442, %dma_start3A_1443, %dma_start3A_1444] : memref<25x4096x128xf32, #tpu.memory_space<hbm>> -> memref<1x4096x128xf32, #tpu.memory_space<hbm>>
    %dma_start3A_1446 = tpu.memref_squeeze %dma_start3A_1445 : memref<1x4096x128xf32, #tpu.memory_space<hbm>> -> memref<4096x128xf32, #tpu.memory_space<hbm>>
    %dma_start3A_1447 = arith.constant 0 : i32
    %dma_start3A_1448 = tpu.memref_slice %dma_start3A_1446[%mul3A_2, %dma_start3A_1447] : memref<4096x128xf32, #tpu.memory_space<hbm>> -> memref<128x128xf32, #tpu.memory_space<hbm>>
    %dma_start3A_1449 = arith.constant 0 : i32
    %dma_start3A_1450 = arith.constant 64 : i32
    %dma_start3A_1451 = tpu.memref_slice %dma_start3A_1448[%dma_start3A_1449, %dma_start3A_1450] : memref<128x128xf32, #tpu.memory_space<hbm>> -> memref<128x64xf32, #tpu.memory_space<hbm>>
    %dma_start3A_1452 = arith.constant 0 : i32
    %dma_start3A_1453 = arith.constant 0 : i32
    %dma_start3A_1454 = tpu.memref_slice %arg4[%dma_start3A_1442, %dma_start3A_1452, %dma_start3A_1453] : memref<25x4096x128xf32, #tpu.memory_space<hbm>> -> memref<1x4096x128xf32, #tpu.memory_space<hbm>>
    %dma_start3A_1455 = tpu.memref_squeeze %dma_start3A_1454 : memref<1x4096x128xf32, #tpu.memory_space<hbm>> -> memref<4096x128xf32, #tpu.memory_space<hbm>>
    %dma_start3A_1456 = arith.constant 0 : i32
    %dma_start3A_1457 = tpu.memref_slice %dma_start3A_1455[%mul3A_2, %dma_start3A_1456] : memref<4096x128xf32, #tpu.memory_space<hbm>> -> memref<128x128xf32, #tpu.memory_space<hbm>>
    %dma_start3A_1458 = arith.constant 0 : i32
    %dma_start3A_1459 = arith.constant 64 : i32
    %dma_start3A_1460 = tpu.memref_slice %dma_start3A_1457[%dma_start3A_1458, %dma_start3A_1459] : memref<128x128xf32, #tpu.memory_space<hbm>> -> memref<128x64xf32, #tpu.memory_space<hbm>>
    tpu.enqueue_dma source(%arg9 : memref<128x64xf32, #tpu.memory_space<vmem>>) target(%dma_start3A_1460 : memref<128x64xf32, #tpu.memory_space<hbm>>) target_semaphore(%arg19 : memref<!tpu.dma_semaphore, #tpu.memory_space<semaphore_mem>>)
    %dma_wait3A_1461 = arith.constant 13 : i32
    %dma_wait3A_1462 = arith.constant 0 : i32
    %dma_wait3A_1463 = arith.constant 0 : i32
    %dma_wait3A_1464 = tpu.memref_slice %arg4[%dma_wait3A_1461, %dma_wait3A_1462, %dma_wait3A_1463] : memref<25x4096x128xf32, #tpu.memory_space<hbm>> -> memref<1x4096x128xf32, #tpu.memory_space<hbm>>
    %dma_wait3A_1465 = tpu.memref_squeeze %dma_wait3A_1464 : memref<1x4096x128xf32, #tpu.memory_space<hbm>> -> memref<4096x128xf32, #tpu.memory_space<hbm>>
    %dma_wait3A_1466 = arith.constant 0 : i32
    %dma_wait3A_1467 = tpu.memref_slice %dma_wait3A_1465[%mul3A_2, %dma_wait3A_1466] : memref<4096x128xf32, #tpu.memory_space<hbm>> -> memref<128x128xf32, #tpu.memory_space<hbm>>
    %dma_wait3A_1468 = arith.constant 0 : i32
    %dma_wait3A_1469 = arith.constant 0 : i32
    %dma_wait3A_1470 = tpu.memref_slice %dma_wait3A_1467[%dma_wait3A_1468, %dma_wait3A_1469] : memref<128x128xf32, #tpu.memory_space<hbm>> -> memref<128x64xf32, #tpu.memory_space<hbm>>
    %dma_wait3A_1471 = arith.constant 0 : i32
    %dma_wait3A_1472 = arith.constant 0 : i32
    %dma_wait3A_1473 = tpu.memref_slice %arg4[%dma_wait3A_1461, %dma_wait3A_1471, %dma_wait3A_1472] : memref<25x4096x128xf32, #tpu.memory_space<hbm>> -> memref<1x4096x128xf32, #tpu.memory_space<hbm>>
    %dma_wait3A_1474 = tpu.memref_squeeze %dma_wait3A_1473 : memref<1x4096x128xf32, #tpu.memory_space<hbm>> -> memref<4096x128xf32, #tpu.memory_space<hbm>>
    %dma_wait3A_1475 = arith.constant 0 : i32
    %dma_wait3A_1476 = tpu.memref_slice %dma_wait3A_1474[%mul3A_2, %dma_wait3A_1475] : memref<4096x128xf32, #tpu.memory_space<hbm>> -> memref<128x128xf32, #tpu.memory_space<hbm>>
    %dma_wait3A_1477 = arith.constant 0 : i32
    %dma_wait3A_1478 = arith.constant 0 : i32
    %dma_wait3A_1479 = tpu.memref_slice %dma_wait3A_1476[%dma_wait3A_1477, %dma_wait3A_1478] : memref<128x128xf32, #tpu.memory_space<hbm>> -> memref<128x64xf32, #tpu.memory_space<hbm>>
    tpu.wait_dma2 semaphore(%arg19 : memref<!tpu.dma_semaphore, #tpu.memory_space<semaphore_mem>>) src(%arg8 : memref<128x64xf32, #tpu.memory_space<vmem>>) dst(%dma_wait3A_1479 : memref<128x64xf32, #tpu.memory_space<hbm>>)
    %dma_wait3A_1480 = arith.constant 13 : i32
    %dma_wait3A_1481 = arith.constant 0 : i32
    %dma_wait3A_1482 = arith.constant 0 : i32
    %dma_wait3A_1483 = tpu.memref_slice %arg4[%dma_wait3A_1480, %dma_wait3A_1481, %dma_wait3A_1482] : memref<25x4096x128xf32, #tpu.memory_space<hbm>> -> memref<1x4096x128xf32, #tpu.memory_space<hbm>>
    %dma_wait3A_1484 = tpu.memref_squeeze %dma_wait3A_1483 : memref<1x4096x128xf32, #tpu.memory_space<hbm>> -> memref<4096x128xf32, #tpu.memory_space<hbm>>
    %dma_wait3A_1485 = arith.constant 0 : i32
    %dma_wait3A_1486 = tpu.memref_slice %dma_wait3A_1484[%mul3A_2, %dma_wait3A_1485] : memref<4096x128xf32, #tpu.memory_space<hbm>> -> memref<128x128xf32, #tpu.memory_space<hbm>>
    %dma_wait3A_1487 = arith.constant 0 : i32
    %dma_wait3A_1488 = arith.constant 64 : i32
    %dma_wait3A_1489 = tpu.memref_slice %dma_wait3A_1486[%dma_wait3A_1487, %dma_wait3A_1488] : memref<128x128xf32, #tpu.memory_space<hbm>> -> memref<128x64xf32, #tpu.memory_space<hbm>>
    %dma_wait3A_1490 = arith.constant 0 : i32
    %dma_wait3A_1491 = arith.constant 0 : i32
    %dma_wait3A_1492 = tpu.memref_slice %arg4[%dma_wait3A_1480, %dma_wait3A_1490, %dma_wait3A_1491] : memref<25x4096x128xf32, #tpu.memory_space<hbm>> -> memref<1x4096x128xf32, #tpu.memory_space<hbm>>
    %dma_wait3A_1493 = tpu.memref_squeeze %dma_wait3A_1492 : memref<1x4096x128xf32, #tpu.memory_space<hbm>> -> memref<4096x128xf32, #tpu.memory_space<hbm>>
    %dma_wait3A_1494 = arith.constant 0 : i32
    %dma_wait3A_1495 = tpu.memref_slice %dma_wait3A_1493[%mul3A_2, %dma_wait3A_1494] : memref<4096x128xf32, #tpu.memory_space<hbm>> -> memref<128x128xf32, #tpu.memory_space<hbm>>
    %dma_wait3A_1496 = arith.constant 0 : i32
    %dma_wait3A_1497 = arith.constant 64 : i32
    %dma_wait3A_1498 = tpu.memref_slice %dma_wait3A_1495[%dma_wait3A_1496, %dma_wait3A_1497] : memref<128x128xf32, #tpu.memory_space<hbm>> -> memref<128x64xf32, #tpu.memory_space<hbm>>
    tpu.wait_dma2 semaphore(%arg19 : memref<!tpu.dma_semaphore, #tpu.memory_space<semaphore_mem>>) src(%arg9 : memref<128x64xf32, #tpu.memory_space<vmem>>) dst(%dma_wait3A_1498 : memref<128x64xf32, #tpu.memory_space<hbm>>)
    %dma_start3A_1499 = arith.constant 34 : i32
    %dma_start3A_1500 = arith.constant 0 : i32
    %dma_start3A_1501 = tpu.memref_slice %arg5[%dma_start3A_1499, %dma_start3A_1500] : memref<50x128xi32, #tpu.memory_space<vmem>> -> memref<1x128xi32, #tpu.memory_space<vmem>>
    %dma_start3A_1502 = tpu.memref_squeeze %dma_start3A_1501 : memref<1x128xi32, #tpu.memory_space<vmem>> -> memref<128xi32, #tpu.memory_space<vmem>>
    %dma_start3A_1503 = arith.constant 0 : i32
    %dma_start3A_1504 = arith.constant 0 : i32
    %dma_start3A_1505 = tpu.memref_slice %arg2[%dma_start3A_1503, %dma_start3A_1504] : memref<100000x64xf32, #tpu.memory_space<hbm>> -> memref<100000x64xf32, #tpu.memory_space<hbm>>
    tpu.enqueue_indirect_dma source(%dma_start3A_1505 : memref<100000x64xf32, #tpu.memory_space<hbm>>) target(%arg8 : memref<128x64xf32, #tpu.memory_space<vmem>>) offsets(%dma_start3A_1502 : memref<128xi32, #tpu.memory_space<vmem>>) semaphore(%arg15 : memref<!tpu.dma_semaphore, #tpu.memory_space<semaphore_mem>>)
    %dma_start3A_1506 = arith.constant 35 : i32
    %dma_start3A_1507 = arith.constant 0 : i32
    %dma_start3A_1508 = tpu.memref_slice %arg5[%dma_start3A_1506, %dma_start3A_1507] : memref<50x128xi32, #tpu.memory_space<vmem>> -> memref<1x128xi32, #tpu.memory_space<vmem>>
    %dma_start3A_1509 = tpu.memref_squeeze %dma_start3A_1508 : memref<1x128xi32, #tpu.memory_space<vmem>> -> memref<128xi32, #tpu.memory_space<vmem>>
    %dma_start3A_1510 = arith.constant 0 : i32
    %dma_start3A_1511 = arith.constant 0 : i32
    %dma_start3A_1512 = tpu.memref_slice %arg2[%dma_start3A_1510, %dma_start3A_1511] : memref<100000x64xf32, #tpu.memory_space<hbm>> -> memref<100000x64xf32, #tpu.memory_space<hbm>>
    tpu.enqueue_indirect_dma source(%dma_start3A_1512 : memref<100000x64xf32, #tpu.memory_space<hbm>>) target(%arg9 : memref<128x64xf32, #tpu.memory_space<vmem>>) offsets(%dma_start3A_1509 : memref<128xi32, #tpu.memory_space<vmem>>) semaphore(%arg15 : memref<!tpu.dma_semaphore, #tpu.memory_space<semaphore_mem>>)
    %dma_wait3A_1513 = arith.constant 28 : i32
    %dma_wait3A_1514 = arith.constant 0 : i32
    %dma_wait3A_1515 = tpu.memref_slice %arg5[%dma_wait3A_1513, %dma_wait3A_1514] : memref<50x128xi32, #tpu.memory_space<vmem>> -> memref<1x128xi32, #tpu.memory_space<vmem>>
    %dma_wait3A_1516 = tpu.memref_squeeze %dma_wait3A_1515 : memref<1x128xi32, #tpu.memory_space<vmem>> -> memref<128xi32, #tpu.memory_space<vmem>>
    %dma_wait3A_1517 = arith.constant 0 : i32
    %dma_wait3A_1518 = arith.constant 0 : i32
    %dma_wait3A_1519 = tpu.memref_slice %arg2[%dma_wait3A_1517, %dma_wait3A_1518] : memref<100000x64xf32, #tpu.memory_space<hbm>> -> memref<100000x64xf32, #tpu.memory_space<hbm>>
    tpu.wait_indirect_dma semaphore(%arg16 : memref<!tpu.dma_semaphore, #tpu.memory_space<semaphore_mem>>) src(%dma_wait3A_1519 : memref<100000x64xf32, #tpu.memory_space<hbm>>) dst(%arg10 : memref<128x64xf32, #tpu.memory_space<vmem>>)
    %dma_wait3A_1520 = arith.constant 29 : i32
    %dma_wait3A_1521 = arith.constant 0 : i32
    %dma_wait3A_1522 = tpu.memref_slice %arg5[%dma_wait3A_1520, %dma_wait3A_1521] : memref<50x128xi32, #tpu.memory_space<vmem>> -> memref<1x128xi32, #tpu.memory_space<vmem>>
    %dma_wait3A_1523 = tpu.memref_squeeze %dma_wait3A_1522 : memref<1x128xi32, #tpu.memory_space<vmem>> -> memref<128xi32, #tpu.memory_space<vmem>>
    %dma_wait3A_1524 = arith.constant 0 : i32
    %dma_wait3A_1525 = arith.constant 0 : i32
    %dma_wait3A_1526 = tpu.memref_slice %arg2[%dma_wait3A_1524, %dma_wait3A_1525] : memref<100000x64xf32, #tpu.memory_space<hbm>> -> memref<100000x64xf32, #tpu.memory_space<hbm>>
    tpu.wait_indirect_dma semaphore(%arg16 : memref<!tpu.dma_semaphore, #tpu.memory_space<semaphore_mem>>) src(%dma_wait3A_1526 : memref<100000x64xf32, #tpu.memory_space<hbm>>) dst(%arg11 : memref<128x64xf32, #tpu.memory_space<vmem>>)
    %dma_start3A_1527 = arith.constant 14 : i32
    %dma_start3A_1528 = arith.constant 0 : i32
    %dma_start3A_1529 = arith.constant 0 : i32
    %dma_start3A_1530 = tpu.memref_slice %arg4[%dma_start3A_1527, %dma_start3A_1528, %dma_start3A_1529] : memref<25x4096x128xf32, #tpu.memory_space<hbm>> -> memref<1x4096x128xf32, #tpu.memory_space<hbm>>
    %dma_start3A_1531 = tpu.memref_squeeze %dma_start3A_1530 : memref<1x4096x128xf32, #tpu.memory_space<hbm>> -> memref<4096x128xf32, #tpu.memory_space<hbm>>
    %dma_start3A_1532 = arith.constant 0 : i32
    %dma_start3A_1533 = tpu.memref_slice %dma_start3A_1531[%mul3A_2, %dma_start3A_1532] : memref<4096x128xf32, #tpu.memory_space<hbm>> -> memref<128x128xf32, #tpu.memory_space<hbm>>
    %dma_start3A_1534 = arith.constant 0 : i32
    %dma_start3A_1535 = arith.constant 0 : i32
    %dma_start3A_1536 = tpu.memref_slice %dma_start3A_1533[%dma_start3A_1534, %dma_start3A_1535] : memref<128x128xf32, #tpu.memory_space<hbm>> -> memref<128x64xf32, #tpu.memory_space<hbm>>
    %dma_start3A_1537 = arith.constant 0 : i32
    %dma_start3A_1538 = arith.constant 0 : i32
    %dma_start3A_1539 = tpu.memref_slice %arg4[%dma_start3A_1527, %dma_start3A_1537, %dma_start3A_1538] : memref<25x4096x128xf32, #tpu.memory_space<hbm>> -> memref<1x4096x128xf32, #tpu.memory_space<hbm>>
    %dma_start3A_1540 = tpu.memref_squeeze %dma_start3A_1539 : memref<1x4096x128xf32, #tpu.memory_space<hbm>> -> memref<4096x128xf32, #tpu.memory_space<hbm>>
    %dma_start3A_1541 = arith.constant 0 : i32
    %dma_start3A_1542 = tpu.memref_slice %dma_start3A_1540[%mul3A_2, %dma_start3A_1541] : memref<4096x128xf32, #tpu.memory_space<hbm>> -> memref<128x128xf32, #tpu.memory_space<hbm>>
    %dma_start3A_1543 = arith.constant 0 : i32
    %dma_start3A_1544 = arith.constant 0 : i32
    %dma_start3A_1545 = tpu.memref_slice %dma_start3A_1542[%dma_start3A_1543, %dma_start3A_1544] : memref<128x128xf32, #tpu.memory_space<hbm>> -> memref<128x64xf32, #tpu.memory_space<hbm>>
    tpu.enqueue_dma source(%arg10 : memref<128x64xf32, #tpu.memory_space<vmem>>) target(%dma_start3A_1545 : memref<128x64xf32, #tpu.memory_space<hbm>>) target_semaphore(%arg20 : memref<!tpu.dma_semaphore, #tpu.memory_space<semaphore_mem>>)
    %dma_start3A_1546 = arith.constant 14 : i32
    %dma_start3A_1547 = arith.constant 0 : i32
    %dma_start3A_1548 = arith.constant 0 : i32
    %dma_start3A_1549 = tpu.memref_slice %arg4[%dma_start3A_1546, %dma_start3A_1547, %dma_start3A_1548] : memref<25x4096x128xf32, #tpu.memory_space<hbm>> -> memref<1x4096x128xf32, #tpu.memory_space<hbm>>
    %dma_start3A_1550 = tpu.memref_squeeze %dma_start3A_1549 : memref<1x4096x128xf32, #tpu.memory_space<hbm>> -> memref<4096x128xf32, #tpu.memory_space<hbm>>
    %dma_start3A_1551 = arith.constant 0 : i32
    %dma_start3A_1552 = tpu.memref_slice %dma_start3A_1550[%mul3A_2, %dma_start3A_1551] : memref<4096x128xf32, #tpu.memory_space<hbm>> -> memref<128x128xf32, #tpu.memory_space<hbm>>
    %dma_start3A_1553 = arith.constant 0 : i32
    %dma_start3A_1554 = arith.constant 64 : i32
    %dma_start3A_1555 = tpu.memref_slice %dma_start3A_1552[%dma_start3A_1553, %dma_start3A_1554] : memref<128x128xf32, #tpu.memory_space<hbm>> -> memref<128x64xf32, #tpu.memory_space<hbm>>
    %dma_start3A_1556 = arith.constant 0 : i32
    %dma_start3A_1557 = arith.constant 0 : i32
    %dma_start3A_1558 = tpu.memref_slice %arg4[%dma_start3A_1546, %dma_start3A_1556, %dma_start3A_1557] : memref<25x4096x128xf32, #tpu.memory_space<hbm>> -> memref<1x4096x128xf32, #tpu.memory_space<hbm>>
    %dma_start3A_1559 = tpu.memref_squeeze %dma_start3A_1558 : memref<1x4096x128xf32, #tpu.memory_space<hbm>> -> memref<4096x128xf32, #tpu.memory_space<hbm>>
    %dma_start3A_1560 = arith.constant 0 : i32
    %dma_start3A_1561 = tpu.memref_slice %dma_start3A_1559[%mul3A_2, %dma_start3A_1560] : memref<4096x128xf32, #tpu.memory_space<hbm>> -> memref<128x128xf32, #tpu.memory_space<hbm>>
    %dma_start3A_1562 = arith.constant 0 : i32
    %dma_start3A_1563 = arith.constant 64 : i32
    %dma_start3A_1564 = tpu.memref_slice %dma_start3A_1561[%dma_start3A_1562, %dma_start3A_1563] : memref<128x128xf32, #tpu.memory_space<hbm>> -> memref<128x64xf32, #tpu.memory_space<hbm>>
    tpu.enqueue_dma source(%arg11 : memref<128x64xf32, #tpu.memory_space<vmem>>) target(%dma_start3A_1564 : memref<128x64xf32, #tpu.memory_space<hbm>>) target_semaphore(%arg20 : memref<!tpu.dma_semaphore, #tpu.memory_space<semaphore_mem>>)
    %dma_wait3A_1565 = arith.constant 14 : i32
    %dma_wait3A_1566 = arith.constant 0 : i32
    %dma_wait3A_1567 = arith.constant 0 : i32
    %dma_wait3A_1568 = tpu.memref_slice %arg4[%dma_wait3A_1565, %dma_wait3A_1566, %dma_wait3A_1567] : memref<25x4096x128xf32, #tpu.memory_space<hbm>> -> memref<1x4096x128xf32, #tpu.memory_space<hbm>>
    %dma_wait3A_1569 = tpu.memref_squeeze %dma_wait3A_1568 : memref<1x4096x128xf32, #tpu.memory_space<hbm>> -> memref<4096x128xf32, #tpu.memory_space<hbm>>
    %dma_wait3A_1570 = arith.constant 0 : i32
    %dma_wait3A_1571 = tpu.memref_slice %dma_wait3A_1569[%mul3A_2, %dma_wait3A_1570] : memref<4096x128xf32, #tpu.memory_space<hbm>> -> memref<128x128xf32, #tpu.memory_space<hbm>>
    %dma_wait3A_1572 = arith.constant 0 : i32
    %dma_wait3A_1573 = arith.constant 0 : i32
    %dma_wait3A_1574 = tpu.memref_slice %dma_wait3A_1571[%dma_wait3A_1572, %dma_wait3A_1573] : memref<128x128xf32, #tpu.memory_space<hbm>> -> memref<128x64xf32, #tpu.memory_space<hbm>>
    %dma_wait3A_1575 = arith.constant 0 : i32
    %dma_wait3A_1576 = arith.constant 0 : i32
    %dma_wait3A_1577 = tpu.memref_slice %arg4[%dma_wait3A_1565, %dma_wait3A_1575, %dma_wait3A_1576] : memref<25x4096x128xf32, #tpu.memory_space<hbm>> -> memref<1x4096x128xf32, #tpu.memory_space<hbm>>
    %dma_wait3A_1578 = tpu.memref_squeeze %dma_wait3A_1577 : memref<1x4096x128xf32, #tpu.memory_space<hbm>> -> memref<4096x128xf32, #tpu.memory_space<hbm>>
    %dma_wait3A_1579 = arith.constant 0 : i32
    %dma_wait3A_1580 = tpu.memref_slice %dma_wait3A_1578[%mul3A_2, %dma_wait3A_1579] : memref<4096x128xf32, #tpu.memory_space<hbm>> -> memref<128x128xf32, #tpu.memory_space<hbm>>
    %dma_wait3A_1581 = arith.constant 0 : i32
    %dma_wait3A_1582 = arith.constant 0 : i32
    %dma_wait3A_1583 = tpu.memref_slice %dma_wait3A_1580[%dma_wait3A_1581, %dma_wait3A_1582] : memref<128x128xf32, #tpu.memory_space<hbm>> -> memref<128x64xf32, #tpu.memory_space<hbm>>
    tpu.wait_dma2 semaphore(%arg20 : memref<!tpu.dma_semaphore, #tpu.memory_space<semaphore_mem>>) src(%arg10 : memref<128x64xf32, #tpu.memory_space<vmem>>) dst(%dma_wait3A_1583 : memref<128x64xf32, #tpu.memory_space<hbm>>)
    %dma_wait3A_1584 = arith.constant 14 : i32
    %dma_wait3A_1585 = arith.constant 0 : i32
    %dma_wait3A_1586 = arith.constant 0 : i32
    %dma_wait3A_1587 = tpu.memref_slice %arg4[%dma_wait3A_1584, %dma_wait3A_1585, %dma_wait3A_1586] : memref<25x4096x128xf32, #tpu.memory_space<hbm>> -> memref<1x4096x128xf32, #tpu.memory_space<hbm>>
    %dma_wait3A_1588 = tpu.memref_squeeze %dma_wait3A_1587 : memref<1x4096x128xf32, #tpu.memory_space<hbm>> -> memref<4096x128xf32, #tpu.memory_space<hbm>>
    %dma_wait3A_1589 = arith.constant 0 : i32
    %dma_wait3A_1590 = tpu.memref_slice %dma_wait3A_1588[%mul3A_2, %dma_wait3A_1589] : memref<4096x128xf32, #tpu.memory_space<hbm>> -> memref<128x128xf32, #tpu.memory_space<hbm>>
    %dma_wait3A_1591 = arith.constant 0 : i32
    %dma_wait3A_1592 = arith.constant 64 : i32
    %dma_wait3A_1593 = tpu.memref_slice %dma_wait3A_1590[%dma_wait3A_1591, %dma_wait3A_1592] : memref<128x128xf32, #tpu.memory_space<hbm>> -> memref<128x64xf32, #tpu.memory_space<hbm>>
    %dma_wait3A_1594 = arith.constant 0 : i32
    %dma_wait3A_1595 = arith.constant 0 : i32
    %dma_wait3A_1596 = tpu.memref_slice %arg4[%dma_wait3A_1584, %dma_wait3A_1594, %dma_wait3A_1595] : memref<25x4096x128xf32, #tpu.memory_space<hbm>> -> memref<1x4096x128xf32, #tpu.memory_space<hbm>>
    %dma_wait3A_1597 = tpu.memref_squeeze %dma_wait3A_1596 : memref<1x4096x128xf32, #tpu.memory_space<hbm>> -> memref<4096x128xf32, #tpu.memory_space<hbm>>
    %dma_wait3A_1598 = arith.constant 0 : i32
    %dma_wait3A_1599 = tpu.memref_slice %dma_wait3A_1597[%mul3A_2, %dma_wait3A_1598] : memref<4096x128xf32, #tpu.memory_space<hbm>> -> memref<128x128xf32, #tpu.memory_space<hbm>>
    %dma_wait3A_1600 = arith.constant 0 : i32
    %dma_wait3A_1601 = arith.constant 64 : i32
    %dma_wait3A_1602 = tpu.memref_slice %dma_wait3A_1599[%dma_wait3A_1600, %dma_wait3A_1601] : memref<128x128xf32, #tpu.memory_space<hbm>> -> memref<128x64xf32, #tpu.memory_space<hbm>>
    tpu.wait_dma2 semaphore(%arg20 : memref<!tpu.dma_semaphore, #tpu.memory_space<semaphore_mem>>) src(%arg11 : memref<128x64xf32, #tpu.memory_space<vmem>>) dst(%dma_wait3A_1602 : memref<128x64xf32, #tpu.memory_space<hbm>>)
    %dma_start3A_1603 = arith.constant 36 : i32
    %dma_start3A_1604 = arith.constant 0 : i32
    %dma_start3A_1605 = tpu.memref_slice %arg5[%dma_start3A_1603, %dma_start3A_1604] : memref<50x128xi32, #tpu.memory_space<vmem>> -> memref<1x128xi32, #tpu.memory_space<vmem>>
    %dma_start3A_1606 = tpu.memref_squeeze %dma_start3A_1605 : memref<1x128xi32, #tpu.memory_space<vmem>> -> memref<128xi32, #tpu.memory_space<vmem>>
    %dma_start3A_1607 = arith.constant 0 : i32
    %dma_start3A_1608 = arith.constant 0 : i32
    %dma_start3A_1609 = tpu.memref_slice %arg2[%dma_start3A_1607, %dma_start3A_1608] : memref<100000x64xf32, #tpu.memory_space<hbm>> -> memref<100000x64xf32, #tpu.memory_space<hbm>>
    tpu.enqueue_indirect_dma source(%dma_start3A_1609 : memref<100000x64xf32, #tpu.memory_space<hbm>>) target(%arg10 : memref<128x64xf32, #tpu.memory_space<vmem>>) offsets(%dma_start3A_1606 : memref<128xi32, #tpu.memory_space<vmem>>) semaphore(%arg16 : memref<!tpu.dma_semaphore, #tpu.memory_space<semaphore_mem>>)
    %dma_start3A_1610 = arith.constant 37 : i32
    %dma_start3A_1611 = arith.constant 0 : i32
    %dma_start3A_1612 = tpu.memref_slice %arg5[%dma_start3A_1610, %dma_start3A_1611] : memref<50x128xi32, #tpu.memory_space<vmem>> -> memref<1x128xi32, #tpu.memory_space<vmem>>
    %dma_start3A_1613 = tpu.memref_squeeze %dma_start3A_1612 : memref<1x128xi32, #tpu.memory_space<vmem>> -> memref<128xi32, #tpu.memory_space<vmem>>
    %dma_start3A_1614 = arith.constant 0 : i32
    %dma_start3A_1615 = arith.constant 0 : i32
    %dma_start3A_1616 = tpu.memref_slice %arg2[%dma_start3A_1614, %dma_start3A_1615] : memref<100000x64xf32, #tpu.memory_space<hbm>> -> memref<100000x64xf32, #tpu.memory_space<hbm>>
    tpu.enqueue_indirect_dma source(%dma_start3A_1616 : memref<100000x64xf32, #tpu.memory_space<hbm>>) target(%arg11 : memref<128x64xf32, #tpu.memory_space<vmem>>) offsets(%dma_start3A_1613 : memref<128xi32, #tpu.memory_space<vmem>>) semaphore(%arg16 : memref<!tpu.dma_semaphore, #tpu.memory_space<semaphore_mem>>)
    %dma_wait3A_1617 = arith.constant 30 : i32
    %dma_wait3A_1618 = arith.constant 0 : i32
    %dma_wait3A_1619 = tpu.memref_slice %arg5[%dma_wait3A_1617, %dma_wait3A_1618] : memref<50x128xi32, #tpu.memory_space<vmem>> -> memref<1x128xi32, #tpu.memory_space<vmem>>
    %dma_wait3A_1620 = tpu.memref_squeeze %dma_wait3A_1619 : memref<1x128xi32, #tpu.memory_space<vmem>> -> memref<128xi32, #tpu.memory_space<vmem>>
    %dma_wait3A_1621 = arith.constant 0 : i32
    %dma_wait3A_1622 = arith.constant 0 : i32
    %dma_wait3A_1623 = tpu.memref_slice %arg2[%dma_wait3A_1621, %dma_wait3A_1622] : memref<100000x64xf32, #tpu.memory_space<hbm>> -> memref<100000x64xf32, #tpu.memory_space<hbm>>
    tpu.wait_indirect_dma semaphore(%arg17 : memref<!tpu.dma_semaphore, #tpu.memory_space<semaphore_mem>>) src(%dma_wait3A_1623 : memref<100000x64xf32, #tpu.memory_space<hbm>>) dst(%arg12 : memref<128x64xf32, #tpu.memory_space<vmem>>)
    %dma_wait3A_1624 = arith.constant 31 : i32
    %dma_wait3A_1625 = arith.constant 0 : i32
    %dma_wait3A_1626 = tpu.memref_slice %arg5[%dma_wait3A_1624, %dma_wait3A_1625] : memref<50x128xi32, #tpu.memory_space<vmem>> -> memref<1x128xi32, #tpu.memory_space<vmem>>
    %dma_wait3A_1627 = tpu.memref_squeeze %dma_wait3A_1626 : memref<1x128xi32, #tpu.memory_space<vmem>> -> memref<128xi32, #tpu.memory_space<vmem>>
    %dma_wait3A_1628 = arith.constant 0 : i32
    %dma_wait3A_1629 = arith.constant 0 : i32
    %dma_wait3A_1630 = tpu.memref_slice %arg2[%dma_wait3A_1628, %dma_wait3A_1629] : memref<100000x64xf32, #tpu.memory_space<hbm>> -> memref<100000x64xf32, #tpu.memory_space<hbm>>
    tpu.wait_indirect_dma semaphore(%arg17 : memref<!tpu.dma_semaphore, #tpu.memory_space<semaphore_mem>>) src(%dma_wait3A_1630 : memref<100000x64xf32, #tpu.memory_space<hbm>>) dst(%arg13 : memref<128x64xf32, #tpu.memory_space<vmem>>)
    %dma_start3A_1631 = arith.constant 15 : i32
    %dma_start3A_1632 = arith.constant 0 : i32
    %dma_start3A_1633 = arith.constant 0 : i32
    %dma_start3A_1634 = tpu.memref_slice %arg4[%dma_start3A_1631, %dma_start3A_1632, %dma_start3A_1633] : memref<25x4096x128xf32, #tpu.memory_space<hbm>> -> memref<1x4096x128xf32, #tpu.memory_space<hbm>>
    %dma_start3A_1635 = tpu.memref_squeeze %dma_start3A_1634 : memref<1x4096x128xf32, #tpu.memory_space<hbm>> -> memref<4096x128xf32, #tpu.memory_space<hbm>>
    %dma_start3A_1636 = arith.constant 0 : i32
    %dma_start3A_1637 = tpu.memref_slice %dma_start3A_1635[%mul3A_2, %dma_start3A_1636] : memref<4096x128xf32, #tpu.memory_space<hbm>> -> memref<128x128xf32, #tpu.memory_space<hbm>>
    %dma_start3A_1638 = arith.constant 0 : i32
    %dma_start3A_1639 = arith.constant 0 : i32
    %dma_start3A_1640 = tpu.memref_slice %dma_start3A_1637[%dma_start3A_1638, %dma_start3A_1639] : memref<128x128xf32, #tpu.memory_space<hbm>> -> memref<128x64xf32, #tpu.memory_space<hbm>>
    %dma_start3A_1641 = arith.constant 0 : i32
    %dma_start3A_1642 = arith.constant 0 : i32
    %dma_start3A_1643 = tpu.memref_slice %arg4[%dma_start3A_1631, %dma_start3A_1641, %dma_start3A_1642] : memref<25x4096x128xf32, #tpu.memory_space<hbm>> -> memref<1x4096x128xf32, #tpu.memory_space<hbm>>
    %dma_start3A_1644 = tpu.memref_squeeze %dma_start3A_1643 : memref<1x4096x128xf32, #tpu.memory_space<hbm>> -> memref<4096x128xf32, #tpu.memory_space<hbm>>
    %dma_start3A_1645 = arith.constant 0 : i32
    %dma_start3A_1646 = tpu.memref_slice %dma_start3A_1644[%mul3A_2, %dma_start3A_1645] : memref<4096x128xf32, #tpu.memory_space<hbm>> -> memref<128x128xf32, #tpu.memory_space<hbm>>
    %dma_start3A_1647 = arith.constant 0 : i32
    %dma_start3A_1648 = arith.constant 0 : i32
    %dma_start3A_1649 = tpu.memref_slice %dma_start3A_1646[%dma_start3A_1647, %dma_start3A_1648] : memref<128x128xf32, #tpu.memory_space<hbm>> -> memref<128x64xf32, #tpu.memory_space<hbm>>
    tpu.enqueue_dma source(%arg12 : memref<128x64xf32, #tpu.memory_space<vmem>>) target(%dma_start3A_1649 : memref<128x64xf32, #tpu.memory_space<hbm>>) target_semaphore(%arg21 : memref<!tpu.dma_semaphore, #tpu.memory_space<semaphore_mem>>)
    %dma_start3A_1650 = arith.constant 15 : i32
    %dma_start3A_1651 = arith.constant 0 : i32
    %dma_start3A_1652 = arith.constant 0 : i32
    %dma_start3A_1653 = tpu.memref_slice %arg4[%dma_start3A_1650, %dma_start3A_1651, %dma_start3A_1652] : memref<25x4096x128xf32, #tpu.memory_space<hbm>> -> memref<1x4096x128xf32, #tpu.memory_space<hbm>>
    %dma_start3A_1654 = tpu.memref_squeeze %dma_start3A_1653 : memref<1x4096x128xf32, #tpu.memory_space<hbm>> -> memref<4096x128xf32, #tpu.memory_space<hbm>>
    %dma_start3A_1655 = arith.constant 0 : i32
    %dma_start3A_1656 = tpu.memref_slice %dma_start3A_1654[%mul3A_2, %dma_start3A_1655] : memref<4096x128xf32, #tpu.memory_space<hbm>> -> memref<128x128xf32, #tpu.memory_space<hbm>>
    %dma_start3A_1657 = arith.constant 0 : i32
    %dma_start3A_1658 = arith.constant 64 : i32
    %dma_start3A_1659 = tpu.memref_slice %dma_start3A_1656[%dma_start3A_1657, %dma_start3A_1658] : memref<128x128xf32, #tpu.memory_space<hbm>> -> memref<128x64xf32, #tpu.memory_space<hbm>>
    %dma_start3A_1660 = arith.constant 0 : i32
    %dma_start3A_1661 = arith.constant 0 : i32
    %dma_start3A_1662 = tpu.memref_slice %arg4[%dma_start3A_1650, %dma_start3A_1660, %dma_start3A_1661] : memref<25x4096x128xf32, #tpu.memory_space<hbm>> -> memref<1x4096x128xf32, #tpu.memory_space<hbm>>
    %dma_start3A_1663 = tpu.memref_squeeze %dma_start3A_1662 : memref<1x4096x128xf32, #tpu.memory_space<hbm>> -> memref<4096x128xf32, #tpu.memory_space<hbm>>
    %dma_start3A_1664 = arith.constant 0 : i32
    %dma_start3A_1665 = tpu.memref_slice %dma_start3A_1663[%mul3A_2, %dma_start3A_1664] : memref<4096x128xf32, #tpu.memory_space<hbm>> -> memref<128x128xf32, #tpu.memory_space<hbm>>
    %dma_start3A_1666 = arith.constant 0 : i32
    %dma_start3A_1667 = arith.constant 64 : i32
    %dma_start3A_1668 = tpu.memref_slice %dma_start3A_1665[%dma_start3A_1666, %dma_start3A_1667] : memref<128x128xf32, #tpu.memory_space<hbm>> -> memref<128x64xf32, #tpu.memory_space<hbm>>
    tpu.enqueue_dma source(%arg13 : memref<128x64xf32, #tpu.memory_space<vmem>>) target(%dma_start3A_1668 : memref<128x64xf32, #tpu.memory_space<hbm>>) target_semaphore(%arg21 : memref<!tpu.dma_semaphore, #tpu.memory_space<semaphore_mem>>)
    %dma_wait3A_1669 = arith.constant 15 : i32
    %dma_wait3A_1670 = arith.constant 0 : i32
    %dma_wait3A_1671 = arith.constant 0 : i32
    %dma_wait3A_1672 = tpu.memref_slice %arg4[%dma_wait3A_1669, %dma_wait3A_1670, %dma_wait3A_1671] : memref<25x4096x128xf32, #tpu.memory_space<hbm>> -> memref<1x4096x128xf32, #tpu.memory_space<hbm>>
    %dma_wait3A_1673 = tpu.memref_squeeze %dma_wait3A_1672 : memref<1x4096x128xf32, #tpu.memory_space<hbm>> -> memref<4096x128xf32, #tpu.memory_space<hbm>>
    %dma_wait3A_1674 = arith.constant 0 : i32
    %dma_wait3A_1675 = tpu.memref_slice %dma_wait3A_1673[%mul3A_2, %dma_wait3A_1674] : memref<4096x128xf32, #tpu.memory_space<hbm>> -> memref<128x128xf32, #tpu.memory_space<hbm>>
    %dma_wait3A_1676 = arith.constant 0 : i32
    %dma_wait3A_1677 = arith.constant 0 : i32
    %dma_wait3A_1678 = tpu.memref_slice %dma_wait3A_1675[%dma_wait3A_1676, %dma_wait3A_1677] : memref<128x128xf32, #tpu.memory_space<hbm>> -> memref<128x64xf32, #tpu.memory_space<hbm>>
    %dma_wait3A_1679 = arith.constant 0 : i32
    %dma_wait3A_1680 = arith.constant 0 : i32
    %dma_wait3A_1681 = tpu.memref_slice %arg4[%dma_wait3A_1669, %dma_wait3A_1679, %dma_wait3A_1680] : memref<25x4096x128xf32, #tpu.memory_space<hbm>> -> memref<1x4096x128xf32, #tpu.memory_space<hbm>>
    %dma_wait3A_1682 = tpu.memref_squeeze %dma_wait3A_1681 : memref<1x4096x128xf32, #tpu.memory_space<hbm>> -> memref<4096x128xf32, #tpu.memory_space<hbm>>
    %dma_wait3A_1683 = arith.constant 0 : i32
    %dma_wait3A_1684 = tpu.memref_slice %dma_wait3A_1682[%mul3A_2, %dma_wait3A_1683] : memref<4096x128xf32, #tpu.memory_space<hbm>> -> memref<128x128xf32, #tpu.memory_space<hbm>>
    %dma_wait3A_1685 = arith.constant 0 : i32
    %dma_wait3A_1686 = arith.constant 0 : i32
    %dma_wait3A_1687 = tpu.memref_slice %dma_wait3A_1684[%dma_wait3A_1685, %dma_wait3A_1686] : memref<128x128xf32, #tpu.memory_space<hbm>> -> memref<128x64xf32, #tpu.memory_space<hbm>>
    tpu.wait_dma2 semaphore(%arg21 : memref<!tpu.dma_semaphore, #tpu.memory_space<semaphore_mem>>) src(%arg12 : memref<128x64xf32, #tpu.memory_space<vmem>>) dst(%dma_wait3A_1687 : memref<128x64xf32, #tpu.memory_space<hbm>>)
    %dma_wait3A_1688 = arith.constant 15 : i32
    %dma_wait3A_1689 = arith.constant 0 : i32
    %dma_wait3A_1690 = arith.constant 0 : i32
    %dma_wait3A_1691 = tpu.memref_slice %arg4[%dma_wait3A_1688, %dma_wait3A_1689, %dma_wait3A_1690] : memref<25x4096x128xf32, #tpu.memory_space<hbm>> -> memref<1x4096x128xf32, #tpu.memory_space<hbm>>
    %dma_wait3A_1692 = tpu.memref_squeeze %dma_wait3A_1691 : memref<1x4096x128xf32, #tpu.memory_space<hbm>> -> memref<4096x128xf32, #tpu.memory_space<hbm>>
    %dma_wait3A_1693 = arith.constant 0 : i32
    %dma_wait3A_1694 = tpu.memref_slice %dma_wait3A_1692[%mul3A_2, %dma_wait3A_1693] : memref<4096x128xf32, #tpu.memory_space<hbm>> -> memref<128x128xf32, #tpu.memory_space<hbm>>
    %dma_wait3A_1695 = arith.constant 0 : i32
    %dma_wait3A_1696 = arith.constant 64 : i32
    %dma_wait3A_1697 = tpu.memref_slice %dma_wait3A_1694[%dma_wait3A_1695, %dma_wait3A_1696] : memref<128x128xf32, #tpu.memory_space<hbm>> -> memref<128x64xf32, #tpu.memory_space<hbm>>
    %dma_wait3A_1698 = arith.constant 0 : i32
    %dma_wait3A_1699 = arith.constant 0 : i32
    %dma_wait3A_1700 = tpu.memref_slice %arg4[%dma_wait3A_1688, %dma_wait3A_1698, %dma_wait3A_1699] : memref<25x4096x128xf32, #tpu.memory_space<hbm>> -> memref<1x4096x128xf32, #tpu.memory_space<hbm>>
    %dma_wait3A_1701 = tpu.memref_squeeze %dma_wait3A_1700 : memref<1x4096x128xf32, #tpu.memory_space<hbm>> -> memref<4096x128xf32, #tpu.memory_space<hbm>>
    %dma_wait3A_1702 = arith.constant 0 : i32
    %dma_wait3A_1703 = tpu.memref_slice %dma_wait3A_1701[%mul3A_2, %dma_wait3A_1702] : memref<4096x128xf32, #tpu.memory_space<hbm>> -> memref<128x128xf32, #tpu.memory_space<hbm>>
    %dma_wait3A_1704 = arith.constant 0 : i32
    %dma_wait3A_1705 = arith.constant 64 : i32
    %dma_wait3A_1706 = tpu.memref_slice %dma_wait3A_1703[%dma_wait3A_1704, %dma_wait3A_1705] : memref<128x128xf32, #tpu.memory_space<hbm>> -> memref<128x64xf32, #tpu.memory_space<hbm>>
    tpu.wait_dma2 semaphore(%arg21 : memref<!tpu.dma_semaphore, #tpu.memory_space<semaphore_mem>>) src(%arg13 : memref<128x64xf32, #tpu.memory_space<vmem>>) dst(%dma_wait3A_1706 : memref<128x64xf32, #tpu.memory_space<hbm>>)
    %dma_start3A_1707 = arith.constant 38 : i32
    %dma_start3A_1708 = arith.constant 0 : i32
    %dma_start3A_1709 = tpu.memref_slice %arg5[%dma_start3A_1707, %dma_start3A_1708] : memref<50x128xi32, #tpu.memory_space<vmem>> -> memref<1x128xi32, #tpu.memory_space<vmem>>
    %dma_start3A_1710 = tpu.memref_squeeze %dma_start3A_1709 : memref<1x128xi32, #tpu.memory_space<vmem>> -> memref<128xi32, #tpu.memory_space<vmem>>
    %dma_start3A_1711 = arith.constant 0 : i32
    %dma_start3A_1712 = arith.constant 0 : i32
    %dma_start3A_1713 = tpu.memref_slice %arg2[%dma_start3A_1711, %dma_start3A_1712] : memref<100000x64xf32, #tpu.memory_space<hbm>> -> memref<100000x64xf32, #tpu.memory_space<hbm>>
    tpu.enqueue_indirect_dma source(%dma_start3A_1713 : memref<100000x64xf32, #tpu.memory_space<hbm>>) target(%arg12 : memref<128x64xf32, #tpu.memory_space<vmem>>) offsets(%dma_start3A_1710 : memref<128xi32, #tpu.memory_space<vmem>>) semaphore(%arg17 : memref<!tpu.dma_semaphore, #tpu.memory_space<semaphore_mem>>)
    %dma_start3A_1714 = arith.constant 39 : i32
    %dma_start3A_1715 = arith.constant 0 : i32
    %dma_start3A_1716 = tpu.memref_slice %arg5[%dma_start3A_1714, %dma_start3A_1715] : memref<50x128xi32, #tpu.memory_space<vmem>> -> memref<1x128xi32, #tpu.memory_space<vmem>>
    %dma_start3A_1717 = tpu.memref_squeeze %dma_start3A_1716 : memref<1x128xi32, #tpu.memory_space<vmem>> -> memref<128xi32, #tpu.memory_space<vmem>>
    %dma_start3A_1718 = arith.constant 0 : i32
    %dma_start3A_1719 = arith.constant 0 : i32
    %dma_start3A_1720 = tpu.memref_slice %arg2[%dma_start3A_1718, %dma_start3A_1719] : memref<100000x64xf32, #tpu.memory_space<hbm>> -> memref<100000x64xf32, #tpu.memory_space<hbm>>
    tpu.enqueue_indirect_dma source(%dma_start3A_1720 : memref<100000x64xf32, #tpu.memory_space<hbm>>) target(%arg13 : memref<128x64xf32, #tpu.memory_space<vmem>>) offsets(%dma_start3A_1717 : memref<128xi32, #tpu.memory_space<vmem>>) semaphore(%arg17 : memref<!tpu.dma_semaphore, #tpu.memory_space<semaphore_mem>>)
    %dma_wait3A_1721 = arith.constant 32 : i32
    %dma_wait3A_1722 = arith.constant 0 : i32
    %dma_wait3A_1723 = tpu.memref_slice %arg5[%dma_wait3A_1721, %dma_wait3A_1722] : memref<50x128xi32, #tpu.memory_space<vmem>> -> memref<1x128xi32, #tpu.memory_space<vmem>>
    %dma_wait3A_1724 = tpu.memref_squeeze %dma_wait3A_1723 : memref<1x128xi32, #tpu.memory_space<vmem>> -> memref<128xi32, #tpu.memory_space<vmem>>
    %dma_wait3A_1725 = arith.constant 0 : i32
    %dma_wait3A_1726 = arith.constant 0 : i32
    %dma_wait3A_1727 = tpu.memref_slice %arg2[%dma_wait3A_1725, %dma_wait3A_1726] : memref<100000x64xf32, #tpu.memory_space<hbm>> -> memref<100000x64xf32, #tpu.memory_space<hbm>>
    tpu.wait_indirect_dma semaphore(%arg14 : memref<!tpu.dma_semaphore, #tpu.memory_space<semaphore_mem>>) src(%dma_wait3A_1727 : memref<100000x64xf32, #tpu.memory_space<hbm>>) dst(%arg6 : memref<128x64xf32, #tpu.memory_space<vmem>>)
    %dma_wait3A_1728 = arith.constant 33 : i32
    %dma_wait3A_1729 = arith.constant 0 : i32
    %dma_wait3A_1730 = tpu.memref_slice %arg5[%dma_wait3A_1728, %dma_wait3A_1729] : memref<50x128xi32, #tpu.memory_space<vmem>> -> memref<1x128xi32, #tpu.memory_space<vmem>>
    %dma_wait3A_1731 = tpu.memref_squeeze %dma_wait3A_1730 : memref<1x128xi32, #tpu.memory_space<vmem>> -> memref<128xi32, #tpu.memory_space<vmem>>
    %dma_wait3A_1732 = arith.constant 0 : i32
    %dma_wait3A_1733 = arith.constant 0 : i32
    %dma_wait3A_1734 = tpu.memref_slice %arg2[%dma_wait3A_1732, %dma_wait3A_1733] : memref<100000x64xf32, #tpu.memory_space<hbm>> -> memref<100000x64xf32, #tpu.memory_space<hbm>>
    tpu.wait_indirect_dma semaphore(%arg14 : memref<!tpu.dma_semaphore, #tpu.memory_space<semaphore_mem>>) src(%dma_wait3A_1734 : memref<100000x64xf32, #tpu.memory_space<hbm>>) dst(%arg7 : memref<128x64xf32, #tpu.memory_space<vmem>>)
    %dma_start3A_1735 = arith.constant 16 : i32
    %dma_start3A_1736 = arith.constant 0 : i32
    %dma_start3A_1737 = arith.constant 0 : i32
    %dma_start3A_1738 = tpu.memref_slice %arg4[%dma_start3A_1735, %dma_start3A_1736, %dma_start3A_1737] : memref<25x4096x128xf32, #tpu.memory_space<hbm>> -> memref<1x4096x128xf32, #tpu.memory_space<hbm>>
    %dma_start3A_1739 = tpu.memref_squeeze %dma_start3A_1738 : memref<1x4096x128xf32, #tpu.memory_space<hbm>> -> memref<4096x128xf32, #tpu.memory_space<hbm>>
    %dma_start3A_1740 = arith.constant 0 : i32
    %dma_start3A_1741 = tpu.memref_slice %dma_start3A_1739[%mul3A_2, %dma_start3A_1740] : memref<4096x128xf32, #tpu.memory_space<hbm>> -> memref<128x128xf32, #tpu.memory_space<hbm>>
    %dma_start3A_1742 = arith.constant 0 : i32
    %dma_start3A_1743 = arith.constant 0 : i32
    %dma_start3A_1744 = tpu.memref_slice %dma_start3A_1741[%dma_start3A_1742, %dma_start3A_1743] : memref<128x128xf32, #tpu.memory_space<hbm>> -> memref<128x64xf32, #tpu.memory_space<hbm>>
    %dma_start3A_1745 = arith.constant 0 : i32
    %dma_start3A_1746 = arith.constant 0 : i32
    %dma_start3A_1747 = tpu.memref_slice %arg4[%dma_start3A_1735, %dma_start3A_1745, %dma_start3A_1746] : memref<25x4096x128xf32, #tpu.memory_space<hbm>> -> memref<1x4096x128xf32, #tpu.memory_space<hbm>>
    %dma_start3A_1748 = tpu.memref_squeeze %dma_start3A_1747 : memref<1x4096x128xf32, #tpu.memory_space<hbm>> -> memref<4096x128xf32, #tpu.memory_space<hbm>>
    %dma_start3A_1749 = arith.constant 0 : i32
    %dma_start3A_1750 = tpu.memref_slice %dma_start3A_1748[%mul3A_2, %dma_start3A_1749] : memref<4096x128xf32, #tpu.memory_space<hbm>> -> memref<128x128xf32, #tpu.memory_space<hbm>>
    %dma_start3A_1751 = arith.constant 0 : i32
    %dma_start3A_1752 = arith.constant 0 : i32
    %dma_start3A_1753 = tpu.memref_slice %dma_start3A_1750[%dma_start3A_1751, %dma_start3A_1752] : memref<128x128xf32, #tpu.memory_space<hbm>> -> memref<128x64xf32, #tpu.memory_space<hbm>>
    tpu.enqueue_dma source(%arg6 : memref<128x64xf32, #tpu.memory_space<vmem>>) target(%dma_start3A_1753 : memref<128x64xf32, #tpu.memory_space<hbm>>) target_semaphore(%arg18 : memref<!tpu.dma_semaphore, #tpu.memory_space<semaphore_mem>>)
    %dma_start3A_1754 = arith.constant 16 : i32
    %dma_start3A_1755 = arith.constant 0 : i32
    %dma_start3A_1756 = arith.constant 0 : i32
    %dma_start3A_1757 = tpu.memref_slice %arg4[%dma_start3A_1754, %dma_start3A_1755, %dma_start3A_1756] : memref<25x4096x128xf32, #tpu.memory_space<hbm>> -> memref<1x4096x128xf32, #tpu.memory_space<hbm>>
    %dma_start3A_1758 = tpu.memref_squeeze %dma_start3A_1757 : memref<1x4096x128xf32, #tpu.memory_space<hbm>> -> memref<4096x128xf32, #tpu.memory_space<hbm>>
    %dma_start3A_1759 = arith.constant 0 : i32
    %dma_start3A_1760 = tpu.memref_slice %dma_start3A_1758[%mul3A_2, %dma_start3A_1759] : memref<4096x128xf32, #tpu.memory_space<hbm>> -> memref<128x128xf32, #tpu.memory_space<hbm>>
    %dma_start3A_1761 = arith.constant 0 : i32
    %dma_start3A_1762 = arith.constant 64 : i32
    %dma_start3A_1763 = tpu.memref_slice %dma_start3A_1760[%dma_start3A_1761, %dma_start3A_1762] : memref<128x128xf32, #tpu.memory_space<hbm>> -> memref<128x64xf32, #tpu.memory_space<hbm>>
    %dma_start3A_1764 = arith.constant 0 : i32
    %dma_start3A_1765 = arith.constant 0 : i32
    %dma_start3A_1766 = tpu.memref_slice %arg4[%dma_start3A_1754, %dma_start3A_1764, %dma_start3A_1765] : memref<25x4096x128xf32, #tpu.memory_space<hbm>> -> memref<1x4096x128xf32, #tpu.memory_space<hbm>>
    %dma_start3A_1767 = tpu.memref_squeeze %dma_start3A_1766 : memref<1x4096x128xf32, #tpu.memory_space<hbm>> -> memref<4096x128xf32, #tpu.memory_space<hbm>>
    %dma_start3A_1768 = arith.constant 0 : i32
    %dma_start3A_1769 = tpu.memref_slice %dma_start3A_1767[%mul3A_2, %dma_start3A_1768] : memref<4096x128xf32, #tpu.memory_space<hbm>> -> memref<128x128xf32, #tpu.memory_space<hbm>>
    %dma_start3A_1770 = arith.constant 0 : i32
    %dma_start3A_1771 = arith.constant 64 : i32
    %dma_start3A_1772 = tpu.memref_slice %dma_start3A_1769[%dma_start3A_1770, %dma_start3A_1771] : memref<128x128xf32, #tpu.memory_space<hbm>> -> memref<128x64xf32, #tpu.memory_space<hbm>>
    tpu.enqueue_dma source(%arg7 : memref<128x64xf32, #tpu.memory_space<vmem>>) target(%dma_start3A_1772 : memref<128x64xf32, #tpu.memory_space<hbm>>) target_semaphore(%arg18 : memref<!tpu.dma_semaphore, #tpu.memory_space<semaphore_mem>>)
    %dma_wait3A_1773 = arith.constant 16 : i32
    %dma_wait3A_1774 = arith.constant 0 : i32
    %dma_wait3A_1775 = arith.constant 0 : i32
    %dma_wait3A_1776 = tpu.memref_slice %arg4[%dma_wait3A_1773, %dma_wait3A_1774, %dma_wait3A_1775] : memref<25x4096x128xf32, #tpu.memory_space<hbm>> -> memref<1x4096x128xf32, #tpu.memory_space<hbm>>
    %dma_wait3A_1777 = tpu.memref_squeeze %dma_wait3A_1776 : memref<1x4096x128xf32, #tpu.memory_space<hbm>> -> memref<4096x128xf32, #tpu.memory_space<hbm>>
    %dma_wait3A_1778 = arith.constant 0 : i32
    %dma_wait3A_1779 = tpu.memref_slice %dma_wait3A_1777[%mul3A_2, %dma_wait3A_1778] : memref<4096x128xf32, #tpu.memory_space<hbm>> -> memref<128x128xf32, #tpu.memory_space<hbm>>
    %dma_wait3A_1780 = arith.constant 0 : i32
    %dma_wait3A_1781 = arith.constant 0 : i32
    %dma_wait3A_1782 = tpu.memref_slice %dma_wait3A_1779[%dma_wait3A_1780, %dma_wait3A_1781] : memref<128x128xf32, #tpu.memory_space<hbm>> -> memref<128x64xf32, #tpu.memory_space<hbm>>
    %dma_wait3A_1783 = arith.constant 0 : i32
    %dma_wait3A_1784 = arith.constant 0 : i32
    %dma_wait3A_1785 = tpu.memref_slice %arg4[%dma_wait3A_1773, %dma_wait3A_1783, %dma_wait3A_1784] : memref<25x4096x128xf32, #tpu.memory_space<hbm>> -> memref<1x4096x128xf32, #tpu.memory_space<hbm>>
    %dma_wait3A_1786 = tpu.memref_squeeze %dma_wait3A_1785 : memref<1x4096x128xf32, #tpu.memory_space<hbm>> -> memref<4096x128xf32, #tpu.memory_space<hbm>>
    %dma_wait3A_1787 = arith.constant 0 : i32
    %dma_wait3A_1788 = tpu.memref_slice %dma_wait3A_1786[%mul3A_2, %dma_wait3A_1787] : memref<4096x128xf32, #tpu.memory_space<hbm>> -> memref<128x128xf32, #tpu.memory_space<hbm>>
    %dma_wait3A_1789 = arith.constant 0 : i32
    %dma_wait3A_1790 = arith.constant 0 : i32
    %dma_wait3A_1791 = tpu.memref_slice %dma_wait3A_1788[%dma_wait3A_1789, %dma_wait3A_1790] : memref<128x128xf32, #tpu.memory_space<hbm>> -> memref<128x64xf32, #tpu.memory_space<hbm>>
    tpu.wait_dma2 semaphore(%arg18 : memref<!tpu.dma_semaphore, #tpu.memory_space<semaphore_mem>>) src(%arg6 : memref<128x64xf32, #tpu.memory_space<vmem>>) dst(%dma_wait3A_1791 : memref<128x64xf32, #tpu.memory_space<hbm>>)
    %dma_wait3A_1792 = arith.constant 16 : i32
    %dma_wait3A_1793 = arith.constant 0 : i32
    %dma_wait3A_1794 = arith.constant 0 : i32
    %dma_wait3A_1795 = tpu.memref_slice %arg4[%dma_wait3A_1792, %dma_wait3A_1793, %dma_wait3A_1794] : memref<25x4096x128xf32, #tpu.memory_space<hbm>> -> memref<1x4096x128xf32, #tpu.memory_space<hbm>>
    %dma_wait3A_1796 = tpu.memref_squeeze %dma_wait3A_1795 : memref<1x4096x128xf32, #tpu.memory_space<hbm>> -> memref<4096x128xf32, #tpu.memory_space<hbm>>
    %dma_wait3A_1797 = arith.constant 0 : i32
    %dma_wait3A_1798 = tpu.memref_slice %dma_wait3A_1796[%mul3A_2, %dma_wait3A_1797] : memref<4096x128xf32, #tpu.memory_space<hbm>> -> memref<128x128xf32, #tpu.memory_space<hbm>>
    %dma_wait3A_1799 = arith.constant 0 : i32
    %dma_wait3A_1800 = arith.constant 64 : i32
    %dma_wait3A_1801 = tpu.memref_slice %dma_wait3A_1798[%dma_wait3A_1799, %dma_wait3A_1800] : memref<128x128xf32, #tpu.memory_space<hbm>> -> memref<128x64xf32, #tpu.memory_space<hbm>>
    %dma_wait3A_1802 = arith.constant 0 : i32
    %dma_wait3A_1803 = arith.constant 0 : i32
    %dma_wait3A_1804 = tpu.memref_slice %arg4[%dma_wait3A_1792, %dma_wait3A_1802, %dma_wait3A_1803] : memref<25x4096x128xf32, #tpu.memory_space<hbm>> -> memref<1x4096x128xf32, #tpu.memory_space<hbm>>
    %dma_wait3A_1805 = tpu.memref_squeeze %dma_wait3A_1804 : memref<1x4096x128xf32, #tpu.memory_space<hbm>> -> memref<4096x128xf32, #tpu.memory_space<hbm>>
    %dma_wait3A_1806 = arith.constant 0 : i32
    %dma_wait3A_1807 = tpu.memref_slice %dma_wait3A_1805[%mul3A_2, %dma_wait3A_1806] : memref<4096x128xf32, #tpu.memory_space<hbm>> -> memref<128x128xf32, #tpu.memory_space<hbm>>
    %dma_wait3A_1808 = arith.constant 0 : i32
    %dma_wait3A_1809 = arith.constant 64 : i32
    %dma_wait3A_1810 = tpu.memref_slice %dma_wait3A_1807[%dma_wait3A_1808, %dma_wait3A_1809] : memref<128x128xf32, #tpu.memory_space<hbm>> -> memref<128x64xf32, #tpu.memory_space<hbm>>
    tpu.wait_dma2 semaphore(%arg18 : memref<!tpu.dma_semaphore, #tpu.memory_space<semaphore_mem>>) src(%arg7 : memref<128x64xf32, #tpu.memory_space<vmem>>) dst(%dma_wait3A_1810 : memref<128x64xf32, #tpu.memory_space<hbm>>)
    %dma_start3A_1811 = arith.constant 40 : i32
    %dma_start3A_1812 = arith.constant 0 : i32
    %dma_start3A_1813 = tpu.memref_slice %arg5[%dma_start3A_1811, %dma_start3A_1812] : memref<50x128xi32, #tpu.memory_space<vmem>> -> memref<1x128xi32, #tpu.memory_space<vmem>>
    %dma_start3A_1814 = tpu.memref_squeeze %dma_start3A_1813 : memref<1x128xi32, #tpu.memory_space<vmem>> -> memref<128xi32, #tpu.memory_space<vmem>>
    %dma_start3A_1815 = arith.constant 0 : i32
    %dma_start3A_1816 = arith.constant 0 : i32
    %dma_start3A_1817 = tpu.memref_slice %arg2[%dma_start3A_1815, %dma_start3A_1816] : memref<100000x64xf32, #tpu.memory_space<hbm>> -> memref<100000x64xf32, #tpu.memory_space<hbm>>
    tpu.enqueue_indirect_dma source(%dma_start3A_1817 : memref<100000x64xf32, #tpu.memory_space<hbm>>) target(%arg6 : memref<128x64xf32, #tpu.memory_space<vmem>>) offsets(%dma_start3A_1814 : memref<128xi32, #tpu.memory_space<vmem>>) semaphore(%arg14 : memref<!tpu.dma_semaphore, #tpu.memory_space<semaphore_mem>>)
    %dma_start3A_1818 = arith.constant 41 : i32
    %dma_start3A_1819 = arith.constant 0 : i32
    %dma_start3A_1820 = tpu.memref_slice %arg5[%dma_start3A_1818, %dma_start3A_1819] : memref<50x128xi32, #tpu.memory_space<vmem>> -> memref<1x128xi32, #tpu.memory_space<vmem>>
    %dma_start3A_1821 = tpu.memref_squeeze %dma_start3A_1820 : memref<1x128xi32, #tpu.memory_space<vmem>> -> memref<128xi32, #tpu.memory_space<vmem>>
    %dma_start3A_1822 = arith.constant 0 : i32
    %dma_start3A_1823 = arith.constant 0 : i32
    %dma_start3A_1824 = tpu.memref_slice %arg2[%dma_start3A_1822, %dma_start3A_1823] : memref<100000x64xf32, #tpu.memory_space<hbm>> -> memref<100000x64xf32, #tpu.memory_space<hbm>>
    tpu.enqueue_indirect_dma source(%dma_start3A_1824 : memref<100000x64xf32, #tpu.memory_space<hbm>>) target(%arg7 : memref<128x64xf32, #tpu.memory_space<vmem>>) offsets(%dma_start3A_1821 : memref<128xi32, #tpu.memory_space<vmem>>) semaphore(%arg14 : memref<!tpu.dma_semaphore, #tpu.memory_space<semaphore_mem>>)
    %dma_wait3A_1825 = arith.constant 34 : i32
    %dma_wait3A_1826 = arith.constant 0 : i32
    %dma_wait3A_1827 = tpu.memref_slice %arg5[%dma_wait3A_1825, %dma_wait3A_1826] : memref<50x128xi32, #tpu.memory_space<vmem>> -> memref<1x128xi32, #tpu.memory_space<vmem>>
    %dma_wait3A_1828 = tpu.memref_squeeze %dma_wait3A_1827 : memref<1x128xi32, #tpu.memory_space<vmem>> -> memref<128xi32, #tpu.memory_space<vmem>>
    %dma_wait3A_1829 = arith.constant 0 : i32
    %dma_wait3A_1830 = arith.constant 0 : i32
    %dma_wait3A_1831 = tpu.memref_slice %arg2[%dma_wait3A_1829, %dma_wait3A_1830] : memref<100000x64xf32, #tpu.memory_space<hbm>> -> memref<100000x64xf32, #tpu.memory_space<hbm>>
    tpu.wait_indirect_dma semaphore(%arg15 : memref<!tpu.dma_semaphore, #tpu.memory_space<semaphore_mem>>) src(%dma_wait3A_1831 : memref<100000x64xf32, #tpu.memory_space<hbm>>) dst(%arg8 : memref<128x64xf32, #tpu.memory_space<vmem>>)
    %dma_wait3A_1832 = arith.constant 35 : i32
    %dma_wait3A_1833 = arith.constant 0 : i32
    %dma_wait3A_1834 = tpu.memref_slice %arg5[%dma_wait3A_1832, %dma_wait3A_1833] : memref<50x128xi32, #tpu.memory_space<vmem>> -> memref<1x128xi32, #tpu.memory_space<vmem>>
    %dma_wait3A_1835 = tpu.memref_squeeze %dma_wait3A_1834 : memref<1x128xi32, #tpu.memory_space<vmem>> -> memref<128xi32, #tpu.memory_space<vmem>>
    %dma_wait3A_1836 = arith.constant 0 : i32
    %dma_wait3A_1837 = arith.constant 0 : i32
    %dma_wait3A_1838 = tpu.memref_slice %arg2[%dma_wait3A_1836, %dma_wait3A_1837] : memref<100000x64xf32, #tpu.memory_space<hbm>> -> memref<100000x64xf32, #tpu.memory_space<hbm>>
    tpu.wait_indirect_dma semaphore(%arg15 : memref<!tpu.dma_semaphore, #tpu.memory_space<semaphore_mem>>) src(%dma_wait3A_1838 : memref<100000x64xf32, #tpu.memory_space<hbm>>) dst(%arg9 : memref<128x64xf32, #tpu.memory_space<vmem>>)
    %dma_start3A_1839 = arith.constant 17 : i32
    %dma_start3A_1840 = arith.constant 0 : i32
    %dma_start3A_1841 = arith.constant 0 : i32
    %dma_start3A_1842 = tpu.memref_slice %arg4[%dma_start3A_1839, %dma_start3A_1840, %dma_start3A_1841] : memref<25x4096x128xf32, #tpu.memory_space<hbm>> -> memref<1x4096x128xf32, #tpu.memory_space<hbm>>
    %dma_start3A_1843 = tpu.memref_squeeze %dma_start3A_1842 : memref<1x4096x128xf32, #tpu.memory_space<hbm>> -> memref<4096x128xf32, #tpu.memory_space<hbm>>
    %dma_start3A_1844 = arith.constant 0 : i32
    %dma_start3A_1845 = tpu.memref_slice %dma_start3A_1843[%mul3A_2, %dma_start3A_1844] : memref<4096x128xf32, #tpu.memory_space<hbm>> -> memref<128x128xf32, #tpu.memory_space<hbm>>
    %dma_start3A_1846 = arith.constant 0 : i32
    %dma_start3A_1847 = arith.constant 0 : i32
    %dma_start3A_1848 = tpu.memref_slice %dma_start3A_1845[%dma_start3A_1846, %dma_start3A_1847] : memref<128x128xf32, #tpu.memory_space<hbm>> -> memref<128x64xf32, #tpu.memory_space<hbm>>
    %dma_start3A_1849 = arith.constant 0 : i32
    %dma_start3A_1850 = arith.constant 0 : i32
    %dma_start3A_1851 = tpu.memref_slice %arg4[%dma_start3A_1839, %dma_start3A_1849, %dma_start3A_1850] : memref<25x4096x128xf32, #tpu.memory_space<hbm>> -> memref<1x4096x128xf32, #tpu.memory_space<hbm>>
    %dma_start3A_1852 = tpu.memref_squeeze %dma_start3A_1851 : memref<1x4096x128xf32, #tpu.memory_space<hbm>> -> memref<4096x128xf32, #tpu.memory_space<hbm>>
    %dma_start3A_1853 = arith.constant 0 : i32
    %dma_start3A_1854 = tpu.memref_slice %dma_start3A_1852[%mul3A_2, %dma_start3A_1853] : memref<4096x128xf32, #tpu.memory_space<hbm>> -> memref<128x128xf32, #tpu.memory_space<hbm>>
    %dma_start3A_1855 = arith.constant 0 : i32
    %dma_start3A_1856 = arith.constant 0 : i32
    %dma_start3A_1857 = tpu.memref_slice %dma_start3A_1854[%dma_start3A_1855, %dma_start3A_1856] : memref<128x128xf32, #tpu.memory_space<hbm>> -> memref<128x64xf32, #tpu.memory_space<hbm>>
    tpu.enqueue_dma source(%arg8 : memref<128x64xf32, #tpu.memory_space<vmem>>) target(%dma_start3A_1857 : memref<128x64xf32, #tpu.memory_space<hbm>>) target_semaphore(%arg19 : memref<!tpu.dma_semaphore, #tpu.memory_space<semaphore_mem>>)
    %dma_start3A_1858 = arith.constant 17 : i32
    %dma_start3A_1859 = arith.constant 0 : i32
    %dma_start3A_1860 = arith.constant 0 : i32
    %dma_start3A_1861 = tpu.memref_slice %arg4[%dma_start3A_1858, %dma_start3A_1859, %dma_start3A_1860] : memref<25x4096x128xf32, #tpu.memory_space<hbm>> -> memref<1x4096x128xf32, #tpu.memory_space<hbm>>
    %dma_start3A_1862 = tpu.memref_squeeze %dma_start3A_1861 : memref<1x4096x128xf32, #tpu.memory_space<hbm>> -> memref<4096x128xf32, #tpu.memory_space<hbm>>
    %dma_start3A_1863 = arith.constant 0 : i32
    %dma_start3A_1864 = tpu.memref_slice %dma_start3A_1862[%mul3A_2, %dma_start3A_1863] : memref<4096x128xf32, #tpu.memory_space<hbm>> -> memref<128x128xf32, #tpu.memory_space<hbm>>
    %dma_start3A_1865 = arith.constant 0 : i32
    %dma_start3A_1866 = arith.constant 64 : i32
    %dma_start3A_1867 = tpu.memref_slice %dma_start3A_1864[%dma_start3A_1865, %dma_start3A_1866] : memref<128x128xf32, #tpu.memory_space<hbm>> -> memref<128x64xf32, #tpu.memory_space<hbm>>
    %dma_start3A_1868 = arith.constant 0 : i32
    %dma_start3A_1869 = arith.constant 0 : i32
    %dma_start3A_1870 = tpu.memref_slice %arg4[%dma_start3A_1858, %dma_start3A_1868, %dma_start3A_1869] : memref<25x4096x128xf32, #tpu.memory_space<hbm>> -> memref<1x4096x128xf32, #tpu.memory_space<hbm>>
    %dma_start3A_1871 = tpu.memref_squeeze %dma_start3A_1870 : memref<1x4096x128xf32, #tpu.memory_space<hbm>> -> memref<4096x128xf32, #tpu.memory_space<hbm>>
    %dma_start3A_1872 = arith.constant 0 : i32
    %dma_start3A_1873 = tpu.memref_slice %dma_start3A_1871[%mul3A_2, %dma_start3A_1872] : memref<4096x128xf32, #tpu.memory_space<hbm>> -> memref<128x128xf32, #tpu.memory_space<hbm>>
    %dma_start3A_1874 = arith.constant 0 : i32
    %dma_start3A_1875 = arith.constant 64 : i32
    %dma_start3A_1876 = tpu.memref_slice %dma_start3A_1873[%dma_start3A_1874, %dma_start3A_1875] : memref<128x128xf32, #tpu.memory_space<hbm>> -> memref<128x64xf32, #tpu.memory_space<hbm>>
    tpu.enqueue_dma source(%arg9 : memref<128x64xf32, #tpu.memory_space<vmem>>) target(%dma_start3A_1876 : memref<128x64xf32, #tpu.memory_space<hbm>>) target_semaphore(%arg19 : memref<!tpu.dma_semaphore, #tpu.memory_space<semaphore_mem>>)
    %dma_wait3A_1877 = arith.constant 17 : i32
    %dma_wait3A_1878 = arith.constant 0 : i32
    %dma_wait3A_1879 = arith.constant 0 : i32
    %dma_wait3A_1880 = tpu.memref_slice %arg4[%dma_wait3A_1877, %dma_wait3A_1878, %dma_wait3A_1879] : memref<25x4096x128xf32, #tpu.memory_space<hbm>> -> memref<1x4096x128xf32, #tpu.memory_space<hbm>>
    %dma_wait3A_1881 = tpu.memref_squeeze %dma_wait3A_1880 : memref<1x4096x128xf32, #tpu.memory_space<hbm>> -> memref<4096x128xf32, #tpu.memory_space<hbm>>
    %dma_wait3A_1882 = arith.constant 0 : i32
    %dma_wait3A_1883 = tpu.memref_slice %dma_wait3A_1881[%mul3A_2, %dma_wait3A_1882] : memref<4096x128xf32, #tpu.memory_space<hbm>> -> memref<128x128xf32, #tpu.memory_space<hbm>>
    %dma_wait3A_1884 = arith.constant 0 : i32
    %dma_wait3A_1885 = arith.constant 0 : i32
    %dma_wait3A_1886 = tpu.memref_slice %dma_wait3A_1883[%dma_wait3A_1884, %dma_wait3A_1885] : memref<128x128xf32, #tpu.memory_space<hbm>> -> memref<128x64xf32, #tpu.memory_space<hbm>>
    %dma_wait3A_1887 = arith.constant 0 : i32
    %dma_wait3A_1888 = arith.constant 0 : i32
    %dma_wait3A_1889 = tpu.memref_slice %arg4[%dma_wait3A_1877, %dma_wait3A_1887, %dma_wait3A_1888] : memref<25x4096x128xf32, #tpu.memory_space<hbm>> -> memref<1x4096x128xf32, #tpu.memory_space<hbm>>
    %dma_wait3A_1890 = tpu.memref_squeeze %dma_wait3A_1889 : memref<1x4096x128xf32, #tpu.memory_space<hbm>> -> memref<4096x128xf32, #tpu.memory_space<hbm>>
    %dma_wait3A_1891 = arith.constant 0 : i32
    %dma_wait3A_1892 = tpu.memref_slice %dma_wait3A_1890[%mul3A_2, %dma_wait3A_1891] : memref<4096x128xf32, #tpu.memory_space<hbm>> -> memref<128x128xf32, #tpu.memory_space<hbm>>
    %dma_wait3A_1893 = arith.constant 0 : i32
    %dma_wait3A_1894 = arith.constant 0 : i32
    %dma_wait3A_1895 = tpu.memref_slice %dma_wait3A_1892[%dma_wait3A_1893, %dma_wait3A_1894] : memref<128x128xf32, #tpu.memory_space<hbm>> -> memref<128x64xf32, #tpu.memory_space<hbm>>
    tpu.wait_dma2 semaphore(%arg19 : memref<!tpu.dma_semaphore, #tpu.memory_space<semaphore_mem>>) src(%arg8 : memref<128x64xf32, #tpu.memory_space<vmem>>) dst(%dma_wait3A_1895 : memref<128x64xf32, #tpu.memory_space<hbm>>)
    %dma_wait3A_1896 = arith.constant 17 : i32
    %dma_wait3A_1897 = arith.constant 0 : i32
    %dma_wait3A_1898 = arith.constant 0 : i32
    %dma_wait3A_1899 = tpu.memref_slice %arg4[%dma_wait3A_1896, %dma_wait3A_1897, %dma_wait3A_1898] : memref<25x4096x128xf32, #tpu.memory_space<hbm>> -> memref<1x4096x128xf32, #tpu.memory_space<hbm>>
    %dma_wait3A_1900 = tpu.memref_squeeze %dma_wait3A_1899 : memref<1x4096x128xf32, #tpu.memory_space<hbm>> -> memref<4096x128xf32, #tpu.memory_space<hbm>>
    %dma_wait3A_1901 = arith.constant 0 : i32
    %dma_wait3A_1902 = tpu.memref_slice %dma_wait3A_1900[%mul3A_2, %dma_wait3A_1901] : memref<4096x128xf32, #tpu.memory_space<hbm>> -> memref<128x128xf32, #tpu.memory_space<hbm>>
    %dma_wait3A_1903 = arith.constant 0 : i32
    %dma_wait3A_1904 = arith.constant 64 : i32
    %dma_wait3A_1905 = tpu.memref_slice %dma_wait3A_1902[%dma_wait3A_1903, %dma_wait3A_1904] : memref<128x128xf32, #tpu.memory_space<hbm>> -> memref<128x64xf32, #tpu.memory_space<hbm>>
    %dma_wait3A_1906 = arith.constant 0 : i32
    %dma_wait3A_1907 = arith.constant 0 : i32
    %dma_wait3A_1908 = tpu.memref_slice %arg4[%dma_wait3A_1896, %dma_wait3A_1906, %dma_wait3A_1907] : memref<25x4096x128xf32, #tpu.memory_space<hbm>> -> memref<1x4096x128xf32, #tpu.memory_space<hbm>>
    %dma_wait3A_1909 = tpu.memref_squeeze %dma_wait3A_1908 : memref<1x4096x128xf32, #tpu.memory_space<hbm>> -> memref<4096x128xf32, #tpu.memory_space<hbm>>
    %dma_wait3A_1910 = arith.constant 0 : i32
    %dma_wait3A_1911 = tpu.memref_slice %dma_wait3A_1909[%mul3A_2, %dma_wait3A_1910] : memref<4096x128xf32, #tpu.memory_space<hbm>> -> memref<128x128xf32, #tpu.memory_space<hbm>>
    %dma_wait3A_1912 = arith.constant 0 : i32
    %dma_wait3A_1913 = arith.constant 64 : i32
    %dma_wait3A_1914 = tpu.memref_slice %dma_wait3A_1911[%dma_wait3A_1912, %dma_wait3A_1913] : memref<128x128xf32, #tpu.memory_space<hbm>> -> memref<128x64xf32, #tpu.memory_space<hbm>>
    tpu.wait_dma2 semaphore(%arg19 : memref<!tpu.dma_semaphore, #tpu.memory_space<semaphore_mem>>) src(%arg9 : memref<128x64xf32, #tpu.memory_space<vmem>>) dst(%dma_wait3A_1914 : memref<128x64xf32, #tpu.memory_space<hbm>>)
    %dma_start3A_1915 = arith.constant 42 : i32
    %dma_start3A_1916 = arith.constant 0 : i32
    %dma_start3A_1917 = tpu.memref_slice %arg5[%dma_start3A_1915, %dma_start3A_1916] : memref<50x128xi32, #tpu.memory_space<vmem>> -> memref<1x128xi32, #tpu.memory_space<vmem>>
    %dma_start3A_1918 = tpu.memref_squeeze %dma_start3A_1917 : memref<1x128xi32, #tpu.memory_space<vmem>> -> memref<128xi32, #tpu.memory_space<vmem>>
    %dma_start3A_1919 = arith.constant 0 : i32
    %dma_start3A_1920 = arith.constant 0 : i32
    %dma_start3A_1921 = tpu.memref_slice %arg2[%dma_start3A_1919, %dma_start3A_1920] : memref<100000x64xf32, #tpu.memory_space<hbm>> -> memref<100000x64xf32, #tpu.memory_space<hbm>>
    tpu.enqueue_indirect_dma source(%dma_start3A_1921 : memref<100000x64xf32, #tpu.memory_space<hbm>>) target(%arg8 : memref<128x64xf32, #tpu.memory_space<vmem>>) offsets(%dma_start3A_1918 : memref<128xi32, #tpu.memory_space<vmem>>) semaphore(%arg15 : memref<!tpu.dma_semaphore, #tpu.memory_space<semaphore_mem>>)
    %dma_start3A_1922 = arith.constant 43 : i32
    %dma_start3A_1923 = arith.constant 0 : i32
    %dma_start3A_1924 = tpu.memref_slice %arg5[%dma_start3A_1922, %dma_start3A_1923] : memref<50x128xi32, #tpu.memory_space<vmem>> -> memref<1x128xi32, #tpu.memory_space<vmem>>
    %dma_start3A_1925 = tpu.memref_squeeze %dma_start3A_1924 : memref<1x128xi32, #tpu.memory_space<vmem>> -> memref<128xi32, #tpu.memory_space<vmem>>
    %dma_start3A_1926 = arith.constant 0 : i32
    %dma_start3A_1927 = arith.constant 0 : i32
    %dma_start3A_1928 = tpu.memref_slice %arg2[%dma_start3A_1926, %dma_start3A_1927] : memref<100000x64xf32, #tpu.memory_space<hbm>> -> memref<100000x64xf32, #tpu.memory_space<hbm>>
    tpu.enqueue_indirect_dma source(%dma_start3A_1928 : memref<100000x64xf32, #tpu.memory_space<hbm>>) target(%arg9 : memref<128x64xf32, #tpu.memory_space<vmem>>) offsets(%dma_start3A_1925 : memref<128xi32, #tpu.memory_space<vmem>>) semaphore(%arg15 : memref<!tpu.dma_semaphore, #tpu.memory_space<semaphore_mem>>)
    %dma_wait3A_1929 = arith.constant 36 : i32
    %dma_wait3A_1930 = arith.constant 0 : i32
    %dma_wait3A_1931 = tpu.memref_slice %arg5[%dma_wait3A_1929, %dma_wait3A_1930] : memref<50x128xi32, #tpu.memory_space<vmem>> -> memref<1x128xi32, #tpu.memory_space<vmem>>
    %dma_wait3A_1932 = tpu.memref_squeeze %dma_wait3A_1931 : memref<1x128xi32, #tpu.memory_space<vmem>> -> memref<128xi32, #tpu.memory_space<vmem>>
    %dma_wait3A_1933 = arith.constant 0 : i32
    %dma_wait3A_1934 = arith.constant 0 : i32
    %dma_wait3A_1935 = tpu.memref_slice %arg2[%dma_wait3A_1933, %dma_wait3A_1934] : memref<100000x64xf32, #tpu.memory_space<hbm>> -> memref<100000x64xf32, #tpu.memory_space<hbm>>
    tpu.wait_indirect_dma semaphore(%arg16 : memref<!tpu.dma_semaphore, #tpu.memory_space<semaphore_mem>>) src(%dma_wait3A_1935 : memref<100000x64xf32, #tpu.memory_space<hbm>>) dst(%arg10 : memref<128x64xf32, #tpu.memory_space<vmem>>)
    %dma_wait3A_1936 = arith.constant 37 : i32
    %dma_wait3A_1937 = arith.constant 0 : i32
    %dma_wait3A_1938 = tpu.memref_slice %arg5[%dma_wait3A_1936, %dma_wait3A_1937] : memref<50x128xi32, #tpu.memory_space<vmem>> -> memref<1x128xi32, #tpu.memory_space<vmem>>
    %dma_wait3A_1939 = tpu.memref_squeeze %dma_wait3A_1938 : memref<1x128xi32, #tpu.memory_space<vmem>> -> memref<128xi32, #tpu.memory_space<vmem>>
    %dma_wait3A_1940 = arith.constant 0 : i32
    %dma_wait3A_1941 = arith.constant 0 : i32
    %dma_wait3A_1942 = tpu.memref_slice %arg2[%dma_wait3A_1940, %dma_wait3A_1941] : memref<100000x64xf32, #tpu.memory_space<hbm>> -> memref<100000x64xf32, #tpu.memory_space<hbm>>
    tpu.wait_indirect_dma semaphore(%arg16 : memref<!tpu.dma_semaphore, #tpu.memory_space<semaphore_mem>>) src(%dma_wait3A_1942 : memref<100000x64xf32, #tpu.memory_space<hbm>>) dst(%arg11 : memref<128x64xf32, #tpu.memory_space<vmem>>)
    %dma_start3A_1943 = arith.constant 18 : i32
    %dma_start3A_1944 = arith.constant 0 : i32
    %dma_start3A_1945 = arith.constant 0 : i32
    %dma_start3A_1946 = tpu.memref_slice %arg4[%dma_start3A_1943, %dma_start3A_1944, %dma_start3A_1945] : memref<25x4096x128xf32, #tpu.memory_space<hbm>> -> memref<1x4096x128xf32, #tpu.memory_space<hbm>>
    %dma_start3A_1947 = tpu.memref_squeeze %dma_start3A_1946 : memref<1x4096x128xf32, #tpu.memory_space<hbm>> -> memref<4096x128xf32, #tpu.memory_space<hbm>>
    %dma_start3A_1948 = arith.constant 0 : i32
    %dma_start3A_1949 = tpu.memref_slice %dma_start3A_1947[%mul3A_2, %dma_start3A_1948] : memref<4096x128xf32, #tpu.memory_space<hbm>> -> memref<128x128xf32, #tpu.memory_space<hbm>>
    %dma_start3A_1950 = arith.constant 0 : i32
    %dma_start3A_1951 = arith.constant 0 : i32
    %dma_start3A_1952 = tpu.memref_slice %dma_start3A_1949[%dma_start3A_1950, %dma_start3A_1951] : memref<128x128xf32, #tpu.memory_space<hbm>> -> memref<128x64xf32, #tpu.memory_space<hbm>>
    %dma_start3A_1953 = arith.constant 0 : i32
    %dma_start3A_1954 = arith.constant 0 : i32
    %dma_start3A_1955 = tpu.memref_slice %arg4[%dma_start3A_1943, %dma_start3A_1953, %dma_start3A_1954] : memref<25x4096x128xf32, #tpu.memory_space<hbm>> -> memref<1x4096x128xf32, #tpu.memory_space<hbm>>
    %dma_start3A_1956 = tpu.memref_squeeze %dma_start3A_1955 : memref<1x4096x128xf32, #tpu.memory_space<hbm>> -> memref<4096x128xf32, #tpu.memory_space<hbm>>
    %dma_start3A_1957 = arith.constant 0 : i32
    %dma_start3A_1958 = tpu.memref_slice %dma_start3A_1956[%mul3A_2, %dma_start3A_1957] : memref<4096x128xf32, #tpu.memory_space<hbm>> -> memref<128x128xf32, #tpu.memory_space<hbm>>
    %dma_start3A_1959 = arith.constant 0 : i32
    %dma_start3A_1960 = arith.constant 0 : i32
    %dma_start3A_1961 = tpu.memref_slice %dma_start3A_1958[%dma_start3A_1959, %dma_start3A_1960] : memref<128x128xf32, #tpu.memory_space<hbm>> -> memref<128x64xf32, #tpu.memory_space<hbm>>
    tpu.enqueue_dma source(%arg10 : memref<128x64xf32, #tpu.memory_space<vmem>>) target(%dma_start3A_1961 : memref<128x64xf32, #tpu.memory_space<hbm>>) target_semaphore(%arg20 : memref<!tpu.dma_semaphore, #tpu.memory_space<semaphore_mem>>)
    %dma_start3A_1962 = arith.constant 18 : i32
    %dma_start3A_1963 = arith.constant 0 : i32
    %dma_start3A_1964 = arith.constant 0 : i32
    %dma_start3A_1965 = tpu.memref_slice %arg4[%dma_start3A_1962, %dma_start3A_1963, %dma_start3A_1964] : memref<25x4096x128xf32, #tpu.memory_space<hbm>> -> memref<1x4096x128xf32, #tpu.memory_space<hbm>>
    %dma_start3A_1966 = tpu.memref_squeeze %dma_start3A_1965 : memref<1x4096x128xf32, #tpu.memory_space<hbm>> -> memref<4096x128xf32, #tpu.memory_space<hbm>>
    %dma_start3A_1967 = arith.constant 0 : i32
    %dma_start3A_1968 = tpu.memref_slice %dma_start3A_1966[%mul3A_2, %dma_start3A_1967] : memref<4096x128xf32, #tpu.memory_space<hbm>> -> memref<128x128xf32, #tpu.memory_space<hbm>>
    %dma_start3A_1969 = arith.constant 0 : i32
    %dma_start3A_1970 = arith.constant 64 : i32
    %dma_start3A_1971 = tpu.memref_slice %dma_start3A_1968[%dma_start3A_1969, %dma_start3A_1970] : memref<128x128xf32, #tpu.memory_space<hbm>> -> memref<128x64xf32, #tpu.memory_space<hbm>>
    %dma_start3A_1972 = arith.constant 0 : i32
    %dma_start3A_1973 = arith.constant 0 : i32
    %dma_start3A_1974 = tpu.memref_slice %arg4[%dma_start3A_1962, %dma_start3A_1972, %dma_start3A_1973] : memref<25x4096x128xf32, #tpu.memory_space<hbm>> -> memref<1x4096x128xf32, #tpu.memory_space<hbm>>
    %dma_start3A_1975 = tpu.memref_squeeze %dma_start3A_1974 : memref<1x4096x128xf32, #tpu.memory_space<hbm>> -> memref<4096x128xf32, #tpu.memory_space<hbm>>
    %dma_start3A_1976 = arith.constant 0 : i32
    %dma_start3A_1977 = tpu.memref_slice %dma_start3A_1975[%mul3A_2, %dma_start3A_1976] : memref<4096x128xf32, #tpu.memory_space<hbm>> -> memref<128x128xf32, #tpu.memory_space<hbm>>
    %dma_start3A_1978 = arith.constant 0 : i32
    %dma_start3A_1979 = arith.constant 64 : i32
    %dma_start3A_1980 = tpu.memref_slice %dma_start3A_1977[%dma_start3A_1978, %dma_start3A_1979] : memref<128x128xf32, #tpu.memory_space<hbm>> -> memref<128x64xf32, #tpu.memory_space<hbm>>
    tpu.enqueue_dma source(%arg11 : memref<128x64xf32, #tpu.memory_space<vmem>>) target(%dma_start3A_1980 : memref<128x64xf32, #tpu.memory_space<hbm>>) target_semaphore(%arg20 : memref<!tpu.dma_semaphore, #tpu.memory_space<semaphore_mem>>)
    %dma_wait3A_1981 = arith.constant 18 : i32
    %dma_wait3A_1982 = arith.constant 0 : i32
    %dma_wait3A_1983 = arith.constant 0 : i32
    %dma_wait3A_1984 = tpu.memref_slice %arg4[%dma_wait3A_1981, %dma_wait3A_1982, %dma_wait3A_1983] : memref<25x4096x128xf32, #tpu.memory_space<hbm>> -> memref<1x4096x128xf32, #tpu.memory_space<hbm>>
    %dma_wait3A_1985 = tpu.memref_squeeze %dma_wait3A_1984 : memref<1x4096x128xf32, #tpu.memory_space<hbm>> -> memref<4096x128xf32, #tpu.memory_space<hbm>>
    %dma_wait3A_1986 = arith.constant 0 : i32
    %dma_wait3A_1987 = tpu.memref_slice %dma_wait3A_1985[%mul3A_2, %dma_wait3A_1986] : memref<4096x128xf32, #tpu.memory_space<hbm>> -> memref<128x128xf32, #tpu.memory_space<hbm>>
    %dma_wait3A_1988 = arith.constant 0 : i32
    %dma_wait3A_1989 = arith.constant 0 : i32
    %dma_wait3A_1990 = tpu.memref_slice %dma_wait3A_1987[%dma_wait3A_1988, %dma_wait3A_1989] : memref<128x128xf32, #tpu.memory_space<hbm>> -> memref<128x64xf32, #tpu.memory_space<hbm>>
    %dma_wait3A_1991 = arith.constant 0 : i32
    %dma_wait3A_1992 = arith.constant 0 : i32
    %dma_wait3A_1993 = tpu.memref_slice %arg4[%dma_wait3A_1981, %dma_wait3A_1991, %dma_wait3A_1992] : memref<25x4096x128xf32, #tpu.memory_space<hbm>> -> memref<1x4096x128xf32, #tpu.memory_space<hbm>>
    %dma_wait3A_1994 = tpu.memref_squeeze %dma_wait3A_1993 : memref<1x4096x128xf32, #tpu.memory_space<hbm>> -> memref<4096x128xf32, #tpu.memory_space<hbm>>
    %dma_wait3A_1995 = arith.constant 0 : i32
    %dma_wait3A_1996 = tpu.memref_slice %dma_wait3A_1994[%mul3A_2, %dma_wait3A_1995] : memref<4096x128xf32, #tpu.memory_space<hbm>> -> memref<128x128xf32, #tpu.memory_space<hbm>>
    %dma_wait3A_1997 = arith.constant 0 : i32
    %dma_wait3A_1998 = arith.constant 0 : i32
    %dma_wait3A_1999 = tpu.memref_slice %dma_wait3A_1996[%dma_wait3A_1997, %dma_wait3A_1998] : memref<128x128xf32, #tpu.memory_space<hbm>> -> memref<128x64xf32, #tpu.memory_space<hbm>>
    tpu.wait_dma2 semaphore(%arg20 : memref<!tpu.dma_semaphore, #tpu.memory_space<semaphore_mem>>) src(%arg10 : memref<128x64xf32, #tpu.memory_space<vmem>>) dst(%dma_wait3A_1999 : memref<128x64xf32, #tpu.memory_space<hbm>>)
    %dma_wait3A_2000 = arith.constant 18 : i32
    %dma_wait3A_2001 = arith.constant 0 : i32
    %dma_wait3A_2002 = arith.constant 0 : i32
    %dma_wait3A_2003 = tpu.memref_slice %arg4[%dma_wait3A_2000, %dma_wait3A_2001, %dma_wait3A_2002] : memref<25x4096x128xf32, #tpu.memory_space<hbm>> -> memref<1x4096x128xf32, #tpu.memory_space<hbm>>
    %dma_wait3A_2004 = tpu.memref_squeeze %dma_wait3A_2003 : memref<1x4096x128xf32, #tpu.memory_space<hbm>> -> memref<4096x128xf32, #tpu.memory_space<hbm>>
    %dma_wait3A_2005 = arith.constant 0 : i32
    %dma_wait3A_2006 = tpu.memref_slice %dma_wait3A_2004[%mul3A_2, %dma_wait3A_2005] : memref<4096x128xf32, #tpu.memory_space<hbm>> -> memref<128x128xf32, #tpu.memory_space<hbm>>
    %dma_wait3A_2007 = arith.constant 0 : i32
    %dma_wait3A_2008 = arith.constant 64 : i32
    %dma_wait3A_2009 = tpu.memref_slice %dma_wait3A_2006[%dma_wait3A_2007, %dma_wait3A_2008] : memref<128x128xf32, #tpu.memory_space<hbm>> -> memref<128x64xf32, #tpu.memory_space<hbm>>
    %dma_wait3A_2010 = arith.constant 0 : i32
    %dma_wait3A_2011 = arith.constant 0 : i32
    %dma_wait3A_2012 = tpu.memref_slice %arg4[%dma_wait3A_2000, %dma_wait3A_2010, %dma_wait3A_2011] : memref<25x4096x128xf32, #tpu.memory_space<hbm>> -> memref<1x4096x128xf32, #tpu.memory_space<hbm>>
    %dma_wait3A_2013 = tpu.memref_squeeze %dma_wait3A_2012 : memref<1x4096x128xf32, #tpu.memory_space<hbm>> -> memref<4096x128xf32, #tpu.memory_space<hbm>>
    %dma_wait3A_2014 = arith.constant 0 : i32
    %dma_wait3A_2015 = tpu.memref_slice %dma_wait3A_2013[%mul3A_2, %dma_wait3A_2014] : memref<4096x128xf32, #tpu.memory_space<hbm>> -> memref<128x128xf32, #tpu.memory_space<hbm>>
    %dma_wait3A_2016 = arith.constant 0 : i32
    %dma_wait3A_2017 = arith.constant 64 : i32
    %dma_wait3A_2018 = tpu.memref_slice %dma_wait3A_2015[%dma_wait3A_2016, %dma_wait3A_2017] : memref<128x128xf32, #tpu.memory_space<hbm>> -> memref<128x64xf32, #tpu.memory_space<hbm>>
    tpu.wait_dma2 semaphore(%arg20 : memref<!tpu.dma_semaphore, #tpu.memory_space<semaphore_mem>>) src(%arg11 : memref<128x64xf32, #tpu.memory_space<vmem>>) dst(%dma_wait3A_2018 : memref<128x64xf32, #tpu.memory_space<hbm>>)
    %dma_start3A_2019 = arith.constant 44 : i32
    %dma_start3A_2020 = arith.constant 0 : i32
    %dma_start3A_2021 = tpu.memref_slice %arg5[%dma_start3A_2019, %dma_start3A_2020] : memref<50x128xi32, #tpu.memory_space<vmem>> -> memref<1x128xi32, #tpu.memory_space<vmem>>
    %dma_start3A_2022 = tpu.memref_squeeze %dma_start3A_2021 : memref<1x128xi32, #tpu.memory_space<vmem>> -> memref<128xi32, #tpu.memory_space<vmem>>
    %dma_start3A_2023 = arith.constant 0 : i32
    %dma_start3A_2024 = arith.constant 0 : i32
    %dma_start3A_2025 = tpu.memref_slice %arg2[%dma_start3A_2023, %dma_start3A_2024] : memref<100000x64xf32, #tpu.memory_space<hbm>> -> memref<100000x64xf32, #tpu.memory_space<hbm>>
    tpu.enqueue_indirect_dma source(%dma_start3A_2025 : memref<100000x64xf32, #tpu.memory_space<hbm>>) target(%arg10 : memref<128x64xf32, #tpu.memory_space<vmem>>) offsets(%dma_start3A_2022 : memref<128xi32, #tpu.memory_space<vmem>>) semaphore(%arg16 : memref<!tpu.dma_semaphore, #tpu.memory_space<semaphore_mem>>)
    %dma_start3A_2026 = arith.constant 45 : i32
    %dma_start3A_2027 = arith.constant 0 : i32
    %dma_start3A_2028 = tpu.memref_slice %arg5[%dma_start3A_2026, %dma_start3A_2027] : memref<50x128xi32, #tpu.memory_space<vmem>> -> memref<1x128xi32, #tpu.memory_space<vmem>>
    %dma_start3A_2029 = tpu.memref_squeeze %dma_start3A_2028 : memref<1x128xi32, #tpu.memory_space<vmem>> -> memref<128xi32, #tpu.memory_space<vmem>>
    %dma_start3A_2030 = arith.constant 0 : i32
    %dma_start3A_2031 = arith.constant 0 : i32
    %dma_start3A_2032 = tpu.memref_slice %arg2[%dma_start3A_2030, %dma_start3A_2031] : memref<100000x64xf32, #tpu.memory_space<hbm>> -> memref<100000x64xf32, #tpu.memory_space<hbm>>
    tpu.enqueue_indirect_dma source(%dma_start3A_2032 : memref<100000x64xf32, #tpu.memory_space<hbm>>) target(%arg11 : memref<128x64xf32, #tpu.memory_space<vmem>>) offsets(%dma_start3A_2029 : memref<128xi32, #tpu.memory_space<vmem>>) semaphore(%arg16 : memref<!tpu.dma_semaphore, #tpu.memory_space<semaphore_mem>>)
    %dma_wait3A_2033 = arith.constant 38 : i32
    %dma_wait3A_2034 = arith.constant 0 : i32
    %dma_wait3A_2035 = tpu.memref_slice %arg5[%dma_wait3A_2033, %dma_wait3A_2034] : memref<50x128xi32, #tpu.memory_space<vmem>> -> memref<1x128xi32, #tpu.memory_space<vmem>>
    %dma_wait3A_2036 = tpu.memref_squeeze %dma_wait3A_2035 : memref<1x128xi32, #tpu.memory_space<vmem>> -> memref<128xi32, #tpu.memory_space<vmem>>
    %dma_wait3A_2037 = arith.constant 0 : i32
    %dma_wait3A_2038 = arith.constant 0 : i32
    %dma_wait3A_2039 = tpu.memref_slice %arg2[%dma_wait3A_2037, %dma_wait3A_2038] : memref<100000x64xf32, #tpu.memory_space<hbm>> -> memref<100000x64xf32, #tpu.memory_space<hbm>>
    tpu.wait_indirect_dma semaphore(%arg17 : memref<!tpu.dma_semaphore, #tpu.memory_space<semaphore_mem>>) src(%dma_wait3A_2039 : memref<100000x64xf32, #tpu.memory_space<hbm>>) dst(%arg12 : memref<128x64xf32, #tpu.memory_space<vmem>>)
    %dma_wait3A_2040 = arith.constant 39 : i32
    %dma_wait3A_2041 = arith.constant 0 : i32
    %dma_wait3A_2042 = tpu.memref_slice %arg5[%dma_wait3A_2040, %dma_wait3A_2041] : memref<50x128xi32, #tpu.memory_space<vmem>> -> memref<1x128xi32, #tpu.memory_space<vmem>>
    %dma_wait3A_2043 = tpu.memref_squeeze %dma_wait3A_2042 : memref<1x128xi32, #tpu.memory_space<vmem>> -> memref<128xi32, #tpu.memory_space<vmem>>
    %dma_wait3A_2044 = arith.constant 0 : i32
    %dma_wait3A_2045 = arith.constant 0 : i32
    %dma_wait3A_2046 = tpu.memref_slice %arg2[%dma_wait3A_2044, %dma_wait3A_2045] : memref<100000x64xf32, #tpu.memory_space<hbm>> -> memref<100000x64xf32, #tpu.memory_space<hbm>>
    tpu.wait_indirect_dma semaphore(%arg17 : memref<!tpu.dma_semaphore, #tpu.memory_space<semaphore_mem>>) src(%dma_wait3A_2046 : memref<100000x64xf32, #tpu.memory_space<hbm>>) dst(%arg13 : memref<128x64xf32, #tpu.memory_space<vmem>>)
    %dma_start3A_2047 = arith.constant 19 : i32
    %dma_start3A_2048 = arith.constant 0 : i32
    %dma_start3A_2049 = arith.constant 0 : i32
    %dma_start3A_2050 = tpu.memref_slice %arg4[%dma_start3A_2047, %dma_start3A_2048, %dma_start3A_2049] : memref<25x4096x128xf32, #tpu.memory_space<hbm>> -> memref<1x4096x128xf32, #tpu.memory_space<hbm>>
    %dma_start3A_2051 = tpu.memref_squeeze %dma_start3A_2050 : memref<1x4096x128xf32, #tpu.memory_space<hbm>> -> memref<4096x128xf32, #tpu.memory_space<hbm>>
    %dma_start3A_2052 = arith.constant 0 : i32
    %dma_start3A_2053 = tpu.memref_slice %dma_start3A_2051[%mul3A_2, %dma_start3A_2052] : memref<4096x128xf32, #tpu.memory_space<hbm>> -> memref<128x128xf32, #tpu.memory_space<hbm>>
    %dma_start3A_2054 = arith.constant 0 : i32
    %dma_start3A_2055 = arith.constant 0 : i32
    %dma_start3A_2056 = tpu.memref_slice %dma_start3A_2053[%dma_start3A_2054, %dma_start3A_2055] : memref<128x128xf32, #tpu.memory_space<hbm>> -> memref<128x64xf32, #tpu.memory_space<hbm>>
    %dma_start3A_2057 = arith.constant 0 : i32
    %dma_start3A_2058 = arith.constant 0 : i32
    %dma_start3A_2059 = tpu.memref_slice %arg4[%dma_start3A_2047, %dma_start3A_2057, %dma_start3A_2058] : memref<25x4096x128xf32, #tpu.memory_space<hbm>> -> memref<1x4096x128xf32, #tpu.memory_space<hbm>>
    %dma_start3A_2060 = tpu.memref_squeeze %dma_start3A_2059 : memref<1x4096x128xf32, #tpu.memory_space<hbm>> -> memref<4096x128xf32, #tpu.memory_space<hbm>>
    %dma_start3A_2061 = arith.constant 0 : i32
    %dma_start3A_2062 = tpu.memref_slice %dma_start3A_2060[%mul3A_2, %dma_start3A_2061] : memref<4096x128xf32, #tpu.memory_space<hbm>> -> memref<128x128xf32, #tpu.memory_space<hbm>>
    %dma_start3A_2063 = arith.constant 0 : i32
    %dma_start3A_2064 = arith.constant 0 : i32
    %dma_start3A_2065 = tpu.memref_slice %dma_start3A_2062[%dma_start3A_2063, %dma_start3A_2064] : memref<128x128xf32, #tpu.memory_space<hbm>> -> memref<128x64xf32, #tpu.memory_space<hbm>>
    tpu.enqueue_dma source(%arg12 : memref<128x64xf32, #tpu.memory_space<vmem>>) target(%dma_start3A_2065 : memref<128x64xf32, #tpu.memory_space<hbm>>) target_semaphore(%arg21 : memref<!tpu.dma_semaphore, #tpu.memory_space<semaphore_mem>>)
    %dma_start3A_2066 = arith.constant 19 : i32
    %dma_start3A_2067 = arith.constant 0 : i32
    %dma_start3A_2068 = arith.constant 0 : i32
    %dma_start3A_2069 = tpu.memref_slice %arg4[%dma_start3A_2066, %dma_start3A_2067, %dma_start3A_2068] : memref<25x4096x128xf32, #tpu.memory_space<hbm>> -> memref<1x4096x128xf32, #tpu.memory_space<hbm>>
    %dma_start3A_2070 = tpu.memref_squeeze %dma_start3A_2069 : memref<1x4096x128xf32, #tpu.memory_space<hbm>> -> memref<4096x128xf32, #tpu.memory_space<hbm>>
    %dma_start3A_2071 = arith.constant 0 : i32
    %dma_start3A_2072 = tpu.memref_slice %dma_start3A_2070[%mul3A_2, %dma_start3A_2071] : memref<4096x128xf32, #tpu.memory_space<hbm>> -> memref<128x128xf32, #tpu.memory_space<hbm>>
    %dma_start3A_2073 = arith.constant 0 : i32
    %dma_start3A_2074 = arith.constant 64 : i32
    %dma_start3A_2075 = tpu.memref_slice %dma_start3A_2072[%dma_start3A_2073, %dma_start3A_2074] : memref<128x128xf32, #tpu.memory_space<hbm>> -> memref<128x64xf32, #tpu.memory_space<hbm>>
    %dma_start3A_2076 = arith.constant 0 : i32
    %dma_start3A_2077 = arith.constant 0 : i32
    %dma_start3A_2078 = tpu.memref_slice %arg4[%dma_start3A_2066, %dma_start3A_2076, %dma_start3A_2077] : memref<25x4096x128xf32, #tpu.memory_space<hbm>> -> memref<1x4096x128xf32, #tpu.memory_space<hbm>>
    %dma_start3A_2079 = tpu.memref_squeeze %dma_start3A_2078 : memref<1x4096x128xf32, #tpu.memory_space<hbm>> -> memref<4096x128xf32, #tpu.memory_space<hbm>>
    %dma_start3A_2080 = arith.constant 0 : i32
    %dma_start3A_2081 = tpu.memref_slice %dma_start3A_2079[%mul3A_2, %dma_start3A_2080] : memref<4096x128xf32, #tpu.memory_space<hbm>> -> memref<128x128xf32, #tpu.memory_space<hbm>>
    %dma_start3A_2082 = arith.constant 0 : i32
    %dma_start3A_2083 = arith.constant 64 : i32
    %dma_start3A_2084 = tpu.memref_slice %dma_start3A_2081[%dma_start3A_2082, %dma_start3A_2083] : memref<128x128xf32, #tpu.memory_space<hbm>> -> memref<128x64xf32, #tpu.memory_space<hbm>>
    tpu.enqueue_dma source(%arg13 : memref<128x64xf32, #tpu.memory_space<vmem>>) target(%dma_start3A_2084 : memref<128x64xf32, #tpu.memory_space<hbm>>) target_semaphore(%arg21 : memref<!tpu.dma_semaphore, #tpu.memory_space<semaphore_mem>>)
    %dma_wait3A_2085 = arith.constant 19 : i32
    %dma_wait3A_2086 = arith.constant 0 : i32
    %dma_wait3A_2087 = arith.constant 0 : i32
    %dma_wait3A_2088 = tpu.memref_slice %arg4[%dma_wait3A_2085, %dma_wait3A_2086, %dma_wait3A_2087] : memref<25x4096x128xf32, #tpu.memory_space<hbm>> -> memref<1x4096x128xf32, #tpu.memory_space<hbm>>
    %dma_wait3A_2089 = tpu.memref_squeeze %dma_wait3A_2088 : memref<1x4096x128xf32, #tpu.memory_space<hbm>> -> memref<4096x128xf32, #tpu.memory_space<hbm>>
    %dma_wait3A_2090 = arith.constant 0 : i32
    %dma_wait3A_2091 = tpu.memref_slice %dma_wait3A_2089[%mul3A_2, %dma_wait3A_2090] : memref<4096x128xf32, #tpu.memory_space<hbm>> -> memref<128x128xf32, #tpu.memory_space<hbm>>
    %dma_wait3A_2092 = arith.constant 0 : i32
    %dma_wait3A_2093 = arith.constant 0 : i32
    %dma_wait3A_2094 = tpu.memref_slice %dma_wait3A_2091[%dma_wait3A_2092, %dma_wait3A_2093] : memref<128x128xf32, #tpu.memory_space<hbm>> -> memref<128x64xf32, #tpu.memory_space<hbm>>
    %dma_wait3A_2095 = arith.constant 0 : i32
    %dma_wait3A_2096 = arith.constant 0 : i32
    %dma_wait3A_2097 = tpu.memref_slice %arg4[%dma_wait3A_2085, %dma_wait3A_2095, %dma_wait3A_2096] : memref<25x4096x128xf32, #tpu.memory_space<hbm>> -> memref<1x4096x128xf32, #tpu.memory_space<hbm>>
    %dma_wait3A_2098 = tpu.memref_squeeze %dma_wait3A_2097 : memref<1x4096x128xf32, #tpu.memory_space<hbm>> -> memref<4096x128xf32, #tpu.memory_space<hbm>>
    %dma_wait3A_2099 = arith.constant 0 : i32
    %dma_wait3A_2100 = tpu.memref_slice %dma_wait3A_2098[%mul3A_2, %dma_wait3A_2099] : memref<4096x128xf32, #tpu.memory_space<hbm>> -> memref<128x128xf32, #tpu.memory_space<hbm>>
    %dma_wait3A_2101 = arith.constant 0 : i32
    %dma_wait3A_2102 = arith.constant 0 : i32
    %dma_wait3A_2103 = tpu.memref_slice %dma_wait3A_2100[%dma_wait3A_2101, %dma_wait3A_2102] : memref<128x128xf32, #tpu.memory_space<hbm>> -> memref<128x64xf32, #tpu.memory_space<hbm>>
    tpu.wait_dma2 semaphore(%arg21 : memref<!tpu.dma_semaphore, #tpu.memory_space<semaphore_mem>>) src(%arg12 : memref<128x64xf32, #tpu.memory_space<vmem>>) dst(%dma_wait3A_2103 : memref<128x64xf32, #tpu.memory_space<hbm>>)
    %dma_wait3A_2104 = arith.constant 19 : i32
    %dma_wait3A_2105 = arith.constant 0 : i32
    %dma_wait3A_2106 = arith.constant 0 : i32
    %dma_wait3A_2107 = tpu.memref_slice %arg4[%dma_wait3A_2104, %dma_wait3A_2105, %dma_wait3A_2106] : memref<25x4096x128xf32, #tpu.memory_space<hbm>> -> memref<1x4096x128xf32, #tpu.memory_space<hbm>>
    %dma_wait3A_2108 = tpu.memref_squeeze %dma_wait3A_2107 : memref<1x4096x128xf32, #tpu.memory_space<hbm>> -> memref<4096x128xf32, #tpu.memory_space<hbm>>
    %dma_wait3A_2109 = arith.constant 0 : i32
    %dma_wait3A_2110 = tpu.memref_slice %dma_wait3A_2108[%mul3A_2, %dma_wait3A_2109] : memref<4096x128xf32, #tpu.memory_space<hbm>> -> memref<128x128xf32, #tpu.memory_space<hbm>>
    %dma_wait3A_2111 = arith.constant 0 : i32
    %dma_wait3A_2112 = arith.constant 64 : i32
    %dma_wait3A_2113 = tpu.memref_slice %dma_wait3A_2110[%dma_wait3A_2111, %dma_wait3A_2112] : memref<128x128xf32, #tpu.memory_space<hbm>> -> memref<128x64xf32, #tpu.memory_space<hbm>>
    %dma_wait3A_2114 = arith.constant 0 : i32
    %dma_wait3A_2115 = arith.constant 0 : i32
    %dma_wait3A_2116 = tpu.memref_slice %arg4[%dma_wait3A_2104, %dma_wait3A_2114, %dma_wait3A_2115] : memref<25x4096x128xf32, #tpu.memory_space<hbm>> -> memref<1x4096x128xf32, #tpu.memory_space<hbm>>
    %dma_wait3A_2117 = tpu.memref_squeeze %dma_wait3A_2116 : memref<1x4096x128xf32, #tpu.memory_space<hbm>> -> memref<4096x128xf32, #tpu.memory_space<hbm>>
    %dma_wait3A_2118 = arith.constant 0 : i32
    %dma_wait3A_2119 = tpu.memref_slice %dma_wait3A_2117[%mul3A_2, %dma_wait3A_2118] : memref<4096x128xf32, #tpu.memory_space<hbm>> -> memref<128x128xf32, #tpu.memory_space<hbm>>
    %dma_wait3A_2120 = arith.constant 0 : i32
    %dma_wait3A_2121 = arith.constant 64 : i32
    %dma_wait3A_2122 = tpu.memref_slice %dma_wait3A_2119[%dma_wait3A_2120, %dma_wait3A_2121] : memref<128x128xf32, #tpu.memory_space<hbm>> -> memref<128x64xf32, #tpu.memory_space<hbm>>
    tpu.wait_dma2 semaphore(%arg21 : memref<!tpu.dma_semaphore, #tpu.memory_space<semaphore_mem>>) src(%arg13 : memref<128x64xf32, #tpu.memory_space<vmem>>) dst(%dma_wait3A_2122 : memref<128x64xf32, #tpu.memory_space<hbm>>)
    %dma_start3A_2123 = arith.constant 46 : i32
    %dma_start3A_2124 = arith.constant 0 : i32
    %dma_start3A_2125 = tpu.memref_slice %arg5[%dma_start3A_2123, %dma_start3A_2124] : memref<50x128xi32, #tpu.memory_space<vmem>> -> memref<1x128xi32, #tpu.memory_space<vmem>>
    %dma_start3A_2126 = tpu.memref_squeeze %dma_start3A_2125 : memref<1x128xi32, #tpu.memory_space<vmem>> -> memref<128xi32, #tpu.memory_space<vmem>>
    %dma_start3A_2127 = arith.constant 0 : i32
    %dma_start3A_2128 = arith.constant 0 : i32
    %dma_start3A_2129 = tpu.memref_slice %arg2[%dma_start3A_2127, %dma_start3A_2128] : memref<100000x64xf32, #tpu.memory_space<hbm>> -> memref<100000x64xf32, #tpu.memory_space<hbm>>
    tpu.enqueue_indirect_dma source(%dma_start3A_2129 : memref<100000x64xf32, #tpu.memory_space<hbm>>) target(%arg12 : memref<128x64xf32, #tpu.memory_space<vmem>>) offsets(%dma_start3A_2126 : memref<128xi32, #tpu.memory_space<vmem>>) semaphore(%arg17 : memref<!tpu.dma_semaphore, #tpu.memory_space<semaphore_mem>>)
    %dma_start3A_2130 = arith.constant 47 : i32
    %dma_start3A_2131 = arith.constant 0 : i32
    %dma_start3A_2132 = tpu.memref_slice %arg5[%dma_start3A_2130, %dma_start3A_2131] : memref<50x128xi32, #tpu.memory_space<vmem>> -> memref<1x128xi32, #tpu.memory_space<vmem>>
    %dma_start3A_2133 = tpu.memref_squeeze %dma_start3A_2132 : memref<1x128xi32, #tpu.memory_space<vmem>> -> memref<128xi32, #tpu.memory_space<vmem>>
    %dma_start3A_2134 = arith.constant 0 : i32
    %dma_start3A_2135 = arith.constant 0 : i32
    %dma_start3A_2136 = tpu.memref_slice %arg2[%dma_start3A_2134, %dma_start3A_2135] : memref<100000x64xf32, #tpu.memory_space<hbm>> -> memref<100000x64xf32, #tpu.memory_space<hbm>>
    tpu.enqueue_indirect_dma source(%dma_start3A_2136 : memref<100000x64xf32, #tpu.memory_space<hbm>>) target(%arg13 : memref<128x64xf32, #tpu.memory_space<vmem>>) offsets(%dma_start3A_2133 : memref<128xi32, #tpu.memory_space<vmem>>) semaphore(%arg17 : memref<!tpu.dma_semaphore, #tpu.memory_space<semaphore_mem>>)
    %dma_wait3A_2137 = arith.constant 40 : i32
    %dma_wait3A_2138 = arith.constant 0 : i32
    %dma_wait3A_2139 = tpu.memref_slice %arg5[%dma_wait3A_2137, %dma_wait3A_2138] : memref<50x128xi32, #tpu.memory_space<vmem>> -> memref<1x128xi32, #tpu.memory_space<vmem>>
    %dma_wait3A_2140 = tpu.memref_squeeze %dma_wait3A_2139 : memref<1x128xi32, #tpu.memory_space<vmem>> -> memref<128xi32, #tpu.memory_space<vmem>>
    %dma_wait3A_2141 = arith.constant 0 : i32
    %dma_wait3A_2142 = arith.constant 0 : i32
    %dma_wait3A_2143 = tpu.memref_slice %arg2[%dma_wait3A_2141, %dma_wait3A_2142] : memref<100000x64xf32, #tpu.memory_space<hbm>> -> memref<100000x64xf32, #tpu.memory_space<hbm>>
    tpu.wait_indirect_dma semaphore(%arg14 : memref<!tpu.dma_semaphore, #tpu.memory_space<semaphore_mem>>) src(%dma_wait3A_2143 : memref<100000x64xf32, #tpu.memory_space<hbm>>) dst(%arg6 : memref<128x64xf32, #tpu.memory_space<vmem>>)
    %dma_wait3A_2144 = arith.constant 41 : i32
    %dma_wait3A_2145 = arith.constant 0 : i32
    %dma_wait3A_2146 = tpu.memref_slice %arg5[%dma_wait3A_2144, %dma_wait3A_2145] : memref<50x128xi32, #tpu.memory_space<vmem>> -> memref<1x128xi32, #tpu.memory_space<vmem>>
    %dma_wait3A_2147 = tpu.memref_squeeze %dma_wait3A_2146 : memref<1x128xi32, #tpu.memory_space<vmem>> -> memref<128xi32, #tpu.memory_space<vmem>>
    %dma_wait3A_2148 = arith.constant 0 : i32
    %dma_wait3A_2149 = arith.constant 0 : i32
    %dma_wait3A_2150 = tpu.memref_slice %arg2[%dma_wait3A_2148, %dma_wait3A_2149] : memref<100000x64xf32, #tpu.memory_space<hbm>> -> memref<100000x64xf32, #tpu.memory_space<hbm>>
    tpu.wait_indirect_dma semaphore(%arg14 : memref<!tpu.dma_semaphore, #tpu.memory_space<semaphore_mem>>) src(%dma_wait3A_2150 : memref<100000x64xf32, #tpu.memory_space<hbm>>) dst(%arg7 : memref<128x64xf32, #tpu.memory_space<vmem>>)
    %dma_start3A_2151 = arith.constant 20 : i32
    %dma_start3A_2152 = arith.constant 0 : i32
    %dma_start3A_2153 = arith.constant 0 : i32
    %dma_start3A_2154 = tpu.memref_slice %arg4[%dma_start3A_2151, %dma_start3A_2152, %dma_start3A_2153] : memref<25x4096x128xf32, #tpu.memory_space<hbm>> -> memref<1x4096x128xf32, #tpu.memory_space<hbm>>
    %dma_start3A_2155 = tpu.memref_squeeze %dma_start3A_2154 : memref<1x4096x128xf32, #tpu.memory_space<hbm>> -> memref<4096x128xf32, #tpu.memory_space<hbm>>
    %dma_start3A_2156 = arith.constant 0 : i32
    %dma_start3A_2157 = tpu.memref_slice %dma_start3A_2155[%mul3A_2, %dma_start3A_2156] : memref<4096x128xf32, #tpu.memory_space<hbm>> -> memref<128x128xf32, #tpu.memory_space<hbm>>
    %dma_start3A_2158 = arith.constant 0 : i32
    %dma_start3A_2159 = arith.constant 0 : i32
    %dma_start3A_2160 = tpu.memref_slice %dma_start3A_2157[%dma_start3A_2158, %dma_start3A_2159] : memref<128x128xf32, #tpu.memory_space<hbm>> -> memref<128x64xf32, #tpu.memory_space<hbm>>
    %dma_start3A_2161 = arith.constant 0 : i32
    %dma_start3A_2162 = arith.constant 0 : i32
    %dma_start3A_2163 = tpu.memref_slice %arg4[%dma_start3A_2151, %dma_start3A_2161, %dma_start3A_2162] : memref<25x4096x128xf32, #tpu.memory_space<hbm>> -> memref<1x4096x128xf32, #tpu.memory_space<hbm>>
    %dma_start3A_2164 = tpu.memref_squeeze %dma_start3A_2163 : memref<1x4096x128xf32, #tpu.memory_space<hbm>> -> memref<4096x128xf32, #tpu.memory_space<hbm>>
    %dma_start3A_2165 = arith.constant 0 : i32
    %dma_start3A_2166 = tpu.memref_slice %dma_start3A_2164[%mul3A_2, %dma_start3A_2165] : memref<4096x128xf32, #tpu.memory_space<hbm>> -> memref<128x128xf32, #tpu.memory_space<hbm>>
    %dma_start3A_2167 = arith.constant 0 : i32
    %dma_start3A_2168 = arith.constant 0 : i32
    %dma_start3A_2169 = tpu.memref_slice %dma_start3A_2166[%dma_start3A_2167, %dma_start3A_2168] : memref<128x128xf32, #tpu.memory_space<hbm>> -> memref<128x64xf32, #tpu.memory_space<hbm>>
    tpu.enqueue_dma source(%arg6 : memref<128x64xf32, #tpu.memory_space<vmem>>) target(%dma_start3A_2169 : memref<128x64xf32, #tpu.memory_space<hbm>>) target_semaphore(%arg18 : memref<!tpu.dma_semaphore, #tpu.memory_space<semaphore_mem>>)
    %dma_start3A_2170 = arith.constant 20 : i32
    %dma_start3A_2171 = arith.constant 0 : i32
    %dma_start3A_2172 = arith.constant 0 : i32
    %dma_start3A_2173 = tpu.memref_slice %arg4[%dma_start3A_2170, %dma_start3A_2171, %dma_start3A_2172] : memref<25x4096x128xf32, #tpu.memory_space<hbm>> -> memref<1x4096x128xf32, #tpu.memory_space<hbm>>
    %dma_start3A_2174 = tpu.memref_squeeze %dma_start3A_2173 : memref<1x4096x128xf32, #tpu.memory_space<hbm>> -> memref<4096x128xf32, #tpu.memory_space<hbm>>
    %dma_start3A_2175 = arith.constant 0 : i32
    %dma_start3A_2176 = tpu.memref_slice %dma_start3A_2174[%mul3A_2, %dma_start3A_2175] : memref<4096x128xf32, #tpu.memory_space<hbm>> -> memref<128x128xf32, #tpu.memory_space<hbm>>
    %dma_start3A_2177 = arith.constant 0 : i32
    %dma_start3A_2178 = arith.constant 64 : i32
    %dma_start3A_2179 = tpu.memref_slice %dma_start3A_2176[%dma_start3A_2177, %dma_start3A_2178] : memref<128x128xf32, #tpu.memory_space<hbm>> -> memref<128x64xf32, #tpu.memory_space<hbm>>
    %dma_start3A_2180 = arith.constant 0 : i32
    %dma_start3A_2181 = arith.constant 0 : i32
    %dma_start3A_2182 = tpu.memref_slice %arg4[%dma_start3A_2170, %dma_start3A_2180, %dma_start3A_2181] : memref<25x4096x128xf32, #tpu.memory_space<hbm>> -> memref<1x4096x128xf32, #tpu.memory_space<hbm>>
    %dma_start3A_2183 = tpu.memref_squeeze %dma_start3A_2182 : memref<1x4096x128xf32, #tpu.memory_space<hbm>> -> memref<4096x128xf32, #tpu.memory_space<hbm>>
    %dma_start3A_2184 = arith.constant 0 : i32
    %dma_start3A_2185 = tpu.memref_slice %dma_start3A_2183[%mul3A_2, %dma_start3A_2184] : memref<4096x128xf32, #tpu.memory_space<hbm>> -> memref<128x128xf32, #tpu.memory_space<hbm>>
    %dma_start3A_2186 = arith.constant 0 : i32
    %dma_start3A_2187 = arith.constant 64 : i32
    %dma_start3A_2188 = tpu.memref_slice %dma_start3A_2185[%dma_start3A_2186, %dma_start3A_2187] : memref<128x128xf32, #tpu.memory_space<hbm>> -> memref<128x64xf32, #tpu.memory_space<hbm>>
    tpu.enqueue_dma source(%arg7 : memref<128x64xf32, #tpu.memory_space<vmem>>) target(%dma_start3A_2188 : memref<128x64xf32, #tpu.memory_space<hbm>>) target_semaphore(%arg18 : memref<!tpu.dma_semaphore, #tpu.memory_space<semaphore_mem>>)
    %dma_wait3A_2189 = arith.constant 20 : i32
    %dma_wait3A_2190 = arith.constant 0 : i32
    %dma_wait3A_2191 = arith.constant 0 : i32
    %dma_wait3A_2192 = tpu.memref_slice %arg4[%dma_wait3A_2189, %dma_wait3A_2190, %dma_wait3A_2191] : memref<25x4096x128xf32, #tpu.memory_space<hbm>> -> memref<1x4096x128xf32, #tpu.memory_space<hbm>>
    %dma_wait3A_2193 = tpu.memref_squeeze %dma_wait3A_2192 : memref<1x4096x128xf32, #tpu.memory_space<hbm>> -> memref<4096x128xf32, #tpu.memory_space<hbm>>
    %dma_wait3A_2194 = arith.constant 0 : i32
    %dma_wait3A_2195 = tpu.memref_slice %dma_wait3A_2193[%mul3A_2, %dma_wait3A_2194] : memref<4096x128xf32, #tpu.memory_space<hbm>> -> memref<128x128xf32, #tpu.memory_space<hbm>>
    %dma_wait3A_2196 = arith.constant 0 : i32
    %dma_wait3A_2197 = arith.constant 0 : i32
    %dma_wait3A_2198 = tpu.memref_slice %dma_wait3A_2195[%dma_wait3A_2196, %dma_wait3A_2197] : memref<128x128xf32, #tpu.memory_space<hbm>> -> memref<128x64xf32, #tpu.memory_space<hbm>>
    %dma_wait3A_2199 = arith.constant 0 : i32
    %dma_wait3A_2200 = arith.constant 0 : i32
    %dma_wait3A_2201 = tpu.memref_slice %arg4[%dma_wait3A_2189, %dma_wait3A_2199, %dma_wait3A_2200] : memref<25x4096x128xf32, #tpu.memory_space<hbm>> -> memref<1x4096x128xf32, #tpu.memory_space<hbm>>
    %dma_wait3A_2202 = tpu.memref_squeeze %dma_wait3A_2201 : memref<1x4096x128xf32, #tpu.memory_space<hbm>> -> memref<4096x128xf32, #tpu.memory_space<hbm>>
    %dma_wait3A_2203 = arith.constant 0 : i32
    %dma_wait3A_2204 = tpu.memref_slice %dma_wait3A_2202[%mul3A_2, %dma_wait3A_2203] : memref<4096x128xf32, #tpu.memory_space<hbm>> -> memref<128x128xf32, #tpu.memory_space<hbm>>
    %dma_wait3A_2205 = arith.constant 0 : i32
    %dma_wait3A_2206 = arith.constant 0 : i32
    %dma_wait3A_2207 = tpu.memref_slice %dma_wait3A_2204[%dma_wait3A_2205, %dma_wait3A_2206] : memref<128x128xf32, #tpu.memory_space<hbm>> -> memref<128x64xf32, #tpu.memory_space<hbm>>
    tpu.wait_dma2 semaphore(%arg18 : memref<!tpu.dma_semaphore, #tpu.memory_space<semaphore_mem>>) src(%arg6 : memref<128x64xf32, #tpu.memory_space<vmem>>) dst(%dma_wait3A_2207 : memref<128x64xf32, #tpu.memory_space<hbm>>)
    %dma_wait3A_2208 = arith.constant 20 : i32
    %dma_wait3A_2209 = arith.constant 0 : i32
    %dma_wait3A_2210 = arith.constant 0 : i32
    %dma_wait3A_2211 = tpu.memref_slice %arg4[%dma_wait3A_2208, %dma_wait3A_2209, %dma_wait3A_2210] : memref<25x4096x128xf32, #tpu.memory_space<hbm>> -> memref<1x4096x128xf32, #tpu.memory_space<hbm>>
    %dma_wait3A_2212 = tpu.memref_squeeze %dma_wait3A_2211 : memref<1x4096x128xf32, #tpu.memory_space<hbm>> -> memref<4096x128xf32, #tpu.memory_space<hbm>>
    %dma_wait3A_2213 = arith.constant 0 : i32
    %dma_wait3A_2214 = tpu.memref_slice %dma_wait3A_2212[%mul3A_2, %dma_wait3A_2213] : memref<4096x128xf32, #tpu.memory_space<hbm>> -> memref<128x128xf32, #tpu.memory_space<hbm>>
    %dma_wait3A_2215 = arith.constant 0 : i32
    %dma_wait3A_2216 = arith.constant 64 : i32
    %dma_wait3A_2217 = tpu.memref_slice %dma_wait3A_2214[%dma_wait3A_2215, %dma_wait3A_2216] : memref<128x128xf32, #tpu.memory_space<hbm>> -> memref<128x64xf32, #tpu.memory_space<hbm>>
    %dma_wait3A_2218 = arith.constant 0 : i32
    %dma_wait3A_2219 = arith.constant 0 : i32
    %dma_wait3A_2220 = tpu.memref_slice %arg4[%dma_wait3A_2208, %dma_wait3A_2218, %dma_wait3A_2219] : memref<25x4096x128xf32, #tpu.memory_space<hbm>> -> memref<1x4096x128xf32, #tpu.memory_space<hbm>>
    %dma_wait3A_2221 = tpu.memref_squeeze %dma_wait3A_2220 : memref<1x4096x128xf32, #tpu.memory_space<hbm>> -> memref<4096x128xf32, #tpu.memory_space<hbm>>
    %dma_wait3A_2222 = arith.constant 0 : i32
    %dma_wait3A_2223 = tpu.memref_slice %dma_wait3A_2221[%mul3A_2, %dma_wait3A_2222] : memref<4096x128xf32, #tpu.memory_space<hbm>> -> memref<128x128xf32, #tpu.memory_space<hbm>>
    %dma_wait3A_2224 = arith.constant 0 : i32
    %dma_wait3A_2225 = arith.constant 64 : i32
    %dma_wait3A_2226 = tpu.memref_slice %dma_wait3A_2223[%dma_wait3A_2224, %dma_wait3A_2225] : memref<128x128xf32, #tpu.memory_space<hbm>> -> memref<128x64xf32, #tpu.memory_space<hbm>>
    tpu.wait_dma2 semaphore(%arg18 : memref<!tpu.dma_semaphore, #tpu.memory_space<semaphore_mem>>) src(%arg7 : memref<128x64xf32, #tpu.memory_space<vmem>>) dst(%dma_wait3A_2226 : memref<128x64xf32, #tpu.memory_space<hbm>>)
    %dma_start3A_2227 = arith.constant 48 : i32
    %dma_start3A_2228 = arith.constant 0 : i32
    %dma_start3A_2229 = tpu.memref_slice %arg5[%dma_start3A_2227, %dma_start3A_2228] : memref<50x128xi32, #tpu.memory_space<vmem>> -> memref<1x128xi32, #tpu.memory_space<vmem>>
    %dma_start3A_2230 = tpu.memref_squeeze %dma_start3A_2229 : memref<1x128xi32, #tpu.memory_space<vmem>> -> memref<128xi32, #tpu.memory_space<vmem>>
    %dma_start3A_2231 = arith.constant 0 : i32
    %dma_start3A_2232 = arith.constant 0 : i32
    %dma_start3A_2233 = tpu.memref_slice %arg2[%dma_start3A_2231, %dma_start3A_2232] : memref<100000x64xf32, #tpu.memory_space<hbm>> -> memref<100000x64xf32, #tpu.memory_space<hbm>>
    tpu.enqueue_indirect_dma source(%dma_start3A_2233 : memref<100000x64xf32, #tpu.memory_space<hbm>>) target(%arg6 : memref<128x64xf32, #tpu.memory_space<vmem>>) offsets(%dma_start3A_2230 : memref<128xi32, #tpu.memory_space<vmem>>) semaphore(%arg14 : memref<!tpu.dma_semaphore, #tpu.memory_space<semaphore_mem>>)
    %dma_start3A_2234 = arith.constant 49 : i32
    %dma_start3A_2235 = arith.constant 0 : i32
    %dma_start3A_2236 = tpu.memref_slice %arg5[%dma_start3A_2234, %dma_start3A_2235] : memref<50x128xi32, #tpu.memory_space<vmem>> -> memref<1x128xi32, #tpu.memory_space<vmem>>
    %dma_start3A_2237 = tpu.memref_squeeze %dma_start3A_2236 : memref<1x128xi32, #tpu.memory_space<vmem>> -> memref<128xi32, #tpu.memory_space<vmem>>
    %dma_start3A_2238 = arith.constant 0 : i32
    %dma_start3A_2239 = arith.constant 0 : i32
    %dma_start3A_2240 = tpu.memref_slice %arg2[%dma_start3A_2238, %dma_start3A_2239] : memref<100000x64xf32, #tpu.memory_space<hbm>> -> memref<100000x64xf32, #tpu.memory_space<hbm>>
    tpu.enqueue_indirect_dma source(%dma_start3A_2240 : memref<100000x64xf32, #tpu.memory_space<hbm>>) target(%arg7 : memref<128x64xf32, #tpu.memory_space<vmem>>) offsets(%dma_start3A_2237 : memref<128xi32, #tpu.memory_space<vmem>>) semaphore(%arg14 : memref<!tpu.dma_semaphore, #tpu.memory_space<semaphore_mem>>)
    %dma_wait3A_2241 = arith.constant 42 : i32
    %dma_wait3A_2242 = arith.constant 0 : i32
    %dma_wait3A_2243 = tpu.memref_slice %arg5[%dma_wait3A_2241, %dma_wait3A_2242] : memref<50x128xi32, #tpu.memory_space<vmem>> -> memref<1x128xi32, #tpu.memory_space<vmem>>
    %dma_wait3A_2244 = tpu.memref_squeeze %dma_wait3A_2243 : memref<1x128xi32, #tpu.memory_space<vmem>> -> memref<128xi32, #tpu.memory_space<vmem>>
    %dma_wait3A_2245 = arith.constant 0 : i32
    %dma_wait3A_2246 = arith.constant 0 : i32
    %dma_wait3A_2247 = tpu.memref_slice %arg2[%dma_wait3A_2245, %dma_wait3A_2246] : memref<100000x64xf32, #tpu.memory_space<hbm>> -> memref<100000x64xf32, #tpu.memory_space<hbm>>
    tpu.wait_indirect_dma semaphore(%arg15 : memref<!tpu.dma_semaphore, #tpu.memory_space<semaphore_mem>>) src(%dma_wait3A_2247 : memref<100000x64xf32, #tpu.memory_space<hbm>>) dst(%arg8 : memref<128x64xf32, #tpu.memory_space<vmem>>)
    %dma_wait3A_2248 = arith.constant 43 : i32
    %dma_wait3A_2249 = arith.constant 0 : i32
    %dma_wait3A_2250 = tpu.memref_slice %arg5[%dma_wait3A_2248, %dma_wait3A_2249] : memref<50x128xi32, #tpu.memory_space<vmem>> -> memref<1x128xi32, #tpu.memory_space<vmem>>
    %dma_wait3A_2251 = tpu.memref_squeeze %dma_wait3A_2250 : memref<1x128xi32, #tpu.memory_space<vmem>> -> memref<128xi32, #tpu.memory_space<vmem>>
    %dma_wait3A_2252 = arith.constant 0 : i32
    %dma_wait3A_2253 = arith.constant 0 : i32
    %dma_wait3A_2254 = tpu.memref_slice %arg2[%dma_wait3A_2252, %dma_wait3A_2253] : memref<100000x64xf32, #tpu.memory_space<hbm>> -> memref<100000x64xf32, #tpu.memory_space<hbm>>
    tpu.wait_indirect_dma semaphore(%arg15 : memref<!tpu.dma_semaphore, #tpu.memory_space<semaphore_mem>>) src(%dma_wait3A_2254 : memref<100000x64xf32, #tpu.memory_space<hbm>>) dst(%arg9 : memref<128x64xf32, #tpu.memory_space<vmem>>)
    %dma_start3A_2255 = arith.constant 21 : i32
    %dma_start3A_2256 = arith.constant 0 : i32
    %dma_start3A_2257 = arith.constant 0 : i32
    %dma_start3A_2258 = tpu.memref_slice %arg4[%dma_start3A_2255, %dma_start3A_2256, %dma_start3A_2257] : memref<25x4096x128xf32, #tpu.memory_space<hbm>> -> memref<1x4096x128xf32, #tpu.memory_space<hbm>>
    %dma_start3A_2259 = tpu.memref_squeeze %dma_start3A_2258 : memref<1x4096x128xf32, #tpu.memory_space<hbm>> -> memref<4096x128xf32, #tpu.memory_space<hbm>>
    %dma_start3A_2260 = arith.constant 0 : i32
    %dma_start3A_2261 = tpu.memref_slice %dma_start3A_2259[%mul3A_2, %dma_start3A_2260] : memref<4096x128xf32, #tpu.memory_space<hbm>> -> memref<128x128xf32, #tpu.memory_space<hbm>>
    %dma_start3A_2262 = arith.constant 0 : i32
    %dma_start3A_2263 = arith.constant 0 : i32
    %dma_start3A_2264 = tpu.memref_slice %dma_start3A_2261[%dma_start3A_2262, %dma_start3A_2263] : memref<128x128xf32, #tpu.memory_space<hbm>> -> memref<128x64xf32, #tpu.memory_space<hbm>>
    %dma_start3A_2265 = arith.constant 0 : i32
    %dma_start3A_2266 = arith.constant 0 : i32
    %dma_start3A_2267 = tpu.memref_slice %arg4[%dma_start3A_2255, %dma_start3A_2265, %dma_start3A_2266] : memref<25x4096x128xf32, #tpu.memory_space<hbm>> -> memref<1x4096x128xf32, #tpu.memory_space<hbm>>
    %dma_start3A_2268 = tpu.memref_squeeze %dma_start3A_2267 : memref<1x4096x128xf32, #tpu.memory_space<hbm>> -> memref<4096x128xf32, #tpu.memory_space<hbm>>
    %dma_start3A_2269 = arith.constant 0 : i32
    %dma_start3A_2270 = tpu.memref_slice %dma_start3A_2268[%mul3A_2, %dma_start3A_2269] : memref<4096x128xf32, #tpu.memory_space<hbm>> -> memref<128x128xf32, #tpu.memory_space<hbm>>
    %dma_start3A_2271 = arith.constant 0 : i32
    %dma_start3A_2272 = arith.constant 0 : i32
    %dma_start3A_2273 = tpu.memref_slice %dma_start3A_2270[%dma_start3A_2271, %dma_start3A_2272] : memref<128x128xf32, #tpu.memory_space<hbm>> -> memref<128x64xf32, #tpu.memory_space<hbm>>
    tpu.enqueue_dma source(%arg8 : memref<128x64xf32, #tpu.memory_space<vmem>>) target(%dma_start3A_2273 : memref<128x64xf32, #tpu.memory_space<hbm>>) target_semaphore(%arg19 : memref<!tpu.dma_semaphore, #tpu.memory_space<semaphore_mem>>)
    %dma_start3A_2274 = arith.constant 21 : i32
    %dma_start3A_2275 = arith.constant 0 : i32
    %dma_start3A_2276 = arith.constant 0 : i32
    %dma_start3A_2277 = tpu.memref_slice %arg4[%dma_start3A_2274, %dma_start3A_2275, %dma_start3A_2276] : memref<25x4096x128xf32, #tpu.memory_space<hbm>> -> memref<1x4096x128xf32, #tpu.memory_space<hbm>>
    %dma_start3A_2278 = tpu.memref_squeeze %dma_start3A_2277 : memref<1x4096x128xf32, #tpu.memory_space<hbm>> -> memref<4096x128xf32, #tpu.memory_space<hbm>>
    %dma_start3A_2279 = arith.constant 0 : i32
    %dma_start3A_2280 = tpu.memref_slice %dma_start3A_2278[%mul3A_2, %dma_start3A_2279] : memref<4096x128xf32, #tpu.memory_space<hbm>> -> memref<128x128xf32, #tpu.memory_space<hbm>>
    %dma_start3A_2281 = arith.constant 0 : i32
    %dma_start3A_2282 = arith.constant 64 : i32
    %dma_start3A_2283 = tpu.memref_slice %dma_start3A_2280[%dma_start3A_2281, %dma_start3A_2282] : memref<128x128xf32, #tpu.memory_space<hbm>> -> memref<128x64xf32, #tpu.memory_space<hbm>>
    %dma_start3A_2284 = arith.constant 0 : i32
    %dma_start3A_2285 = arith.constant 0 : i32
    %dma_start3A_2286 = tpu.memref_slice %arg4[%dma_start3A_2274, %dma_start3A_2284, %dma_start3A_2285] : memref<25x4096x128xf32, #tpu.memory_space<hbm>> -> memref<1x4096x128xf32, #tpu.memory_space<hbm>>
    %dma_start3A_2287 = tpu.memref_squeeze %dma_start3A_2286 : memref<1x4096x128xf32, #tpu.memory_space<hbm>> -> memref<4096x128xf32, #tpu.memory_space<hbm>>
    %dma_start3A_2288 = arith.constant 0 : i32
    %dma_start3A_2289 = tpu.memref_slice %dma_start3A_2287[%mul3A_2, %dma_start3A_2288] : memref<4096x128xf32, #tpu.memory_space<hbm>> -> memref<128x128xf32, #tpu.memory_space<hbm>>
    %dma_start3A_2290 = arith.constant 0 : i32
    %dma_start3A_2291 = arith.constant 64 : i32
    %dma_start3A_2292 = tpu.memref_slice %dma_start3A_2289[%dma_start3A_2290, %dma_start3A_2291] : memref<128x128xf32, #tpu.memory_space<hbm>> -> memref<128x64xf32, #tpu.memory_space<hbm>>
    tpu.enqueue_dma source(%arg9 : memref<128x64xf32, #tpu.memory_space<vmem>>) target(%dma_start3A_2292 : memref<128x64xf32, #tpu.memory_space<hbm>>) target_semaphore(%arg19 : memref<!tpu.dma_semaphore, #tpu.memory_space<semaphore_mem>>)
    %dma_wait3A_2293 = arith.constant 44 : i32
    %dma_wait3A_2294 = arith.constant 0 : i32
    %dma_wait3A_2295 = tpu.memref_slice %arg5[%dma_wait3A_2293, %dma_wait3A_2294] : memref<50x128xi32, #tpu.memory_space<vmem>> -> memref<1x128xi32, #tpu.memory_space<vmem>>
    %dma_wait3A_2296 = tpu.memref_squeeze %dma_wait3A_2295 : memref<1x128xi32, #tpu.memory_space<vmem>> -> memref<128xi32, #tpu.memory_space<vmem>>
    %dma_wait3A_2297 = arith.constant 0 : i32
    %dma_wait3A_2298 = arith.constant 0 : i32
    %dma_wait3A_2299 = tpu.memref_slice %arg2[%dma_wait3A_2297, %dma_wait3A_2298] : memref<100000x64xf32, #tpu.memory_space<hbm>> -> memref<100000x64xf32, #tpu.memory_space<hbm>>
    tpu.wait_indirect_dma semaphore(%arg16 : memref<!tpu.dma_semaphore, #tpu.memory_space<semaphore_mem>>) src(%dma_wait3A_2299 : memref<100000x64xf32, #tpu.memory_space<hbm>>) dst(%arg10 : memref<128x64xf32, #tpu.memory_space<vmem>>)
    %dma_wait3A_2300 = arith.constant 45 : i32
    %dma_wait3A_2301 = arith.constant 0 : i32
    %dma_wait3A_2302 = tpu.memref_slice %arg5[%dma_wait3A_2300, %dma_wait3A_2301] : memref<50x128xi32, #tpu.memory_space<vmem>> -> memref<1x128xi32, #tpu.memory_space<vmem>>
    %dma_wait3A_2303 = tpu.memref_squeeze %dma_wait3A_2302 : memref<1x128xi32, #tpu.memory_space<vmem>> -> memref<128xi32, #tpu.memory_space<vmem>>
    %dma_wait3A_2304 = arith.constant 0 : i32
    %dma_wait3A_2305 = arith.constant 0 : i32
    %dma_wait3A_2306 = tpu.memref_slice %arg2[%dma_wait3A_2304, %dma_wait3A_2305] : memref<100000x64xf32, #tpu.memory_space<hbm>> -> memref<100000x64xf32, #tpu.memory_space<hbm>>
    tpu.wait_indirect_dma semaphore(%arg16 : memref<!tpu.dma_semaphore, #tpu.memory_space<semaphore_mem>>) src(%dma_wait3A_2306 : memref<100000x64xf32, #tpu.memory_space<hbm>>) dst(%arg11 : memref<128x64xf32, #tpu.memory_space<vmem>>)
    %dma_start3A_2307 = arith.constant 22 : i32
    %dma_start3A_2308 = arith.constant 0 : i32
    %dma_start3A_2309 = arith.constant 0 : i32
    %dma_start3A_2310 = tpu.memref_slice %arg4[%dma_start3A_2307, %dma_start3A_2308, %dma_start3A_2309] : memref<25x4096x128xf32, #tpu.memory_space<hbm>> -> memref<1x4096x128xf32, #tpu.memory_space<hbm>>
    %dma_start3A_2311 = tpu.memref_squeeze %dma_start3A_2310 : memref<1x4096x128xf32, #tpu.memory_space<hbm>> -> memref<4096x128xf32, #tpu.memory_space<hbm>>
    %dma_start3A_2312 = arith.constant 0 : i32
    %dma_start3A_2313 = tpu.memref_slice %dma_start3A_2311[%mul3A_2, %dma_start3A_2312] : memref<4096x128xf32, #tpu.memory_space<hbm>> -> memref<128x128xf32, #tpu.memory_space<hbm>>
    %dma_start3A_2314 = arith.constant 0 : i32
    %dma_start3A_2315 = arith.constant 0 : i32
    %dma_start3A_2316 = tpu.memref_slice %dma_start3A_2313[%dma_start3A_2314, %dma_start3A_2315] : memref<128x128xf32, #tpu.memory_space<hbm>> -> memref<128x64xf32, #tpu.memory_space<hbm>>
    %dma_start3A_2317 = arith.constant 0 : i32
    %dma_start3A_2318 = arith.constant 0 : i32
    %dma_start3A_2319 = tpu.memref_slice %arg4[%dma_start3A_2307, %dma_start3A_2317, %dma_start3A_2318] : memref<25x4096x128xf32, #tpu.memory_space<hbm>> -> memref<1x4096x128xf32, #tpu.memory_space<hbm>>
    %dma_start3A_2320 = tpu.memref_squeeze %dma_start3A_2319 : memref<1x4096x128xf32, #tpu.memory_space<hbm>> -> memref<4096x128xf32, #tpu.memory_space<hbm>>
    %dma_start3A_2321 = arith.constant 0 : i32
    %dma_start3A_2322 = tpu.memref_slice %dma_start3A_2320[%mul3A_2, %dma_start3A_2321] : memref<4096x128xf32, #tpu.memory_space<hbm>> -> memref<128x128xf32, #tpu.memory_space<hbm>>
    %dma_start3A_2323 = arith.constant 0 : i32
    %dma_start3A_2324 = arith.constant 0 : i32
    %dma_start3A_2325 = tpu.memref_slice %dma_start3A_2322[%dma_start3A_2323, %dma_start3A_2324] : memref<128x128xf32, #tpu.memory_space<hbm>> -> memref<128x64xf32, #tpu.memory_space<hbm>>
    tpu.enqueue_dma source(%arg10 : memref<128x64xf32, #tpu.memory_space<vmem>>) target(%dma_start3A_2325 : memref<128x64xf32, #tpu.memory_space<hbm>>) target_semaphore(%arg20 : memref<!tpu.dma_semaphore, #tpu.memory_space<semaphore_mem>>)
    %dma_start3A_2326 = arith.constant 22 : i32
    %dma_start3A_2327 = arith.constant 0 : i32
    %dma_start3A_2328 = arith.constant 0 : i32
    %dma_start3A_2329 = tpu.memref_slice %arg4[%dma_start3A_2326, %dma_start3A_2327, %dma_start3A_2328] : memref<25x4096x128xf32, #tpu.memory_space<hbm>> -> memref<1x4096x128xf32, #tpu.memory_space<hbm>>
    %dma_start3A_2330 = tpu.memref_squeeze %dma_start3A_2329 : memref<1x4096x128xf32, #tpu.memory_space<hbm>> -> memref<4096x128xf32, #tpu.memory_space<hbm>>
    %dma_start3A_2331 = arith.constant 0 : i32
    %dma_start3A_2332 = tpu.memref_slice %dma_start3A_2330[%mul3A_2, %dma_start3A_2331] : memref<4096x128xf32, #tpu.memory_space<hbm>> -> memref<128x128xf32, #tpu.memory_space<hbm>>
    %dma_start3A_2333 = arith.constant 0 : i32
    %dma_start3A_2334 = arith.constant 64 : i32
    %dma_start3A_2335 = tpu.memref_slice %dma_start3A_2332[%dma_start3A_2333, %dma_start3A_2334] : memref<128x128xf32, #tpu.memory_space<hbm>> -> memref<128x64xf32, #tpu.memory_space<hbm>>
    %dma_start3A_2336 = arith.constant 0 : i32
    %dma_start3A_2337 = arith.constant 0 : i32
    %dma_start3A_2338 = tpu.memref_slice %arg4[%dma_start3A_2326, %dma_start3A_2336, %dma_start3A_2337] : memref<25x4096x128xf32, #tpu.memory_space<hbm>> -> memref<1x4096x128xf32, #tpu.memory_space<hbm>>
    %dma_start3A_2339 = tpu.memref_squeeze %dma_start3A_2338 : memref<1x4096x128xf32, #tpu.memory_space<hbm>> -> memref<4096x128xf32, #tpu.memory_space<hbm>>
    %dma_start3A_2340 = arith.constant 0 : i32
    %dma_start3A_2341 = tpu.memref_slice %dma_start3A_2339[%mul3A_2, %dma_start3A_2340] : memref<4096x128xf32, #tpu.memory_space<hbm>> -> memref<128x128xf32, #tpu.memory_space<hbm>>
    %dma_start3A_2342 = arith.constant 0 : i32
    %dma_start3A_2343 = arith.constant 64 : i32
    %dma_start3A_2344 = tpu.memref_slice %dma_start3A_2341[%dma_start3A_2342, %dma_start3A_2343] : memref<128x128xf32, #tpu.memory_space<hbm>> -> memref<128x64xf32, #tpu.memory_space<hbm>>
    tpu.enqueue_dma source(%arg11 : memref<128x64xf32, #tpu.memory_space<vmem>>) target(%dma_start3A_2344 : memref<128x64xf32, #tpu.memory_space<hbm>>) target_semaphore(%arg20 : memref<!tpu.dma_semaphore, #tpu.memory_space<semaphore_mem>>)
    %dma_wait3A_2345 = arith.constant 46 : i32
    %dma_wait3A_2346 = arith.constant 0 : i32
    %dma_wait3A_2347 = tpu.memref_slice %arg5[%dma_wait3A_2345, %dma_wait3A_2346] : memref<50x128xi32, #tpu.memory_space<vmem>> -> memref<1x128xi32, #tpu.memory_space<vmem>>
    %dma_wait3A_2348 = tpu.memref_squeeze %dma_wait3A_2347 : memref<1x128xi32, #tpu.memory_space<vmem>> -> memref<128xi32, #tpu.memory_space<vmem>>
    %dma_wait3A_2349 = arith.constant 0 : i32
    %dma_wait3A_2350 = arith.constant 0 : i32
    %dma_wait3A_2351 = tpu.memref_slice %arg2[%dma_wait3A_2349, %dma_wait3A_2350] : memref<100000x64xf32, #tpu.memory_space<hbm>> -> memref<100000x64xf32, #tpu.memory_space<hbm>>
    tpu.wait_indirect_dma semaphore(%arg17 : memref<!tpu.dma_semaphore, #tpu.memory_space<semaphore_mem>>) src(%dma_wait3A_2351 : memref<100000x64xf32, #tpu.memory_space<hbm>>) dst(%arg12 : memref<128x64xf32, #tpu.memory_space<vmem>>)
    %dma_wait3A_2352 = arith.constant 47 : i32
    %dma_wait3A_2353 = arith.constant 0 : i32
    %dma_wait3A_2354 = tpu.memref_slice %arg5[%dma_wait3A_2352, %dma_wait3A_2353] : memref<50x128xi32, #tpu.memory_space<vmem>> -> memref<1x128xi32, #tpu.memory_space<vmem>>
    %dma_wait3A_2355 = tpu.memref_squeeze %dma_wait3A_2354 : memref<1x128xi32, #tpu.memory_space<vmem>> -> memref<128xi32, #tpu.memory_space<vmem>>
    %dma_wait3A_2356 = arith.constant 0 : i32
    %dma_wait3A_2357 = arith.constant 0 : i32
    %dma_wait3A_2358 = tpu.memref_slice %arg2[%dma_wait3A_2356, %dma_wait3A_2357] : memref<100000x64xf32, #tpu.memory_space<hbm>> -> memref<100000x64xf32, #tpu.memory_space<hbm>>
    tpu.wait_indirect_dma semaphore(%arg17 : memref<!tpu.dma_semaphore, #tpu.memory_space<semaphore_mem>>) src(%dma_wait3A_2358 : memref<100000x64xf32, #tpu.memory_space<hbm>>) dst(%arg13 : memref<128x64xf32, #tpu.memory_space<vmem>>)
    %dma_start3A_2359 = arith.constant 23 : i32
    %dma_start3A_2360 = arith.constant 0 : i32
    %dma_start3A_2361 = arith.constant 0 : i32
    %dma_start3A_2362 = tpu.memref_slice %arg4[%dma_start3A_2359, %dma_start3A_2360, %dma_start3A_2361] : memref<25x4096x128xf32, #tpu.memory_space<hbm>> -> memref<1x4096x128xf32, #tpu.memory_space<hbm>>
    %dma_start3A_2363 = tpu.memref_squeeze %dma_start3A_2362 : memref<1x4096x128xf32, #tpu.memory_space<hbm>> -> memref<4096x128xf32, #tpu.memory_space<hbm>>
    %dma_start3A_2364 = arith.constant 0 : i32
    %dma_start3A_2365 = tpu.memref_slice %dma_start3A_2363[%mul3A_2, %dma_start3A_2364] : memref<4096x128xf32, #tpu.memory_space<hbm>> -> memref<128x128xf32, #tpu.memory_space<hbm>>
    %dma_start3A_2366 = arith.constant 0 : i32
    %dma_start3A_2367 = arith.constant 0 : i32
    %dma_start3A_2368 = tpu.memref_slice %dma_start3A_2365[%dma_start3A_2366, %dma_start3A_2367] : memref<128x128xf32, #tpu.memory_space<hbm>> -> memref<128x64xf32, #tpu.memory_space<hbm>>
    %dma_start3A_2369 = arith.constant 0 : i32
    %dma_start3A_2370 = arith.constant 0 : i32
    %dma_start3A_2371 = tpu.memref_slice %arg4[%dma_start3A_2359, %dma_start3A_2369, %dma_start3A_2370] : memref<25x4096x128xf32, #tpu.memory_space<hbm>> -> memref<1x4096x128xf32, #tpu.memory_space<hbm>>
    %dma_start3A_2372 = tpu.memref_squeeze %dma_start3A_2371 : memref<1x4096x128xf32, #tpu.memory_space<hbm>> -> memref<4096x128xf32, #tpu.memory_space<hbm>>
    %dma_start3A_2373 = arith.constant 0 : i32
    %dma_start3A_2374 = tpu.memref_slice %dma_start3A_2372[%mul3A_2, %dma_start3A_2373] : memref<4096x128xf32, #tpu.memory_space<hbm>> -> memref<128x128xf32, #tpu.memory_space<hbm>>
    %dma_start3A_2375 = arith.constant 0 : i32
    %dma_start3A_2376 = arith.constant 0 : i32
    %dma_start3A_2377 = tpu.memref_slice %dma_start3A_2374[%dma_start3A_2375, %dma_start3A_2376] : memref<128x128xf32, #tpu.memory_space<hbm>> -> memref<128x64xf32, #tpu.memory_space<hbm>>
    tpu.enqueue_dma source(%arg12 : memref<128x64xf32, #tpu.memory_space<vmem>>) target(%dma_start3A_2377 : memref<128x64xf32, #tpu.memory_space<hbm>>) target_semaphore(%arg21 : memref<!tpu.dma_semaphore, #tpu.memory_space<semaphore_mem>>)
    %dma_start3A_2378 = arith.constant 23 : i32
    %dma_start3A_2379 = arith.constant 0 : i32
    %dma_start3A_2380 = arith.constant 0 : i32
    %dma_start3A_2381 = tpu.memref_slice %arg4[%dma_start3A_2378, %dma_start3A_2379, %dma_start3A_2380] : memref<25x4096x128xf32, #tpu.memory_space<hbm>> -> memref<1x4096x128xf32, #tpu.memory_space<hbm>>
    %dma_start3A_2382 = tpu.memref_squeeze %dma_start3A_2381 : memref<1x4096x128xf32, #tpu.memory_space<hbm>> -> memref<4096x128xf32, #tpu.memory_space<hbm>>
    %dma_start3A_2383 = arith.constant 0 : i32
    %dma_start3A_2384 = tpu.memref_slice %dma_start3A_2382[%mul3A_2, %dma_start3A_2383] : memref<4096x128xf32, #tpu.memory_space<hbm>> -> memref<128x128xf32, #tpu.memory_space<hbm>>
    %dma_start3A_2385 = arith.constant 0 : i32
    %dma_start3A_2386 = arith.constant 64 : i32
    %dma_start3A_2387 = tpu.memref_slice %dma_start3A_2384[%dma_start3A_2385, %dma_start3A_2386] : memref<128x128xf32, #tpu.memory_space<hbm>> -> memref<128x64xf32, #tpu.memory_space<hbm>>
    %dma_start3A_2388 = arith.constant 0 : i32
    %dma_start3A_2389 = arith.constant 0 : i32
    %dma_start3A_2390 = tpu.memref_slice %arg4[%dma_start3A_2378, %dma_start3A_2388, %dma_start3A_2389] : memref<25x4096x128xf32, #tpu.memory_space<hbm>> -> memref<1x4096x128xf32, #tpu.memory_space<hbm>>
    %dma_start3A_2391 = tpu.memref_squeeze %dma_start3A_2390 : memref<1x4096x128xf32, #tpu.memory_space<hbm>> -> memref<4096x128xf32, #tpu.memory_space<hbm>>
    %dma_start3A_2392 = arith.constant 0 : i32
    %dma_start3A_2393 = tpu.memref_slice %dma_start3A_2391[%mul3A_2, %dma_start3A_2392] : memref<4096x128xf32, #tpu.memory_space<hbm>> -> memref<128x128xf32, #tpu.memory_space<hbm>>
    %dma_start3A_2394 = arith.constant 0 : i32
    %dma_start3A_2395 = arith.constant 64 : i32
    %dma_start3A_2396 = tpu.memref_slice %dma_start3A_2393[%dma_start3A_2394, %dma_start3A_2395] : memref<128x128xf32, #tpu.memory_space<hbm>> -> memref<128x64xf32, #tpu.memory_space<hbm>>
    tpu.enqueue_dma source(%arg13 : memref<128x64xf32, #tpu.memory_space<vmem>>) target(%dma_start3A_2396 : memref<128x64xf32, #tpu.memory_space<hbm>>) target_semaphore(%arg21 : memref<!tpu.dma_semaphore, #tpu.memory_space<semaphore_mem>>)
    %dma_wait3A_2397 = arith.constant 48 : i32
    %dma_wait3A_2398 = arith.constant 0 : i32
    %dma_wait3A_2399 = tpu.memref_slice %arg5[%dma_wait3A_2397, %dma_wait3A_2398] : memref<50x128xi32, #tpu.memory_space<vmem>> -> memref<1x128xi32, #tpu.memory_space<vmem>>
    %dma_wait3A_2400 = tpu.memref_squeeze %dma_wait3A_2399 : memref<1x128xi32, #tpu.memory_space<vmem>> -> memref<128xi32, #tpu.memory_space<vmem>>
    %dma_wait3A_2401 = arith.constant 0 : i32
    %dma_wait3A_2402 = arith.constant 0 : i32
    %dma_wait3A_2403 = tpu.memref_slice %arg2[%dma_wait3A_2401, %dma_wait3A_2402] : memref<100000x64xf32, #tpu.memory_space<hbm>> -> memref<100000x64xf32, #tpu.memory_space<hbm>>
    tpu.wait_indirect_dma semaphore(%arg14 : memref<!tpu.dma_semaphore, #tpu.memory_space<semaphore_mem>>) src(%dma_wait3A_2403 : memref<100000x64xf32, #tpu.memory_space<hbm>>) dst(%arg6 : memref<128x64xf32, #tpu.memory_space<vmem>>)
    %dma_wait3A_2404 = arith.constant 49 : i32
    %dma_wait3A_2405 = arith.constant 0 : i32
    %dma_wait3A_2406 = tpu.memref_slice %arg5[%dma_wait3A_2404, %dma_wait3A_2405] : memref<50x128xi32, #tpu.memory_space<vmem>> -> memref<1x128xi32, #tpu.memory_space<vmem>>
    %dma_wait3A_2407 = tpu.memref_squeeze %dma_wait3A_2406 : memref<1x128xi32, #tpu.memory_space<vmem>> -> memref<128xi32, #tpu.memory_space<vmem>>
    %dma_wait3A_2408 = arith.constant 0 : i32
    %dma_wait3A_2409 = arith.constant 0 : i32
    %dma_wait3A_2410 = tpu.memref_slice %arg2[%dma_wait3A_2408, %dma_wait3A_2409] : memref<100000x64xf32, #tpu.memory_space<hbm>> -> memref<100000x64xf32, #tpu.memory_space<hbm>>
    tpu.wait_indirect_dma semaphore(%arg14 : memref<!tpu.dma_semaphore, #tpu.memory_space<semaphore_mem>>) src(%dma_wait3A_2410 : memref<100000x64xf32, #tpu.memory_space<hbm>>) dst(%arg7 : memref<128x64xf32, #tpu.memory_space<vmem>>)
    %dma_start3A_2411 = arith.constant 24 : i32
    %dma_start3A_2412 = arith.constant 0 : i32
    %dma_start3A_2413 = arith.constant 0 : i32
    %dma_start3A_2414 = tpu.memref_slice %arg4[%dma_start3A_2411, %dma_start3A_2412, %dma_start3A_2413] : memref<25x4096x128xf32, #tpu.memory_space<hbm>> -> memref<1x4096x128xf32, #tpu.memory_space<hbm>>
    %dma_start3A_2415 = tpu.memref_squeeze %dma_start3A_2414 : memref<1x4096x128xf32, #tpu.memory_space<hbm>> -> memref<4096x128xf32, #tpu.memory_space<hbm>>
    %dma_start3A_2416 = arith.constant 0 : i32
    %dma_start3A_2417 = tpu.memref_slice %dma_start3A_2415[%mul3A_2, %dma_start3A_2416] : memref<4096x128xf32, #tpu.memory_space<hbm>> -> memref<128x128xf32, #tpu.memory_space<hbm>>
    %dma_start3A_2418 = arith.constant 0 : i32
    %dma_start3A_2419 = arith.constant 0 : i32
    %dma_start3A_2420 = tpu.memref_slice %dma_start3A_2417[%dma_start3A_2418, %dma_start3A_2419] : memref<128x128xf32, #tpu.memory_space<hbm>> -> memref<128x64xf32, #tpu.memory_space<hbm>>
    %dma_start3A_2421 = arith.constant 0 : i32
    %dma_start3A_2422 = arith.constant 0 : i32
    %dma_start3A_2423 = tpu.memref_slice %arg4[%dma_start3A_2411, %dma_start3A_2421, %dma_start3A_2422] : memref<25x4096x128xf32, #tpu.memory_space<hbm>> -> memref<1x4096x128xf32, #tpu.memory_space<hbm>>
    %dma_start3A_2424 = tpu.memref_squeeze %dma_start3A_2423 : memref<1x4096x128xf32, #tpu.memory_space<hbm>> -> memref<4096x128xf32, #tpu.memory_space<hbm>>
    %dma_start3A_2425 = arith.constant 0 : i32
    %dma_start3A_2426 = tpu.memref_slice %dma_start3A_2424[%mul3A_2, %dma_start3A_2425] : memref<4096x128xf32, #tpu.memory_space<hbm>> -> memref<128x128xf32, #tpu.memory_space<hbm>>
    %dma_start3A_2427 = arith.constant 0 : i32
    %dma_start3A_2428 = arith.constant 0 : i32
    %dma_start3A_2429 = tpu.memref_slice %dma_start3A_2426[%dma_start3A_2427, %dma_start3A_2428] : memref<128x128xf32, #tpu.memory_space<hbm>> -> memref<128x64xf32, #tpu.memory_space<hbm>>
    tpu.enqueue_dma source(%arg6 : memref<128x64xf32, #tpu.memory_space<vmem>>) target(%dma_start3A_2429 : memref<128x64xf32, #tpu.memory_space<hbm>>) target_semaphore(%arg18 : memref<!tpu.dma_semaphore, #tpu.memory_space<semaphore_mem>>)
    %dma_start3A_2430 = arith.constant 24 : i32
    %dma_start3A_2431 = arith.constant 0 : i32
    %dma_start3A_2432 = arith.constant 0 : i32
    %dma_start3A_2433 = tpu.memref_slice %arg4[%dma_start3A_2430, %dma_start3A_2431, %dma_start3A_2432] : memref<25x4096x128xf32, #tpu.memory_space<hbm>> -> memref<1x4096x128xf32, #tpu.memory_space<hbm>>
    %dma_start3A_2434 = tpu.memref_squeeze %dma_start3A_2433 : memref<1x4096x128xf32, #tpu.memory_space<hbm>> -> memref<4096x128xf32, #tpu.memory_space<hbm>>
    %dma_start3A_2435 = arith.constant 0 : i32
    %dma_start3A_2436 = tpu.memref_slice %dma_start3A_2434[%mul3A_2, %dma_start3A_2435] : memref<4096x128xf32, #tpu.memory_space<hbm>> -> memref<128x128xf32, #tpu.memory_space<hbm>>
    %dma_start3A_2437 = arith.constant 0 : i32
    %dma_start3A_2438 = arith.constant 64 : i32
    %dma_start3A_2439 = tpu.memref_slice %dma_start3A_2436[%dma_start3A_2437, %dma_start3A_2438] : memref<128x128xf32, #tpu.memory_space<hbm>> -> memref<128x64xf32, #tpu.memory_space<hbm>>
    %dma_start3A_2440 = arith.constant 0 : i32
    %dma_start3A_2441 = arith.constant 0 : i32
    %dma_start3A_2442 = tpu.memref_slice %arg4[%dma_start3A_2430, %dma_start3A_2440, %dma_start3A_2441] : memref<25x4096x128xf32, #tpu.memory_space<hbm>> -> memref<1x4096x128xf32, #tpu.memory_space<hbm>>
    %dma_start3A_2443 = tpu.memref_squeeze %dma_start3A_2442 : memref<1x4096x128xf32, #tpu.memory_space<hbm>> -> memref<4096x128xf32, #tpu.memory_space<hbm>>
    %dma_start3A_2444 = arith.constant 0 : i32
    %dma_start3A_2445 = tpu.memref_slice %dma_start3A_2443[%mul3A_2, %dma_start3A_2444] : memref<4096x128xf32, #tpu.memory_space<hbm>> -> memref<128x128xf32, #tpu.memory_space<hbm>>
    %dma_start3A_2446 = arith.constant 0 : i32
    %dma_start3A_2447 = arith.constant 64 : i32
    %dma_start3A_2448 = tpu.memref_slice %dma_start3A_2445[%dma_start3A_2446, %dma_start3A_2447] : memref<128x128xf32, #tpu.memory_space<hbm>> -> memref<128x64xf32, #tpu.memory_space<hbm>>
    tpu.enqueue_dma source(%arg7 : memref<128x64xf32, #tpu.memory_space<vmem>>) target(%dma_start3A_2448 : memref<128x64xf32, #tpu.memory_space<hbm>>) target_semaphore(%arg18 : memref<!tpu.dma_semaphore, #tpu.memory_space<semaphore_mem>>)
    %dma_wait3A_2449 = arith.constant 22 : i32
    %dma_wait3A_2450 = arith.constant 0 : i32
    %dma_wait3A_2451 = arith.constant 0 : i32
    %dma_wait3A_2452 = tpu.memref_slice %arg4[%dma_wait3A_2449, %dma_wait3A_2450, %dma_wait3A_2451] : memref<25x4096x128xf32, #tpu.memory_space<hbm>> -> memref<1x4096x128xf32, #tpu.memory_space<hbm>>
    %dma_wait3A_2453 = tpu.memref_squeeze %dma_wait3A_2452 : memref<1x4096x128xf32, #tpu.memory_space<hbm>> -> memref<4096x128xf32, #tpu.memory_space<hbm>>
    %dma_wait3A_2454 = arith.constant 0 : i32
    %dma_wait3A_2455 = tpu.memref_slice %dma_wait3A_2453[%mul3A_2, %dma_wait3A_2454] : memref<4096x128xf32, #tpu.memory_space<hbm>> -> memref<128x128xf32, #tpu.memory_space<hbm>>
    %dma_wait3A_2456 = arith.constant 0 : i32
    %dma_wait3A_2457 = arith.constant 0 : i32
    %dma_wait3A_2458 = tpu.memref_slice %dma_wait3A_2455[%dma_wait3A_2456, %dma_wait3A_2457] : memref<128x128xf32, #tpu.memory_space<hbm>> -> memref<128x64xf32, #tpu.memory_space<hbm>>
    %dma_wait3A_2459 = arith.constant 0 : i32
    %dma_wait3A_2460 = arith.constant 0 : i32
    %dma_wait3A_2461 = tpu.memref_slice %arg4[%dma_wait3A_2449, %dma_wait3A_2459, %dma_wait3A_2460] : memref<25x4096x128xf32, #tpu.memory_space<hbm>> -> memref<1x4096x128xf32, #tpu.memory_space<hbm>>
    %dma_wait3A_2462 = tpu.memref_squeeze %dma_wait3A_2461 : memref<1x4096x128xf32, #tpu.memory_space<hbm>> -> memref<4096x128xf32, #tpu.memory_space<hbm>>
    %dma_wait3A_2463 = arith.constant 0 : i32
    %dma_wait3A_2464 = tpu.memref_slice %dma_wait3A_2462[%mul3A_2, %dma_wait3A_2463] : memref<4096x128xf32, #tpu.memory_space<hbm>> -> memref<128x128xf32, #tpu.memory_space<hbm>>
    %dma_wait3A_2465 = arith.constant 0 : i32
    %dma_wait3A_2466 = arith.constant 0 : i32
    %dma_wait3A_2467 = tpu.memref_slice %dma_wait3A_2464[%dma_wait3A_2465, %dma_wait3A_2466] : memref<128x128xf32, #tpu.memory_space<hbm>> -> memref<128x64xf32, #tpu.memory_space<hbm>>
    tpu.wait_dma2 semaphore(%arg20 : memref<!tpu.dma_semaphore, #tpu.memory_space<semaphore_mem>>) src(%arg10 : memref<128x64xf32, #tpu.memory_space<vmem>>) dst(%dma_wait3A_2467 : memref<128x64xf32, #tpu.memory_space<hbm>>)
    %dma_wait3A_2468 = arith.constant 22 : i32
    %dma_wait3A_2469 = arith.constant 0 : i32
    %dma_wait3A_2470 = arith.constant 0 : i32
    %dma_wait3A_2471 = tpu.memref_slice %arg4[%dma_wait3A_2468, %dma_wait3A_2469, %dma_wait3A_2470] : memref<25x4096x128xf32, #tpu.memory_space<hbm>> -> memref<1x4096x128xf32, #tpu.memory_space<hbm>>
    %dma_wait3A_2472 = tpu.memref_squeeze %dma_wait3A_2471 : memref<1x4096x128xf32, #tpu.memory_space<hbm>> -> memref<4096x128xf32, #tpu.memory_space<hbm>>
    %dma_wait3A_2473 = arith.constant 0 : i32
    %dma_wait3A_2474 = tpu.memref_slice %dma_wait3A_2472[%mul3A_2, %dma_wait3A_2473] : memref<4096x128xf32, #tpu.memory_space<hbm>> -> memref<128x128xf32, #tpu.memory_space<hbm>>
    %dma_wait3A_2475 = arith.constant 0 : i32
    %dma_wait3A_2476 = arith.constant 64 : i32
    %dma_wait3A_2477 = tpu.memref_slice %dma_wait3A_2474[%dma_wait3A_2475, %dma_wait3A_2476] : memref<128x128xf32, #tpu.memory_space<hbm>> -> memref<128x64xf32, #tpu.memory_space<hbm>>
    %dma_wait3A_2478 = arith.constant 0 : i32
    %dma_wait3A_2479 = arith.constant 0 : i32
    %dma_wait3A_2480 = tpu.memref_slice %arg4[%dma_wait3A_2468, %dma_wait3A_2478, %dma_wait3A_2479] : memref<25x4096x128xf32, #tpu.memory_space<hbm>> -> memref<1x4096x128xf32, #tpu.memory_space<hbm>>
    %dma_wait3A_2481 = tpu.memref_squeeze %dma_wait3A_2480 : memref<1x4096x128xf32, #tpu.memory_space<hbm>> -> memref<4096x128xf32, #tpu.memory_space<hbm>>
    %dma_wait3A_2482 = arith.constant 0 : i32
    %dma_wait3A_2483 = tpu.memref_slice %dma_wait3A_2481[%mul3A_2, %dma_wait3A_2482] : memref<4096x128xf32, #tpu.memory_space<hbm>> -> memref<128x128xf32, #tpu.memory_space<hbm>>
    %dma_wait3A_2484 = arith.constant 0 : i32
    %dma_wait3A_2485 = arith.constant 64 : i32
    %dma_wait3A_2486 = tpu.memref_slice %dma_wait3A_2483[%dma_wait3A_2484, %dma_wait3A_2485] : memref<128x128xf32, #tpu.memory_space<hbm>> -> memref<128x64xf32, #tpu.memory_space<hbm>>
    tpu.wait_dma2 semaphore(%arg20 : memref<!tpu.dma_semaphore, #tpu.memory_space<semaphore_mem>>) src(%arg11 : memref<128x64xf32, #tpu.memory_space<vmem>>) dst(%dma_wait3A_2486 : memref<128x64xf32, #tpu.memory_space<hbm>>)
    %dma_wait3A_2487 = arith.constant 23 : i32
    %dma_wait3A_2488 = arith.constant 0 : i32
    %dma_wait3A_2489 = arith.constant 0 : i32
    %dma_wait3A_2490 = tpu.memref_slice %arg4[%dma_wait3A_2487, %dma_wait3A_2488, %dma_wait3A_2489] : memref<25x4096x128xf32, #tpu.memory_space<hbm>> -> memref<1x4096x128xf32, #tpu.memory_space<hbm>>
    %dma_wait3A_2491 = tpu.memref_squeeze %dma_wait3A_2490 : memref<1x4096x128xf32, #tpu.memory_space<hbm>> -> memref<4096x128xf32, #tpu.memory_space<hbm>>
    %dma_wait3A_2492 = arith.constant 0 : i32
    %dma_wait3A_2493 = tpu.memref_slice %dma_wait3A_2491[%mul3A_2, %dma_wait3A_2492] : memref<4096x128xf32, #tpu.memory_space<hbm>> -> memref<128x128xf32, #tpu.memory_space<hbm>>
    %dma_wait3A_2494 = arith.constant 0 : i32
    %dma_wait3A_2495 = arith.constant 0 : i32
    %dma_wait3A_2496 = tpu.memref_slice %dma_wait3A_2493[%dma_wait3A_2494, %dma_wait3A_2495] : memref<128x128xf32, #tpu.memory_space<hbm>> -> memref<128x64xf32, #tpu.memory_space<hbm>>
    %dma_wait3A_2497 = arith.constant 0 : i32
    %dma_wait3A_2498 = arith.constant 0 : i32
    %dma_wait3A_2499 = tpu.memref_slice %arg4[%dma_wait3A_2487, %dma_wait3A_2497, %dma_wait3A_2498] : memref<25x4096x128xf32, #tpu.memory_space<hbm>> -> memref<1x4096x128xf32, #tpu.memory_space<hbm>>
    %dma_wait3A_2500 = tpu.memref_squeeze %dma_wait3A_2499 : memref<1x4096x128xf32, #tpu.memory_space<hbm>> -> memref<4096x128xf32, #tpu.memory_space<hbm>>
    %dma_wait3A_2501 = arith.constant 0 : i32
    %dma_wait3A_2502 = tpu.memref_slice %dma_wait3A_2500[%mul3A_2, %dma_wait3A_2501] : memref<4096x128xf32, #tpu.memory_space<hbm>> -> memref<128x128xf32, #tpu.memory_space<hbm>>
    %dma_wait3A_2503 = arith.constant 0 : i32
    %dma_wait3A_2504 = arith.constant 0 : i32
    %dma_wait3A_2505 = tpu.memref_slice %dma_wait3A_2502[%dma_wait3A_2503, %dma_wait3A_2504] : memref<128x128xf32, #tpu.memory_space<hbm>> -> memref<128x64xf32, #tpu.memory_space<hbm>>
    tpu.wait_dma2 semaphore(%arg21 : memref<!tpu.dma_semaphore, #tpu.memory_space<semaphore_mem>>) src(%arg12 : memref<128x64xf32, #tpu.memory_space<vmem>>) dst(%dma_wait3A_2505 : memref<128x64xf32, #tpu.memory_space<hbm>>)
    %dma_wait3A_2506 = arith.constant 23 : i32
    %dma_wait3A_2507 = arith.constant 0 : i32
    %dma_wait3A_2508 = arith.constant 0 : i32
    %dma_wait3A_2509 = tpu.memref_slice %arg4[%dma_wait3A_2506, %dma_wait3A_2507, %dma_wait3A_2508] : memref<25x4096x128xf32, #tpu.memory_space<hbm>> -> memref<1x4096x128xf32, #tpu.memory_space<hbm>>
    %dma_wait3A_2510 = tpu.memref_squeeze %dma_wait3A_2509 : memref<1x4096x128xf32, #tpu.memory_space<hbm>> -> memref<4096x128xf32, #tpu.memory_space<hbm>>
    %dma_wait3A_2511 = arith.constant 0 : i32
    %dma_wait3A_2512 = tpu.memref_slice %dma_wait3A_2510[%mul3A_2, %dma_wait3A_2511] : memref<4096x128xf32, #tpu.memory_space<hbm>> -> memref<128x128xf32, #tpu.memory_space<hbm>>
    %dma_wait3A_2513 = arith.constant 0 : i32
    %dma_wait3A_2514 = arith.constant 64 : i32
    %dma_wait3A_2515 = tpu.memref_slice %dma_wait3A_2512[%dma_wait3A_2513, %dma_wait3A_2514] : memref<128x128xf32, #tpu.memory_space<hbm>> -> memref<128x64xf32, #tpu.memory_space<hbm>>
    %dma_wait3A_2516 = arith.constant 0 : i32
    %dma_wait3A_2517 = arith.constant 0 : i32
    %dma_wait3A_2518 = tpu.memref_slice %arg4[%dma_wait3A_2506, %dma_wait3A_2516, %dma_wait3A_2517] : memref<25x4096x128xf32, #tpu.memory_space<hbm>> -> memref<1x4096x128xf32, #tpu.memory_space<hbm>>
    %dma_wait3A_2519 = tpu.memref_squeeze %dma_wait3A_2518 : memref<1x4096x128xf32, #tpu.memory_space<hbm>> -> memref<4096x128xf32, #tpu.memory_space<hbm>>
    %dma_wait3A_2520 = arith.constant 0 : i32
    %dma_wait3A_2521 = tpu.memref_slice %dma_wait3A_2519[%mul3A_2, %dma_wait3A_2520] : memref<4096x128xf32, #tpu.memory_space<hbm>> -> memref<128x128xf32, #tpu.memory_space<hbm>>
    %dma_wait3A_2522 = arith.constant 0 : i32
    %dma_wait3A_2523 = arith.constant 64 : i32
    %dma_wait3A_2524 = tpu.memref_slice %dma_wait3A_2521[%dma_wait3A_2522, %dma_wait3A_2523] : memref<128x128xf32, #tpu.memory_space<hbm>> -> memref<128x64xf32, #tpu.memory_space<hbm>>
    tpu.wait_dma2 semaphore(%arg21 : memref<!tpu.dma_semaphore, #tpu.memory_space<semaphore_mem>>) src(%arg13 : memref<128x64xf32, #tpu.memory_space<vmem>>) dst(%dma_wait3A_2524 : memref<128x64xf32, #tpu.memory_space<hbm>>)
    %dma_wait3A_2525 = arith.constant 24 : i32
    %dma_wait3A_2526 = arith.constant 0 : i32
    %dma_wait3A_2527 = arith.constant 0 : i32
    %dma_wait3A_2528 = tpu.memref_slice %arg4[%dma_wait3A_2525, %dma_wait3A_2526, %dma_wait3A_2527] : memref<25x4096x128xf32, #tpu.memory_space<hbm>> -> memref<1x4096x128xf32, #tpu.memory_space<hbm>>
    %dma_wait3A_2529 = tpu.memref_squeeze %dma_wait3A_2528 : memref<1x4096x128xf32, #tpu.memory_space<hbm>> -> memref<4096x128xf32, #tpu.memory_space<hbm>>
    %dma_wait3A_2530 = arith.constant 0 : i32
    %dma_wait3A_2531 = tpu.memref_slice %dma_wait3A_2529[%mul3A_2, %dma_wait3A_2530] : memref<4096x128xf32, #tpu.memory_space<hbm>> -> memref<128x128xf32, #tpu.memory_space<hbm>>
    %dma_wait3A_2532 = arith.constant 0 : i32
    %dma_wait3A_2533 = arith.constant 0 : i32
    %dma_wait3A_2534 = tpu.memref_slice %dma_wait3A_2531[%dma_wait3A_2532, %dma_wait3A_2533] : memref<128x128xf32, #tpu.memory_space<hbm>> -> memref<128x64xf32, #tpu.memory_space<hbm>>
    %dma_wait3A_2535 = arith.constant 0 : i32
    %dma_wait3A_2536 = arith.constant 0 : i32
    %dma_wait3A_2537 = tpu.memref_slice %arg4[%dma_wait3A_2525, %dma_wait3A_2535, %dma_wait3A_2536] : memref<25x4096x128xf32, #tpu.memory_space<hbm>> -> memref<1x4096x128xf32, #tpu.memory_space<hbm>>
    %dma_wait3A_2538 = tpu.memref_squeeze %dma_wait3A_2537 : memref<1x4096x128xf32, #tpu.memory_space<hbm>> -> memref<4096x128xf32, #tpu.memory_space<hbm>>
    %dma_wait3A_2539 = arith.constant 0 : i32
    %dma_wait3A_2540 = tpu.memref_slice %dma_wait3A_2538[%mul3A_2, %dma_wait3A_2539] : memref<4096x128xf32, #tpu.memory_space<hbm>> -> memref<128x128xf32, #tpu.memory_space<hbm>>
    %dma_wait3A_2541 = arith.constant 0 : i32
    %dma_wait3A_2542 = arith.constant 0 : i32
    %dma_wait3A_2543 = tpu.memref_slice %dma_wait3A_2540[%dma_wait3A_2541, %dma_wait3A_2542] : memref<128x128xf32, #tpu.memory_space<hbm>> -> memref<128x64xf32, #tpu.memory_space<hbm>>
    tpu.wait_dma2 semaphore(%arg18 : memref<!tpu.dma_semaphore, #tpu.memory_space<semaphore_mem>>) src(%arg6 : memref<128x64xf32, #tpu.memory_space<vmem>>) dst(%dma_wait3A_2543 : memref<128x64xf32, #tpu.memory_space<hbm>>)
    %dma_wait3A_2544 = arith.constant 24 : i32
    %dma_wait3A_2545 = arith.constant 0 : i32
    %dma_wait3A_2546 = arith.constant 0 : i32
    %dma_wait3A_2547 = tpu.memref_slice %arg4[%dma_wait3A_2544, %dma_wait3A_2545, %dma_wait3A_2546] : memref<25x4096x128xf32, #tpu.memory_space<hbm>> -> memref<1x4096x128xf32, #tpu.memory_space<hbm>>
    %dma_wait3A_2548 = tpu.memref_squeeze %dma_wait3A_2547 : memref<1x4096x128xf32, #tpu.memory_space<hbm>> -> memref<4096x128xf32, #tpu.memory_space<hbm>>
    %dma_wait3A_2549 = arith.constant 0 : i32
    %dma_wait3A_2550 = tpu.memref_slice %dma_wait3A_2548[%mul3A_2, %dma_wait3A_2549] : memref<4096x128xf32, #tpu.memory_space<hbm>> -> memref<128x128xf32, #tpu.memory_space<hbm>>
    %dma_wait3A_2551 = arith.constant 0 : i32
    %dma_wait3A_2552 = arith.constant 64 : i32
    %dma_wait3A_2553 = tpu.memref_slice %dma_wait3A_2550[%dma_wait3A_2551, %dma_wait3A_2552] : memref<128x128xf32, #tpu.memory_space<hbm>> -> memref<128x64xf32, #tpu.memory_space<hbm>>
    %dma_wait3A_2554 = arith.constant 0 : i32
    %dma_wait3A_2555 = arith.constant 0 : i32
    %dma_wait3A_2556 = tpu.memref_slice %arg4[%dma_wait3A_2544, %dma_wait3A_2554, %dma_wait3A_2555] : memref<25x4096x128xf32, #tpu.memory_space<hbm>> -> memref<1x4096x128xf32, #tpu.memory_space<hbm>>
    %dma_wait3A_2557 = tpu.memref_squeeze %dma_wait3A_2556 : memref<1x4096x128xf32, #tpu.memory_space<hbm>> -> memref<4096x128xf32, #tpu.memory_space<hbm>>
    %dma_wait3A_2558 = arith.constant 0 : i32
    %dma_wait3A_2559 = tpu.memref_slice %dma_wait3A_2557[%mul3A_2, %dma_wait3A_2558] : memref<4096x128xf32, #tpu.memory_space<hbm>> -> memref<128x128xf32, #tpu.memory_space<hbm>>
    %dma_wait3A_2560 = arith.constant 0 : i32
    %dma_wait3A_2561 = arith.constant 64 : i32
    %dma_wait3A_2562 = tpu.memref_slice %dma_wait3A_2559[%dma_wait3A_2560, %dma_wait3A_2561] : memref<128x128xf32, #tpu.memory_space<hbm>> -> memref<128x64xf32, #tpu.memory_space<hbm>>
    tpu.wait_dma2 semaphore(%arg18 : memref<!tpu.dma_semaphore, #tpu.memory_space<semaphore_mem>>) src(%arg7 : memref<128x64xf32, #tpu.memory_space<vmem>>) dst(%dma_wait3A_2562 : memref<128x64xf32, #tpu.memory_space<hbm>>)
    return
  }
}

module attributes {stable_mosaic.version = 14 : i64} {
  func.func @body(%arg0: i32, %arg1: i32, %arg2: memref<1x512x128xf32, #tpu.memory_space<vmem>>, %arg3: memref<2x64x512xf32, #tpu.memory_space<vmem>>) attributes {dimension_semantics = [#tpu.dimension_semantics<arbitrary>, #tpu.dimension_semantics<arbitrary>], iteration_bounds = array<i64: 25, 8>, scalar_prefetch = 0 : i64, scratch_operands = 0 : i64, tpu.core_type = #tpu.core_type<tc>, window_params = [{transform_indices = @transform_0, window_bounds = array<i64: 1, 512, 128>}, {transform_indices = @transform_1, window_bounds = array<i64: 2, 64, 512>}]} {
    %iota3A = tpu.iota {dimensions = array<i32: 0>} : vector<128x128xi32>
    %iota3A_0 = tpu.iota {dimensions = array<i32: 1>} : vector<128x128xi32>
    %eq3A = arith.cmpi eq, %iota3A, %iota3A_0 : vector<128x128xi32>
    %jit3A = arith.constant 1.000000e+00 : f32
    %jit3A_1 = arith.constant 0.000000e+00 : f32
    %broadcast_in_dim3A = vector.broadcast %jit3A : f32 to vector<128x128xf32>
    %broadcast_in_dim3A_2 = vector.broadcast %jit3A_1 : f32 to vector<128x128xf32>
    %select_n3A = arith.select %eq3A, %broadcast_in_dim3A, %broadcast_in_dim3A_2 : vector<128x128xi1>, vector<128x128xf32>
    %get3A = arith.constant 0 : index
    %get3A_3 = arith.constant 0 : index
    %get3A_4 = arith.constant 0 : index
    %get3A_5 = vector.load %arg2[%get3A, %get3A_3, %get3A_4] : memref<1x512x128xf32, #tpu.memory_space<vmem>>, vector<1x512x128xf32>
    %get3A_6 = vector.shape_cast %get3A_5 : vector<1x512x128xf32> to vector<512x128xf32>
    %dot_general3A = arith.constant dense<0.000000e+00> : vector<128x512xf32>
    %dot_general3A_7 = tpu.matmul %select_n3A, %get3A_6, %dot_general3A {dimension_numbers = #tpu.dot_dimension_numbers<[1], [1], [0], [0], [0, 0, 1, 0], [], []>, transpose_lhs_hint = false} : vector<128x128xf32>, vector<512x128xf32>, vector<128x512xf32> -> vector<128x512xf32>
    %reshape3A = vector.shape_cast %dot_general3A_7 : vector<128x512xf32> to vector<2x64x512xf32>
    %swap3A = arith.constant 0 : index
    %swap3A_8 = arith.constant 0 : index
    %swap3A_9 = arith.constant 0 : index
    %swap3A_10 = vector.load %arg3[%swap3A, %swap3A_8, %swap3A_9] : memref<2x64x512xf32, #tpu.memory_space<vmem>>, vector<2x64x512xf32>
    tpu.vector_store %arg3[%swap3A, %swap3A_8, %swap3A_9], %reshape3A {strides = array<i32>} : memref<2x64x512xf32, #tpu.memory_space<vmem>>, vector<2x64x512xf32>,
    return
  }
  func.func @transform_0(%arg0: i32, %arg1: i32) -> (i32, i32, i32) {
    %c0_i32 = arith.constant 0 : i32
    %c0_i32_0 = arith.constant 0 : i32
    return %arg0, %arg1, %c0_i32 : i32, i32, i32
  }
  func.func @transform_1(%arg0: i32, %arg1: i32) -> (i32, i32, i32) {
    %c0_i32 = arith.constant 0 : i32
    %c0_i32_0 = arith.constant 0 : i32
    return %arg0, %c0_i32, %arg1 : i32, i32, i32
  }
}

</mosaic_0001>

<sc_bundles>
// kernel: kernel.4.cloned.1.call-start
scs
__scs_entry_jumppad:
0x0: {  	(pc) =	sbr.rel $0x88, $3  }
0x1: {  	(tag) =	ssettag $0x0;
	lr =	simm.s32 $0x1  }
0x2: {  	[smem:$0x3F9F] =	sst lr;
	_ =	strace $0xD0000000  }
0x3: {  	_ = 	snop  }
0x4: {  	_ = 	snop  }
0x5: {  	_ = 	snop  }
0x6: {  	_ = 	snop  }
0x7: {  	_ = 	snop  }
__scs_overlays_trampoline_lowered:
0x8: {  	[smem:$0x3FAE] =	sst s0  }
0x9: {  	[smem:$0x3FAF] =	sst s1  }
0xa: {  	[smem:$0x3FB0] =	sst s2  }
0xb: {  	[smem:$0x3FB1] =	sst s3  }
0xc: {  	[smem:$0x3FB2] =	sst s4  }
0xd: {  	[smem:$0x3FB3] =	sst s5  }
0xe: {  	[smem:$0x3FB4] =	sst s6  }
0xf: {  	[smem:$0x3FB5] =	sst s7  }
0x10: {  	[smem:$0x3FB6] =	sst s8  }
0x11: {  	[smem:$0x3FB7] =	sst s9;
	s0 =	simm.s32 @!p0 $0x0  }
0x12: {  	s1 =	sld [smem:$0x3F9D];
	s0 =	simm.s32 @p0 $0x1  }
0x13: {  	[smem:$0x3FB8] =	sst s0;
	s0 =	simm.s32 @!p1 $0x0  }
0x14: {  	s2 =	sld [smem:$0x3F9C];
	s0 =	simm.s32 @p1 $0x1  }
0x15: {  	[smem:$0x3FB9] =	sst s0;
	s0 =	simm.s32 @!p2 $0x0  }
0x16: {  	s3 =	sld [smem:$0x3FDB];
	s0 =	simm.s32 @p2 $0x1  }
0x17: {  	s4 =	simm.s32 $0x1BF5;
	[smem:$0x3FBB] =	sst s0  }
0x18: {  	s0 =	sld [smem:$0x3F9E];
	_ =	swait.ge [sflag:s4], $0x0  }
0x19: {  	s7 =	sld [smem:$0x3F9F]  }
0x1a: {  	s8 =	sadd.s32 $0xFFFFE003, lr  }
0x1b: {  	s9 =	sadd.s32 $0xFFFFFEF7, lr;
	s5 =	simm.s32 $0xFFFFFFFF;
	p2 =	slt.u32 s8, $0xFFFFF086  }
0x1c: {  	p1 =	slt.u32 s9, $0xF7A;
	s5 =	simm.s32 @!p2 $0x0  }
0x1d: {  	s5 =	simm.s32 @p1 $0x1;
	p0 =	seq.s32 s7, s2  }
0x1e: {  	s7 =	smul.u32 @!p0 $0xF7A, s2;
	p2 =	seq.s32 @!p0 s5, $0x0  }
0x1f: {  	s9 =	smul.u32 $0xF7A, s1;
	s8 =	simm.s32 @!p0 $0x1BF5;
	p2 =	por !p2, p0  }
0x20: {  	[sflag:s8] =	ssyncset.s32 @!p0 $0xFFFFF086;
	s6 =	sadd.s32 @!p0 s3, s7;
	s7 =	simm.s32 @!p0 $0x108  }
0x21: {  	s3 =	sadd.s32 s3, s9;
	s6 =	sadd.s32 @!p0 $0x88, s6;
	s7 =	simm.s32 @p2 $0x1082  }
0x22: {  	[simem:s7], [sflag:s8] =	dma.local @!p0 [hbm:s6], $0xF7A  }
0x23: {  	s9 =	sor.u32 $0xD0000000, s2;
	s6 =	simm.s32 $0x108;
	_ =	swait.ge @!p0 [sflag:s8], $0x0  }
0x24: {  	s3 =	sadd.s32 $0x88, s3;
	s6 =	simm.s32 @!p1 $0x1082;
	[sflag:s4] =	ssyncset.s32 $0xFFFFF086  }
0x25: {  	[simem:s6], [sflag:s4] =	dma.local [hbm:s3], $0xF7A  }
0x26: {  	[smem:$0x3F9F] =	sst s1;
	(tag) =	ssettag s2;
	_ =	strace s9  }
0x27: {  	s1 =	sld [smem:$0x3FAF]  }
0x28: {  	s2 =	sld [smem:$0x3FB0]  }
0x29: {  	s4 =	sld [smem:$0x3FB2]  }
0x2a: {  	p0 =	seq.s32 s5, $0x0;
	s5 =	sld [smem:$0x3FB3]  }
0x2b: {  	s6 =	sld [smem:$0x3FB4]  }
0x2c: {  	s7 =	sld [smem:$0x3FB5]  }
0x2d: {  	s3 =	simm.s32 $0x108;
	s8 =	sld [smem:$0x3FB6]  }
0x2e: {  	s3 =	simm.s32 @!p0 $0x1082;
	s9 =	sld [smem:$0x3FB7]  }
0x2f: {  	lr =	sadd.s32 s0, s3;
	s0 =	sld [smem:$0x3FAE]  }
0x30: {  	s3 =	sld [smem:$0x3FB1]  }
0x31: {  	[smem:$0x3FBA] =	sst s10  }
0x32: {  	s10 =	sld [smem:$0x3FB8];
	_ =	sdelay $0x3  }
0x33: {  	p0 =	seq.s32 s10, $0x1;
	s10 =	sld [smem:$0x3FBA];
	_ =	sdelay $0x3  }
0x34: {  	[smem:$0x3FBA] =	sst s10  }
0x35: {  	s10 =	sld [smem:$0x3FB9];
	_ =	sdelay $0x3  }
0x36: {  	p1 =	seq.s32 s10, $0x1;
	s10 =	sld [smem:$0x3FBA];
	_ =	sdelay $0x3  }
0x37: {  	[smem:$0x3FBA] =	sst s10  }
0x38: {  	s10 =	sld [smem:$0x3FBB]  }
0x39: {  	_ = 	snop;
	(pc) =	sbr.ind lr, $3  }
0x3a: {  	_ = 	snop  }
0x3b: {  	_ = 	snop  }
0x3c: {  	p2 =	seq.s32 s10, $0x1;
	s10 =	sld [smem:$0x3FBA]  }
0x3d: {  	_ =	shalt  }
0x3e: {  	_ =	shalt  }
0x3f: {  	_ =	shalt  }
0x40: {  	_ =	shalt  }
0x41: {  	_ =	shalt  }
0x42: {  	_ =	shalt  }
0x43: {  	_ =	shalt  }
0x44: {  	_ =	shalt  }
0x45: {  	_ =	shalt  }
0x46: {  	_ =	shalt  }
0x47: {  	_ =	shalt  }
0x48: {  	_ =	shalt  }
0x49: {  	_ =	shalt  }
0x4a: {  	_ =	shalt  }
0x4b: {  	_ =	shalt  }
0x4c: {  	_ =	shalt  }
0x4d: {  	_ =	shalt  }
0x4e: {  	_ =	shalt  }
0x4f: {  	_ =	shalt  }
0x50: {  	_ =	shalt  }
0x51: {  	_ =	shalt  }
0x52: {  	_ =	shalt  }
0x53: {  	_ =	shalt  }
0x54: {  	_ =	shalt  }
0x55: {  	_ =	shalt  }
0x56: {  	_ =	shalt  }
0x57: {  	_ =	shalt  }
0x58: {  	_ =	shalt  }
0x59: {  	_ =	shalt  }
0x5a: {  	_ =	shalt  }
0x5b: {  	_ =	shalt  }
0x5c: {  	_ =	shalt  }
0x5d: {  	_ =	shalt  }
0x5e: {  	_ =	shalt  }
0x5f: {  	_ =	shalt  }
0x60: {  	_ =	shalt  }
0x61: {  	_ =	shalt  }
0x62: {  	_ =	shalt  }
0x63: {  	_ =	shalt  }
0x64: {  	_ =	shalt  }
0x65: {  	_ =	shalt  }
0x66: {  	_ =	shalt  }
0x67: {  	_ =	shalt  }
0x68: {  	_ =	shalt  }
0x69: {  	_ =	shalt  }
0x6a: {  	_ =	shalt  }
0x6b: {  	_ =	shalt  }
0x6c: {  	_ =	shalt  }
0x6d: {  	_ =	shalt  }
0x6e: {  	_ =	shalt  }
0x6f: {  	_ =	shalt  }
0x70: {  	_ =	shalt  }
0x71: {  	_ =	shalt  }
0x72: {  	_ =	shalt  }
0x73: {  	_ =	shalt  }
0x74: {  	_ =	shalt  }
0x75: {  	_ =	shalt  }
0x76: {  	_ =	shalt  }
0x77: {  	_ =	shalt  }
0x78: {  	_ =	shalt  }
0x79: {  	_ =	shalt  }
0x7a: {  	_ =	shalt  }
0x7b: {  	_ =	shalt  }
0x7c: {  	_ =	shalt  }
0x7d: {  	_ =	shalt  }
0x7e: {  	_ =	shalt  }
0x7f: {  	_ =	shalt  }
0x80: {  	_ =	shalt  }
0x81: {  	_ =	shalt  }
0x82: {  	_ =	shalt  }
0x83: {  	_ =	shalt  }
0x84: {  	_ =	shalt  }
0x85: {  	_ =	shalt  }
0x86: {  	_ =	shalt  }
0x87: {  	_ =	shalt  }
.Lfunc_end0:
.L_simem_size_0:
called_computation_lowered:
.L_overlay_start_0:
0x88: {  	s2 =	sld [smem:$0x3FD9]  }
0x89: {  	s3 =	sld [smem:$0x3FFE];
	_ =	sdelay $0x1  }
0x8a: {  	s1 =	srdreg.scid  }
0x8b: {  	s0 =	sand.u32 $0x1, s1  }
0x8c: {  	s16 =	sshll.u32 s0, $0xA;
	s2 =	sadd.s32 s3, s2  }
0x8d: {  	s2 =	sadd.s32 s2, s16  }
0x8e: {  	[smem:$0x3FC6] =	sst s2  }
0x8f: {  	_ = 	snop  }
0x90: {  	(tm) =	ssettm $0x1  }
0x91: {  	s17 =	sld [smem:$0x3FFB];
	_ =	sdelay $0x3  }
0x92: {  	_ =	strace s17  }
0x93: {  	s2 =	sld [smem:$0x3FFC];
	_ =	sdelay $0x3  }
0x94: {  	_ =	strace s2  }
0x95: {  	s2 =	sld [smem:$0x3FFD];
	_ =	sdelay $0x3  }
0x96: {  	_ =	strace s2  }
0x97: {  	_ =	strace $0x8FFFFFFF  }
0x98: {  	s18 =	sld [smem:$0x3FDB];
	_ =	sdelay $0x1  }
0x99: {  	s19 =	simm.s32 $_scs_section_size  }
0x9a: {  	s4 =	simm.s32 $_size__tile_overlayer_lowered;
	s5 =	simm.s32 $_tile_overlayer_lowered  }
0x9b: {  	s22 =	simm.s32 $0x1BFF;
	s21 =	sshll.u32 s5, $0x1;
	s2 =	sadd.s32 s19, s18  }
0x9c: {  	s6 =	simm.s32 $0x0;
	s20 =	sshll.u32 s4, $0x1;
	s4 =	sadd.s32 s21, s2  }
0x9d: {  	[timem:s6], [sflag:s22] =	dma.local [hbm:s4], s20  }
0x9e: {  	_ =	swait.ge [sflag:s22], s20  }
0x9f: {  	s3 =	ssub.s32 $0x0, s20;
	[sflag:s22] =	ssyncset.done $0x0  }
0xa0: {  	[sflag:s22] =	ssyncadd.s32 s3;
	_ =	sdelay $0x1  }
0xa1: {  	s23 =	simm.s32 $0x1B8B  }
0xa2: {  	_ =	swait.ge [sflag:s23], $0x1  }
0xa3: {  	[sflag:s23] =	ssyncset.done $0x0  }
0xa4: {  	s25 =	simm.s32 $0x1B8E;
	s24 =	sld [smem:$0x3FFE];
	[sflag:s23] =	ssyncadd.s32 $0xFFFFFFFF  }
0xa5: {  	s26 =	simm.s32 $execute0_lowered;
	[smem:$0x3FD2] =	sst s25  }
0xa6: {  	s4 =	sshll.u32 s26, $0x1;
	_ =	strace $0x80000046;
	[dreg:$0x1] =	wrdreg $0xFFFFFFFF  }
0xa7: {  	s28 =	simm.s32 $_size_execute0_lowered;
	s2 =	sadd.s32 s2, s4;
	[dreg:$0x0] =	wrdreg $0x0  }
0xa8: {  	s4 =	sshll.u32 s28, $0x1;
	[dreg:$0x2] =	wrdreg s2  }
0xa9: {  	[dreg:$0x3] =	wrdreg s4  }
0xaa: {  	[dreg:$0x4] =	wrdreg $0xC0  }
0xab: {  	_ =	task [dreg:s6], $0x5FFFF  }
0xac: {  	[dreg:$0x1] =	wrdreg $0xFFFFFFFF  }
0xad: {  	[dreg:$0x0] =	wrdreg $0x60  }
0xae: {  	[dreg:$0x2] =	wrdreg s24  }
0xaf: {  	[dreg:$0x3] =	wrdreg $0x9  }
0xb0: {  	_ =	task.clear_ibuf [dreg:s6], $0x4FFFF;
	_ =	strace $0x90000046  }
0xb1: {  	s29 =	simm.s32 $0x9;
	_ =	strace $0x80000048  }
0xb2: {  	_ =	swait.ge [sflag:s29], $0x1  }
0xb3: {  	[sflag:s29] =	ssyncadd.s32 $0xFFFFFFFF  }
0xb4: {  	_ =	strace $0x90000048  }
0xb5: {  	_ =	sfence  }
0xb6: {  	s30 =	sld [smem:$0x0];
	_ =	sdelay $0x2  }
0xb7: {  	s31 =	sshll.u32 s1, $0xD;
	s1 =	sshrl.u32 s1, $0x2  }
0xb8: {  	s3 =	sand.u32 $0x4000, s31;
	s1 =	sadd.s32 s1, s30  }
0xb9: {  	s0 =	sor.u32 s3, s0;
	s1 =	sshll.u32 s1, $0x11  }
0xba: {  	s0 =	sor.u32 s1, s0  }
0xbb: {  	s0 =	sadd.s32 $0x8F2B, s0  }
0xbc: {  	[sflag:s0] =	ssyncadd.remote.s32 $0x1  }
0xbd: {  	_ =	sfence.sel $0xFFFF  }
0xbe: {  	[dreg:$0x0] =	wrdreg $0xFFFFFFFF;
	(pc) =	sbr.abs _section_cstart, $3  }
0xbf: {  	[dreg:$0x1] =	wrdreg $0xFFFFFFFF  }
0xc0: {  	_ =	task.clear_ibuf [dreg:s6], $0x2FFFF;
	_ =	strace $0x9FFFFFFF  }
0xc1: {  	(tm) =	ssettm $0x7FFFFFFF  }
tec
execute0_lowered:
.L_overlay_start_1:
0x0: {  	(tag) =	ssettag $0x1  }
0x1: {  	s0 =	srdreg.scid  }
0x2: {  	s4 =	simm.s32 $0x0;
	s2 =	sand.u32 $0x1, s0;
	s0 =	rddreg [dreg:$0x0]  }
0x3: {  	s18 =	simm.s32 $0x100;
	[smem:$0x7FF] =	sst s4  }
0x4: {  	s19 =	simm.s32 $0x180;
	_ =	strace $0x80000047;
	[dreg:$0x3] =	wrdreg s18  }
0x5: {  	s20 =	simm.s32 $0x200;
	[dreg:$0x4] =	wrdreg s19  }
0x6: {  	s21 =	simm.s32 $0x280;
	[dreg:$0x5] =	wrdreg s20  }
0x7: {  	s22 =	simm.s32 $0x300;
	[dreg:$0x6] =	wrdreg s21  }
0x8: {  	s23 =	simm.s32 $0x380;
	[dreg:$0x7] =	wrdreg s22  }
0x9: {  	s24 =	simm.s32 $0x400;
	[dreg:$0x8] =	wrdreg s23  }
0xa: {  	s25 =	simm.s32 $0x480;
	[dreg:$0x9] =	wrdreg s24  }
0xb: {  	s26 =	simm.s32 $0x500;
	[dreg:$0xa] =	wrdreg s25  }
0xc: {  	s4 =	simm.s32 $0x580;
	[dreg:$0xb] =	wrdreg s26  }
0xd: {  	s5 =	simm.s32 $0x600;
	[dreg:$0xc] =	wrdreg s4  }
0xe: {  	s6 =	simm.s32 $0x680;
	[dreg:$0xd] =	wrdreg s5  }
0xf: {  	s7 =	simm.s32 $0x700;
	[dreg:$0xe] =	wrdreg s6  }
0x10: {  	s8 =	simm.s32 $0x780;
	[dreg:$0xf] =	wrdreg s7  }
0x11: {  	s9 =	simm.s32 $0x800;
	[dreg:$0x10] =	wrdreg s8  }
0x12: {  	s10 =	simm.s32 $0x880;
	[dreg:$0x11] =	wrdreg s9  }
0x13: {  	s11 =	simm.s32 $0x900;
	[dreg:$0x12] =	wrdreg s10  }
0x14: {  	s12 =	simm.s32 $0x980;
	[dreg:$0x13] =	wrdreg s11  }
0x15: {  	s13 =	simm.s32 $0xA00;
	[dreg:$0x14] =	wrdreg s12  }
0x16: {  	s1 =	stileid.u32;
	s14 =	simm.s32 $0xA80;
	[dreg:$0x15] =	wrdreg s13  }
0x17: {  	s15 =	simm.s32 $0xB00;
	s16 =	simm.s32 $0xB80;
	[dreg:$0x16] =	wrdreg s14  }
0x18: {  	s17 =	simm.s32 $0xC00;
	p0 =	por $0x0, $0x0;
	[dreg:$0x17] =	wrdreg s15  }
0x19: {  	s30 =	simm.s32 $0x6;
	s1 =	sshll.u32 s1, $0x8;
	[dreg:$0x18] =	wrdreg s16  }
0x1a: {  	s3 =	sshll.u32 s2, $0x7;
	[dreg:$0x19] =	wrdreg s17;
	s18 =	simm.s32 $0xC80  }
0x1b: {  	s19 =	simm.s32 $0xD00;
	s20 =	simm.s32 $0xD80;
	[dreg:$0x1a] =	wrdreg s18  }
0x1c: {  	s21 =	simm.s32 $0xE00;
	s2 =	ssub.s32 $0x2, s2;
	[dreg:$0x1b] =	wrdreg s19  }
0x1d: {  	s22 =	simm.s32 $0xE80;
	s24 =	simm.s32 $0xF00;
	[dreg:$0x1c] =	wrdreg s20  }
0x1e: {  	s25 =	simm.s32 $0xF80;
	s26 =	sadd.s32 $0xD9E00, s0;
	[dreg:$0x1d] =	wrdreg s21  }
0x1f: {  	s8 =	simm.s32 $0x1080;
	s5 =	sadd.s32 $0xE9E00, s0;
	[dreg:$0x1e] =	wrdreg s22  }
0x20: {  	s9 =	simm.s32 $0x1100;
	s6 =	sadd.s32 $0xF9E00, s0;
	[smem:$0x7D6] =	sst s25  }
0x21: {  	s10 =	simm.s32 $0x1180;
	s7 =	sadd.s32 $0x109E00, s0;
	[smem:$0x7D7] =	sst s8  }
0x22: {  	s11 =	simm.s32 $0x1200;
	s12 =	simm.s32 $0x1280;
	[smem:$0x7D8] =	sst s9  }
0x23: {  	s13 =	simm.s32 $0x1300;
	s14 =	simm.s32 $0x1380;
	[smem:$0x7D9] =	sst s10  }
0x24: {  	s15 =	simm.s32 $0x1400;
	s8 =	sadd.s32 $0x119E00, s0;
	[smem:$0x7DA] =	sst s11  }
0x25: {  	s16 =	simm.s32 $0x1480;
	s9 =	sadd.s32 $0x129E00, s0;
	[smem:$0x7DB] =	sst s12  }
0x26: {  	s17 =	simm.s32 $0x1500;
	s10 =	sadd.s32 $0x139E00, s0;
	[smem:$0x7DC] =	sst s13  }
0x27: {  	s4 =	simm.s32 $0x80;
	s11 =	sadd.s32 $0x149E00, s0;
	[smem:$0x7DD] =	sst s14  }
0x28: {  	s1 =	sor.u32 s3, s1;
	s12 =	sadd.s32 $0x159E00, s0;
	[smem:$0x7DE] =	sst s15  }
0x29: {  	s23 =	sshrl.u32 s2, $0x1;
	s13 =	sadd.s32 $0x169E00, s0;
	[smem:$0x7DF] =	sst s16  }
0x2a: {  	s14 =	sadd.s32 $0x179E00, s0;
	[smem:$0x7E0] =	sst s17;
	s18 =	simm.s32 $0x1580  }
0x2b: {  	[dreg:$0x1f] =	wrdreg s24;
	s15 =	sadd.s32 $0x189E00, s0;
	s16 =	sadd.s32 $0x199E00, s0  }
0x2c: {  	s19 =	simm.s32 $0x1600;
	s20 =	simm.s32 $0x1680;
	s17 =	sadd.s32 $0x1A9E00, s0  }
0x2d: {  	s21 =	simm.s32 $0x1700;
	s22 =	simm.s32 $0x1780;
	[smem:$0x7E1] =	sst s18  }
0x2e: {  	s24 =	simm.s32 $0x1880;
	s25 =	sadd.s32 $0x209E00, s0;
	[smem:$0x7E2] =	sst s19  }
0x2f: {  	s3 =	sshrl.u32 s1, $0x3;
	[smem:$0x7E3] =	sst s20;
	s18 =	sadd.s32 $0x1B9E00, s0  }
0x30: {  	s1 =	sshll.u32 s1, $0x4;
	[smem:$0x7E4] =	sst s21;
	s19 =	sadd.s32 $0x1C9E00, s0  }
0x31: {  	s2 =	ssub.s32 s2, s23;
	[smem:$0x7E5] =	sst s22;
	s20 =	sadd.s32 $0x1D9E00, s0  }
0x32: {  	s23 =	simm.s32 $0x1800;
	s21 =	sadd.s32 $0x1E9E00, s0;
	[smem:$0x7E7] =	sst s24  }
0x33: {  	[smem:$0x7E6] =	sst s23;
	s28 =	sadd.s32 s1, s26;
	s26 =	sadd.s32 s1, s5  }
0x34: {  	s22 =	sadd.s32 $0x1F9E00, s0;
	s5 =	sadd.s32 s1, s6;
	[smem:$0x7E8] =	sst s26  }
0x35: {  	s24 =	sadd.s32 $0x249E00, s0;
	s6 =	sadd.s32 s1, s7;
	[smem:$0x7E9] =	sst s5  }
0x36: {  	s3 =	sadd.s32 s3, s0;
	s7 =	sadd.s32 s1, s8;
	[smem:$0x7EA] =	sst s6  }
0x37: {  	s8 =	sadd.s32 s1, s10;
	s10 =	sadd.s32 s1, s12;
	[smem:$0x7EB] =	sst s7  }
0x38: {  	s12 =	sadd.s32 s1, s14;
	s14 =	sadd.s32 s1, s16;
	[smem:$0x7EC] =	sst s8  }
0x39: {  	s16 =	sadd.s32 s1, s18;
	s18 =	sadd.s32 s1, s20;
	[smem:$0x7EE] =	sst s10  }
0x3a: {  	s20 =	sadd.s32 s1, s22;
	s22 =	sadd.s32 $0x229E00, s0;
	[smem:$0x7F0] =	sst s12  }
0x3b: {  	s23 =	sadd.s32 $0x239E00, s0;
	s31 =	sadd.s32 s1, s24;
	[smem:$0x7F2] =	sst s14  }
0x3c: {  	s24 =	simm.s32 $0x2;
	s3 =	sadd.s32 $0x400, s3;
	[smem:$0x7F4] =	sst s16  }
0x3d: {  	s5 =	sadd.s32 s1, s9;
	s9 =	sadd.s32 s1, s11;
	[smem:$0x7F6] =	sst s18  }
0x3e: {  	s11 =	sadd.s32 s1, s13;
	s13 =	sadd.s32 s1, s15;
	[smem:$0x7F8] =	sst s20  }
0x3f: {  	s15 =	sadd.s32 s1, s17;
	s17 =	sadd.s32 s1, s19;
	[dreg:$0x2] =	wrdreg s3  }
0x40: {  	s19 =	sadd.s32 s1, s21;
	s21 =	sadd.s32 $0x219E00, s0;
	[smem:$0x7ED] =	sst s9  }
0x41: {  	s18 =	sadd.s32 $0x6800, s0;
	s26 =	smax.u32 s2, $0x1;
	[smem:$0x7EF] =	sst s11  }
0x42: {  	s7 =	simm.s32 $0x1900;
	s6 =	simm.s32 $0x3900;
	[smem:$0x7F1] =	sst s13  }
0x43: {  	s16 =	simm.s32 $0xB900;
	s14 =	simm.s32 $0xF900;
	[smem:$0x7F3] =	sst s15  }
0x44: {  	s12 =	simm.s32 $0x1;
	s10 =	simm.s32 $0x7;
	[smem:$0x7F5] =	sst s17  }
0x45: {  	s8 =	simm.s32 $0x8;
	[smem:$0x7F7] =	sst s19;
	s3 =	sadd.s32 s1, s25  }
0x46: {  	s20 =	sadd.s32 s1, s21;
	s25 =	sadd.s32 s1, s22;
	p1 =	sne.s32 s26, $0x1  }
0x47: {  	s13 =	simm.s32 $0x9;
	s22 =	simm.s32 $0x5900;
	s21 =	simm.s32 $0x7900  }
0x48: {  	s17 =	simm.s32 $0x9900;
	s15 =	simm.s32 $0xD900;
	[smem:$0x7FB] =	sst s5  }
.Ltmp0:
0x49: {  	s11 =	simm.s32 $0x40;
	[smem:$0x7F9] =	sst s3;
	(pc) =	sbr.rel @!p1 .LBB2_1-.Ltmp0, $4  }
0x4a: {  	s19 =	simm.s32 $0x4;
	s3 =	sadd.s32 s1, s23;
	s29 =	rddreg [dreg:$0x2]  }
0x4b: {  	s1 =	sadd.s32 s1, s0;
	s0 =	sadd.s32 $0xFFFFFFFF, s26;
	[smem:$0x7FC] =	sst s25  }
0x4c: {  	s26 =	simm.s32 $0x1000;
	s23 =	simm.s32 $0x3;
	[smem:$0x7FD] =	sst s20  }
0x4d: {  	[smem:$0x7FA] =	sst s3;
	s9 =	sadd.s32 $0xC9E00, s1;
	s3 =	simm.s32 $0x5  }
0x4e: {  	[smem:$0x7D5] =	sst s0;
	s1 =	simm.s32 $0x0  }
0x4f: {  	[tilespmem:s1], [sflag:$0x9] =	stream.strided.gather [hbm4b:s29+s4], $0x1900, s26, s4, $0x38;
	[tilespmem:$0x11900] =	vst v63  }
0x50: {  	_ =	swait.ge [sflag:s13], $0x1900  }
0x51: {  	[sflag:s13] =	ssyncset.done $0x0  }
0x52: {  	[sflag:s13] =	ssyncadd.s32 $0xFFFFE700  }
0x53: {  	[tilespmem:s7], [sflag:$0x1] =	stream.indirect.gather [hbm4b:s18+s4], $0x40, s1, s4, $0xb8;
	[tilespmem:$0x11900] =	vst v63  }
0x54: {  	_ = 	snop  }
0x55: {  	[tilespmem:s6], [sflag:$0x1] =	stream.indirect.gather [hbm4b:s18+s4], $0x40, s4, s4, $0xb8;
	[tilespmem:$0x11900] =	vst v63  }
0x56: {  	s2 =	rddreg [dreg:$0x3]  }
0x57: {  	[tilespmem:s22], [sflag:$0x2] =	stream.indirect.gather [hbm4b:s18+s4], $0x40, s2, s4, $0xb8;
	[tilespmem:$0x11900] =	vst v63  }
0x58: {  	s1 =	rddreg [dreg:$0x4]  }
0x59: {  	[tilespmem:s21], [sflag:$0x2] =	stream.indirect.gather [hbm4b:s18+s4], $0x40, s1, s4, $0xb8;
	[tilespmem:$0x11900] =	vst v63  }
0x5a: {  	s0 =	rddreg [dreg:$0x5]  }
0x5b: {  	[tilespmem:s17], [sflag:$0x3] =	stream.indirect.gather [hbm4b:s18+s4], $0x40, s0, s4, $0xb8;
	[tilespmem:$0x11900] =	vst v63  }
0x5c: {  	s2 =	rddreg [dreg:$0x6]  }
0x5d: {  	[tilespmem:s16], [sflag:$0x3] =	stream.indirect.gather [hbm4b:s18+s4], $0x40, s2, s4, $0xb8;
	[tilespmem:$0x11900] =	vst v63  }
0x5e: {  	s0 =	rddreg [dreg:$0x7]  }
0x5f: {  	[tilespmem:s15], [sflag:$0x4] =	stream.indirect.gather [hbm4b:s18+s4], $0x40, s0, s4, $0xb8;
	[tilespmem:$0x11900] =	vst v63  }
0x60: {  	s2 =	rddreg [dreg:$0x8]  }
0x61: {  	[tilespmem:s14], [sflag:$0x4] =	stream.indirect.gather [hbm4b:s18+s4], $0x40, s2, s4, $0xb8;
	[tilespmem:$0x11900] =	vst v63  }
0x62: {  	_ =	swait.ge [sflag:s12], $0x2000  }
0x63: {  	[sflag:s12] =	ssyncset.done $0x0  }
0x64: {  	[sflag:s12] =	ssyncadd.s32 $0xFFFFE000  }
0x65: {  	_ =	swait.ge [sflag:s12], $0x2000  }
0x66: {  	[sflag:s12] =	ssyncset.done $0x0  }
0x67: {  	s2 =	sadd.s32 $0x8, s9;
	[sflag:s12] =	ssyncadd.s32 $0xFFFFE000  }
0x68: {  	[hbm4b:s9+s11] =	stream.strided.scatter [tilespmem:s7], [sflag:$0x5], $0x2000, s4, s11, $0x38;
	[tilespmem:$0x11900] =	vst v63  }
0x69: {  	[smem:$0x7BD] =	sst s2  }
0x6a: {  	[hbm4b:s2+s11] =	stream.strided.scatter [tilespmem:s6], [sflag:$0x5], $0x2000, s4, s11, $0x38;
	[tilespmem:$0x11900] =	vst v63  }
0x6b: {  	_ =	swait.ge [sflag:s3], $0x2000  }
0x6c: {  	[sflag:s3] =	ssyncset.done $0x0  }
0x6d: {  	[sflag:s3] =	ssyncadd.s32 $0xFFFFE000  }
0x6e: {  	_ =	swait.ge [sflag:s3], $0x2000  }
0x6f: {  	[sflag:s3] =	ssyncset.done $0x0  }
0x70: {  	s1 =	rddreg [dreg:$0x9];
	[sflag:s3] =	ssyncadd.s32 $0xFFFFE000  }
0x71: {  	[tilespmem:s7], [sflag:$0x1] =	stream.indirect.gather [hbm4b:s18+s4], $0x40, s1, s4, $0xb8;
	[tilespmem:$0x11900] =	vst v63  }
0x72: {  	s2 =	rddreg [dreg:$0xa]  }
0x73: {  	[tilespmem:s6], [sflag:$0x1] =	stream.indirect.gather [hbm4b:s18+s4], $0x40, s2, s4, $0xb8;
	[tilespmem:$0x11900] =	vst v63  }
0x74: {  	_ =	swait.ge [sflag:s24], $0x2000  }
0x75: {  	[sflag:s24] =	ssyncset.done $0x0  }
0x76: {  	[sflag:s24] =	ssyncadd.s32 $0xFFFFE000  }
0x77: {  	_ =	swait.ge [sflag:s24], $0x2000  }
0x78: {  	[sflag:s24] =	ssyncset.done $0x0  }
0x79: {  	s2 =	sadd.s32 $0x8, s28;
	[sflag:s24] =	ssyncadd.s32 $0xFFFFE000  }
0x7a: {  	[hbm4b:s28+s11] =	stream.strided.scatter [tilespmem:s22], [sflag:$0x6], $0x2000, s4, s11, $0x38;
	[tilespmem:$0x11900] =	vst v63  }
0x7b: {  	[smem:$0x7BE] =	sst s2  }
0x7c: {  	[hbm4b:s2+s11] =	stream.strided.scatter [tilespmem:s21], [sflag:$0x6], $0x2000, s4, s11, $0x38;
	[tilespmem:$0x11900] =	vst v63  }
0x7d: {  	_ =	swait.ge [sflag:s30], $0x2000  }
0x7e: {  	[sflag:s30] =	ssyncset.done $0x0  }
0x7f: {  	[sflag:s30] =	ssyncadd.s32 $0xFFFFE000  }
0x80: {  	_ =	swait.ge [sflag:s30], $0x2000  }
0x81: {  	[sflag:s30] =	ssyncset.done $0x0  }
0x82: {  	s1 =	rddreg [dreg:$0xb];
	[sflag:s30] =	ssyncadd.s32 $0xFFFFE000  }
0x83: {  	[tilespmem:s22], [sflag:$0x2] =	stream.indirect.gather [hbm4b:s18+s4], $0x40, s1, s4, $0xb8;
	[tilespmem:$0x11900] =	vst v63  }
0x84: {  	s2 =	rddreg [dreg:$0xc]  }
0x85: {  	[tilespmem:s21], [sflag:$0x2] =	stream.indirect.gather [hbm4b:s18+s4], $0x40, s2, s4, $0xb8;
	[tilespmem:$0x11900] =	vst v63  }
0x86: {  	_ =	swait.ge [sflag:s23], $0x2000  }
0x87: {  	[sflag:s23] =	ssyncset.done $0x0  }
0x88: {  	[sflag:s23] =	ssyncadd.s32 $0xFFFFE000  }
0x89: {  	_ =	swait.ge [sflag:s23], $0x2000  }
0x8a: {  	s2 =	sld [smem:$0x7E8]  }
0x8b: {  	[sflag:s23] =	ssyncset.done $0x0  }
0x8c: {  	[sflag:s23] =	ssyncadd.s32 $0xFFFFE000  }
0x8d: {  	[hbm4b:s2+s11] =	stream.strided.scatter [tilespmem:s17], [sflag:$0x7], $0x2000, s4, s11, $0x38;
	[tilespmem:$0x11900] =	vst v63  }
0x8e: {  	s0 =	sadd.s32 $0x8, s2  }
0x8f: {  	[smem:$0x7BF] =	sst s0  }
0x90: {  	[hbm4b:s0+s11] =	stream.strided.scatter [tilespmem:s16], [sflag:$0x7], $0x2000, s4, s11, $0x38;
	[tilespmem:$0x11900] =	vst v63  }
0x91: {  	_ =	swait.ge [sflag:s10], $0x2000  }
0x92: {  	[sflag:s10] =	ssyncset.done $0x0  }
0x93: {  	[sflag:s10] =	ssyncadd.s32 $0xFFFFE000  }
0x94: {  	_ =	swait.ge [sflag:s10], $0x2000  }
0x95: {  	[sflag:s10] =	ssyncset.done $0x0  }
0x96: {  	s1 =	rddreg [dreg:$0xd];
	[sflag:s10] =	ssyncadd.s32 $0xFFFFE000  }
0x97: {  	[tilespmem:s17], [sflag:$0x3] =	stream.indirect.gather [hbm4b:s18+s4], $0x40, s1, s4, $0xb8;
	[tilespmem:$0x11900] =	vst v63  }
0x98: {  	s2 =	rddreg [dreg:$0xe]  }
0x99: {  	[tilespmem:s16], [sflag:$0x3] =	stream.indirect.gather [hbm4b:s18+s4], $0x40, s2, s4, $0xb8;
	[tilespmem:$0x11900] =	vst v63  }
0x9a: {  	_ =	swait.ge [sflag:s19], $0x2000  }
0x9b: {  	[sflag:s19] =	ssyncset.done $0x0  }
0x9c: {  	[sflag:s19] =	ssyncadd.s32 $0xFFFFE000  }
0x9d: {  	_ =	swait.ge [sflag:s19], $0x2000  }
0x9e: {  	s2 =	sld [smem:$0x7E9]  }
0x9f: {  	[sflag:s19] =	ssyncset.done $0x0  }
0xa0: {  	[sflag:s19] =	ssyncadd.s32 $0xFFFFE000  }
0xa1: {  	[hbm4b:s2+s11] =	stream.strided.scatter [tilespmem:s15], [sflag:$0x8], $0x2000, s4, s11, $0x38;
	[tilespmem:$0x11900] =	vst v63  }
0xa2: {  	s0 =	sadd.s32 $0x8, s2  }
0xa3: {  	[smem:$0x7C0] =	sst s0  }
0xa4: {  	[hbm4b:s0+s11] =	stream.strided.scatter [tilespmem:s14], [sflag:$0x8], $0x2000, s4, s11, $0x38;
	[tilespmem:$0x11900] =	vst v63  }
0xa5: {  	_ =	swait.ge [sflag:s8], $0x2000  }
0xa6: {  	[sflag:s8] =	ssyncset.done $0x0  }
0xa7: {  	[sflag:s8] =	ssyncadd.s32 $0xFFFFE000  }
0xa8: {  	_ =	swait.ge [sflag:s8], $0x2000  }
0xa9: {  	[sflag:s8] =	ssyncset.done $0x0  }
0xaa: {  	s1 =	rddreg [dreg:$0xf];
	[sflag:s8] =	ssyncadd.s32 $0xFFFFE000  }
0xab: {  	[tilespmem:s15], [sflag:$0x4] =	stream.indirect.gather [hbm4b:s18+s4], $0x40, s1, s4, $0xb8;
	[tilespmem:$0x11900] =	vst v63  }
0xac: {  	s2 =	rddreg [dreg:$0x10]  }
0xad: {  	[tilespmem:s14], [sflag:$0x4] =	stream.indirect.gather [hbm4b:s18+s4], $0x40, s2, s4, $0xb8;
	[tilespmem:$0x11900] =	vst v63  }
0xae: {  	_ =	swait.ge [sflag:s12], $0x2000  }
0xaf: {  	[sflag:s12] =	ssyncset.done $0x0  }
0xb0: {  	[sflag:s12] =	ssyncadd.s32 $0xFFFFE000  }
0xb1: {  	_ =	swait.ge [sflag:s12], $0x2000  }
0xb2: {  	s2 =	sld [smem:$0x7EA]  }
0xb3: {  	[sflag:s12] =	ssyncset.done $0x0  }
0xb4: {  	[sflag:s12] =	ssyncadd.s32 $0xFFFFE000  }
0xb5: {  	[hbm4b:s2+s11] =	stream.strided.scatter [tilespmem:s7], [sflag:$0x5], $0x2000, s4, s11, $0x38;
	[tilespmem:$0x11900] =	vst v63  }
0xb6: {  	s0 =	sadd.s32 $0x8, s2  }
0xb7: {  	[smem:$0x7C1] =	sst s0  }
0xb8: {  	[hbm4b:s0+s11] =	stream.strided.scatter [tilespmem:s6], [sflag:$0x5], $0x2000, s4, s11, $0x38;
	[tilespmem:$0x11900] =	vst v63  }
0xb9: {  	_ =	swait.ge [sflag:s3], $0x2000  }
0xba: {  	[sflag:s3] =	ssyncset.done $0x0  }
0xbb: {  	[sflag:s3] =	ssyncadd.s32 $0xFFFFE000  }
0xbc: {  	_ =	swait.ge [sflag:s3], $0x2000  }
0xbd: {  	[sflag:s3] =	ssyncset.done $0x0  }
0xbe: {  	s1 =	rddreg [dreg:$0x11];
	[sflag:s3] =	ssyncadd.s32 $0xFFFFE000  }
0xbf: {  	[tilespmem:s7], [sflag:$0x1] =	stream.indirect.gather [hbm4b:s18+s4], $0x40, s1, s4, $0xb8;
	[tilespmem:$0x11900] =	vst v63  }
0xc0: {  	s2 =	rddreg [dreg:$0x12]  }
0xc1: {  	[tilespmem:s6], [sflag:$0x1] =	stream.indirect.gather [hbm4b:s18+s4], $0x40, s2, s4, $0xb8;
	[tilespmem:$0x11900] =	vst v63  }
0xc2: {  	_ =	swait.ge [sflag:s24], $0x2000  }
0xc3: {  	[sflag:s24] =	ssyncset.done $0x0  }
0xc4: {  	[sflag:s24] =	ssyncadd.s32 $0xFFFFE000  }
0xc5: {  	_ =	swait.ge [sflag:s24], $0x2000  }
0xc6: {  	s2 =	sld [smem:$0x7EB]  }
0xc7: {  	[sflag:s24] =	ssyncset.done $0x0  }
0xc8: {  	[sflag:s24] =	ssyncadd.s32 $0xFFFFE000  }
0xc9: {  	[hbm4b:s2+s11] =	stream.strided.scatter [tilespmem:s22], [sflag:$0x6], $0x2000, s4, s11, $0x38;
	[tilespmem:$0x11900] =	vst v63  }
0xca: {  	s0 =	sadd.s32 $0x8, s2  }
0xcb: {  	[smem:$0x7C2] =	sst s0  }
0xcc: {  	[hbm4b:s0+s11] =	stream.strided.scatter [tilespmem:s21], [sflag:$0x6], $0x2000, s4, s11, $0x38;
	[tilespmem:$0x11900] =	vst v63  }
0xcd: {  	_ =	swait.ge [sflag:s30], $0x2000  }
0xce: {  	[sflag:s30] =	ssyncset.done $0x0  }
0xcf: {  	[sflag:s30] =	ssyncadd.s32 $0xFFFFE000  }
0xd0: {  	_ =	swait.ge [sflag:s30], $0x2000  }
0xd1: {  	[sflag:s30] =	ssyncset.done $0x0  }
0xd2: {  	s1 =	rddreg [dreg:$0x13];
	[sflag:s30] =	ssyncadd.s32 $0xFFFFE000  }
0xd3: {  	[tilespmem:s22], [sflag:$0x2] =	stream.indirect.gather [hbm4b:s18+s4], $0x40, s1, s4, $0xb8;
	[tilespmem:$0x11900] =	vst v63  }
0xd4: {  	s2 =	rddreg [dreg:$0x14]  }
0xd5: {  	[tilespmem:s21], [sflag:$0x2] =	stream.indirect.gather [hbm4b:s18+s4], $0x40, s2, s4, $0xb8;
	[tilespmem:$0x11900] =	vst v63  }
0xd6: {  	_ =	swait.ge [sflag:s23], $0x2000  }
0xd7: {  	[sflag:s23] =	ssyncset.done $0x0  }
0xd8: {  	[sflag:s23] =	ssyncadd.s32 $0xFFFFE000  }
0xd9: {  	_ =	swait.ge [sflag:s23], $0x2000  }
0xda: {  	[sflag:s23] =	ssyncset.done $0x0  }
0xdb: {  	s1 =	sadd.s32 $0x8, s5;
	[sflag:s23] =	ssyncadd.s32 $0xFFFFE000  }
0xdc: {  	[hbm4b:s5+s11] =	stream.strided.scatter [tilespmem:s17], [sflag:$0x7], $0x2000, s4, s11, $0x38;
	[tilespmem:$0x11900] =	vst v63  }
0xdd: {  	[smem:$0x7C3] =	sst s1  }
0xde: {  	[hbm4b:s1+s11] =	stream.strided.scatter [tilespmem:s16], [sflag:$0x7], $0x2000, s4, s11, $0x38;
	[tilespmem:$0x11900] =	vst v63  }
0xdf: {  	_ =	swait.ge [sflag:s10], $0x2000  }
0xe0: {  	[sflag:s10] =	ssyncset.done $0x0  }
0xe1: {  	[sflag:s10] =	ssyncadd.s32 $0xFFFFE000  }
0xe2: {  	_ =	swait.ge [sflag:s10], $0x2000  }
0xe3: {  	[sflag:s10] =	ssyncset.done $0x0  }
0xe4: {  	s2 =	rddreg [dreg:$0x15];
	[sflag:s10] =	ssyncadd.s32 $0xFFFFE000  }
0xe5: {  	[tilespmem:s17], [sflag:$0x3] =	stream.indirect.gather [hbm4b:s18+s4], $0x40, s2, s4, $0xb8;
	[tilespmem:$0x11900] =	vst v63  }
0xe6: {  	s29 =	smov.u32 s5;
	s5 =	rddreg [dreg:$0x16]  }
0xe7: {  	[tilespmem:s16], [sflag:$0x3] =	stream.indirect.gather [hbm4b:s18+s4], $0x40, s5, s4, $0xb8;
	[tilespmem:$0x11900] =	vst v63  }
0xe8: {  	_ =	swait.ge [sflag:s19], $0x2000  }
0xe9: {  	[sflag:s19] =	ssyncset.done $0x0  }
0xea: {  	[sflag:s19] =	ssyncadd.s32 $0xFFFFE000  }
0xeb: {  	_ =	swait.ge [sflag:s19], $0x2000  }
0xec: {  	s1 =	sld [smem:$0x7EC]  }
0xed: {  	[sflag:s19] =	ssyncset.done $0x0  }
0xee: {  	[sflag:s19] =	ssyncadd.s32 $0xFFFFE000  }
0xef: {  	[hbm4b:s1+s11] =	stream.strided.scatter [tilespmem:s15], [sflag:$0x8], $0x2000, s4, s11, $0x38;
	[tilespmem:$0x11900] =	vst v63  }
0xf0: {  	s0 =	sadd.s32 $0x8, s1  }
0xf1: {  	[smem:$0x7C4] =	sst s0  }
0xf2: {  	[hbm4b:s0+s11] =	stream.strided.scatter [tilespmem:s14], [sflag:$0x8], $0x2000, s4, s11, $0x38;
	[tilespmem:$0x11900] =	vst v63  }
0xf3: {  	_ =	swait.ge [sflag:s8], $0x2000  }
0xf4: {  	[sflag:s8] =	ssyncset.done $0x0  }
0xf5: {  	[sflag:s8] =	ssyncadd.s32 $0xFFFFE000  }
0xf6: {  	_ =	swait.ge [sflag:s8], $0x2000  }
0xf7: {  	[sflag:s8] =	ssyncset.done $0x0  }
0xf8: {  	s2 =	rddreg [dreg:$0x17];
	[sflag:s8] =	ssyncadd.s32 $0xFFFFE000  }
0xf9: {  	[tilespmem:s15], [sflag:$0x4] =	stream.indirect.gather [hbm4b:s18+s4], $0x40, s2, s4, $0xb8;
	[tilespmem:$0x11900] =	vst v63  }
0xfa: {  	s5 =	rddreg [dreg:$0x18]  }
0xfb: {  	[tilespmem:s14], [sflag:$0x4] =	stream.indirect.gather [hbm4b:s18+s4], $0x40, s5, s4, $0xb8;
	[tilespmem:$0x11900] =	vst v63  }
0xfc: {  	_ =	swait.ge [sflag:s12], $0x2000  }
0xfd: {  	[sflag:s12] =	ssyncset.done $0x0  }
0xfe: {  	[sflag:s12] =	ssyncadd.s32 $0xFFFFE000  }
0xff: {  	_ =	swait.ge [sflag:s12], $0x2000  }
0x100: {  	s1 =	sld [smem:$0x7ED]  }
0x101: {  	[sflag:s12] =	ssyncset.done $0x0  }
0x102: {  	[sflag:s12] =	ssyncadd.s32 $0xFFFFE000  }
0x103: {  	[hbm4b:s1+s11] =	stream.strided.scatter [tilespmem:s7], [sflag:$0x5], $0x2000, s4, s11, $0x38;
	[tilespmem:$0x11900] =	vst v63  }
0x104: {  	s0 =	sadd.s32 $0x8, s1  }
0x105: {  	[smem:$0x7C5] =	sst s0  }
0x106: {  	[hbm4b:s0+s11] =	stream.strided.scatter [tilespmem:s6], [sflag:$0x5], $0x2000, s4, s11, $0x38;
	[tilespmem:$0x11900] =	vst v63  }
0x107: {  	_ =	swait.ge [sflag:s3], $0x2000  }
0x108: {  	[sflag:s3] =	ssyncset.done $0x0  }
0x109: {  	[sflag:s3] =	ssyncadd.s32 $0xFFFFE000  }
0x10a: {  	_ =	swait.ge [sflag:s3], $0x2000  }
0x10b: {  	[sflag:s3] =	ssyncset.done $0x0  }
0x10c: {  	s2 =	rddreg [dreg:$0x19];
	[sflag:s3] =	ssyncadd.s32 $0xFFFFE000  }
0x10d: {  	[tilespmem:s7], [sflag:$0x1] =	stream.indirect.gather [hbm4b:s18+s4], $0x40, s2, s4, $0xb8;
	[tilespmem:$0x11900] =	vst v63  }
0x10e: {  	s5 =	rddreg [dreg:$0x1a]  }
0x10f: {  	[tilespmem:s6], [sflag:$0x1] =	stream.indirect.gather [hbm4b:s18+s4], $0x40, s5, s4, $0xb8;
	[tilespmem:$0x11900] =	vst v63  }
0x110: {  	_ =	swait.ge [sflag:s24], $0x2000  }
0x111: {  	[sflag:s24] =	ssyncset.done $0x0  }
0x112: {  	[sflag:s24] =	ssyncadd.s32 $0xFFFFE000  }
0x113: {  	_ =	swait.ge [sflag:s24], $0x2000  }
0x114: {  	s1 =	sld [smem:$0x7EE]  }
0x115: {  	[sflag:s24] =	ssyncset.done $0x0  }
0x116: {  	[sflag:s24] =	ssyncadd.s32 $0xFFFFE000  }
0x117: {  	[hbm4b:s1+s11] =	stream.strided.scatter [tilespmem:s22], [sflag:$0x6], $0x2000, s4, s11, $0x38;
	[tilespmem:$0x11900] =	vst v63  }
0x118: {  	s0 =	sadd.s32 $0x8, s1  }
0x119: {  	[smem:$0x7C6] =	sst s0  }
0x11a: {  	[hbm4b:s0+s11] =	stream.strided.scatter [tilespmem:s21], [sflag:$0x6], $0x2000, s4, s11, $0x38;
	[tilespmem:$0x11900] =	vst v63  }
0x11b: {  	_ =	swait.ge [sflag:s30], $0x2000  }
0x11c: {  	[sflag:s30] =	ssyncset.done $0x0  }
0x11d: {  	[sflag:s30] =	ssyncadd.s32 $0xFFFFE000  }
0x11e: {  	_ =	swait.ge [sflag:s30], $0x2000  }
0x11f: {  	[sflag:s30] =	ssyncset.done $0x0  }
0x120: {  	s2 =	rddreg [dreg:$0x1b];
	[sflag:s30] =	ssyncadd.s32 $0xFFFFE000  }
0x121: {  	[tilespmem:s22], [sflag:$0x2] =	stream.indirect.gather [hbm4b:s18+s4], $0x40, s2, s4, $0xb8;
	[tilespmem:$0x11900] =	vst v63  }
0x122: {  	s5 =	rddreg [dreg:$0x1c]  }
0x123: {  	[tilespmem:s21], [sflag:$0x2] =	stream.indirect.gather [hbm4b:s18+s4], $0x40, s5, s4, $0xb8;
	[tilespmem:$0x11900] =	vst v63  }
0x124: {  	_ =	swait.ge [sflag:s23], $0x2000  }
0x125: {  	[sflag:s23] =	ssyncset.done $0x0  }
0x126: {  	[sflag:s23] =	ssyncadd.s32 $0xFFFFE000  }
0x127: {  	_ =	swait.ge [sflag:s23], $0x2000  }
0x128: {  	s1 =	sld [smem:$0x7EF]  }
0x129: {  	[sflag:s23] =	ssyncset.done $0x0  }
0x12a: {  	[sflag:s23] =	ssyncadd.s32 $0xFFFFE000  }
0x12b: {  	[hbm4b:s1+s11] =	stream.strided.scatter [tilespmem:s17], [sflag:$0x7], $0x2000, s4, s11, $0x38;
	[tilespmem:$0x11900] =	vst v63  }
0x12c: {  	s0 =	sadd.s32 $0x8, s1  }
0x12d: {  	[smem:$0x7C7] =	sst s0  }
0x12e: {  	[hbm4b:s0+s11] =	stream.strided.scatter [tilespmem:s16], [sflag:$0x7], $0x2000, s4, s11, $0x38;
	[tilespmem:$0x11900] =	vst v63  }
0x12f: {  	_ =	swait.ge [sflag:s10], $0x2000  }
0x130: {  	[sflag:s10] =	ssyncset.done $0x0  }
0x131: {  	[sflag:s10] =	ssyncadd.s32 $0xFFFFE000  }
0x132: {  	_ =	swait.ge [sflag:s10], $0x2000  }
0x133: {  	[sflag:s10] =	ssyncset.done $0x0  }
0x134: {  	s2 =	rddreg [dreg:$0x1d];
	[sflag:s10] =	ssyncadd.s32 $0xFFFFE000  }
0x135: {  	[tilespmem:s17], [sflag:$0x3] =	stream.indirect.gather [hbm4b:s18+s4], $0x40, s2, s4, $0xb8;
	[tilespmem:$0x11900] =	vst v63  }
0x136: {  	s5 =	rddreg [dreg:$0x1e]  }
0x137: {  	[tilespmem:s16], [sflag:$0x3] =	stream.indirect.gather [hbm4b:s18+s4], $0x40, s5, s4, $0xb8;
	[tilespmem:$0x11900] =	vst v63  }
0x138: {  	_ =	swait.ge [sflag:s19], $0x2000  }
0x139: {  	[sflag:s19] =	ssyncset.done $0x0  }
0x13a: {  	[sflag:s19] =	ssyncadd.s32 $0xFFFFE000  }
0x13b: {  	_ =	swait.ge [sflag:s19], $0x2000  }
0x13c: {  	[smem:$0x7D4] =	sst s28  }
0x13d: {  	s28 =	sld [smem:$0x7F0]  }
0x13e: {  	[sflag:s19] =	ssyncset.done $0x0  }
0x13f: {  	[sflag:s19] =	ssyncadd.s32 $0xFFFFE000  }
0x140: {  	[hbm4b:s28+s11] =	stream.strided.scatter [tilespmem:s15], [sflag:$0x8], $0x2000, s4, s11, $0x38;
	[tilespmem:$0x11900] =	vst v63  }
0x141: {  	s1 =	sadd.s32 $0x8, s28  }
0x142: {  	[smem:$0x7C8] =	sst s1  }
0x143: {  	[hbm4b:s1+s11] =	stream.strided.scatter [tilespmem:s14], [sflag:$0x8], $0x2000, s4, s11, $0x38;
	[tilespmem:$0x11900] =	vst v63  }
0x144: {  	_ =	swait.ge [sflag:s8], $0x2000  }
0x145: {  	[sflag:s8] =	ssyncset.done $0x0  }
0x146: {  	[sflag:s8] =	ssyncadd.s32 $0xFFFFE000  }
0x147: {  	_ =	swait.ge [sflag:s8], $0x2000  }
0x148: {  	s2 =	rddreg [dreg:$0x1f];
	[sflag:s8] =	ssyncset.done $0x0  }
0x149: {  	s5 =	sld [smem:$0x7D6];
	[sflag:s8] =	ssyncadd.s32 $0xFFFFE000  }
0x14a: {  	[tilespmem:s15], [sflag:$0x4] =	stream.indirect.gather [hbm4b:s18+s4], $0x40, s2, s4, $0xb8;
	[tilespmem:$0x11900] =	vst v63  }
0x14b: {  	_ = 	snop  }
0x14c: {  	[tilespmem:s14], [sflag:$0x4] =	stream.indirect.gather [hbm4b:s18+s4], $0x40, s5, s4, $0xb8;
	[tilespmem:$0x11900] =	vst v63  }
0x14d: {  	_ =	swait.ge [sflag:s12], $0x2000  }
0x14e: {  	[sflag:s12] =	ssyncset.done $0x0  }
0x14f: {  	[sflag:s12] =	ssyncadd.s32 $0xFFFFE000  }
0x150: {  	_ =	swait.ge [sflag:s12], $0x2000  }
0x151: {  	s1 =	sld [smem:$0x7F1]  }
0x152: {  	[sflag:s12] =	ssyncset.done $0x0  }
0x153: {  	[sflag:s12] =	ssyncadd.s32 $0xFFFFE000  }
0x154: {  	[hbm4b:s1+s11] =	stream.strided.scatter [tilespmem:s7], [sflag:$0x5], $0x2000, s4, s11, $0x38;
	[tilespmem:$0x11900] =	vst v63  }
0x155: {  	s2 =	sadd.s32 $0x8, s1  }
0x156: {  	[smem:$0x7C9] =	sst s2  }
0x157: {  	[hbm4b:s2+s11] =	stream.strided.scatter [tilespmem:s6], [sflag:$0x5], $0x2000, s4, s11, $0x38;
	[tilespmem:$0x11900] =	vst v63  }
0x158: {  	_ =	swait.ge [sflag:s3], $0x2000  }
0x159: {  	[sflag:s3] =	ssyncset.done $0x0  }
0x15a: {  	[sflag:s3] =	ssyncadd.s32 $0xFFFFE000  }
0x15b: {  	_ =	swait.ge [sflag:s3], $0x2000  }
0x15c: {  	[sflag:s3] =	ssyncset.done $0x0  }
0x15d: {  	s5 =	sld [smem:$0x7D7];
	[sflag:s3] =	ssyncadd.s32 $0xFFFFE000  }
0x15e: {  	[tilespmem:s7], [sflag:$0x1] =	stream.indirect.gather [hbm4b:s18+s4], $0x40, s26, s4, $0xb8;
	[tilespmem:$0x11900] =	vst v63  }
0x15f: {  	_ = 	snop  }
0x160: {  	[tilespmem:s6], [sflag:$0x1] =	stream.indirect.gather [hbm4b:s18+s4], $0x40, s5, s4, $0xb8;
	[tilespmem:$0x11900] =	vst v63  }
0x161: {  	_ =	swait.ge [sflag:s24], $0x2000  }
0x162: {  	[sflag:s24] =	ssyncset.done $0x0  }
0x163: {  	[sflag:s24] =	ssyncadd.s32 $0xFFFFE000  }
0x164: {  	_ =	swait.ge [sflag:s24], $0x2000  }
0x165: {  	s1 =	sld [smem:$0x7F2]  }
0x166: {  	[sflag:s24] =	ssyncset.done $0x0  }
0x167: {  	[sflag:s24] =	ssyncadd.s32 $0xFFFFE000  }
0x168: {  	[hbm4b:s1+s11] =	stream.strided.scatter [tilespmem:s22], [sflag:$0x6], $0x2000, s4, s11, $0x38;
	[tilespmem:$0x11900] =	vst v63  }
0x169: {  	s2 =	sadd.s32 $0x8, s1  }
0x16a: {  	[smem:$0x7CA] =	sst s2  }
0x16b: {  	[hbm4b:s2+s11] =	stream.strided.scatter [tilespmem:s21], [sflag:$0x6], $0x2000, s4, s11, $0x38;
	[tilespmem:$0x11900] =	vst v63  }
0x16c: {  	_ =	swait.ge [sflag:s30], $0x2000  }
0x16d: {  	[sflag:s30] =	ssyncset.done $0x0  }
0x16e: {  	[sflag:s30] =	ssyncadd.s32 $0xFFFFE000  }
0x16f: {  	_ =	swait.ge [sflag:s30], $0x2000  }
0x170: {  	s5 =	sld [smem:$0x7D8]  }
0x171: {  	[sflag:s30] =	ssyncset.done $0x0  }
0x172: {  	s26 =	sld [smem:$0x7D9];
	[sflag:s30] =	ssyncadd.s32 $0xFFFFE000  }
0x173: {  	[tilespmem:s22], [sflag:$0x2] =	stream.indirect.gather [hbm4b:s18+s4], $0x40, s5, s4, $0xb8;
	[tilespmem:$0x11900] =	vst v63  }
0x174: {  	_ = 	snop  }
0x175: {  	[tilespmem:s21], [sflag:$0x2] =	stream.indirect.gather [hbm4b:s18+s4], $0x40, s26, s4, $0xb8;
	[tilespmem:$0x11900] =	vst v63  }
0x176: {  	_ =	swait.ge [sflag:s23], $0x2000  }
0x177: {  	[sflag:s23] =	ssyncset.done $0x0  }
0x178: {  	[sflag:s23] =	ssyncadd.s32 $0xFFFFE000  }
0x179: {  	_ =	swait.ge [sflag:s23], $0x2000  }
0x17a: {  	s2 =	sld [smem:$0x7F3]  }
0x17b: {  	[sflag:s23] =	ssyncset.done $0x0  }
0x17c: {  	[sflag:s23] =	ssyncadd.s32 $0xFFFFE000  }
0x17d: {  	[hbm4b:s2+s11] =	stream.strided.scatter [tilespmem:s17], [sflag:$0x7], $0x2000, s4, s11, $0x38;
	[tilespmem:$0x11900] =	vst v63  }
0x17e: {  	s0 =	sadd.s32 $0x8, s2  }
0x17f: {  	[smem:$0x7CB] =	sst s0  }
0x180: {  	[hbm4b:s0+s11] =	stream.strided.scatter [tilespmem:s16], [sflag:$0x7], $0x2000, s4, s11, $0x38;
	[tilespmem:$0x11900] =	vst v63  }
0x181: {  	_ =	swait.ge [sflag:s10], $0x2000  }
0x182: {  	[sflag:s10] =	ssyncset.done $0x0  }
0x183: {  	[sflag:s10] =	ssyncadd.s32 $0xFFFFE000  }
0x184: {  	_ =	swait.ge [sflag:s10], $0x2000  }
0x185: {  	s5 =	sld [smem:$0x7DA]  }
0x186: {  	[sflag:s10] =	ssyncset.done $0x0  }
0x187: {  	s26 =	sld [smem:$0x7DB];
	[sflag:s10] =	ssyncadd.s32 $0xFFFFE000  }
0x188: {  	[tilespmem:s17], [sflag:$0x3] =	stream.indirect.gather [hbm4b:s18+s4], $0x40, s5, s4, $0xb8;
	[tilespmem:$0x11900] =	vst v63  }
0x189: {  	_ = 	snop  }
0x18a: {  	[tilespmem:s16], [sflag:$0x3] =	stream.indirect.gather [hbm4b:s18+s4], $0x40, s26, s4, $0xb8;
	[tilespmem:$0x11900] =	vst v63  }
0x18b: {  	_ =	swait.ge [sflag:s19], $0x2000  }
0x18c: {  	[sflag:s19] =	ssyncset.done $0x0  }
0x18d: {  	[sflag:s19] =	ssyncadd.s32 $0xFFFFE000  }
0x18e: {  	_ =	swait.ge [sflag:s19], $0x2000  }
0x18f: {  	s2 =	sld [smem:$0x7F4]  }
0x190: {  	[sflag:s19] =	ssyncset.done $0x0  }
0x191: {  	[sflag:s19] =	ssyncadd.s32 $0xFFFFE000  }
0x192: {  	[hbm4b:s2+s11] =	stream.strided.scatter [tilespmem:s15], [sflag:$0x8], $0x2000, s4, s11, $0x38;
	[tilespmem:$0x11900] =	vst v63  }
0x193: {  	s0 =	sadd.s32 $0x8, s2  }
0x194: {  	[smem:$0x7CC] =	sst s0  }
0x195: {  	[hbm4b:s0+s11] =	stream.strided.scatter [tilespmem:s14], [sflag:$0x8], $0x2000, s4, s11, $0x38;
	[tilespmem:$0x11900] =	vst v63  }
0x196: {  	_ =	swait.ge [sflag:s8], $0x2000  }
0x197: {  	[sflag:s8] =	ssyncset.done $0x0  }
0x198: {  	[sflag:s8] =	ssyncadd.s32 $0xFFFFE000  }
0x199: {  	_ =	swait.ge [sflag:s8], $0x2000  }
0x19a: {  	s5 =	sld [smem:$0x7DC]  }
0x19b: {  	[sflag:s8] =	ssyncset.done $0x0  }
0x19c: {  	s26 =	sld [smem:$0x7DD];
	[sflag:s8] =	ssyncadd.s32 $0xFFFFE000  }
0x19d: {  	[tilespmem:s15], [sflag:$0x4] =	stream.indirect.gather [hbm4b:s18+s4], $0x40, s5, s4, $0xb8;
	[tilespmem:$0x11900] =	vst v63  }
0x19e: {  	_ = 	snop  }
0x19f: {  	[tilespmem:s14], [sflag:$0x4] =	stream.indirect.gather [hbm4b:s18+s4], $0x40, s26, s4, $0xb8;
	[tilespmem:$0x11900] =	vst v63  }
0x1a0: {  	_ =	swait.ge [sflag:s12], $0x2000  }
0x1a1: {  	[sflag:s12] =	ssyncset.done $0x0  }
0x1a2: {  	[sflag:s12] =	ssyncadd.s32 $0xFFFFE000  }
0x1a3: {  	_ =	swait.ge [sflag:s12], $0x2000  }
0x1a4: {  	s1 =	sld [smem:$0x7F5]  }
0x1a5: {  	[sflag:s12] =	ssyncset.done $0x0  }
0x1a6: {  	[sflag:s12] =	ssyncadd.s32 $0xFFFFE000  }
0x1a7: {  	[hbm4b:s1+s11] =	stream.strided.scatter [tilespmem:s7], [sflag:$0x5], $0x2000, s4, s11, $0x38;
	[tilespmem:$0x11900] =	vst v63  }
0x1a8: {  	s0 =	sadd.s32 $0x8, s1  }
0x1a9: {  	[smem:$0x7CD] =	sst s0  }
0x1aa: {  	[hbm4b:s0+s11] =	stream.strided.scatter [tilespmem:s6], [sflag:$0x5], $0x2000, s4, s11, $0x38;
	[tilespmem:$0x11900] =	vst v63  }
0x1ab: {  	_ =	swait.ge [sflag:s3], $0x2000  }
0x1ac: {  	[sflag:s3] =	ssyncset.done $0x0  }
0x1ad: {  	[sflag:s3] =	ssyncadd.s32 $0xFFFFE000  }
0x1ae: {  	_ =	swait.ge [sflag:s3], $0x2000  }
0x1af: {  	s2 =	sld [smem:$0x7DE]  }
0x1b0: {  	[sflag:s3] =	ssyncset.done $0x0  }
0x1b1: {  	s5 =	sld [smem:$0x7DF];
	[sflag:s3] =	ssyncadd.s32 $0xFFFFE000  }
0x1b2: {  	[tilespmem:s7], [sflag:$0x1] =	stream.indirect.gather [hbm4b:s18+s4], $0x40, s2, s4, $0xb8;
	[tilespmem:$0x11900] =	vst v63  }
0x1b3: {  	_ = 	snop  }
0x1b4: {  	[tilespmem:s6], [sflag:$0x1] =	stream.indirect.gather [hbm4b:s18+s4], $0x40, s5, s4, $0xb8;
	[tilespmem:$0x11900] =	vst v63  }
0x1b5: {  	_ =	swait.ge [sflag:s24], $0x2000  }
0x1b6: {  	[sflag:s24] =	ssyncset.done $0x0  }
0x1b7: {  	[sflag:s24] =	ssyncadd.s32 $0xFFFFE000  }
0x1b8: {  	_ =	swait.ge [sflag:s24], $0x2000  }
0x1b9: {  	s26 =	sld [smem:$0x7F6]  }
0x1ba: {  	[sflag:s24] =	ssyncset.done $0x0  }
0x1bb: {  	[sflag:s24] =	ssyncadd.s32 $0xFFFFE000  }
0x1bc: {  	[hbm4b:s26+s11] =	stream.strided.scatter [tilespmem:s22], [sflag:$0x6], $0x2000, s4, s11, $0x38;
	[tilespmem:$0x11900] =	vst v63  }
0x1bd: {  	s0 =	sadd.s32 $0x8, s26  }
0x1be: {  	[smem:$0x7CE] =	sst s0  }
0x1bf: {  	[hbm4b:s0+s11] =	stream.strided.scatter [tilespmem:s21], [sflag:$0x6], $0x2000, s4, s11, $0x38;
	[tilespmem:$0x11900] =	vst v63  }
0x1c0: {  	_ =	swait.ge [sflag:s30], $0x2000  }
0x1c1: {  	[sflag:s30] =	ssyncset.done $0x0  }
0x1c2: {  	[sflag:s30] =	ssyncadd.s32 $0xFFFFE000  }
0x1c3: {  	_ =	swait.ge [sflag:s30], $0x2000  }
0x1c4: {  	s1 =	sld [smem:$0x7E0]  }
0x1c5: {  	[sflag:s30] =	ssyncset.done $0x0  }
0x1c6: {  	s2 =	sld [smem:$0x7E1];
	[sflag:s30] =	ssyncadd.s32 $0xFFFFE000  }
0x1c7: {  	[tilespmem:s22], [sflag:$0x2] =	stream.indirect.gather [hbm4b:s18+s4], $0x40, s1, s4, $0xb8;
	[tilespmem:$0x11900] =	vst v63  }
0x1c8: {  	_ = 	snop  }
0x1c9: {  	[tilespmem:s21], [sflag:$0x2] =	stream.indirect.gather [hbm4b:s18+s4], $0x40, s2, s4, $0xb8;
	[tilespmem:$0x11900] =	vst v63  }
0x1ca: {  	_ =	swait.ge [sflag:s23], $0x2000  }
0x1cb: {  	[sflag:s23] =	ssyncset.done $0x0  }
0x1cc: {  	[sflag:s23] =	ssyncadd.s32 $0xFFFFE000  }
0x1cd: {  	_ =	swait.ge [sflag:s23], $0x2000  }
0x1ce: {  	s5 =	sld [smem:$0x7F7]  }
0x1cf: {  	[sflag:s23] =	ssyncset.done $0x0  }
0x1d0: {  	[sflag:s23] =	ssyncadd.s32 $0xFFFFE000  }
0x1d1: {  	[hbm4b:s5+s11] =	stream.strided.scatter [tilespmem:s17], [sflag:$0x7], $0x2000, s4, s11, $0x38;
	[tilespmem:$0x11900] =	vst v63  }
0x1d2: {  	s0 =	sadd.s32 $0x8, s5  }
0x1d3: {  	[smem:$0x7CF] =	sst s0  }
0x1d4: {  	[hbm4b:s0+s11] =	stream.strided.scatter [tilespmem:s16], [sflag:$0x7], $0x2000, s4, s11, $0x38;
	[tilespmem:$0x11900] =	vst v63  }
0x1d5: {  	_ =	swait.ge [sflag:s10], $0x2000  }
0x1d6: {  	[sflag:s10] =	ssyncset.done $0x0  }
0x1d7: {  	[sflag:s10] =	ssyncadd.s32 $0xFFFFE000  }
0x1d8: {  	_ =	swait.ge [sflag:s10], $0x2000  }
0x1d9: {  	s26 =	sld [smem:$0x7E2]  }
0x1da: {  	[sflag:s10] =	ssyncset.done $0x0  }
0x1db: {  	s0 =	sld [smem:$0x7E3];
	[sflag:s10] =	ssyncadd.s32 $0xFFFFE000  }
0x1dc: {  	[tilespmem:s17], [sflag:$0x3] =	stream.indirect.gather [hbm4b:s18+s4], $0x40, s26, s4, $0xb8;
	[tilespmem:$0x11900] =	vst v63  }
0x1dd: {  	_ = 	snop  }
0x1de: {  	[tilespmem:s16], [sflag:$0x3] =	stream.indirect.gather [hbm4b:s18+s4], $0x40, s0, s4, $0xb8;
	[tilespmem:$0x11900] =	vst v63  }
0x1df: {  	s1 =	sld [smem:$0x7FA];
	_ =	swait.ge [sflag:s19], $0x2000  }
0x1e0: {  	[sflag:s19] =	ssyncset.done $0x0  }
0x1e1: {  	[sflag:s19] =	ssyncadd.s32 $0xFFFFE000  }
0x1e2: {  	_ =	swait.ge [sflag:s19], $0x2000  }
0x1e3: {  	s5 =	sld [smem:$0x7F8]  }
0x1e4: {  	[sflag:s19] =	ssyncset.done $0x0  }
0x1e5: {  	[sflag:s19] =	ssyncadd.s32 $0xFFFFE000  }
0x1e6: {  	[hbm4b:s5+s11] =	stream.strided.scatter [tilespmem:s15], [sflag:$0x8], $0x2000, s4, s11, $0x38;
	[tilespmem:$0x11900] =	vst v63  }
0x1e7: {  	s0 =	sadd.s32 $0x8, s5  }
0x1e8: {  	[smem:$0x7D0] =	sst s0  }
0x1e9: {  	[hbm4b:s0+s11] =	stream.strided.scatter [tilespmem:s14], [sflag:$0x8], $0x2000, s4, s11, $0x38;
	[tilespmem:$0x11900] =	vst v63  }
0x1ea: {  	_ =	swait.ge [sflag:s8], $0x2000  }
0x1eb: {  	[sflag:s8] =	ssyncset.done $0x0  }
0x1ec: {  	[sflag:s8] =	ssyncadd.s32 $0xFFFFE000  }
0x1ed: {  	_ =	swait.ge [sflag:s8], $0x2000  }
0x1ee: {  	s26 =	sld [smem:$0x7E4]  }
0x1ef: {  	[sflag:s8] =	ssyncset.done $0x0  }
0x1f0: {  	s0 =	sld [smem:$0x7E5];
	[sflag:s8] =	ssyncadd.s32 $0xFFFFE000  }
0x1f1: {  	[tilespmem:s15], [sflag:$0x4] =	stream.indirect.gather [hbm4b:s18+s4], $0x40, s26, s4, $0xb8;
	[tilespmem:$0x11900] =	vst v63  }
0x1f2: {  	[smem:$0x7D1] =	sst s9  }
0x1f3: {  	[tilespmem:s14], [sflag:$0x4] =	stream.indirect.gather [hbm4b:s18+s4], $0x40, s0, s4, $0xb8;
	[tilespmem:$0x11900] =	vst v63  }
0x1f4: {  	_ =	swait.ge [sflag:s12], $0x2000  }
0x1f5: {  	[sflag:s12] =	ssyncset.done $0x0  }
0x1f6: {  	[sflag:s12] =	ssyncadd.s32 $0xFFFFE000  }
0x1f7: {  	_ =	swait.ge [sflag:s12], $0x2000  }
0x1f8: {  	s2 =	sld [smem:$0x7F9]  }
0x1f9: {  	[sflag:s12] =	ssyncset.done $0x0  }
0x1fa: {  	[sflag:s12] =	ssyncadd.s32 $0xFFFFE000  }
0x1fb: {  	[hbm4b:s2+s11] =	stream.strided.scatter [tilespmem:s7], [sflag:$0x5], $0x2000, s4, s11, $0x38;
	[tilespmem:$0x11900] =	vst v63  }
0x1fc: {  	s0 =	sadd.s32 $0x8, s2  }
0x1fd: {  	[smem:$0x7D2] =	sst s0  }
0x1fe: {  	[hbm4b:s0+s11] =	stream.strided.scatter [tilespmem:s6], [sflag:$0x5], $0x2000, s4, s11, $0x38;
	[tilespmem:$0x11900] =	vst v63  }
0x1ff: {  	_ =	swait.ge [sflag:s3], $0x2000  }
0x200: {  	[sflag:s3] =	ssyncset.done $0x0  }
0x201: {  	[sflag:s3] =	ssyncadd.s32 $0xFFFFE000  }
0x202: {  	_ =	swait.ge [sflag:s3], $0x2000  }
0x203: {  	s5 =	sld [smem:$0x7E6]  }
0x204: {  	[sflag:s3] =	ssyncset.done $0x0  }
0x205: {  	s2 =	sld [smem:$0x7E7];
	[sflag:s3] =	ssyncadd.s32 $0xFFFFE000  }
0x206: {  	[tilespmem:s7], [sflag:$0x1] =	stream.indirect.gather [hbm4b:s18+s4], $0x40, s5, s4, $0xb8;
	[tilespmem:$0x11900] =	vst v63  }
0x207: {  	_ = 	snop  }
0x208: {  	[tilespmem:s6], [sflag:$0x1] =	stream.indirect.gather [hbm4b:s18+s4], $0x40, s2, s4, $0xb8;
	[tilespmem:$0x11900] =	vst v63  }
0x209: {  	_ =	swait.ge [sflag:s24], $0x2000  }
0x20a: {  	[sflag:s24] =	ssyncset.done $0x0  }
0x20b: {  	[sflag:s24] =	ssyncadd.s32 $0xFFFFE000  }
0x20c: {  	_ =	swait.ge [sflag:s24], $0x2000  }
0x20d: {  	s26 =	smov.u32 s20;
	[sflag:s24] =	ssyncset.done $0x0  }
0x20e: {  	s0 =	sadd.s32 $0x8, s26;
	[sflag:s24] =	ssyncadd.s32 $0xFFFFE000  }
0x20f: {  	[hbm4b:s26+s11] =	stream.strided.scatter [tilespmem:s22], [sflag:$0x6], $0x2000, s4, s11, $0x38;
	[tilespmem:$0x11900] =	vst v63  }
0x210: {  	[smem:$0x7D3] =	sst s0  }
0x211: {  	[hbm4b:s0+s11] =	stream.strided.scatter [tilespmem:s21], [sflag:$0x6], $0x2000, s4, s11, $0x38;
	[tilespmem:$0x11900] =	vst v63  }
0x212: {  	_ =	swait.ge [sflag:s23], $0x2000  }
0x213: {  	[sflag:s23] =	ssyncset.done $0x0  }
0x214: {  	[sflag:s23] =	ssyncadd.s32 $0xFFFFE000  }
0x215: {  	_ =	swait.ge [sflag:s23], $0x2000  }
0x216: {  	[sflag:s23] =	ssyncset.done $0x0  }
0x217: {  	[sflag:s23] =	ssyncadd.s32 $0xFFFFE000  }
0x218: {  	[hbm4b:s25+s11] =	stream.strided.scatter [tilespmem:s17], [sflag:$0x7], $0x2000, s4, s11, $0x38;
	[tilespmem:$0x11900] =	vst v63  }
0x219: {  	s5 =	sadd.s32 $0x8, s25  }
0x21a: {  	[hbm4b:s5+s11] =	stream.strided.scatter [tilespmem:s16], [sflag:$0x7], $0x2000, s4, s11, $0x38;
	[tilespmem:$0x11900] =	vst v63  }
0x21b: {  	_ =	swait.ge [sflag:s19], $0x2000  }
0x21c: {  	[sflag:s19] =	ssyncset.done $0x0  }
0x21d: {  	[sflag:s19] =	ssyncadd.s32 $0xFFFFE000  }
0x21e: {  	_ =	swait.ge [sflag:s19], $0x2000  }
0x21f: {  	[sflag:s19] =	ssyncset.done $0x0  }
0x220: {  	[sflag:s19] =	ssyncadd.s32 $0xFFFFE000  }
0x221: {  	[hbm4b:s1+s11] =	stream.strided.scatter [tilespmem:s15], [sflag:$0x8], $0x2000, s4, s11, $0x38;
	[tilespmem:$0x11900] =	vst v63  }
0x222: {  	s1 =	sadd.s32 $0x8, s1  }
0x223: {  	[hbm4b:s1+s11] =	stream.strided.scatter [tilespmem:s14], [sflag:$0x8], $0x2000, s4, s11, $0x38;
	[tilespmem:$0x11900] =	vst v63  }
0x224: {  	s2 =	sld [smem:$0x7D4];
	_ =	swait.ge [sflag:s12], $0x2000  }
0x225: {  	[sflag:s12] =	ssyncset.done $0x0  }
0x226: {  	[sflag:s12] =	ssyncadd.s32 $0xFFFFE000  }
0x227: {  	_ =	swait.ge [sflag:s12], $0x2000  }
0x228: {  	[sflag:s12] =	ssyncset.done $0x0  }
0x229: {  	[sflag:s12] =	ssyncadd.s32 $0xFFFFE000  }
0x22a: {  	[hbm4b:s31+s11] =	stream.strided.scatter [tilespmem:s7], [sflag:$0x5], $0x2000, s4, s11, $0x38;
	[tilespmem:$0x11900] =	vst v63  }
0x22b: {  	s9 =	sadd.s32 $0x8, s31  }
0x22c: {  	[hbm4b:s9+s11] =	stream.strided.scatter [tilespmem:s6], [sflag:$0x5], $0x2000, s4, s11, $0x38;
	[tilespmem:$0x11900] =	vst v63  }
0x22d: {  	_ =	swait.ge [sflag:s10], $0x2000  }
0x22e: {  	[sflag:s10] =	ssyncset.done $0x0  }
0x22f: {  	[sflag:s10] =	ssyncadd.s32 $0xFFFFE000  }
0x230: {  	_ =	swait.ge [sflag:s10], $0x2000  }
0x231: {  	[sflag:s10] =	ssyncset.done $0x0  }
0x232: {  	[sflag:s10] =	ssyncadd.s32 $0xFFFFE000  }
0x233: {  	_ =	swait.ge [sflag:s8], $0x2000  }
0x234: {  	[sflag:s8] =	ssyncset.done $0x0  }
0x235: {  	[sflag:s8] =	ssyncadd.s32 $0xFFFFE000  }
0x236: {  	_ =	swait.ge [sflag:s8], $0x2000  }
0x237: {  	[sflag:s8] =	ssyncset.done $0x0  }
0x238: {  	[sflag:s8] =	ssyncadd.s32 $0xFFFFE000  }
0x239: {  	_ =	swait.ge [sflag:s3], $0x2000  }
0x23a: {  	s20 =	smov.u32 s9;
	s9 =	sld [smem:$0x7D5];
	_ =	sdelay $0x2  }
0x23b: {  	p1 =	sne.s32 s9, $0x1  }
.Ltmp1:
0x23c: {  	_ = 	snop;
	(pc) =	sbr.rel @!p1 .LBB2_3-.Ltmp1, $4  }
0x23d: {  	p0 =	por $0x1, $0x1;
	[sflag:s3] =	ssyncset.done $0x0  }
0x23e: {  	s0 =	smov.u32 s29;
	s25 =	smov.u32 s5;
	[sflag:s3] =	ssyncadd.s32 $0xFFFFE000  }
0x23f: {  	s5 =	smov.u32 s28;
	s26 =	smov.u32 s1;
	_ =	swait.ge [sflag:s3], $0x2000  }
0x240: {  	s28 =	sadd.s32 $0xFFFFFFFF, s9;
	[sflag:s3] =	ssyncset.done $0x0;
	s29 =	rddreg [dreg:$0x2]  }
.LBB2_4:
0x241: {  	[sflag:s3] =	ssyncadd.s32 $0xFFFFE000;
	s1 =	simm.s32 $0x0;
	s9 =	simm.s32 $0x1000  }
0x242: {  	[tilespmem:s1], [sflag:$0x9] =	stream.strided.gather [hbm4b:s29+s4], $0x1900, s9, s4, $0x38;
	[tilespmem:$0x11900] =	vst v63  }
0x243: {  	_ =	swait.ge [sflag:s13], $0x1900  }
0x244: {  	[sflag:s13] =	ssyncset.done $0x0  }
0x245: {  	[sflag:s13] =	ssyncadd.s32 $0xFFFFE700  }
0x246: {  	[tilespmem:s7], [sflag:$0x1] =	stream.indirect.gather [hbm4b:s18+s4], $0x40, s1, s4, $0xb8;
	[tilespmem:$0x11900] =	vst v63  }
0x247: {  	_ = 	snop  }
0x248: {  	[tilespmem:s6], [sflag:$0x1] =	stream.indirect.gather [hbm4b:s18+s4], $0x40, s4, s4, $0xb8;
	[tilespmem:$0x11900] =	vst v63  }
0x249: {  	s29 =	rddreg [dreg:$0x3]  }
0x24a: {  	[tilespmem:s22], [sflag:$0x2] =	stream.indirect.gather [hbm4b:s18+s4], $0x40, s29, s4, $0xb8;
	[tilespmem:$0x11900] =	vst v63  }
0x24b: {  	s1 =	smov.u32 s31;
	s31 =	rddreg [dreg:$0x4]  }
0x24c: {  	[tilespmem:s21], [sflag:$0x2] =	stream.indirect.gather [hbm4b:s18+s4], $0x40, s31, s4, $0xb8;
	[tilespmem:$0x11900] =	vst v63  }
0x24d: {  	s29 =	rddreg [dreg:$0x5]  }
0x24e: {  	[tilespmem:s17], [sflag:$0x3] =	stream.indirect.gather [hbm4b:s18+s4], $0x40, s29, s4, $0xb8;
	[tilespmem:$0x11900] =	vst v63  }
0x24f: {  	s31 =	rddreg [dreg:$0x6]  }
0x250: {  	[tilespmem:s16], [sflag:$0x3] =	stream.indirect.gather [hbm4b:s18+s4], $0x40, s31, s4, $0xb8;
	[tilespmem:$0x11900] =	vst v63  }
0x251: {  	s29 =	rddreg [dreg:$0x7]  }
0x252: {  	[tilespmem:s15], [sflag:$0x4] =	stream.indirect.gather [hbm4b:s18+s4], $0x40, s29, s4, $0xb8;
	[tilespmem:$0x11900] =	vst v63  }
0x253: {  	s31 =	rddreg [dreg:$0x8]  }
0x254: {  	[tilespmem:s14], [sflag:$0x4] =	stream.indirect.gather [hbm4b:s18+s4], $0x40, s31, s4, $0xb8;
	[tilespmem:$0x11900] =	vst v63  }
0x255: {  	_ =	swait.ge [sflag:s12], $0x2000  }
0x256: {  	[sflag:s12] =	ssyncset.done $0x0  }
0x257: {  	[sflag:s12] =	ssyncadd.s32 $0xFFFFE000  }
0x258: {  	_ =	swait.ge [sflag:s12], $0x2000  }
0x259: {  	s29 =	sld [smem:$0x7D1]  }
0x25a: {  	[sflag:s12] =	ssyncset.done $0x0  }
0x25b: {  	[sflag:s12] =	ssyncadd.s32 $0xFFFFE000  }
0x25c: {  	[hbm4b:s29+s11] =	stream.strided.scatter [tilespmem:s7], [sflag:$0x5], $0x2000, s4, s11, $0x38;
	[tilespmem:$0x11900] =	vst v63  }
0x25d: {  	s29 =	sld [smem:$0x7BD];
	_ =	sdelay $0x2  }
0x25e: {  	[hbm4b:s29+s11] =	stream.strided.scatter [tilespmem:s6], [sflag:$0x5], $0x2000, s4, s11, $0x38;
	[tilespmem:$0x11900] =	vst v63  }
0x25f: {  	_ =	swait.ge [sflag:s3], $0x2000  }
0x260: {  	[sflag:s3] =	ssyncset.done $0x0  }
0x261: {  	[sflag:s3] =	ssyncadd.s32 $0xFFFFE000  }
0x262: {  	_ =	swait.ge [sflag:s3], $0x2000  }
0x263: {  	[sflag:s3] =	ssyncset.done $0x0  }
0x264: {  	s29 =	rddreg [dreg:$0x9];
	[sflag:s3] =	ssyncadd.s32 $0xFFFFE000  }
0x265: {  	[tilespmem:s7], [sflag:$0x1] =	stream.indirect.gather [hbm4b:s18+s4], $0x40, s29, s4, $0xb8;
	[tilespmem:$0x11900] =	vst v63  }
0x266: {  	s31 =	rddreg [dreg:$0xa]  }
0x267: {  	[tilespmem:s6], [sflag:$0x1] =	stream.indirect.gather [hbm4b:s18+s4], $0x40, s31, s4, $0xb8;
	[tilespmem:$0x11900] =	vst v63  }
0x268: {  	_ =	swait.ge [sflag:s24], $0x2000  }
0x269: {  	[sflag:s24] =	ssyncset.done $0x0  }
0x26a: {  	[sflag:s24] =	ssyncadd.s32 $0xFFFFE000  }
0x26b: {  	_ =	swait.ge [sflag:s24], $0x2000  }
0x26c: {  	[sflag:s24] =	ssyncset.done $0x0  }
0x26d: {  	s29 =	sld [smem:$0x7BE];
	[sflag:s24] =	ssyncadd.s32 $0xFFFFE000  }
0x26e: {  	[hbm4b:s2+s11] =	stream.strided.scatter [tilespmem:s22], [sflag:$0x6], $0x2000, s4, s11, $0x38;
	[tilespmem:$0x11900] =	vst v63  }
0x26f: {  	_ = 	snop  }
0x270: {  	[hbm4b:s29+s11] =	stream.strided.scatter [tilespmem:s21], [sflag:$0x6], $0x2000, s4, s11, $0x38;
	[tilespmem:$0x11900] =	vst v63  }
0x271: {  	_ =	swait.ge [sflag:s30], $0x2000  }
0x272: {  	[sflag:s30] =	ssyncset.done $0x0  }
0x273: {  	[sflag:s30] =	ssyncadd.s32 $0xFFFFE000  }
0x274: {  	_ =	swait.ge [sflag:s30], $0x2000  }
0x275: {  	[sflag:s30] =	ssyncset.done $0x0  }
0x276: {  	s29 =	rddreg [dreg:$0xb];
	[sflag:s30] =	ssyncadd.s32 $0xFFFFE000  }
0x277: {  	[tilespmem:s22], [sflag:$0x2] =	stream.indirect.gather [hbm4b:s18+s4], $0x40, s29, s4, $0xb8;
	[tilespmem:$0x11900] =	vst v63  }
0x278: {  	s31 =	rddreg [dreg:$0xc]  }
0x279: {  	[tilespmem:s21], [sflag:$0x2] =	stream.indirect.gather [hbm4b:s18+s4], $0x40, s31, s4, $0xb8;
	[tilespmem:$0x11900] =	vst v63  }
0x27a: {  	_ =	swait.ge [sflag:s23], $0x2000  }
0x27b: {  	[sflag:s23] =	ssyncset.done $0x0  }
0x27c: {  	[sflag:s23] =	ssyncadd.s32 $0xFFFFE000  }
0x27d: {  	_ =	swait.ge [sflag:s23], $0x2000  }
0x27e: {  	s29 =	sld [smem:$0x7E8]  }
0x27f: {  	[sflag:s23] =	ssyncset.done $0x0  }
0x280: {  	[sflag:s23] =	ssyncadd.s32 $0xFFFFE000  }
0x281: {  	[hbm4b:s29+s11] =	stream.strided.scatter [tilespmem:s17], [sflag:$0x7], $0x2000, s4, s11, $0x38;
	[tilespmem:$0x11900] =	vst v63  }
0x282: {  	s29 =	sld [smem:$0x7BF];
	_ =	sdelay $0x2  }
0x283: {  	[hbm4b:s29+s11] =	stream.strided.scatter [tilespmem:s16], [sflag:$0x7], $0x2000, s4, s11, $0x38;
	[tilespmem:$0x11900] =	vst v63  }
0x284: {  	_ =	swait.ge [sflag:s10], $0x2000  }
0x285: {  	[sflag:s10] =	ssyncset.done $0x0  }
0x286: {  	[sflag:s10] =	ssyncadd.s32 $0xFFFFE000  }
0x287: {  	_ =	swait.ge [sflag:s10], $0x2000  }
0x288: {  	[sflag:s10] =	ssyncset.done $0x0  }
0x289: {  	s29 =	rddreg [dreg:$0xd];
	[sflag:s10] =	ssyncadd.s32 $0xFFFFE000  }
0x28a: {  	[tilespmem:s17], [sflag:$0x3] =	stream.indirect.gather [hbm4b:s18+s4], $0x40, s29, s4, $0xb8;
	[tilespmem:$0x11900] =	vst v63  }
0x28b: {  	s31 =	rddreg [dreg:$0xe]  }
0x28c: {  	[tilespmem:s16], [sflag:$0x3] =	stream.indirect.gather [hbm4b:s18+s4], $0x40, s31, s4, $0xb8;
	[tilespmem:$0x11900] =	vst v63  }
0x28d: {  	_ =	swait.ge [sflag:s19], $0x2000  }
0x28e: {  	[sflag:s19] =	ssyncset.done $0x0  }
0x28f: {  	[sflag:s19] =	ssyncadd.s32 $0xFFFFE000  }
0x290: {  	_ =	swait.ge [sflag:s19], $0x2000  }
0x291: {  	s29 =	sld [smem:$0x7E9]  }
0x292: {  	[sflag:s19] =	ssyncset.done $0x0  }
0x293: {  	[sflag:s19] =	ssyncadd.s32 $0xFFFFE000  }
0x294: {  	[hbm4b:s29+s11] =	stream.strided.scatter [tilespmem:s15], [sflag:$0x8], $0x2000, s4, s11, $0x38;
	[tilespmem:$0x11900] =	vst v63  }
0x295: {  	s29 =	sld [smem:$0x7C0];
	_ =	sdelay $0x2  }
0x296: {  	[hbm4b:s29+s11] =	stream.strided.scatter [tilespmem:s14], [sflag:$0x8], $0x2000, s4, s11, $0x38;
	[tilespmem:$0x11900] =	vst v63  }
0x297: {  	_ =	swait.ge [sflag:s8], $0x2000  }
0x298: {  	[sflag:s8] =	ssyncset.done $0x0  }
0x299: {  	[sflag:s8] =	ssyncadd.s32 $0xFFFFE000  }
0x29a: {  	_ =	swait.ge [sflag:s8], $0x2000  }
0x29b: {  	[sflag:s8] =	ssyncset.done $0x0  }
0x29c: {  	s29 =	rddreg [dreg:$0xf];
	[sflag:s8] =	ssyncadd.s32 $0xFFFFE000  }
0x29d: {  	[tilespmem:s15], [sflag:$0x4] =	stream.indirect.gather [hbm4b:s18+s4], $0x40, s29, s4, $0xb8;
	[tilespmem:$0x11900] =	vst v63  }
0x29e: {  	s31 =	rddreg [dreg:$0x10]  }
0x29f: {  	[tilespmem:s14], [sflag:$0x4] =	stream.indirect.gather [hbm4b:s18+s4], $0x40, s31, s4, $0xb8;
	[tilespmem:$0x11900] =	vst v63  }
0x2a0: {  	_ =	swait.ge [sflag:s12], $0x2000  }
0x2a1: {  	[sflag:s12] =	ssyncset.done $0x0  }
0x2a2: {  	[sflag:s12] =	ssyncadd.s32 $0xFFFFE000  }
0x2a3: {  	_ =	swait.ge [sflag:s12], $0x2000  }
0x2a4: {  	s29 =	sld [smem:$0x7EA]  }
0x2a5: {  	[sflag:s12] =	ssyncset.done $0x0  }
0x2a6: {  	[sflag:s12] =	ssyncadd.s32 $0xFFFFE000  }
0x2a7: {  	[hbm4b:s29+s11] =	stream.strided.scatter [tilespmem:s7], [sflag:$0x5], $0x2000, s4, s11, $0x38;
	[tilespmem:$0x11900] =	vst v63  }
0x2a8: {  	s29 =	sld [smem:$0x7C1];
	_ =	sdelay $0x2  }
0x2a9: {  	[hbm4b:s29+s11] =	stream.strided.scatter [tilespmem:s6], [sflag:$0x5], $0x2000, s4, s11, $0x38;
	[tilespmem:$0x11900] =	vst v63  }
0x2aa: {  	_ =	swait.ge [sflag:s3], $0x2000  }
0x2ab: {  	[sflag:s3] =	ssyncset.done $0x0  }
0x2ac: {  	[sflag:s3] =	ssyncadd.s32 $0xFFFFE000  }
0x2ad: {  	_ =	swait.ge [sflag:s3], $0x2000  }
0x2ae: {  	[sflag:s3] =	ssyncset.done $0x0  }
0x2af: {  	s29 =	rddreg [dreg:$0x11];
	[sflag:s3] =	ssyncadd.s32 $0xFFFFE000  }
0x2b0: {  	[tilespmem:s7], [sflag:$0x1] =	stream.indirect.gather [hbm4b:s18+s4], $0x40, s29, s4, $0xb8;
	[tilespmem:$0x11900] =	vst v63  }
0x2b1: {  	s31 =	rddreg [dreg:$0x12]  }
0x2b2: {  	[tilespmem:s6], [sflag:$0x1] =	stream.indirect.gather [hbm4b:s18+s4], $0x40, s31, s4, $0xb8;
	[tilespmem:$0x11900] =	vst v63  }
0x2b3: {  	_ =	swait.ge [sflag:s24], $0x2000  }
0x2b4: {  	[sflag:s24] =	ssyncset.done $0x0  }
0x2b5: {  	[sflag:s24] =	ssyncadd.s32 $0xFFFFE000  }
0x2b6: {  	_ =	swait.ge [sflag:s24], $0x2000  }
0x2b7: {  	s29 =	sld [smem:$0x7EB]  }
0x2b8: {  	[sflag:s24] =	ssyncset.done $0x0  }
0x2b9: {  	[sflag:s24] =	ssyncadd.s32 $0xFFFFE000  }
0x2ba: {  	[hbm4b:s29+s11] =	stream.strided.scatter [tilespmem:s22], [sflag:$0x6], $0x2000, s4, s11, $0x38;
	[tilespmem:$0x11900] =	vst v63  }
0x2bb: {  	s29 =	sld [smem:$0x7C2];
	_ =	sdelay $0x2  }
0x2bc: {  	[hbm4b:s29+s11] =	stream.strided.scatter [tilespmem:s21], [sflag:$0x6], $0x2000, s4, s11, $0x38;
	[tilespmem:$0x11900] =	vst v63  }
0x2bd: {  	_ =	swait.ge [sflag:s30], $0x2000  }
0x2be: {  	[sflag:s30] =	ssyncset.done $0x0  }
0x2bf: {  	[sflag:s30] =	ssyncadd.s32 $0xFFFFE000  }
0x2c0: {  	_ =	swait.ge [sflag:s30], $0x2000  }
0x2c1: {  	[sflag:s30] =	ssyncset.done $0x0  }
0x2c2: {  	s29 =	rddreg [dreg:$0x13];
	[sflag:s30] =	ssyncadd.s32 $0xFFFFE000  }
0x2c3: {  	[tilespmem:s22], [sflag:$0x2] =	stream.indirect.gather [hbm4b:s18+s4], $0x40, s29, s4, $0xb8;
	[tilespmem:$0x11900] =	vst v63  }
0x2c4: {  	s31 =	rddreg [dreg:$0x14]  }
0x2c5: {  	[tilespmem:s21], [sflag:$0x2] =	stream.indirect.gather [hbm4b:s18+s4], $0x40, s31, s4, $0xb8;
	[tilespmem:$0x11900] =	vst v63  }
0x2c6: {  	_ =	swait.ge [sflag:s23], $0x2000  }
0x2c7: {  	[sflag:s23] =	ssyncset.done $0x0  }
0x2c8: {  	[sflag:s23] =	ssyncadd.s32 $0xFFFFE000  }
0x2c9: {  	_ =	swait.ge [sflag:s23], $0x2000  }
0x2ca: {  	[sflag:s23] =	ssyncset.done $0x0  }
0x2cb: {  	s29 =	sld [smem:$0x7C3];
	[sflag:s23] =	ssyncadd.s32 $0xFFFFE000  }
0x2cc: {  	[hbm4b:s0+s11] =	stream.strided.scatter [tilespmem:s17], [sflag:$0x7], $0x2000, s4, s11, $0x38;
	[tilespmem:$0x11900] =	vst v63  }
0x2cd: {  	_ = 	snop  }
0x2ce: {  	[hbm4b:s29+s11] =	stream.strided.scatter [tilespmem:s16], [sflag:$0x7], $0x2000, s4, s11, $0x38;
	[tilespmem:$0x11900] =	vst v63  }
0x2cf: {  	_ =	swait.ge [sflag:s10], $0x2000  }
0x2d0: {  	[sflag:s10] =	ssyncset.done $0x0  }
0x2d1: {  	[sflag:s10] =	ssyncadd.s32 $0xFFFFE000  }
0x2d2: {  	_ =	swait.ge [sflag:s10], $0x2000  }
0x2d3: {  	[sflag:s10] =	ssyncset.done $0x0  }
0x2d4: {  	s29 =	rddreg [dreg:$0x15];
	[sflag:s10] =	ssyncadd.s32 $0xFFFFE000  }
0x2d5: {  	[tilespmem:s17], [sflag:$0x3] =	stream.indirect.gather [hbm4b:s18+s4], $0x40, s29, s4, $0xb8;
	[tilespmem:$0x11900] =	vst v63  }
0x2d6: {  	s31 =	rddreg [dreg:$0x16]  }
0x2d7: {  	[tilespmem:s16], [sflag:$0x3] =	stream.indirect.gather [hbm4b:s18+s4], $0x40, s31, s4, $0xb8;
	[tilespmem:$0x11900] =	vst v63  }
0x2d8: {  	_ =	swait.ge [sflag:s19], $0x2000  }
0x2d9: {  	[sflag:s19] =	ssyncset.done $0x0  }
0x2da: {  	[sflag:s19] =	ssyncadd.s32 $0xFFFFE000  }
0x2db: {  	_ =	swait.ge [sflag:s19], $0x2000  }
0x2dc: {  	s29 =	sld [smem:$0x7EC]  }
0x2dd: {  	[sflag:s19] =	ssyncset.done $0x0  }
0x2de: {  	[sflag:s19] =	ssyncadd.s32 $0xFFFFE000  }
0x2df: {  	[hbm4b:s29+s11] =	stream.strided.scatter [tilespmem:s15], [sflag:$0x8], $0x2000, s4, s11, $0x38;
	[tilespmem:$0x11900] =	vst v63  }
0x2e0: {  	s29 =	sld [smem:$0x7C4];
	_ =	sdelay $0x2  }
0x2e1: {  	[hbm4b:s29+s11] =	stream.strided.scatter [tilespmem:s14], [sflag:$0x8], $0x2000, s4, s11, $0x38;
	[tilespmem:$0x11900] =	vst v63  }
0x2e2: {  	_ =	swait.ge [sflag:s8], $0x2000  }
0x2e3: {  	[sflag:s8] =	ssyncset.done $0x0  }
0x2e4: {  	[sflag:s8] =	ssyncadd.s32 $0xFFFFE000  }
0x2e5: {  	_ =	swait.ge [sflag:s8], $0x2000  }
0x2e6: {  	[sflag:s8] =	ssyncset.done $0x0  }
0x2e7: {  	s29 =	rddreg [dreg:$0x17];
	[sflag:s8] =	ssyncadd.s32 $0xFFFFE000  }
0x2e8: {  	[tilespmem:s15], [sflag:$0x4] =	stream.indirect.gather [hbm4b:s18+s4], $0x40, s29, s4, $0xb8;
	[tilespmem:$0x11900] =	vst v63  }
0x2e9: {  	s31 =	rddreg [dreg:$0x18]  }
0x2ea: {  	[tilespmem:s14], [sflag:$0x4] =	stream.indirect.gather [hbm4b:s18+s4], $0x40, s31, s4, $0xb8;
	[tilespmem:$0x11900] =	vst v63  }
0x2eb: {  	_ =	swait.ge [sflag:s12], $0x2000  }
0x2ec: {  	[sflag:s12] =	ssyncset.done $0x0  }
0x2ed: {  	[sflag:s12] =	ssyncadd.s32 $0xFFFFE000  }
0x2ee: {  	_ =	swait.ge [sflag:s12], $0x2000  }
0x2ef: {  	s29 =	sld [smem:$0x7ED]  }
0x2f0: {  	[sflag:s12] =	ssyncset.done $0x0  }
0x2f1: {  	[sflag:s12] =	ssyncadd.s32 $0xFFFFE000  }
0x2f2: {  	[hbm4b:s29+s11] =	stream.strided.scatter [tilespmem:s7], [sflag:$0x5], $0x2000, s4, s11, $0x38;
	[tilespmem:$0x11900] =	vst v63  }
0x2f3: {  	s29 =	sld [smem:$0x7C5];
	_ =	sdelay $0x2  }
0x2f4: {  	[hbm4b:s29+s11] =	stream.strided.scatter [tilespmem:s6], [sflag:$0x5], $0x2000, s4, s11, $0x38;
	[tilespmem:$0x11900] =	vst v63  }
0x2f5: {  	_ =	swait.ge [sflag:s3], $0x2000  }
0x2f6: {  	[sflag:s3] =	ssyncset.done $0x0  }
0x2f7: {  	[sflag:s3] =	ssyncadd.s32 $0xFFFFE000  }
0x2f8: {  	_ =	swait.ge [sflag:s3], $0x2000  }
0x2f9: {  	[sflag:s3] =	ssyncset.done $0x0  }
0x2fa: {  	s29 =	rddreg [dreg:$0x19];
	[sflag:s3] =	ssyncadd.s32 $0xFFFFE000  }
0x2fb: {  	[tilespmem:s7], [sflag:$0x1] =	stream.indirect.gather [hbm4b:s18+s4], $0x40, s29, s4, $0xb8;
	[tilespmem:$0x11900] =	vst v63  }
0x2fc: {  	s31 =	rddreg [dreg:$0x1a]  }
0x2fd: {  	[tilespmem:s6], [sflag:$0x1] =	stream.indirect.gather [hbm4b:s18+s4], $0x40, s31, s4, $0xb8;
	[tilespmem:$0x11900] =	vst v63  }
0x2fe: {  	_ =	swait.ge [sflag:s24], $0x2000  }
0x2ff: {  	[sflag:s24] =	ssyncset.done $0x0  }
0x300: {  	[sflag:s24] =	ssyncadd.s32 $0xFFFFE000  }
0x301: {  	_ =	swait.ge [sflag:s24], $0x2000  }
0x302: {  	s29 =	sld [smem:$0x7EE]  }
0x303: {  	[sflag:s24] =	ssyncset.done $0x0  }
0x304: {  	[sflag:s24] =	ssyncadd.s32 $0xFFFFE000  }
0x305: {  	[hbm4b:s29+s11] =	stream.strided.scatter [tilespmem:s22], [sflag:$0x6], $0x2000, s4, s11, $0x38;
	[tilespmem:$0x11900] =	vst v63  }
0x306: {  	s29 =	sld [smem:$0x7C6];
	_ =	sdelay $0x2  }
0x307: {  	[hbm4b:s29+s11] =	stream.strided.scatter [tilespmem:s21], [sflag:$0x6], $0x2000, s4, s11, $0x38;
	[tilespmem:$0x11900] =	vst v63  }
0x308: {  	_ =	swait.ge [sflag:s30], $0x2000  }
0x309: {  	[sflag:s30] =	ssyncset.done $0x0  }
0x30a: {  	[sflag:s30] =	ssyncadd.s32 $0xFFFFE000  }
0x30b: {  	_ =	swait.ge [sflag:s30], $0x2000  }
0x30c: {  	[sflag:s30] =	ssyncset.done $0x0  }
0x30d: {  	s29 =	rddreg [dreg:$0x1b];
	[sflag:s30] =	ssyncadd.s32 $0xFFFFE000  }
0x30e: {  	[tilespmem:s22], [sflag:$0x2] =	stream.indirect.gather [hbm4b:s18+s4], $0x40, s29, s4, $0xb8;
	[tilespmem:$0x11900] =	vst v63  }
0x30f: {  	s31 =	rddreg [dreg:$0x1c]  }
0x310: {  	[tilespmem:s21], [sflag:$0x2] =	stream.indirect.gather [hbm4b:s18+s4], $0x40, s31, s4, $0xb8;
	[tilespmem:$0x11900] =	vst v63  }
0x311: {  	_ =	swait.ge [sflag:s23], $0x2000  }
0x312: {  	[sflag:s23] =	ssyncset.done $0x0  }
0x313: {  	[sflag:s23] =	ssyncadd.s32 $0xFFFFE000  }
0x314: {  	_ =	swait.ge [sflag:s23], $0x2000  }
0x315: {  	s29 =	sld [smem:$0x7EF]  }
0x316: {  	[sflag:s23] =	ssyncset.done $0x0  }
0x317: {  	[sflag:s23] =	ssyncadd.s32 $0xFFFFE000  }
0x318: {  	[hbm4b:s29+s11] =	stream.strided.scatter [tilespmem:s17], [sflag:$0x7], $0x2000, s4, s11, $0x38;
	[tilespmem:$0x11900] =	vst v63  }
0x319: {  	s29 =	sld [smem:$0x7C7];
	_ =	sdelay $0x2  }
0x31a: {  	[hbm4b:s29+s11] =	stream.strided.scatter [tilespmem:s16], [sflag:$0x7], $0x2000, s4, s11, $0x38;
	[tilespmem:$0x11900] =	vst v63  }
0x31b: {  	_ =	swait.ge [sflag:s10], $0x2000  }
0x31c: {  	[sflag:s10] =	ssyncset.done $0x0  }
0x31d: {  	[sflag:s10] =	ssyncadd.s32 $0xFFFFE000  }
0x31e: {  	_ =	swait.ge [sflag:s10], $0x2000  }
0x31f: {  	[sflag:s10] =	ssyncset.done $0x0  }
0x320: {  	s29 =	rddreg [dreg:$0x1d];
	[sflag:s10] =	ssyncadd.s32 $0xFFFFE000  }
0x321: {  	[tilespmem:s17], [sflag:$0x3] =	stream.indirect.gather [hbm4b:s18+s4], $0x40, s29, s4, $0xb8;
	[tilespmem:$0x11900] =	vst v63  }
0x322: {  	s31 =	rddreg [dreg:$0x1e]  }
0x323: {  	[tilespmem:s16], [sflag:$0x3] =	stream.indirect.gather [hbm4b:s18+s4], $0x40, s31, s4, $0xb8;
	[tilespmem:$0x11900] =	vst v63  }
0x324: {  	_ =	swait.ge [sflag:s19], $0x2000  }
0x325: {  	[sflag:s19] =	ssyncset.done $0x0  }
0x326: {  	[sflag:s19] =	ssyncadd.s32 $0xFFFFE000  }
0x327: {  	_ =	swait.ge [sflag:s19], $0x2000  }
0x328: {  	[sflag:s19] =	ssyncset.done $0x0  }
0x329: {  	s29 =	sld [smem:$0x7C8];
	[sflag:s19] =	ssyncadd.s32 $0xFFFFE000  }
0x32a: {  	[hbm4b:s5+s11] =	stream.strided.scatter [tilespmem:s15], [sflag:$0x8], $0x2000, s4, s11, $0x38;
	[tilespmem:$0x11900] =	vst v63  }
0x32b: {  	_ = 	snop  }
0x32c: {  	[hbm4b:s29+s11] =	stream.strided.scatter [tilespmem:s14], [sflag:$0x8], $0x2000, s4, s11, $0x38;
	[tilespmem:$0x11900] =	vst v63  }
0x32d: {  	_ =	swait.ge [sflag:s8], $0x2000  }
0x32e: {  	[sflag:s8] =	ssyncset.done $0x0  }
0x32f: {  	[sflag:s8] =	ssyncadd.s32 $0xFFFFE000  }
0x330: {  	_ =	swait.ge [sflag:s8], $0x2000  }
0x331: {  	s29 =	rddreg [dreg:$0x1f];
	[sflag:s8] =	ssyncset.done $0x0  }
0x332: {  	s31 =	sld [smem:$0x7D6];
	[sflag:s8] =	ssyncadd.s32 $0xFFFFE000  }
0x333: {  	[tilespmem:s15], [sflag:$0x4] =	stream.indirect.gather [hbm4b:s18+s4], $0x40, s29, s4, $0xb8;
	[tilespmem:$0x11900] =	vst v63  }
0x334: {  	_ = 	snop  }
0x335: {  	[tilespmem:s14], [sflag:$0x4] =	stream.indirect.gather [hbm4b:s18+s4], $0x40, s31, s4, $0xb8;
	[tilespmem:$0x11900] =	vst v63  }
0x336: {  	_ =	swait.ge [sflag:s12], $0x2000  }
0x337: {  	[sflag:s12] =	ssyncset.done $0x0  }
0x338: {  	[sflag:s12] =	ssyncadd.s32 $0xFFFFE000  }
0x339: {  	_ =	swait.ge [sflag:s12], $0x2000  }
0x33a: {  	s29 =	sld [smem:$0x7F1]  }
0x33b: {  	[sflag:s12] =	ssyncset.done $0x0  }
0x33c: {  	[sflag:s12] =	ssyncadd.s32 $0xFFFFE000  }
0x33d: {  	[hbm4b:s29+s11] =	stream.strided.scatter [tilespmem:s7], [sflag:$0x5], $0x2000, s4, s11, $0x38;
	[tilespmem:$0x11900] =	vst v63  }
0x33e: {  	s29 =	sld [smem:$0x7C9];
	_ =	sdelay $0x2  }
0x33f: {  	[hbm4b:s29+s11] =	stream.strided.scatter [tilespmem:s6], [sflag:$0x5], $0x2000, s4, s11, $0x38;
	[tilespmem:$0x11900] =	vst v63  }
0x340: {  	_ =	swait.ge [sflag:s3], $0x2000  }
0x341: {  	[sflag:s3] =	ssyncset.done $0x0  }
0x342: {  	[sflag:s3] =	ssyncadd.s32 $0xFFFFE000  }
0x343: {  	_ =	swait.ge [sflag:s3], $0x2000  }
0x344: {  	[sflag:s3] =	ssyncset.done $0x0  }
0x345: {  	s29 =	sld [smem:$0x7D7];
	[sflag:s3] =	ssyncadd.s32 $0xFFFFE000  }
0x346: {  	[tilespmem:s7], [sflag:$0x1] =	stream.indirect.gather [hbm4b:s18+s4], $0x40, s9, s4, $0xb8;
	[tilespmem:$0x11900] =	vst v63  }
0x347: {  	_ = 	snop  }
0x348: {  	[tilespmem:s6], [sflag:$0x1] =	stream.indirect.gather [hbm4b:s18+s4], $0x40, s29, s4, $0xb8;
	[tilespmem:$0x11900] =	vst v63  }
0x349: {  	_ =	swait.ge [sflag:s24], $0x2000  }
0x34a: {  	[sflag:s24] =	ssyncset.done $0x0  }
0x34b: {  	[sflag:s24] =	ssyncadd.s32 $0xFFFFE000  }
0x34c: {  	_ =	swait.ge [sflag:s24], $0x2000  }
0x34d: {  	s9 =	sld [smem:$0x7F2]  }
0x34e: {  	[sflag:s24] =	ssyncset.done $0x0  }
0x34f: {  	s29 =	sld [smem:$0x7CA];
	[sflag:s24] =	ssyncadd.s32 $0xFFFFE000  }
0x350: {  	[hbm4b:s9+s11] =	stream.strided.scatter [tilespmem:s22], [sflag:$0x6], $0x2000, s4, s11, $0x38;
	[tilespmem:$0x11900] =	vst v63  }
0x351: {  	_ = 	snop  }
0x352: {  	[hbm4b:s29+s11] =	stream.strided.scatter [tilespmem:s21], [sflag:$0x6], $0x2000, s4, s11, $0x38;
	[tilespmem:$0x11900] =	vst v63  }
0x353: {  	_ =	swait.ge [sflag:s30], $0x2000  }
0x354: {  	[sflag:s30] =	ssyncset.done $0x0  }
0x355: {  	[sflag:s30] =	ssyncadd.s32 $0xFFFFE000  }
0x356: {  	_ =	swait.ge [sflag:s30], $0x2000  }
0x357: {  	s29 =	sld [smem:$0x7D8]  }
0x358: {  	[sflag:s30] =	ssyncset.done $0x0  }
0x359: {  	s31 =	sld [smem:$0x7D9];
	[sflag:s30] =	ssyncadd.s32 $0xFFFFE000  }
0x35a: {  	[tilespmem:s22], [sflag:$0x2] =	stream.indirect.gather [hbm4b:s18+s4], $0x40, s29, s4, $0xb8;
	[tilespmem:$0x11900] =	vst v63  }
0x35b: {  	_ = 	snop  }
0x35c: {  	[tilespmem:s21], [sflag:$0x2] =	stream.indirect.gather [hbm4b:s18+s4], $0x40, s31, s4, $0xb8;
	[tilespmem:$0x11900] =	vst v63  }
0x35d: {  	_ =	swait.ge [sflag:s23], $0x2000  }
0x35e: {  	[sflag:s23] =	ssyncset.done $0x0  }
0x35f: {  	[sflag:s23] =	ssyncadd.s32 $0xFFFFE000  }
0x360: {  	_ =	swait.ge [sflag:s23], $0x2000  }
0x361: {  	s29 =	sld [smem:$0x7F3]  }
0x362: {  	[sflag:s23] =	ssyncset.done $0x0  }
0x363: {  	[sflag:s23] =	ssyncadd.s32 $0xFFFFE000  }
0x364: {  	[hbm4b:s29+s11] =	stream.strided.scatter [tilespmem:s17], [sflag:$0x7], $0x2000, s4, s11, $0x38;
	[tilespmem:$0x11900] =	vst v63  }
0x365: {  	s29 =	sld [smem:$0x7CB];
	_ =	sdelay $0x2  }
0x366: {  	[hbm4b:s29+s11] =	stream.strided.scatter [tilespmem:s16], [sflag:$0x7], $0x2000, s4, s11, $0x38;
	[tilespmem:$0x11900] =	vst v63  }
0x367: {  	_ =	swait.ge [sflag:s10], $0x2000  }
0x368: {  	[sflag:s10] =	ssyncset.done $0x0  }
0x369: {  	[sflag:s10] =	ssyncadd.s32 $0xFFFFE000  }
0x36a: {  	_ =	swait.ge [sflag:s10], $0x2000  }
0x36b: {  	s29 =	sld [smem:$0x7DA]  }
0x36c: {  	[sflag:s10] =	ssyncset.done $0x0  }
0x36d: {  	s31 =	sld [smem:$0x7DB];
	[sflag:s10] =	ssyncadd.s32 $0xFFFFE000  }
0x36e: {  	[tilespmem:s17], [sflag:$0x3] =	stream.indirect.gather [hbm4b:s18+s4], $0x40, s29, s4, $0xb8;
	[tilespmem:$0x11900] =	vst v63  }
0x36f: {  	_ = 	snop  }
0x370: {  	[tilespmem:s16], [sflag:$0x3] =	stream.indirect.gather [hbm4b:s18+s4], $0x40, s31, s4, $0xb8;
	[tilespmem:$0x11900] =	vst v63  }
0x371: {  	_ =	swait.ge [sflag:s19], $0x2000  }
0x372: {  	[sflag:s19] =	ssyncset.done $0x0  }
0x373: {  	[sflag:s19] =	ssyncadd.s32 $0xFFFFE000  }
0x374: {  	_ =	swait.ge [sflag:s19], $0x2000  }
0x375: {  	s29 =	sld [smem:$0x7F4]  }
0x376: {  	[sflag:s19] =	ssyncset.done $0x0  }
0x377: {  	[sflag:s19] =	ssyncadd.s32 $0xFFFFE000  }
0x378: {  	[hbm4b:s29+s11] =	stream.strided.scatter [tilespmem:s15], [sflag:$0x8], $0x2000, s4, s11, $0x38;
	[tilespmem:$0x11900] =	vst v63  }
0x379: {  	s29 =	sld [smem:$0x7CC];
	_ =	sdelay $0x2  }
0x37a: {  	[hbm4b:s29+s11] =	stream.strided.scatter [tilespmem:s14], [sflag:$0x8], $0x2000, s4, s11, $0x38;
	[tilespmem:$0x11900] =	vst v63  }
0x37b: {  	_ =	swait.ge [sflag:s8], $0x2000  }
0x37c: {  	[sflag:s8] =	ssyncset.done $0x0  }
0x37d: {  	[sflag:s8] =	ssyncadd.s32 $0xFFFFE000  }
0x37e: {  	_ =	swait.ge [sflag:s8], $0x2000  }
0x37f: {  	s29 =	sld [smem:$0x7DC]  }
0x380: {  	[sflag:s8] =	ssyncset.done $0x0  }
0x381: {  	s31 =	sld [smem:$0x7DD];
	[sflag:s8] =	ssyncadd.s32 $0xFFFFE000  }
0x382: {  	[tilespmem:s15], [sflag:$0x4] =	stream.indirect.gather [hbm4b:s18+s4], $0x40, s29, s4, $0xb8;
	[tilespmem:$0x11900] =	vst v63  }
0x383: {  	_ = 	snop  }
0x384: {  	[tilespmem:s14], [sflag:$0x4] =	stream.indirect.gather [hbm4b:s18+s4], $0x40, s31, s4, $0xb8;
	[tilespmem:$0x11900] =	vst v63  }
0x385: {  	_ =	swait.ge [sflag:s12], $0x2000  }
0x386: {  	[sflag:s12] =	ssyncset.done $0x0  }
0x387: {  	[sflag:s12] =	ssyncadd.s32 $0xFFFFE000  }
0x388: {  	_ =	swait.ge [sflag:s12], $0x2000  }
0x389: {  	s29 =	sld [smem:$0x7F5]  }
0x38a: {  	[sflag:s12] =	ssyncset.done $0x0  }
0x38b: {  	[sflag:s12] =	ssyncadd.s32 $0xFFFFE000  }
0x38c: {  	[hbm4b:s29+s11] =	stream.strided.scatter [tilespmem:s7], [sflag:$0x5], $0x2000, s4, s11, $0x38;
	[tilespmem:$0x11900] =	vst v63  }
0x38d: {  	s29 =	sld [smem:$0x7CD];
	_ =	sdelay $0x2  }
0x38e: {  	[hbm4b:s29+s11] =	stream.strided.scatter [tilespmem:s6], [sflag:$0x5], $0x2000, s4, s11, $0x38;
	[tilespmem:$0x11900] =	vst v63  }
0x38f: {  	_ =	swait.ge [sflag:s3], $0x2000  }
0x390: {  	[sflag:s3] =	ssyncset.done $0x0  }
0x391: {  	[sflag:s3] =	ssyncadd.s32 $0xFFFFE000  }
0x392: {  	_ =	swait.ge [sflag:s3], $0x2000  }
0x393: {  	s29 =	sld [smem:$0x7DE]  }
0x394: {  	[sflag:s3] =	ssyncset.done $0x0  }
0x395: {  	s31 =	sld [smem:$0x7DF];
	[sflag:s3] =	ssyncadd.s32 $0xFFFFE000  }
0x396: {  	[tilespmem:s7], [sflag:$0x1] =	stream.indirect.gather [hbm4b:s18+s4], $0x40, s29, s4, $0xb8;
	[tilespmem:$0x11900] =	vst v63  }
0x397: {  	_ = 	snop  }
0x398: {  	[tilespmem:s6], [sflag:$0x1] =	stream.indirect.gather [hbm4b:s18+s4], $0x40, s31, s4, $0xb8;
	[tilespmem:$0x11900] =	vst v63  }
0x399: {  	_ =	swait.ge [sflag:s24], $0x2000  }
0x39a: {  	[sflag:s24] =	ssyncset.done $0x0  }
0x39b: {  	[sflag:s24] =	ssyncadd.s32 $0xFFFFE000  }
0x39c: {  	_ =	swait.ge [sflag:s24], $0x2000  }
0x39d: {  	s29 =	sld [smem:$0x7F6]  }
0x39e: {  	[sflag:s24] =	ssyncset.done $0x0  }
0x39f: {  	[sflag:s24] =	ssyncadd.s32 $0xFFFFE000  }
0x3a0: {  	[hbm4b:s29+s11] =	stream.strided.scatter [tilespmem:s22], [sflag:$0x6], $0x2000, s4, s11, $0x38;
	[tilespmem:$0x11900] =	vst v63  }
0x3a1: {  	s29 =	sld [smem:$0x7CE];
	_ =	sdelay $0x2  }
0x3a2: {  	[hbm4b:s29+s11] =	stream.strided.scatter [tilespmem:s21], [sflag:$0x6], $0x2000, s4, s11, $0x38;
	[tilespmem:$0x11900] =	vst v63  }
0x3a3: {  	_ =	swait.ge [sflag:s30], $0x2000  }
0x3a4: {  	[sflag:s30] =	ssyncset.done $0x0  }
0x3a5: {  	[sflag:s30] =	ssyncadd.s32 $0xFFFFE000  }
0x3a6: {  	_ =	swait.ge [sflag:s30], $0x2000  }
0x3a7: {  	s29 =	sld [smem:$0x7E0]  }
0x3a8: {  	[sflag:s30] =	ssyncset.done $0x0  }
0x3a9: {  	s31 =	sld [smem:$0x7E1];
	[sflag:s30] =	ssyncadd.s32 $0xFFFFE000  }
0x3aa: {  	[tilespmem:s22], [sflag:$0x2] =	stream.indirect.gather [hbm4b:s18+s4], $0x40, s29, s4, $0xb8;
	[tilespmem:$0x11900] =	vst v63  }
0x3ab: {  	_ = 	snop  }
0x3ac: {  	[tilespmem:s21], [sflag:$0x2] =	stream.indirect.gather [hbm4b:s18+s4], $0x40, s31, s4, $0xb8;
	[tilespmem:$0x11900] =	vst v63  }
0x3ad: {  	_ =	swait.ge [sflag:s23], $0x2000  }
0x3ae: {  	[sflag:s23] =	ssyncset.done $0x0  }
0x3af: {  	[sflag:s23] =	ssyncadd.s32 $0xFFFFE000  }
0x3b0: {  	_ =	swait.ge [sflag:s23], $0x2000  }
0x3b1: {  	s29 =	sld [smem:$0x7F7]  }
0x3b2: {  	[sflag:s23] =	ssyncset.done $0x0  }
0x3b3: {  	s9 =	sld [smem:$0x7CF];
	[sflag:s23] =	ssyncadd.s32 $0xFFFFE000  }
0x3b4: {  	[hbm4b:s29+s11] =	stream.strided.scatter [tilespmem:s17], [sflag:$0x7], $0x2000, s4, s11, $0x38;
	[tilespmem:$0x11900] =	vst v63  }
0x3b5: {  	_ = 	snop  }
0x3b6: {  	[hbm4b:s9+s11] =	stream.strided.scatter [tilespmem:s16], [sflag:$0x7], $0x2000, s4, s11, $0x38;
	[tilespmem:$0x11900] =	vst v63  }
0x3b7: {  	_ =	swait.ge [sflag:s10], $0x2000  }
0x3b8: {  	[sflag:s10] =	ssyncset.done $0x0  }
0x3b9: {  	[sflag:s10] =	ssyncadd.s32 $0xFFFFE000  }
0x3ba: {  	_ =	swait.ge [sflag:s10], $0x2000  }
0x3bb: {  	s29 =	sld [smem:$0x7E2]  }
0x3bc: {  	[sflag:s10] =	ssyncset.done $0x0  }
0x3bd: {  	s31 =	sld [smem:$0x7E3];
	[sflag:s10] =	ssyncadd.s32 $0xFFFFE000  }
0x3be: {  	[tilespmem:s17], [sflag:$0x3] =	stream.indirect.gather [hbm4b:s18+s4], $0x40, s29, s4, $0xb8;
	[tilespmem:$0x11900] =	vst v63  }
0x3bf: {  	_ = 	snop  }
0x3c0: {  	[tilespmem:s16], [sflag:$0x3] =	stream.indirect.gather [hbm4b:s18+s4], $0x40, s31, s4, $0xb8;
	[tilespmem:$0x11900] =	vst v63  }
0x3c1: {  	_ =	swait.ge [sflag:s19], $0x2000  }
0x3c2: {  	[sflag:s19] =	ssyncset.done $0x0  }
0x3c3: {  	[sflag:s19] =	ssyncadd.s32 $0xFFFFE000  }
0x3c4: {  	_ =	swait.ge [sflag:s19], $0x2000  }
0x3c5: {  	s29 =	sld [smem:$0x7F8]  }
0x3c6: {  	[sflag:s19] =	ssyncset.done $0x0  }
0x3c7: {  	s9 =	sld [smem:$0x7D0];
	[sflag:s19] =	ssyncadd.s32 $0xFFFFE000  }
0x3c8: {  	[hbm4b:s29+s11] =	stream.strided.scatter [tilespmem:s15], [sflag:$0x8], $0x2000, s4, s11, $0x38;
	[tilespmem:$0x11900] =	vst v63  }
0x3c9: {  	_ = 	snop  }
0x3ca: {  	[hbm4b:s9+s11] =	stream.strided.scatter [tilespmem:s14], [sflag:$0x8], $0x2000, s4, s11, $0x38;
	[tilespmem:$0x11900] =	vst v63  }
0x3cb: {  	_ =	swait.ge [sflag:s8], $0x2000  }
0x3cc: {  	[sflag:s8] =	ssyncset.done $0x0  }
0x3cd: {  	[sflag:s8] =	ssyncadd.s32 $0xFFFFE000  }
0x3ce: {  	_ =	swait.ge [sflag:s8], $0x2000  }
0x3cf: {  	s29 =	sld [smem:$0x7E4]  }
0x3d0: {  	[sflag:s8] =	ssyncset.done $0x0  }
0x3d1: {  	s31 =	sld [smem:$0x7E5];
	[sflag:s8] =	ssyncadd.s32 $0xFFFFE000  }
0x3d2: {  	[tilespmem:s15], [sflag:$0x4] =	stream.indirect.gather [hbm4b:s18+s4], $0x40, s29, s4, $0xb8;
	[tilespmem:$0x11900] =	vst v63  }
0x3d3: {  	_ = 	snop  }
0x3d4: {  	[tilespmem:s14], [sflag:$0x4] =	stream.indirect.gather [hbm4b:s18+s4], $0x40, s31, s4, $0xb8;
	[tilespmem:$0x11900] =	vst v63  }
0x3d5: {  	_ =	swait.ge [sflag:s12], $0x2000  }
0x3d6: {  	[sflag:s12] =	ssyncset.done $0x0  }
0x3d7: {  	[sflag:s12] =	ssyncadd.s32 $0xFFFFE000  }
0x3d8: {  	_ =	swait.ge [sflag:s12], $0x2000  }
0x3d9: {  	s29 =	sld [smem:$0x7F9]  }
0x3da: {  	[sflag:s12] =	ssyncset.done $0x0  }
0x3db: {  	s9 =	sld [smem:$0x7D2];
	[sflag:s12] =	ssyncadd.s32 $0xFFFFE000  }
0x3dc: {  	[hbm4b:s29+s11] =	stream.strided.scatter [tilespmem:s7], [sflag:$0x5], $0x2000, s4, s11, $0x38;
	[tilespmem:$0x11900] =	vst v63  }
0x3dd: {  	_ = 	snop  }
0x3de: {  	[hbm4b:s9+s11] =	stream.strided.scatter [tilespmem:s6], [sflag:$0x5], $0x2000, s4, s11, $0x38;
	[tilespmem:$0x11900] =	vst v63  }
0x3df: {  	_ =	swait.ge [sflag:s3], $0x2000  }
0x3e0: {  	[sflag:s3] =	ssyncset.done $0x0  }
0x3e1: {  	[sflag:s3] =	ssyncadd.s32 $0xFFFFE000  }
0x3e2: {  	_ =	swait.ge [sflag:s3], $0x2000  }
0x3e3: {  	s29 =	sld [smem:$0x7E6]  }
0x3e4: {  	[sflag:s3] =	ssyncset.done $0x0  }
0x3e5: {  	s31 =	sld [smem:$0x7E7];
	[sflag:s3] =	ssyncadd.s32 $0xFFFFE000  }
0x3e6: {  	[tilespmem:s7], [sflag:$0x1] =	stream.indirect.gather [hbm4b:s18+s4], $0x40, s29, s4, $0xb8;
	[tilespmem:$0x11900] =	vst v63  }
0x3e7: {  	_ = 	snop  }
0x3e8: {  	[tilespmem:s6], [sflag:$0x1] =	stream.indirect.gather [hbm4b:s18+s4], $0x40, s31, s4, $0xb8;
	[tilespmem:$0x11900] =	vst v63  }
0x3e9: {  	_ =	swait.ge [sflag:s24], $0x2000  }
0x3ea: {  	[sflag:s24] =	ssyncset.done $0x0  }
0x3eb: {  	[sflag:s24] =	ssyncadd.s32 $0xFFFFE000  }
0x3ec: {  	_ =	swait.ge [sflag:s24], $0x2000  }
0x3ed: {  	s9 =	sld [smem:$0x7FD]  }
0x3ee: {  	[sflag:s24] =	ssyncset.done $0x0  }
0x3ef: {  	[sflag:s24] =	ssyncadd.s32 $0xFFFFE000  }
0x3f0: {  	[hbm4b:s9+s11] =	stream.strided.scatter [tilespmem:s22], [sflag:$0x6], $0x2000, s4, s11, $0x38;
	[tilespmem:$0x11900] =	vst v63  }
0x3f1: {  	s9 =	sld [smem:$0x7D3];
	_ =	sdelay $0x2  }
0x3f2: {  	[hbm4b:s9+s11] =	stream.strided.scatter [tilespmem:s21], [sflag:$0x6], $0x2000, s4, s11, $0x38;
	[tilespmem:$0x11900] =	vst v63  }
0x3f3: {  	_ =	swait.ge [sflag:s23], $0x2000  }
0x3f4: {  	[sflag:s23] =	ssyncset.done $0x0  }
0x3f5: {  	[sflag:s23] =	ssyncadd.s32 $0xFFFFE000  }
0x3f6: {  	_ =	swait.ge [sflag:s23], $0x2000  }
0x3f7: {  	s9 =	sld [smem:$0x7FC]  }
0x3f8: {  	[sflag:s23] =	ssyncset.done $0x0  }
0x3f9: {  	[sflag:s23] =	ssyncadd.s32 $0xFFFFE000  }
0x3fa: {  	[hbm4b:s9+s11] =	stream.strided.scatter [tilespmem:s17], [sflag:$0x7], $0x2000, s4, s11, $0x38;
	[tilespmem:$0x11900] =	vst v63  }
0x3fb: {  	_ = 	snop  }
0x3fc: {  	[hbm4b:s25+s11] =	stream.strided.scatter [tilespmem:s16], [sflag:$0x7], $0x2000, s4, s11, $0x38;
	[tilespmem:$0x11900] =	vst v63  }
0x3fd: {  	_ =	swait.ge [sflag:s19], $0x2000  }
0x3fe: {  	[sflag:s19] =	ssyncset.done $0x0  }
0x3ff: {  	[sflag:s19] =	ssyncadd.s32 $0xFFFFE000  }
0x400: {  	_ =	swait.ge [sflag:s19], $0x2000  }
0x401: {  	s9 =	sld [smem:$0x7FA]  }
0x402: {  	[sflag:s19] =	ssyncset.done $0x0  }
0x403: {  	[sflag:s19] =	ssyncadd.s32 $0xFFFFE000  }
0x404: {  	[hbm4b:s9+s11] =	stream.strided.scatter [tilespmem:s15], [sflag:$0x8], $0x2000, s4, s11, $0x38;
	[tilespmem:$0x11900] =	vst v63  }
0x405: {  	_ = 	snop  }
0x406: {  	[hbm4b:s26+s11] =	stream.strided.scatter [tilespmem:s14], [sflag:$0x8], $0x2000, s4, s11, $0x38;
	[tilespmem:$0x11900] =	vst v63  }
0x407: {  	_ =	swait.ge [sflag:s12], $0x2000  }
0x408: {  	[sflag:s12] =	ssyncset.done $0x0  }
0x409: {  	[sflag:s12] =	ssyncadd.s32 $0xFFFFE000  }
0x40a: {  	_ =	swait.ge [sflag:s12], $0x2000  }
0x40b: {  	[sflag:s12] =	ssyncset.done $0x0  }
0x40c: {  	s31 =	smov.u32 s1;
	[sflag:s12] =	ssyncadd.s32 $0xFFFFE000  }
0x40d: {  	[hbm4b:s31+s11] =	stream.strided.scatter [tilespmem:s7], [sflag:$0x5], $0x2000, s4, s11, $0x38;
	[tilespmem:$0x11900] =	vst v63  }
0x40e: {  	_ = 	snop  }
0x40f: {  	[hbm4b:s20+s11] =	stream.strided.scatter [tilespmem:s6], [sflag:$0x5], $0x2000, s4, s11, $0x38;
	[tilespmem:$0x11900] =	vst v63  }
0x410: {  	_ =	swait.ge [sflag:s10], $0x2000  }
0x411: {  	[sflag:s10] =	ssyncset.done $0x0  }
0x412: {  	[sflag:s10] =	ssyncadd.s32 $0xFFFFE000  }
0x413: {  	_ =	swait.ge [sflag:s10], $0x2000  }
0x414: {  	[sflag:s10] =	ssyncset.done $0x0  }
0x415: {  	[sflag:s10] =	ssyncadd.s32 $0xFFFFE000  }
0x416: {  	_ =	swait.ge [sflag:s8], $0x2000  }
0x417: {  	[sflag:s8] =	ssyncset.done $0x0  }
0x418: {  	[sflag:s8] =	ssyncadd.s32 $0xFFFFE000  }
0x419: {  	_ =	swait.ge [sflag:s8], $0x2000  }
0x41a: {  	[sflag:s8] =	ssyncset.done $0x0  }
0x41b: {  	p1 =	sne.s32 s28, $0x1;
	[sflag:s8] =	ssyncadd.s32 $0xFFFFE000  }
.Ltmp2:
0x41c: {  	_ =	swait.ge [sflag:s3], $0x2000;
	(pc) =	sbr.rel @p1 .LBB2_4-.Ltmp2, $4  }
0x41d: {  	[sflag:s3] =	ssyncset.done $0x0  }
0x41e: {  	[sflag:s3] =	ssyncadd.s32 $0xFFFFE000  }
0x41f: {  	_ =	swait.ge [sflag:s3], $0x2000  }
0x420: {  	s28 =	sadd.s32 $0xFFFFFFFF, s28;
	s29 =	rddreg [dreg:$0x2];
	[sflag:s3] =	ssyncset.done $0x0  }
0x421: {  	s9 =	sld [smem:$0x7D1]  }
0x422: {  	s25 =	sld [smem:$0x7E8]  }
0x423: {  	s28 =	sld [smem:$0x7E9]  }
0x424: {  	s5 =	sld [smem:$0x7F1];
	s26 =	simm.s32 $0x1000  }
.LBB2_6:
0x425: {  	[sflag:s3] =	ssyncadd.s32 @p0 $0xFFFFE000;
	s0 =	simm.s32 $0x0  }
0x426: {  	[tilespmem:s0], [sflag:$0x9] =	stream.strided.gather [hbm4b:s29+s4], $0x1900, s26, s4, $0x38;
	[tilespmem:$0x11900] =	vst v63  }
0x427: {  	_ =	swait.ge [sflag:s13], $0x1900  }
0x428: {  	[sflag:s13] =	ssyncset.done $0x0  }
0x429: {  	[sflag:s13] =	ssyncadd.s32 $0xFFFFE700  }
0x42a: {  	[tilespmem:s7], [sflag:$0x1] =	stream.indirect.gather [hbm4b:s18+s4], $0x40, s0, s4, $0xb8;
	[tilespmem:$0x11900] =	vst v63  }
0x42b: {  	_ = 	snop  }
0x42c: {  	[tilespmem:s6], [sflag:$0x1] =	stream.indirect.gather [hbm4b:s18+s4], $0x40, s4, s4, $0xb8;
	[tilespmem:$0x11900] =	vst v63  }
0x42d: {  	s20 =	rddreg [dreg:$0x3]  }
0x42e: {  	[tilespmem:s22], [sflag:$0x2] =	stream.indirect.gather [hbm4b:s18+s4], $0x40, s20, s4, $0xb8;
	[tilespmem:$0x11900] =	vst v63  }
0x42f: {  	s1 =	rddreg [dreg:$0x4]  }
0x430: {  	[tilespmem:s21], [sflag:$0x2] =	stream.indirect.gather [hbm4b:s18+s4], $0x40, s1, s4, $0xb8;
	[tilespmem:$0x11900] =	vst v63  }
0x431: {  	s29 =	rddreg [dreg:$0x5]  }
0x432: {  	[tilespmem:s17], [sflag:$0x3] =	stream.indirect.gather [hbm4b:s18+s4], $0x40, s29, s4, $0xb8;
	[tilespmem:$0x11900] =	vst v63  }
0x433: {  	s13 =	rddreg [dreg:$0x6]  }
0x434: {  	[tilespmem:s16], [sflag:$0x3] =	stream.indirect.gather [hbm4b:s18+s4], $0x40, s13, s4, $0xb8;
	[tilespmem:$0x11900] =	vst v63  }
0x435: {  	s20 =	rddreg [dreg:$0x7]  }
0x436: {  	[tilespmem:s15], [sflag:$0x4] =	stream.indirect.gather [hbm4b:s18+s4], $0x40, s20, s4, $0xb8;
	[tilespmem:$0x11900] =	vst v63  }
0x437: {  	s29 =	rddreg [dreg:$0x8]  }
0x438: {  	[tilespmem:s14], [sflag:$0x4] =	stream.indirect.gather [hbm4b:s18+s4], $0x40, s29, s4, $0xb8;
	[tilespmem:$0x11900] =	vst v63  }
0x439: {  	_ =	swait.ge [sflag:s12], $0x2000  }
0x43a: {  	[sflag:s12] =	ssyncset.done $0x0  }
0x43b: {  	[sflag:s12] =	ssyncadd.s32 $0xFFFFE000  }
0x43c: {  	_ =	swait.ge [sflag:s12], $0x2000  }
0x43d: {  	[sflag:s12] =	ssyncset.done $0x0  }
0x43e: {  	[sflag:s12] =	ssyncadd.s32 $0xFFFFE000  }
0x43f: {  	[hbm4b:s9+s11] =	stream.strided.scatter [tilespmem:s7], [sflag:$0x5], $0x2000, s4, s11, $0x38;
	[tilespmem:$0x11900] =	vst v63  }
0x440: {  	s13 =	sadd.s32 $0x8, s9  }
0x441: {  	[hbm4b:s13+s11] =	stream.strided.scatter [tilespmem:s6], [sflag:$0x5], $0x2000, s4, s11, $0x38;
	[tilespmem:$0x11900] =	vst v63  }
0x442: {  	_ =	swait.ge [sflag:s3], $0x2000  }
0x443: {  	[sflag:s3] =	ssyncset.done $0x0  }
0x444: {  	[sflag:s3] =	ssyncadd.s32 $0xFFFFE000  }
0x445: {  	_ =	swait.ge [sflag:s3], $0x2000  }
0x446: {  	[sflag:s3] =	ssyncset.done $0x0  }
0x447: {  	s20 =	rddreg [dreg:$0x9];
	[sflag:s3] =	ssyncadd.s32 $0xFFFFE000  }
0x448: {  	[tilespmem:s7], [sflag:$0x1] =	stream.indirect.gather [hbm4b:s18+s4], $0x40, s20, s4, $0xb8;
	[tilespmem:$0x11900] =	vst v63  }
0x449: {  	s29 =	rddreg [dreg:$0xa]  }
0x44a: {  	[tilespmem:s6], [sflag:$0x1] =	stream.indirect.gather [hbm4b:s18+s4], $0x40, s29, s4, $0xb8;
	[tilespmem:$0x11900] =	vst v63  }
0x44b: {  	_ =	swait.ge [sflag:s24], $0x2000  }
0x44c: {  	[sflag:s24] =	ssyncset.done $0x0  }
0x44d: {  	[sflag:s24] =	ssyncadd.s32 $0xFFFFE000  }
0x44e: {  	_ =	swait.ge [sflag:s24], $0x2000  }
0x44f: {  	[sflag:s24] =	ssyncset.done $0x0  }
0x450: {  	[sflag:s24] =	ssyncadd.s32 $0xFFFFE000  }
0x451: {  	[hbm4b:s2+s11] =	stream.strided.scatter [tilespmem:s22], [sflag:$0x6], $0x2000, s4, s11, $0x38;
	[tilespmem:$0x11900] =	vst v63  }
0x452: {  	s2 =	sadd.s32 $0x8, s2  }
0x453: {  	[hbm4b:s2+s11] =	stream.strided.scatter [tilespmem:s21], [sflag:$0x6], $0x2000, s4, s11, $0x38;
	[tilespmem:$0x11900] =	vst v63  }
0x454: {  	_ =	swait.ge [sflag:s30], $0x2000  }
0x455: {  	[sflag:s30] =	ssyncset.done $0x0  }
0x456: {  	[sflag:s30] =	ssyncadd.s32 $0xFFFFE000  }
0x457: {  	_ =	swait.ge [sflag:s30], $0x2000  }
0x458: {  	[sflag:s30] =	ssyncset.done $0x0  }
0x459: {  	s9 =	rddreg [dreg:$0xb];
	[sflag:s30] =	ssyncadd.s32 $0xFFFFE000  }
0x45a: {  	[tilespmem:s22], [sflag:$0x2] =	stream.indirect.gather [hbm4b:s18+s4], $0x40, s9, s4, $0xb8;
	[tilespmem:$0x11900] =	vst v63  }
0x45b: {  	s13 =	rddreg [dreg:$0xc]  }
0x45c: {  	[tilespmem:s21], [sflag:$0x2] =	stream.indirect.gather [hbm4b:s18+s4], $0x40, s13, s4, $0xb8;
	[tilespmem:$0x11900] =	vst v63  }
0x45d: {  	_ =	swait.ge [sflag:s23], $0x2000  }
0x45e: {  	[sflag:s23] =	ssyncset.done $0x0  }
0x45f: {  	[sflag:s23] =	ssyncadd.s32 $0xFFFFE000  }
0x460: {  	_ =	swait.ge [sflag:s23], $0x2000  }
0x461: {  	[sflag:s23] =	ssyncset.done $0x0  }
0x462: {  	[sflag:s23] =	ssyncadd.s32 $0xFFFFE000  }
0x463: {  	[hbm4b:s25+s11] =	stream.strided.scatter [tilespmem:s17], [sflag:$0x7], $0x2000, s4, s11, $0x38;
	[tilespmem:$0x11900] =	vst v63  }
0x464: {  	s20 =	sadd.s32 $0x8, s25  }
0x465: {  	[hbm4b:s20+s11] =	stream.strided.scatter [tilespmem:s16], [sflag:$0x7], $0x2000, s4, s11, $0x38;
	[tilespmem:$0x11900] =	vst v63  }
0x466: {  	_ =	swait.ge [sflag:s10], $0x2000  }
0x467: {  	[sflag:s10] =	ssyncset.done $0x0  }
0x468: {  	[sflag:s10] =	ssyncadd.s32 $0xFFFFE000  }
0x469: {  	_ =	swait.ge [sflag:s10], $0x2000  }
0x46a: {  	[sflag:s10] =	ssyncset.done $0x0  }
0x46b: {  	s25 =	rddreg [dreg:$0xd];
	[sflag:s10] =	ssyncadd.s32 $0xFFFFE000  }
0x46c: {  	[tilespmem:s17], [sflag:$0x3] =	stream.indirect.gather [hbm4b:s18+s4], $0x40, s25, s4, $0xb8;
	[tilespmem:$0x11900] =	vst v63  }
0x46d: {  	s29 =	rddreg [dreg:$0xe]  }
0x46e: {  	[tilespmem:s16], [sflag:$0x3] =	stream.indirect.gather [hbm4b:s18+s4], $0x40, s29, s4, $0xb8;
	[tilespmem:$0x11900] =	vst v63  }
0x46f: {  	_ =	swait.ge [sflag:s19], $0x2000  }
0x470: {  	[sflag:s19] =	ssyncset.done $0x0  }
0x471: {  	[sflag:s19] =	ssyncadd.s32 $0xFFFFE000  }
0x472: {  	_ =	swait.ge [sflag:s19], $0x2000  }
0x473: {  	[sflag:s19] =	ssyncset.done $0x0  }
0x474: {  	[sflag:s19] =	ssyncadd.s32 $0xFFFFE000  }
0x475: {  	[hbm4b:s28+s11] =	stream.strided.scatter [tilespmem:s15], [sflag:$0x8], $0x2000, s4, s11, $0x38;
	[tilespmem:$0x11900] =	vst v63  }
0x476: {  	s2 =	sadd.s32 $0x8, s28  }
0x477: {  	[hbm4b:s2+s11] =	stream.strided.scatter [tilespmem:s14], [sflag:$0x8], $0x2000, s4, s11, $0x38;
	[tilespmem:$0x11900] =	vst v63  }
0x478: {  	_ =	swait.ge [sflag:s8], $0x2000  }
0x479: {  	[sflag:s8] =	ssyncset.done $0x0  }
0x47a: {  	[sflag:s8] =	ssyncadd.s32 $0xFFFFE000  }
0x47b: {  	_ =	swait.ge [sflag:s8], $0x2000  }
0x47c: {  	[sflag:s8] =	ssyncset.done $0x0  }
0x47d: {  	s9 =	rddreg [dreg:$0xf];
	[sflag:s8] =	ssyncadd.s32 $0xFFFFE000  }
0x47e: {  	[tilespmem:s15], [sflag:$0x4] =	stream.indirect.gather [hbm4b:s18+s4], $0x40, s9, s4, $0xb8;
	[tilespmem:$0x11900] =	vst v63  }
0x47f: {  	s13 =	rddreg [dreg:$0x10]  }
0x480: {  	[tilespmem:s14], [sflag:$0x4] =	stream.indirect.gather [hbm4b:s18+s4], $0x40, s13, s4, $0xb8;
	[tilespmem:$0x11900] =	vst v63  }
0x481: {  	_ =	swait.ge [sflag:s12], $0x2000  }
0x482: {  	[sflag:s12] =	ssyncset.done $0x0  }
0x483: {  	[sflag:s12] =	ssyncadd.s32 $0xFFFFE000  }
0x484: {  	_ =	swait.ge [sflag:s12], $0x2000  }
0x485: {  	s20 =	sld [smem:$0x7EA]  }
0x486: {  	[sflag:s12] =	ssyncset.done $0x0  }
0x487: {  	[sflag:s12] =	ssyncadd.s32 $0xFFFFE000  }
0x488: {  	[hbm4b:s20+s11] =	stream.strided.scatter [tilespmem:s7], [sflag:$0x5], $0x2000, s4, s11, $0x38;
	[tilespmem:$0x11900] =	vst v63  }
0x489: {  	s25 =	sadd.s32 $0x8, s20  }
0x48a: {  	[hbm4b:s25+s11] =	stream.strided.scatter [tilespmem:s6], [sflag:$0x5], $0x2000, s4, s11, $0x38;
	[tilespmem:$0x11900] =	vst v63  }
0x48b: {  	_ =	swait.ge [sflag:s3], $0x2000  }
0x48c: {  	[sflag:s3] =	ssyncset.done $0x0  }
0x48d: {  	[sflag:s3] =	ssyncadd.s32 $0xFFFFE000  }
0x48e: {  	_ =	swait.ge [sflag:s3], $0x2000  }
0x48f: {  	[sflag:s3] =	ssyncset.done $0x0  }
0x490: {  	s28 =	rddreg [dreg:$0x11];
	[sflag:s3] =	ssyncadd.s32 $0xFFFFE000  }
0x491: {  	[tilespmem:s7], [sflag:$0x1] =	stream.indirect.gather [hbm4b:s18+s4], $0x40, s28, s4, $0xb8;
	[tilespmem:$0x11900] =	vst v63  }
0x492: {  	s29 =	rddreg [dreg:$0x12]  }
0x493: {  	[tilespmem:s6], [sflag:$0x1] =	stream.indirect.gather [hbm4b:s18+s4], $0x40, s29, s4, $0xb8;
	[tilespmem:$0x11900] =	vst v63  }
0x494: {  	_ =	swait.ge [sflag:s24], $0x2000  }
0x495: {  	[sflag:s24] =	ssyncset.done $0x0  }
0x496: {  	[sflag:s24] =	ssyncadd.s32 $0xFFFFE000  }
0x497: {  	_ =	swait.ge [sflag:s24], $0x2000  }
0x498: {  	s20 =	sld [smem:$0x7EB]  }
0x499: {  	[sflag:s24] =	ssyncset.done $0x0  }
0x49a: {  	[sflag:s24] =	ssyncadd.s32 $0xFFFFE000  }
0x49b: {  	[hbm4b:s20+s11] =	stream.strided.scatter [tilespmem:s22], [sflag:$0x6], $0x2000, s4, s11, $0x38;
	[tilespmem:$0x11900] =	vst v63  }
0x49c: {  	s2 =	sadd.s32 $0x8, s20  }
0x49d: {  	[hbm4b:s2+s11] =	stream.strided.scatter [tilespmem:s21], [sflag:$0x6], $0x2000, s4, s11, $0x38;
	[tilespmem:$0x11900] =	vst v63  }
0x49e: {  	_ =	swait.ge [sflag:s30], $0x2000  }
0x49f: {  	[sflag:s30] =	ssyncset.done $0x0  }
0x4a0: {  	[sflag:s30] =	ssyncadd.s32 $0xFFFFE000  }
0x4a1: {  	_ =	swait.ge [sflag:s30], $0x2000  }
0x4a2: {  	[sflag:s30] =	ssyncset.done $0x0  }
0x4a3: {  	s9 =	rddreg [dreg:$0x13];
	[sflag:s30] =	ssyncadd.s32 $0xFFFFE000  }
0x4a4: {  	[tilespmem:s22], [sflag:$0x2] =	stream.indirect.gather [hbm4b:s18+s4], $0x40, s9, s4, $0xb8;
	[tilespmem:$0x11900] =	vst v63  }
0x4a5: {  	s13 =	rddreg [dreg:$0x14]  }
0x4a6: {  	[tilespmem:s21], [sflag:$0x2] =	stream.indirect.gather [hbm4b:s18+s4], $0x40, s13, s4, $0xb8;
	[tilespmem:$0x11900] =	vst v63  }
0x4a7: {  	_ =	swait.ge [sflag:s23], $0x2000  }
0x4a8: {  	[sflag:s23] =	ssyncset.done $0x0  }
0x4a9: {  	[sflag:s23] =	ssyncadd.s32 $0xFFFFE000  }
0x4aa: {  	_ =	swait.ge [sflag:s23], $0x2000  }
0x4ab: {  	s20 =	sld [smem:$0x7FB]  }
0x4ac: {  	[sflag:s23] =	ssyncset.done $0x0  }
0x4ad: {  	[sflag:s23] =	ssyncadd.s32 $0xFFFFE000  }
0x4ae: {  	[hbm4b:s20+s11] =	stream.strided.scatter [tilespmem:s17], [sflag:$0x7], $0x2000, s4, s11, $0x38;
	[tilespmem:$0x11900] =	vst v63  }
0x4af: {  	s25 =	sadd.s32 $0x8, s20  }
0x4b0: {  	[hbm4b:s25+s11] =	stream.strided.scatter [tilespmem:s16], [sflag:$0x7], $0x2000, s4, s11, $0x38;
	[tilespmem:$0x11900] =	vst v63  }
0x4b1: {  	_ =	swait.ge [sflag:s10], $0x2000  }
0x4b2: {  	[sflag:s10] =	ssyncset.done $0x0  }
0x4b3: {  	[sflag:s10] =	ssyncadd.s32 $0xFFFFE000  }
0x4b4: {  	_ =	swait.ge [sflag:s10], $0x2000  }
0x4b5: {  	[sflag:s10] =	ssyncset.done $0x0  }
0x4b6: {  	s28 =	rddreg [dreg:$0x15];
	[sflag:s10] =	ssyncadd.s32 $0xFFFFE000  }
0x4b7: {  	[tilespmem:s17], [sflag:$0x3] =	stream.indirect.gather [hbm4b:s18+s4], $0x40, s28, s4, $0xb8;
	[tilespmem:$0x11900] =	vst v63  }
0x4b8: {  	s29 =	rddreg [dreg:$0x16]  }
0x4b9: {  	[tilespmem:s16], [sflag:$0x3] =	stream.indirect.gather [hbm4b:s18+s4], $0x40, s29, s4, $0xb8;
	[tilespmem:$0x11900] =	vst v63  }
0x4ba: {  	_ =	swait.ge [sflag:s19], $0x2000  }
0x4bb: {  	[sflag:s19] =	ssyncset.done $0x0  }
0x4bc: {  	[sflag:s19] =	ssyncadd.s32 $0xFFFFE000  }
0x4bd: {  	_ =	swait.ge [sflag:s19], $0x2000  }
0x4be: {  	s1 =	sld [smem:$0x7EC]  }
0x4bf: {  	[sflag:s19] =	ssyncset.done $0x0  }
0x4c0: {  	[sflag:s19] =	ssyncadd.s32 $0xFFFFE000  }
0x4c1: {  	[hbm4b:s1+s11] =	stream.strided.scatter [tilespmem:s15], [sflag:$0x8], $0x2000, s4, s11, $0x38;
	[tilespmem:$0x11900] =	vst v63  }
0x4c2: {  	s2 =	sadd.s32 $0x8, s1  }
0x4c3: {  	[hbm4b:s2+s11] =	stream.strided.scatter [tilespmem:s14], [sflag:$0x8], $0x2000, s4, s11, $0x38;
	[tilespmem:$0x11900] =	vst v63  }
0x4c4: {  	_ =	swait.ge [sflag:s8], $0x2000  }
0x4c5: {  	[sflag:s8] =	ssyncset.done $0x0  }
0x4c6: {  	[sflag:s8] =	ssyncadd.s32 $0xFFFFE000  }
0x4c7: {  	_ =	swait.ge [sflag:s8], $0x2000  }
0x4c8: {  	[sflag:s8] =	ssyncset.done $0x0  }
0x4c9: {  	s9 =	rddreg [dreg:$0x17];
	[sflag:s8] =	ssyncadd.s32 $0xFFFFE000  }
0x4ca: {  	[tilespmem:s15], [sflag:$0x4] =	stream.indirect.gather [hbm4b:s18+s4], $0x40, s9, s4, $0xb8;
	[tilespmem:$0x11900] =	vst v63  }
0x4cb: {  	s13 =	rddreg [dreg:$0x18]  }
0x4cc: {  	[tilespmem:s14], [sflag:$0x4] =	stream.indirect.gather [hbm4b:s18+s4], $0x40, s13, s4, $0xb8;
	[tilespmem:$0x11900] =	vst v63  }
0x4cd: {  	_ =	swait.ge [sflag:s12], $0x2000  }
0x4ce: {  	[sflag:s12] =	ssyncset.done $0x0  }
0x4cf: {  	[sflag:s12] =	ssyncadd.s32 $0xFFFFE000  }
0x4d0: {  	_ =	swait.ge [sflag:s12], $0x2000  }
0x4d1: {  	s20 =	sld [smem:$0x7ED]  }
0x4d2: {  	[sflag:s12] =	ssyncset.done $0x0  }
0x4d3: {  	[sflag:s12] =	ssyncadd.s32 $0xFFFFE000  }
0x4d4: {  	[hbm4b:s20+s11] =	stream.strided.scatter [tilespmem:s7], [sflag:$0x5], $0x2000, s4, s11, $0x38;
	[tilespmem:$0x11900] =	vst v63  }
0x4d5: {  	s25 =	sadd.s32 $0x8, s20  }
0x4d6: {  	[hbm4b:s25+s11] =	stream.strided.scatter [tilespmem:s6], [sflag:$0x5], $0x2000, s4, s11, $0x38;
	[tilespmem:$0x11900] =	vst v63  }
0x4d7: {  	_ =	swait.ge [sflag:s3], $0x2000  }
0x4d8: {  	[sflag:s3] =	ssyncset.done $0x0  }
0x4d9: {  	[sflag:s3] =	ssyncadd.s32 $0xFFFFE000  }
0x4da: {  	_ =	swait.ge [sflag:s3], $0x2000  }
0x4db: {  	[sflag:s3] =	ssyncset.done $0x0  }
0x4dc: {  	s28 =	rddreg [dreg:$0x19];
	[sflag:s3] =	ssyncadd.s32 $0xFFFFE000  }
0x4dd: {  	[tilespmem:s7], [sflag:$0x1] =	stream.indirect.gather [hbm4b:s18+s4], $0x40, s28, s4, $0xb8;
	[tilespmem:$0x11900] =	vst v63  }
0x4de: {  	s29 =	rddreg [dreg:$0x1a]  }
0x4df: {  	[tilespmem:s6], [sflag:$0x1] =	stream.indirect.gather [hbm4b:s18+s4], $0x40, s29, s4, $0xb8;
	[tilespmem:$0x11900] =	vst v63  }
0x4e0: {  	_ =	swait.ge [sflag:s24], $0x2000  }
0x4e1: {  	[sflag:s24] =	ssyncset.done $0x0  }
0x4e2: {  	[sflag:s24] =	ssyncadd.s32 $0xFFFFE000  }
0x4e3: {  	_ =	swait.ge [sflag:s24], $0x2000  }
0x4e4: {  	s1 =	sld [smem:$0x7EE]  }
0x4e5: {  	[sflag:s24] =	ssyncset.done $0x0  }
0x4e6: {  	[sflag:s24] =	ssyncadd.s32 $0xFFFFE000  }
0x4e7: {  	[hbm4b:s1+s11] =	stream.strided.scatter [tilespmem:s22], [sflag:$0x6], $0x2000, s4, s11, $0x38;
	[tilespmem:$0x11900] =	vst v63  }
0x4e8: {  	s2 =	sadd.s32 $0x8, s1  }
0x4e9: {  	[hbm4b:s2+s11] =	stream.strided.scatter [tilespmem:s21], [sflag:$0x6], $0x2000, s4, s11, $0x38;
	[tilespmem:$0x11900] =	vst v63  }
0x4ea: {  	_ =	swait.ge [sflag:s30], $0x2000  }
0x4eb: {  	[sflag:s30] =	ssyncset.done $0x0  }
0x4ec: {  	[sflag:s30] =	ssyncadd.s32 $0xFFFFE000  }
0x4ed: {  	_ =	swait.ge [sflag:s30], $0x2000  }
0x4ee: {  	[sflag:s30] =	ssyncset.done $0x0  }
0x4ef: {  	s9 =	rddreg [dreg:$0x1b];
	[sflag:s30] =	ssyncadd.s32 $0xFFFFE000  }
0x4f0: {  	[tilespmem:s22], [sflag:$0x2] =	stream.indirect.gather [hbm4b:s18+s4], $0x40, s9, s4, $0xb8;
	[tilespmem:$0x11900] =	vst v63  }
0x4f1: {  	s13 =	rddreg [dreg:$0x1c]  }
0x4f2: {  	[tilespmem:s21], [sflag:$0x2] =	stream.indirect.gather [hbm4b:s18+s4], $0x40, s13, s4, $0xb8;
	[tilespmem:$0x11900] =	vst v63  }
0x4f3: {  	_ =	swait.ge [sflag:s23], $0x2000  }
0x4f4: {  	[sflag:s23] =	ssyncset.done $0x0  }
0x4f5: {  	[sflag:s23] =	ssyncadd.s32 $0xFFFFE000  }
0x4f6: {  	_ =	swait.ge [sflag:s23], $0x2000  }
0x4f7: {  	s20 =	sld [smem:$0x7EF]  }
0x4f8: {  	[sflag:s23] =	ssyncset.done $0x0  }
0x4f9: {  	[sflag:s23] =	ssyncadd.s32 $0xFFFFE000  }
0x4fa: {  	[hbm4b:s20+s11] =	stream.strided.scatter [tilespmem:s17], [sflag:$0x7], $0x2000, s4, s11, $0x38;
	[tilespmem:$0x11900] =	vst v63  }
0x4fb: {  	s25 =	sadd.s32 $0x8, s20  }
0x4fc: {  	[hbm4b:s25+s11] =	stream.strided.scatter [tilespmem:s16], [sflag:$0x7], $0x2000, s4, s11, $0x38;
	[tilespmem:$0x11900] =	vst v63  }
0x4fd: {  	_ =	swait.ge [sflag:s10], $0x2000  }
0x4fe: {  	[sflag:s10] =	ssyncset.done $0x0  }
0x4ff: {  	[sflag:s10] =	ssyncadd.s32 $0xFFFFE000  }
0x500: {  	_ =	swait.ge [sflag:s10], $0x2000  }
0x501: {  	[sflag:s10] =	ssyncset.done $0x0  }
0x502: {  	s28 =	rddreg [dreg:$0x1d];
	[sflag:s10] =	ssyncadd.s32 $0xFFFFE000  }
0x503: {  	[tilespmem:s17], [sflag:$0x3] =	stream.indirect.gather [hbm4b:s18+s4], $0x40, s28, s4, $0xb8;
	[tilespmem:$0x11900] =	vst v63  }
0x504: {  	s29 =	rddreg [dreg:$0x1e]  }
0x505: {  	[tilespmem:s16], [sflag:$0x3] =	stream.indirect.gather [hbm4b:s18+s4], $0x40, s29, s4, $0xb8;
	[tilespmem:$0x11900] =	vst v63  }
0x506: {  	_ =	swait.ge [sflag:s19], $0x2000  }
0x507: {  	[sflag:s19] =	ssyncset.done $0x0  }
0x508: {  	[sflag:s19] =	ssyncadd.s32 $0xFFFFE000  }
0x509: {  	_ =	swait.ge [sflag:s19], $0x2000  }
0x50a: {  	s1 =	sld [smem:$0x7F0]  }
0x50b: {  	[sflag:s19] =	ssyncset.done $0x0  }
0x50c: {  	[sflag:s19] =	ssyncadd.s32 $0xFFFFE000  }
0x50d: {  	[hbm4b:s1+s11] =	stream.strided.scatter [tilespmem:s15], [sflag:$0x8], $0x2000, s4, s11, $0x38;
	[tilespmem:$0x11900] =	vst v63  }
0x50e: {  	s2 =	sadd.s32 $0x8, s1  }
0x50f: {  	[hbm4b:s2+s11] =	stream.strided.scatter [tilespmem:s14], [sflag:$0x8], $0x2000, s4, s11, $0x38;
	[tilespmem:$0x11900] =	vst v63  }
0x510: {  	_ =	swait.ge [sflag:s8], $0x2000  }
0x511: {  	[sflag:s8] =	ssyncset.done $0x0  }
0x512: {  	[sflag:s8] =	ssyncadd.s32 $0xFFFFE000  }
0x513: {  	_ =	swait.ge [sflag:s8], $0x2000  }
0x514: {  	s9 =	rddreg [dreg:$0x1f];
	[sflag:s8] =	ssyncset.done $0x0  }
0x515: {  	s13 =	sld [smem:$0x7D6];
	[sflag:s8] =	ssyncadd.s32 $0xFFFFE000  }
0x516: {  	[tilespmem:s15], [sflag:$0x4] =	stream.indirect.gather [hbm4b:s18+s4], $0x40, s9, s4, $0xb8;
	[tilespmem:$0x11900] =	vst v63  }
0x517: {  	_ = 	snop  }
0x518: {  	[tilespmem:s14], [sflag:$0x4] =	stream.indirect.gather [hbm4b:s18+s4], $0x40, s13, s4, $0xb8;
	[tilespmem:$0x11900] =	vst v63  }
0x519: {  	_ =	swait.ge [sflag:s12], $0x2000  }
0x51a: {  	[sflag:s12] =	ssyncset.done $0x0  }
0x51b: {  	[sflag:s12] =	ssyncadd.s32 $0xFFFFE000  }
0x51c: {  	_ =	swait.ge [sflag:s12], $0x2000  }
0x51d: {  	[sflag:s12] =	ssyncset.done $0x0  }
0x51e: {  	[sflag:s12] =	ssyncadd.s32 $0xFFFFE000  }
0x51f: {  	[hbm4b:s5+s11] =	stream.strided.scatter [tilespmem:s7], [sflag:$0x5], $0x2000, s4, s11, $0x38;
	[tilespmem:$0x11900] =	vst v63  }
0x520: {  	s20 =	sadd.s32 $0x8, s5  }
0x521: {  	[hbm4b:s20+s11] =	stream.strided.scatter [tilespmem:s6], [sflag:$0x5], $0x2000, s4, s11, $0x38;
	[tilespmem:$0x11900] =	vst v63  }
0x522: {  	_ =	swait.ge [sflag:s3], $0x2000  }
0x523: {  	[sflag:s3] =	ssyncset.done $0x0  }
0x524: {  	[sflag:s3] =	ssyncadd.s32 $0xFFFFE000  }
0x525: {  	_ =	swait.ge [sflag:s3], $0x2000  }
0x526: {  	[sflag:s3] =	ssyncset.done $0x0  }
0x527: {  	s25 =	sld [smem:$0x7D7];
	[sflag:s3] =	ssyncadd.s32 $0xFFFFE000  }
0x528: {  	[tilespmem:s7], [sflag:$0x1] =	stream.indirect.gather [hbm4b:s18+s4], $0x40, s26, s4, $0xb8;
	[tilespmem:$0x11900] =	vst v63  }
0x529: {  	_ = 	snop  }
0x52a: {  	[tilespmem:s6], [sflag:$0x1] =	stream.indirect.gather [hbm4b:s18+s4], $0x40, s25, s4, $0xb8;
	[tilespmem:$0x11900] =	vst v63  }
0x52b: {  	_ =	swait.ge [sflag:s24], $0x2000  }
0x52c: {  	[sflag:s24] =	ssyncset.done $0x0  }
0x52d: {  	[sflag:s24] =	ssyncadd.s32 $0xFFFFE000  }
0x52e: {  	_ =	swait.ge [sflag:s24], $0x2000  }
0x52f: {  	s28 =	sld [smem:$0x7F2]  }
0x530: {  	[sflag:s24] =	ssyncset.done $0x0  }
0x531: {  	[sflag:s24] =	ssyncadd.s32 $0xFFFFE000  }
0x532: {  	[hbm4b:s28+s11] =	stream.strided.scatter [tilespmem:s22], [sflag:$0x6], $0x2000, s4, s11, $0x38;
	[tilespmem:$0x11900] =	vst v63  }
0x533: {  	s29 =	sadd.s32 $0x8, s28  }
0x534: {  	[hbm4b:s29+s11] =	stream.strided.scatter [tilespmem:s21], [sflag:$0x6], $0x2000, s4, s11, $0x38;
	[tilespmem:$0x11900] =	vst v63  }
0x535: {  	_ =	swait.ge [sflag:s30], $0x2000  }
0x536: {  	[sflag:s30] =	ssyncset.done $0x0  }
0x537: {  	[sflag:s30] =	ssyncadd.s32 $0xFFFFE000  }
0x538: {  	_ =	swait.ge [sflag:s30], $0x2000  }
0x539: {  	s1 =	sld [smem:$0x7D8]  }
0x53a: {  	[sflag:s30] =	ssyncset.done $0x0  }
0x53b: {  	s2 =	sld [smem:$0x7D9];
	[sflag:s30] =	ssyncadd.s32 $0xFFFFE000  }
0x53c: {  	[tilespmem:s22], [sflag:$0x2] =	stream.indirect.gather [hbm4b:s18+s4], $0x40, s1, s4, $0xb8;
	[tilespmem:$0x11900] =	vst v63  }
0x53d: {  	_ = 	snop  }
0x53e: {  	[tilespmem:s21], [sflag:$0x2] =	stream.indirect.gather [hbm4b:s18+s4], $0x40, s2, s4, $0xb8;
	[tilespmem:$0x11900] =	vst v63  }
0x53f: {  	_ =	swait.ge [sflag:s23], $0x2000  }
0x540: {  	[sflag:s23] =	ssyncset.done $0x0  }
0x541: {  	[sflag:s23] =	ssyncadd.s32 $0xFFFFE000  }
0x542: {  	_ =	swait.ge [sflag:s23], $0x2000  }
0x543: {  	s5 =	sld [smem:$0x7F3]  }
0x544: {  	[sflag:s23] =	ssyncset.done $0x0  }
0x545: {  	[sflag:s23] =	ssyncadd.s32 $0xFFFFE000  }
0x546: {  	[hbm4b:s5+s11] =	stream.strided.scatter [tilespmem:s17], [sflag:$0x7], $0x2000, s4, s11, $0x38;
	[tilespmem:$0x11900] =	vst v63  }
0x547: {  	s9 =	sadd.s32 $0x8, s5  }
0x548: {  	[hbm4b:s9+s11] =	stream.strided.scatter [tilespmem:s16], [sflag:$0x7], $0x2000, s4, s11, $0x38;
	[tilespmem:$0x11900] =	vst v63  }
0x549: {  	_ =	swait.ge [sflag:s10], $0x2000  }
0x54a: {  	[sflag:s10] =	ssyncset.done $0x0  }
0x54b: {  	[sflag:s10] =	ssyncadd.s32 $0xFFFFE000  }
0x54c: {  	_ =	swait.ge [sflag:s10], $0x2000  }
0x54d: {  	s13 =	sld [smem:$0x7DA]  }
0x54e: {  	[sflag:s10] =	ssyncset.done $0x0  }
0x54f: {  	s20 =	sld [smem:$0x7DB];
	[sflag:s10] =	ssyncadd.s32 $0xFFFFE000  }
0x550: {  	[tilespmem:s17], [sflag:$0x3] =	stream.indirect.gather [hbm4b:s18+s4], $0x40, s13, s4, $0xb8;
	[tilespmem:$0x11900] =	vst v63  }
0x551: {  	_ = 	snop  }
0x552: {  	[tilespmem:s16], [sflag:$0x3] =	stream.indirect.gather [hbm4b:s18+s4], $0x40, s20, s4, $0xb8;
	[tilespmem:$0x11900] =	vst v63  }
0x553: {  	_ =	swait.ge [sflag:s19], $0x2000  }
0x554: {  	[sflag:s19] =	ssyncset.done $0x0  }
0x555: {  	[sflag:s19] =	ssyncadd.s32 $0xFFFFE000  }
0x556: {  	_ =	swait.ge [sflag:s19], $0x2000  }
0x557: {  	s25 =	sld [smem:$0x7F4]  }
0x558: {  	[sflag:s19] =	ssyncset.done $0x0  }
0x559: {  	[sflag:s19] =	ssyncadd.s32 $0xFFFFE000  }
0x55a: {  	[hbm4b:s25+s11] =	stream.strided.scatter [tilespmem:s15], [sflag:$0x8], $0x2000, s4, s11, $0x38;
	[tilespmem:$0x11900] =	vst v63  }
0x55b: {  	s26 =	sadd.s32 $0x8, s25  }
0x55c: {  	[hbm4b:s26+s11] =	stream.strided.scatter [tilespmem:s14], [sflag:$0x8], $0x2000, s4, s11, $0x38;
	[tilespmem:$0x11900] =	vst v63  }
0x55d: {  	_ =	swait.ge [sflag:s8], $0x2000  }
0x55e: {  	[sflag:s8] =	ssyncset.done $0x0  }
0x55f: {  	[sflag:s8] =	ssyncadd.s32 $0xFFFFE000  }
0x560: {  	_ =	swait.ge [sflag:s8], $0x2000  }
0x561: {  	s28 =	sld [smem:$0x7DC]  }
0x562: {  	[sflag:s8] =	ssyncset.done $0x0  }
0x563: {  	s29 =	sld [smem:$0x7DD];
	[sflag:s8] =	ssyncadd.s32 $0xFFFFE000  }
0x564: {  	[tilespmem:s15], [sflag:$0x4] =	stream.indirect.gather [hbm4b:s18+s4], $0x40, s28, s4, $0xb8;
	[tilespmem:$0x11900] =	vst v63  }
0x565: {  	_ = 	snop  }
0x566: {  	[tilespmem:s14], [sflag:$0x4] =	stream.indirect.gather [hbm4b:s18+s4], $0x40, s29, s4, $0xb8;
	[tilespmem:$0x11900] =	vst v63  }
0x567: {  	_ =	swait.ge [sflag:s12], $0x2000  }
0x568: {  	[sflag:s12] =	ssyncset.done $0x0  }
0x569: {  	[sflag:s12] =	ssyncadd.s32 $0xFFFFE000  }
0x56a: {  	_ =	swait.ge [sflag:s12], $0x2000  }
0x56b: {  	s0 =	sld [smem:$0x7F5]  }
0x56c: {  	[sflag:s12] =	ssyncset.done $0x0  }
0x56d: {  	[sflag:s12] =	ssyncadd.s32 $0xFFFFE000  }
0x56e: {  	[hbm4b:s0+s11] =	stream.strided.scatter [tilespmem:s7], [sflag:$0x5], $0x2000, s4, s11, $0x38;
	[tilespmem:$0x11900] =	vst v63  }
0x56f: {  	s1 =	sadd.s32 $0x8, s0  }
0x570: {  	[hbm4b:s1+s11] =	stream.strided.scatter [tilespmem:s6], [sflag:$0x5], $0x2000, s4, s11, $0x38;
	[tilespmem:$0x11900] =	vst v63  }
0x571: {  	_ =	swait.ge [sflag:s3], $0x2000  }
0x572: {  	[sflag:s3] =	ssyncset.done $0x0  }
0x573: {  	[sflag:s3] =	ssyncadd.s32 $0xFFFFE000  }
0x574: {  	_ =	swait.ge [sflag:s3], $0x2000  }
0x575: {  	s2 =	sld [smem:$0x7DE]  }
0x576: {  	[sflag:s3] =	ssyncset.done $0x0  }
0x577: {  	s5 =	sld [smem:$0x7DF];
	[sflag:s3] =	ssyncadd.s32 $0xFFFFE000  }
0x578: {  	[tilespmem:s7], [sflag:$0x1] =	stream.indirect.gather [hbm4b:s18+s4], $0x40, s2, s4, $0xb8;
	[tilespmem:$0x11900] =	vst v63  }
0x579: {  	_ = 	snop  }
0x57a: {  	[tilespmem:s6], [sflag:$0x1] =	stream.indirect.gather [hbm4b:s18+s4], $0x40, s5, s4, $0xb8;
	[tilespmem:$0x11900] =	vst v63  }
0x57b: {  	_ =	swait.ge [sflag:s24], $0x2000  }
0x57c: {  	[sflag:s24] =	ssyncset.done $0x0  }
0x57d: {  	[sflag:s24] =	ssyncadd.s32 $0xFFFFE000  }
0x57e: {  	_ =	swait.ge [sflag:s24], $0x2000  }
0x57f: {  	s9 =	sld [smem:$0x7F6]  }
0x580: {  	[sflag:s24] =	ssyncset.done $0x0  }
0x581: {  	[sflag:s24] =	ssyncadd.s32 $0xFFFFE000  }
0x582: {  	[hbm4b:s9+s11] =	stream.strided.scatter [tilespmem:s22], [sflag:$0x6], $0x2000, s4, s11, $0x38;
	[tilespmem:$0x11900] =	vst v63  }
0x583: {  	s13 =	sadd.s32 $0x8, s9  }
0x584: {  	[hbm4b:s13+s11] =	stream.strided.scatter [tilespmem:s21], [sflag:$0x6], $0x2000, s4, s11, $0x38;
	[tilespmem:$0x11900] =	vst v63  }
0x585: {  	_ =	swait.ge [sflag:s30], $0x2000  }
0x586: {  	[sflag:s30] =	ssyncset.done $0x0  }
0x587: {  	[sflag:s30] =	ssyncadd.s32 $0xFFFFE000  }
0x588: {  	_ =	swait.ge [sflag:s30], $0x2000  }
0x589: {  	s20 =	sld [smem:$0x7E0]  }
0x58a: {  	[sflag:s30] =	ssyncset.done $0x0  }
0x58b: {  	s25 =	sld [smem:$0x7E1];
	[sflag:s30] =	ssyncadd.s32 $0xFFFFE000  }
0x58c: {  	[tilespmem:s22], [sflag:$0x2] =	stream.indirect.gather [hbm4b:s18+s4], $0x40, s20, s4, $0xb8;
	[tilespmem:$0x11900] =	vst v63  }
0x58d: {  	_ = 	snop  }
0x58e: {  	[tilespmem:s21], [sflag:$0x2] =	stream.indirect.gather [hbm4b:s18+s4], $0x40, s25, s4, $0xb8;
	[tilespmem:$0x11900] =	vst v63  }
0x58f: {  	_ =	swait.ge [sflag:s23], $0x2000  }
0x590: {  	[sflag:s23] =	ssyncset.done $0x0  }
0x591: {  	[sflag:s23] =	ssyncadd.s32 $0xFFFFE000  }
0x592: {  	_ =	swait.ge [sflag:s23], $0x2000  }
0x593: {  	s26 =	sld [smem:$0x7F7]  }
0x594: {  	[sflag:s23] =	ssyncset.done $0x0  }
0x595: {  	[sflag:s23] =	ssyncadd.s32 $0xFFFFE000  }
0x596: {  	[hbm4b:s26+s11] =	stream.strided.scatter [tilespmem:s17], [sflag:$0x7], $0x2000, s4, s11, $0x38;
	[tilespmem:$0x11900] =	vst v63  }
0x597: {  	s28 =	sadd.s32 $0x8, s26  }
0x598: {  	[hbm4b:s28+s11] =	stream.strided.scatter [tilespmem:s16], [sflag:$0x7], $0x2000, s4, s11, $0x38;
	[tilespmem:$0x11900] =	vst v63  }
0x599: {  	_ =	swait.ge [sflag:s10], $0x2000  }
0x59a: {  	[sflag:s10] =	ssyncset.done $0x0  }
0x59b: {  	[sflag:s10] =	ssyncadd.s32 $0xFFFFE000  }
0x59c: {  	_ =	swait.ge [sflag:s10], $0x2000  }
0x59d: {  	s29 =	sld [smem:$0x7E2]  }
0x59e: {  	[sflag:s10] =	ssyncset.done $0x0  }
0x59f: {  	s30 =	sld [smem:$0x7E3];
	[sflag:s10] =	ssyncadd.s32 $0xFFFFE000  }
0x5a0: {  	[tilespmem:s17], [sflag:$0x3] =	stream.indirect.gather [hbm4b:s18+s4], $0x40, s29, s4, $0xb8;
	[tilespmem:$0x11900] =	vst v63  }
0x5a1: {  	_ = 	snop  }
0x5a2: {  	[tilespmem:s16], [sflag:$0x3] =	stream.indirect.gather [hbm4b:s18+s4], $0x40, s30, s4, $0xb8;
	[tilespmem:$0x11900] =	vst v63  }
0x5a3: {  	_ =	swait.ge [sflag:s19], $0x2000  }
0x5a4: {  	[sflag:s19] =	ssyncset.done $0x0  }
0x5a5: {  	[sflag:s19] =	ssyncadd.s32 $0xFFFFE000  }
0x5a6: {  	_ =	swait.ge [sflag:s19], $0x2000  }
0x5a7: {  	s0 =	sld [smem:$0x7F8]  }
0x5a8: {  	[sflag:s19] =	ssyncset.done $0x0  }
0x5a9: {  	[sflag:s19] =	ssyncadd.s32 $0xFFFFE000  }
0x5aa: {  	[hbm4b:s0+s11] =	stream.strided.scatter [tilespmem:s15], [sflag:$0x8], $0x2000, s4, s11, $0x38;
	[tilespmem:$0x11900] =	vst v63  }
0x5ab: {  	s1 =	sadd.s32 $0x8, s0  }
0x5ac: {  	[hbm4b:s1+s11] =	stream.strided.scatter [tilespmem:s14], [sflag:$0x8], $0x2000, s4, s11, $0x38;
	[tilespmem:$0x11900] =	vst v63  }
0x5ad: {  	_ =	swait.ge [sflag:s8], $0x2000  }
0x5ae: {  	[sflag:s8] =	ssyncset.done $0x0  }
0x5af: {  	[sflag:s8] =	ssyncadd.s32 $0xFFFFE000  }
0x5b0: {  	_ =	swait.ge [sflag:s8], $0x2000  }
0x5b1: {  	s2 =	sld [smem:$0x7E4]  }
0x5b2: {  	[sflag:s8] =	ssyncset.done $0x0  }
0x5b3: {  	s5 =	sld [smem:$0x7E5];
	[sflag:s8] =	ssyncadd.s32 $0xFFFFE000  }
0x5b4: {  	[tilespmem:s15], [sflag:$0x4] =	stream.indirect.gather [hbm4b:s18+s4], $0x40, s2, s4, $0xb8;
	[tilespmem:$0x11900] =	vst v63  }
0x5b5: {  	_ = 	snop  }
0x5b6: {  	[tilespmem:s14], [sflag:$0x4] =	stream.indirect.gather [hbm4b:s18+s4], $0x40, s5, s4, $0xb8;
	[tilespmem:$0x11900] =	vst v63  }
0x5b7: {  	_ =	swait.ge [sflag:s12], $0x2000  }
0x5b8: {  	[sflag:s12] =	ssyncset.done $0x0  }
0x5b9: {  	[sflag:s12] =	ssyncadd.s32 $0xFFFFE000  }
0x5ba: {  	_ =	swait.ge [sflag:s12], $0x2000  }
0x5bb: {  	s9 =	sld [smem:$0x7F9]  }
0x5bc: {  	[sflag:s12] =	ssyncset.done $0x0  }
0x5bd: {  	[sflag:s12] =	ssyncadd.s32 $0xFFFFE000  }
0x5be: {  	[hbm4b:s9+s11] =	stream.strided.scatter [tilespmem:s7], [sflag:$0x5], $0x2000, s4, s11, $0x38;
	[tilespmem:$0x11900] =	vst v63  }
0x5bf: {  	s13 =	sadd.s32 $0x8, s9  }
0x5c0: {  	[hbm4b:s13+s11] =	stream.strided.scatter [tilespmem:s6], [sflag:$0x5], $0x2000, s4, s11, $0x38;
	[tilespmem:$0x11900] =	vst v63  }
0x5c1: {  	_ =	swait.ge [sflag:s3], $0x2000  }
0x5c2: {  	[sflag:s3] =	ssyncset.done $0x0  }
0x5c3: {  	[sflag:s3] =	ssyncadd.s32 $0xFFFFE000  }
0x5c4: {  	_ =	swait.ge [sflag:s3], $0x2000  }
0x5c5: {  	s20 =	sld [smem:$0x7E6]  }
0x5c6: {  	[sflag:s3] =	ssyncset.done $0x0  }
0x5c7: {  	s25 =	sld [smem:$0x7E7];
	[sflag:s3] =	ssyncadd.s32 $0xFFFFE000  }
0x5c8: {  	[tilespmem:s7], [sflag:$0x1] =	stream.indirect.gather [hbm4b:s18+s4], $0x40, s20, s4, $0xb8;
	[tilespmem:$0x11900] =	vst v63  }
0x5c9: {  	_ = 	snop  }
0x5ca: {  	[tilespmem:s6], [sflag:$0x1] =	stream.indirect.gather [hbm4b:s18+s4], $0x40, s25, s4, $0xb8;
	[tilespmem:$0x11900] =	vst v63  }
0x5cb: {  	_ =	swait.ge [sflag:s24], $0x2000  }
0x5cc: {  	[sflag:s24] =	ssyncset.done $0x0  }
0x5cd: {  	[sflag:s24] =	ssyncadd.s32 $0xFFFFE000  }
0x5ce: {  	_ =	swait.ge [sflag:s24], $0x2000  }
0x5cf: {  	s26 =	sld [smem:$0x7FD]  }
0x5d0: {  	[sflag:s24] =	ssyncset.done $0x0  }
0x5d1: {  	[sflag:s24] =	ssyncadd.s32 $0xFFFFE000  }
0x5d2: {  	[hbm4b:s26+s11] =	stream.strided.scatter [tilespmem:s22], [sflag:$0x6], $0x2000, s4, s11, $0x38;
	[tilespmem:$0x11900] =	vst v63  }
0x5d3: {  	s0 =	sadd.s32 $0x8, s26  }
0x5d4: {  	[hbm4b:s0+s11] =	stream.strided.scatter [tilespmem:s21], [sflag:$0x6], $0x2000, s4, s11, $0x38;
	[tilespmem:$0x11900] =	vst v63  }
0x5d5: {  	_ =	swait.ge [sflag:s23], $0x2000  }
0x5d6: {  	[sflag:s23] =	ssyncset.done $0x0  }
0x5d7: {  	[sflag:s23] =	ssyncadd.s32 $0xFFFFE000  }
0x5d8: {  	_ =	swait.ge [sflag:s23], $0x2000  }
0x5d9: {  	s28 =	sld [smem:$0x7FC]  }
0x5da: {  	[sflag:s23] =	ssyncset.done $0x0  }
0x5db: {  	[sflag:s23] =	ssyncadd.s32 $0xFFFFE000  }
0x5dc: {  	[hbm4b:s28+s11] =	stream.strided.scatter [tilespmem:s17], [sflag:$0x7], $0x2000, s4, s11, $0x38;
	[tilespmem:$0x11900] =	vst v63  }
0x5dd: {  	s0 =	sadd.s32 $0x8, s28  }
0x5de: {  	[hbm4b:s0+s11] =	stream.strided.scatter [tilespmem:s16], [sflag:$0x7], $0x2000, s4, s11, $0x38;
	[tilespmem:$0x11900] =	vst v63  }
0x5df: {  	_ =	swait.ge [sflag:s19], $0x2000  }
0x5e0: {  	[sflag:s19] =	ssyncset.done $0x0  }
0x5e1: {  	[sflag:s19] =	ssyncadd.s32 $0xFFFFE000  }
0x5e2: {  	_ =	swait.ge [sflag:s19], $0x2000  }
0x5e3: {  	s29 =	sld [smem:$0x7FA]  }
0x5e4: {  	[sflag:s19] =	ssyncset.done $0x0  }
0x5e5: {  	[sflag:s19] =	ssyncadd.s32 $0xFFFFE000  }
0x5e6: {  	[hbm4b:s29+s11] =	stream.strided.scatter [tilespmem:s15], [sflag:$0x8], $0x2000, s4, s11, $0x38;
	[tilespmem:$0x11900] =	vst v63  }
0x5e7: {  	s0 =	sadd.s32 $0x8, s29  }
0x5e8: {  	[hbm4b:s0+s11] =	stream.strided.scatter [tilespmem:s14], [sflag:$0x8], $0x2000, s4, s11, $0x38;
	[tilespmem:$0x11900] =	vst v63  }
0x5e9: {  	_ =	swait.ge [sflag:s12], $0x2000  }
0x5ea: {  	[sflag:s12] =	ssyncset.done $0x0  }
0x5eb: {  	[sflag:s12] =	ssyncadd.s32 $0xFFFFE000  }
0x5ec: {  	_ =	swait.ge [sflag:s12], $0x2000  }
0x5ed: {  	[sflag:s12] =	ssyncset.done $0x0  }
0x5ee: {  	[sflag:s12] =	ssyncadd.s32 $0xFFFFE000  }
0x5ef: {  	[hbm4b:s31+s11] =	stream.strided.scatter [tilespmem:s7], [sflag:$0x5], $0x2000, s4, s11, $0x38;
	[tilespmem:$0x11900] =	vst v63  }
0x5f0: {  	s30 =	sadd.s32 $0x8, s31  }
0x5f1: {  	[hbm4b:s30+s11] =	stream.strided.scatter [tilespmem:s6], [sflag:$0x5], $0x2000, s4, s11, $0x38;
	[tilespmem:$0x11900] =	vst v63  }
0x5f2: {  	_ =	swait.ge [sflag:s10], $0x2000  }
0x5f3: {  	[sflag:s10] =	ssyncset.done $0x0  }
0x5f4: {  	[sflag:s10] =	ssyncadd.s32 $0xFFFFE000  }
0x5f5: {  	_ =	swait.ge [sflag:s10], $0x2000  }
0x5f6: {  	[sflag:s10] =	ssyncset.done $0x0  }
0x5f7: {  	[sflag:s10] =	ssyncadd.s32 $0xFFFFE000  }
0x5f8: {  	_ =	swait.ge [sflag:s8], $0x2000  }
0x5f9: {  	[sflag:s8] =	ssyncset.done $0x0  }
0x5fa: {  	[sflag:s8] =	ssyncadd.s32 $0xFFFFE000  }
0x5fb: {  	_ =	swait.ge [sflag:s8], $0x2000  }
0x5fc: {  	[sflag:s8] =	ssyncset.done $0x0  }
0x5fd: {  	[sflag:s8] =	ssyncadd.s32 $0xFFFFE000  }
0x5fe: {  	_ =	swait.ge [sflag:s3], $0x2000  }
0x5ff: {  	[sflag:s3] =	ssyncset.done $0x0  }
0x600: {  	[sflag:s3] =	ssyncadd.s32 $0xFFFFE000  }
0x601: {  	_ =	swait.ge [sflag:s3], $0x2000  }
0x602: {  	[sflag:s3] =	ssyncset.done $0x0  }
0x603: {  	[sflag:s3] =	ssyncadd.s32 $0xFFFFE000  }
0x604: {  	_ =	sfence.sel $0x180000  }
0x605: {  	[bflag:$0x0] =	sbarrier.arrive $0xFFFF  }
0x606: {  	_ =	strace $0x90000047  }
0x607: {  	s31 =	stileid.u32;
	[bflag:$0x2] =	sbarrier.arrive $0xFFFF  }
0x608: {  	p0 =	sne.s32 s31, $0x0;
	s0 =	rddreg [dreg:$0x1]  }
0x609: {  	s0 =	sadd.s32 @!p0 $0x100000, s0  }
0x60a: {  	[sflag:s0] =	ssyncadd.tile.s32 @!p0 $0x1;
	_ =	shalt  }
.LBB2_1:
.Ltmp3:
0x60b: {  	(pc) =	sbr.rel .LBB2_6-.Ltmp3, $4  }
0x60c: {  	_ = 	snop  }
0x60d: {  	s25 =	sld [smem:$0x7E8]  }
0x60e: {  	s2 =	smov.u32 s28;
	s28 =	sld [smem:$0x7E9]  }
0x60f: {  	s5 =	sld [smem:$0x7F1]  }
.LBB2_3:
.Ltmp4:
0x610: {  	(pc) =	sbr.rel .LBB2_6-.Ltmp4, $4  }
0x611: {  	s9 =	sld [smem:$0x7D1]  }
0x612: {  	s25 =	sld [smem:$0x7E8]  }
0x613: {  	s28 =	sld [smem:$0x7E9]  }
0x614: {  	s5 =	sld [smem:$0x7F1];
	s26 =	simm.s32 $0x1000  }
.Lfunc_end2:
_tile_overlayer_lowered:
.L_overlay_start_2:
0x615: {  	(tag) =	ssettag $0x2  }
0x616: {  	s0 =	rddreg [dreg:$0x0];
	s2 =	stileid.u32  }
0x617: {  	s1 =	rddreg [dreg:$0x1];
	p0 =	sne.s32 s2, $0x0  }
0x618: {  	s3 =	rddreg [dreg:$0x2];
	[bflag:$0x3] =	sbarrier.arrive $0xFFFF;
	s2 =	simm.s32 @!p0 $0x1C09  }
0x619: {  	[timem:s3], [sflag:s2] =	dma.local @!p0 [hbm:s0], s1  }
0x61a: {  	s0 =	simm.s32 @!p0 $0x9  }
0x61b: {  	_ =	swait.ge @!p0 [sflag:s0], s1  }
0x61c: {  	s1 =	ssub.s32 @!p0 $0x0, s1;
	[sflag:s0] =	ssyncset.done @!p0 $0x0  }
0x61d: {  	[sflag:s0] =	ssyncadd.s32 @!p0 s1  }
0x61e: {  	[bflag:$0x3] =	sbarrier.arrive $0xFFFF  }
0x61f: {  	_ =	shalt  }

</sc_bundles>
